<compile_context>
chip_gen: v7x
topology: tpu7x:2x2x1
jax: 0.10.2.dev20260603
libtpu: 0.0.44.dev20260713+nightly
codegen_flags: <defaults>
</compile_context>

<pallas_src>
import functools

import jax
import jax.numpy as jnp
from jax import lax
from jax.experimental import pallas as pl
from jax.experimental.pallas import tpu as pltpu
from jax.experimental.pallas import tpu_sc as plsc

NUM_GENES = 10000
FEAT = 16
BATCH = 10
N = NUM_GENES * BATCH
E = 3_200_000
EROWS = E // 128

NCORE = 2
NSUB = 16
NTILE = NCORE * NSUB

NP = 100_096
GF = NUM_GENES // 8
NODES_PER_TILE = NP // NSUB
SNODES_PER_TILE = N // NSUB

PT_ROWS = 781
CHUNK_ROWS = 3
CHUNK_EDGES = CHUNK_ROWS * 128
NCHUNK = 260
DCHUNK_ROWS = 8
STAGE = 368
NSTAGE = NODES_PER_TILE // STAGE
SSTAGE = 250
NSSTAGE = SNODES_PER_TILE // SSTAGE

_mesh = plsc.VectorSubcoreMesh(
    core_axis_name="c", subcore_axis_name="s",
    num_cores=NCORE, num_subcores=NSUB)

_sc_params = pltpu.CompilerParams(use_tc_tiling_on_sc=False)



@functools.partial(
    pl.kernel,
    out_type=jax.ShapeDtypeStruct((NCORE * NP,), jnp.float32),
    mesh=_mesh,
    scratch_types=[
        pltpu.VMEM_SHARED((NP,), jnp.float32),
        pltpu.VMEM((DCHUNK_ROWS * 128,), jnp.int32),
        pltpu.VMEM((DCHUNK_ROWS * 128,), jnp.int32),
        pltpu.VMEM((128,), jnp.int32),
        pltpu.VMEM((DCHUNK_ROWS * 128,), jnp.float32),
        pltpu.VMEM((NODES_PER_TILE,), jnp.float32),
        pltpu.SemaphoreType.DMA,
        pltpu.SemaphoreType.DMA,
    ],
    compiler_params=_sc_params,
)
def _sc_degree(edge_hbm, deg_out, deg_sh, idx0, idx1, idxt, ones_v, stage_v,
               sem0, sem1):
    c = lax.axis_index("c")
    s = lax.axis_index("s")
    w = c * NSUB + s
    estart = (PT_ROWS * w + jnp.minimum(w, 8)) * 128
    idx = (idx0, idx1)
    sem = (sem0, sem1)

    @pl.loop(0, DCHUNK_ROWS * 128 // 16)
    def _(i):
        ones_v[pl.ds(i * 16, 16)] = jnp.ones((16,), jnp.float32)

    @pl.loop(0, NODES_PER_TILE // 16)
    def _(i):
        stage_v[pl.ds(i * 16, 16)] = jnp.zeros((16,), jnp.float32)

    base = s * NODES_PER_TILE
    pltpu.sync_copy(stage_v, deg_sh.at[pl.ds(base, NODES_PER_TILE)])
    plsc.subcore_barrier()

    dwords = DCHUNK_ROWS * 128

    def dbody(g, b, drain_s):
        if drain_s:
            pltpu.make_async_copy(deg_out.at[pl.ds(0, dwords)],
                                  stage_v.at[pl.ds(0, dwords)],
                                  sem[b]).wait()
        e0 = estart + g * dwords
        pltpu.sync_copy(edge_hbm.at[1, pl.ds(e0, dwords)], idx[b])
        pltpu.async_copy(ones_v, deg_sh.at[idx[b]], sem[b], add=True)

    dbody(0, 0, False)
    dbody(1, 1, False)

    @pl.loop(1, 48)
    def _(i2):
        g0 = 2 * i2
        dbody(g0, 0, True)
        dbody(g0 + 1, 1, True)

    dbody(96, 0, True)
    for b in range(2):
        pltpu.make_async_copy(deg_out.at[pl.ds(0, dwords)],
                              stage_v.at[pl.ds(0, dwords)], sem[b]).wait()

    def tail_row(row):
        pltpu.sync_copy(edge_hbm.at[1, pl.ds(row * 128, 128)], idxt)
        pltpu.sync_copy(ones_v.at[pl.ds(0, 128)], deg_sh.at[idxt],
                        add=True)

    @pl.loop(776, 781)
    def _(r):
        tail_row(estart // 128 + r)

    @pl.when(w < 8)
    def _():
        tail_row(estart // 128 + 781)

    plsc.subcore_barrier()
    pltpu.sync_copy(deg_sh.at[pl.ds(base, NODES_PER_TILE)], stage_v)
    pltpu.sync_copy(stage_v, deg_out.at[pl.ds(c * NP + base, NODES_PER_TILE)])


@functools.partial(
    pl.kernel,
    out_type=jax.ShapeDtypeStruct((NCORE, N, FEAT), jnp.float32),
    mesh=_mesh,
    scratch_types=[
        pltpu.VMEM_SHARED((N, FEAT), jnp.float32),
        [pltpu.VMEM((CHUNK_EDGES,), jnp.int32) for _ in range(4)],
        [pltpu.VMEM((CHUNK_EDGES,), jnp.int32) for _ in range(4)],
        [pltpu.VMEM((CHUNK_EDGES, FEAT), jnp.float32) for _ in range(4)],
        pltpu.VMEM((128,), jnp.int32),
        pltpu.VMEM((128,), jnp.int32),
        [pltpu.SemaphoreType.DMA for _ in range(4)],
        [pltpu.SemaphoreType.DMA for _ in range(4)],
        [pltpu.SemaphoreType.DMA for _ in range(4)],
    ],
    compiler_params=_sc_params,
)
def _sc_scatter(edge_hbm, table_hbm, acc_out,
                acc_sh, sidx, didx, rows, sidxt, didxt,
                semi, semg, sems):
    c = lax.axis_index("c")
    s = lax.axis_index("s")
    w = c * NSUB + s
    rstart = PT_ROWS * w + jnp.minimum(w, 8)
    estart = rstart * 128

    @pl.loop(0, SSTAGE)
    def _(i):
        rows[0][i] = jnp.zeros((FEAT,), jnp.float32)

    base = s * SNODES_PER_TILE

    @pl.loop(0, NSSTAGE)
    def _(k):
        pltpu.sync_copy(rows[0].at[pl.ds(0, SSTAGE)],
                        acc_sh.at[pl.ds(base + k * SSTAGE, SSTAGE)])
    plsc.subcore_barrier()

    def fire_idx(g, b):
        e0 = estart + g * CHUNK_EDGES
        pltpu.async_copy(edge_hbm.at[0, pl.ds(e0, CHUNK_EDGES)],
                         sidx[b], semi[b])
        pltpu.async_copy(edge_hbm.at[1, pl.ds(e0, CHUNK_EDGES)],
                         didx[b], semi[b])

    def drain_idx(b):
        for r in (sidx[b], didx[b]):
            pltpu.make_async_copy(edge_hbm.at[0, pl.ds(0, CHUNK_EDGES)],
                                  r, semi[b]).wait()

    def fire_gathers(b):
        pltpu.async_copy(table_hbm.at[sidx[b]], rows[b], semg[b])

    def fire_scatters(b):
        pltpu.async_copy(rows[b], acc_sh.at[didx[b]], sems[b], add=True)

    def drain_rows(sem, b):
        pltpu.make_async_copy(table_hbm.at[pl.ds(0, CHUNK_EDGES)],
                              rows[b], sem[b]).wait()

    def body(g, b, w_drain_s=True, w_fire_idx=True, w_next_gather=True):
        if w_drain_s:
            drain_rows(sems, (b + 2) % 4)
        if w_fire_idx:
            fire_idx(g + 2, (b + 2) % 4)
        if w_next_gather:
            drain_idx((b + 1) % 4)
            fire_gathers((b + 1) % 4)
        drain_rows(semg, b)
        fire_scatters(b)

    fire_idx(0, 0)
    fire_idx(1, 1)
    drain_idx(0)
    fire_gathers(0)
    body(0, 0, w_drain_s=False)
    body(1, 1, w_drain_s=False)
    body(2, 2)
    body(3, 3)

    @pl.loop(1, 64)
    def _(i2):
        g0 = 4 * i2
        for k in range(4):
            body(g0 + k, k)

    body(256, 0)
    body(257, 1)
    body(258, 2, w_fire_idx=False)
    body(259, 3, w_fire_idx=False, w_next_gather=False)
    drain_rows(sems, 2)
    drain_rows(sems, 3)

    def tail_row(row):
        pltpu.sync_copy(edge_hbm.at[0, pl.ds(row * 128, 128)], sidxt)
        pltpu.sync_copy(edge_hbm.at[1, pl.ds(row * 128, 128)], didxt)
        pltpu.async_copy(table_hbm.at[sidxt],
                         rows[0].at[pl.ds(0, 128)], semg[0]).wait()
        pltpu.sync_copy(rows[0].at[pl.ds(0, 128)],
                        acc_sh.at[didxt], add=True)

    tail_row(rstart + 780)

    @pl.when(w < 8)
    def _():
        tail_row(rstart + 781)

    plsc.subcore_barrier()

    @pl.loop(0, NSSTAGE)
    def _(k):
        pltpu.sync_copy(acc_sh.at[pl.ds(base + k * SSTAGE, SSTAGE)],
                        rows[0].at[pl.ds(0, SSTAGE)])
        pltpu.sync_copy(rows[0].at[pl.ds(0, SSTAGE)],
                        acc_out.at[c, pl.ds(base + k * SSTAGE, SSTAGE)])



def _tc_emb_body(x8_ref, embf_ref, bias8_ref, w1k_ref, e_ref, hw_ref):
    ex = e_ref[...]
    xf = jnp.dot(x8_ref[...][0], ex, preferred_element_type=jnp.float32,
                 precision=lax.Precision.HIGHEST)
    biasf = jnp.dot(bias8_ref[...], ex, preferred_element_type=jnp.float32,
                 precision=lax.Precision.HIGHEST)
    emb = embf_ref[...] * xf + biasf
    hw = jnp.dot(emb, w1k_ref[...], preferred_element_type=jnp.float32)
    hw_ref[...] = hw[None]


_tc_emb = pl.pallas_call(
    _tc_emb_body,
    grid=(BATCH,),
    in_specs=[
        pl.BlockSpec((1, GF, 8), lambda i: (i, 0, 0)),
        pl.BlockSpec((GF, 128), lambda i: (0, 0)),
        pl.BlockSpec((GF, 8), lambda i: (0, 0)),
        pl.BlockSpec((128, 128), lambda i: (0, 0)),
        pl.BlockSpec((8, 128), lambda i: (0, 0)),
    ],
    out_specs=pl.BlockSpec((1, GF, 128), lambda i: (i, 0, 0)),
    out_shape=jax.ShapeDtypeStruct((BATCH, GF, 128), jnp.float32),
)


def _tc_scale_body(hw_ref, deg8_ref, e_ref, table_ref):
    dp = deg8_ref[...][:, 0]
    dinv8 = lax.rsqrt(dp[0] + dp[1] + 1.0)
    dvf = jnp.dot(dinv8, e_ref[...], preferred_element_type=jnp.float32,
                 precision=lax.Precision.HIGHEST)
    table_ref[...] = (hw_ref[...][0] * dvf)[None]


_tc_scale = pl.pallas_call(
    _tc_scale_body,
    grid=(BATCH,),
    in_specs=[
        pl.BlockSpec((1, GF, 128), lambda i: (i, 0, 0)),
        pl.BlockSpec((2, 1, GF, 8), lambda i: (0, i, 0, 0)),
        pl.BlockSpec((8, 128), lambda i: (0, 0)),
    ],
    out_specs=pl.BlockSpec((1, GF, 128), lambda i: (i, 0, 0)),
    out_shape=jax.ShapeDtypeStruct((BATCH, GF, 128), jnp.float32),
)


def _tc_mid_body(acc_ref, table_ref, deg8_ref, b_ref, wk_ref, e_ref,
                 out_ref):
    a = acc_ref[...][:, 0]
    dp = deg8_ref[...][:, 0]
    dinv8 = lax.rsqrt(dp[0] + dp[1] + 1.0)
    dvf = jnp.dot(dinv8, e_ref[...], preferred_element_type=jnp.float32,
                 precision=lax.Precision.HIGHEST)
    h = jnp.tanh(dvf * (a[0] + a[1] + table_ref[...][0]) + b_ref[...])
    hw = jnp.dot(h, wk_ref[...], preferred_element_type=jnp.float32)
    out_ref[...] = (hw * dvf)[None]


_tc_mid = pl.pallas_call(
    _tc_mid_body,
    grid=(BATCH,),
    in_specs=[
        pl.BlockSpec((2, 1, GF, 128), lambda i: (0, i, 0, 0)),
        pl.BlockSpec((1, GF, 128), lambda i: (i, 0, 0)),
        pl.BlockSpec((2, 1, GF, 8), lambda i: (0, i, 0, 0)),
        pl.BlockSpec((1, 128), lambda i: (0, 0)),
        pl.BlockSpec((128, 128), lambda i: (0, 0)),
        pl.BlockSpec((8, 128), lambda i: (0, 0)),
    ],
    out_specs=pl.BlockSpec((1, GF, 128), lambda i: (i, 0, 0)),
    out_shape=jax.ShapeDtypeStruct((BATCH, GF, 128), jnp.float32),
)


def _tc_final_body(acc_ref, table_ref, deg8_ref, b_ref, e_ref, g_ref,
                   w_ref, lb_ref, out_ref):
    a = acc_ref[...][:, 0]
    dp = deg8_ref[...][:, 0]
    dinv8 = lax.rsqrt(dp[0] + dp[1] + 1.0)
    dvf = jnp.dot(dinv8, e_ref[...], preferred_element_type=jnp.float32,
                 precision=lax.Precision.HIGHEST)
    h = jnp.tanh(dvf * (a[0] + a[1] + table_ref[...][0]) + b_ref[...])
    s128 = jnp.sum(h, axis=0, keepdims=True)
    pooled = jnp.dot(s128, g_ref[...],
                     preferred_element_type=jnp.float32,
                 precision=lax.Precision.HIGHEST) * (1.0 / NUM_GENES)
    r = lax.dot_general(pooled, w_ref[...], (((1,), (1,)), ((), ())),
                        preferred_element_type=jnp.float32)
    out_ref[...] = (r + lb_ref[...])[None]


_tc_final = pl.pallas_call(
    _tc_final_body,
    grid=(BATCH,),
    in_specs=[
        pl.BlockSpec((2, 1, GF, 128), lambda i: (0, i, 0, 0)),
        pl.BlockSpec((1, GF, 128), lambda i: (i, 0, 0)),
        pl.BlockSpec((2, 1, GF, 8), lambda i: (0, i, 0, 0)),
        pl.BlockSpec((1, 128), lambda i: (0, 0)),
        pl.BlockSpec((8, 128), lambda i: (0, 0)),
        pl.BlockSpec((128, 16), lambda i: (0, 0)),
        pl.BlockSpec((FEAT, FEAT), lambda i: (0, 0)),
        pl.BlockSpec((1, FEAT), lambda i: (0, 0)),
    ],
    out_specs=pl.BlockSpec((1, 1, FEAT), lambda i: (i, 0, 0)),
    out_shape=jax.ShapeDtypeStruct((BATCH, 1, FEAT), jnp.float32),
)



@jax.jit
def kernel(x, edge_index, batch, exp_embedding, exp_bias,
           W1, b1, W2, b2, lin2_W, lin2_b):
    edge_r = edge_index
    eye8 = jnp.eye(8, dtype=jnp.float32)
    expand = jnp.kron(eye8, jnp.ones((1, FEAT), jnp.float32))
    fold = jnp.kron(jnp.ones((8, 1), jnp.float32),
                    jnp.eye(FEAT, dtype=jnp.float32))
    w1k = jnp.kron(eye8, W1)
    w2k = jnp.kron(eye8, W2)
    b1t = jnp.tile(b1, 8).reshape(1, 128)
    b2t = jnp.tile(b2, 8).reshape(1, 128)

    deg8 = _sc_degree(edge_r).reshape(NCORE, NP)[:, :N]
    deg8 = deg8.reshape(NCORE, BATCH, GF, 8)
    x8 = x.reshape(BATCH, GF, 8)
    embf = exp_embedding.reshape(GF, 128)
    bias8 = exp_bias.reshape(GF, 8)

    hw1 = _tc_emb(x8, embf, bias8, w1k, expand)
    table1 = _tc_scale(hw1, deg8, expand)

    acc1 = _sc_scatter(edge_r, table1.reshape(N, FEAT))
    acc1 = acc1.reshape(NCORE, BATCH, GF, 128)
    table2 = _tc_mid(acc1, table1, deg8, b1t, w2k, expand)

    acc2 = _sc_scatter(edge_r, table2.reshape(N, FEAT))
    acc2 = acc2.reshape(NCORE, BATCH, GF, 128)
    out = _tc_final(acc2, table2, deg8, b2t, expand, fold, lin2_W,
                    lin2_b.reshape(1, FEAT))
    return out.reshape(BATCH, FEAT)

# --- scband reference (transcript-rebuilt; emitter-appended) ---
"""Pipeline reference for scband-simple-gcn2-35656818491447 (READ-ONLY COPY).

The authoritative reference and input builder live on the scoring server;
editing this copy changes nothing except your own understanding.
"""

import jax, jax.numpy as jnp
import numpy as np

NUM_GENES = 10000
NUM_CLASS = 16
BATCH_SIZE = 10
N = NUM_GENES * BATCH_SIZE
E = 3200000


def setup_inputs(seed: int = 0) -> dict:
    key = jax.random.key(seed)
    ks = jax.random.split(key, 10)
    x = jax.random.normal(ks[0], (N, 1), dtype=jnp.float32)
    edge_index = jax.random.randint(ks[1], (2, E), 0, N, dtype=jnp.int32)
    # each graph in the batch has exactly NUM_GENES nodes (model assumption)
    batch = jnp.repeat(jnp.arange(BATCH_SIZE, dtype=jnp.int32), NUM_GENES)
    exp_embedding = jax.random.normal(ks[2], (NUM_GENES, NUM_CLASS), dtype=jnp.float32) * 0.1
    exp_bias = jax.random.normal(ks[3], (NUM_GENES, 1), dtype=jnp.float32) * 0.1
    W1 = jax.random.normal(ks[4], (NUM_CLASS, NUM_CLASS), dtype=jnp.float32) * 0.25
    b1 = jnp.zeros((NUM_CLASS,), dtype=jnp.float32)
    W2 = jax.random.normal(ks[5], (NUM_CLASS, NUM_CLASS), dtype=jnp.float32) * 0.25
    b2 = jnp.zeros((NUM_CLASS,), dtype=jnp.float32)
    lin2_W = jax.random.normal(ks[6], (NUM_CLASS, NUM_CLASS), dtype=jnp.float32) * 0.25
    lin2_b = jnp.zeros((NUM_CLASS,), dtype=jnp.float32)
    return {"x": x, "edge_index": edge_index, "batch": batch,
            "exp_embedding": exp_embedding, "exp_bias": exp_bias,
            "W1": W1, "b1": b1, "W2": W2, "b2": b2,
            "lin2_W": lin2_W, "lin2_b": lin2_b}


def gcn_conv(h, edge_index, W, b):
    # PyG GCNConv: add self loops, symmetric normalization D^-1/2 (A+I) D^-1/2, then XW + b
    n = h.shape[0]
    loop = jnp.arange(n, dtype=edge_index.dtype)
    src = jnp.concatenate([edge_index[0], loop])
    dst = jnp.concatenate([edge_index[1], loop])
    deg = jnp.zeros((n,), dtype=h.dtype).at[dst].add(1.0)
    dinv = jnp.where(deg > 0, jax.lax.rsqrt(deg), 0.0)
    norm = dinv[src] * dinv[dst]
    hw = h @ W
    msg = hw[src] * norm[:, None]
    out = jnp.zeros((n, W.shape[1]), dtype=h.dtype).at[dst].add(msg)
    return out + b


def reference(x, edge_index, batch, exp_embedding, exp_bias, W1, b1, W2, b2, lin2_W, lin2_b):
    node_index = jnp.tile(jnp.arange(NUM_GENES, dtype=jnp.int32), BATCH_SIZE)
    emb = exp_embedding[node_index] * x  # broadcast [N,16] * [N,1]
    emb = emb + exp_bias[node_index]
    h = jnp.tanh(gcn_conv(emb, edge_index, W1, b1))
    h = jnp.tanh(gcn_conv(h, edge_index, W2, b2))
    # global mean pool (gap) over each graph in the batch
    sums = jnp.zeros((BATCH_SIZE, NUM_CLASS), dtype=h.dtype).at[batch].add(h)
    counts = jnp.zeros((BATCH_SIZE,), dtype=h.dtype).at[batch].add(1.0)
    pooled = sums / jnp.maximum(counts, 1.0)[:, None]
    # dropout is identity in eval mode
    out = pooled @ lin2_W.T + lin2_b
    return out

if __name__ == "__main__":
    import jax
    _d = setup_inputs()
    print(jax.jit(kernel)(*tuple(_d.values())))

</pallas_src>

<mosaic_0001>
#map = affine_map<(d0, d1) -> (0, 0)>
#map1 = affine_map<(d0, d1) -> (0, 0, 0)>
module attributes {stable_mosaic.version = 14 : i64} {
  func.func @_sc_scatter(%arg0: i32, %arg1: i32, %arg2: memref<2x3200000xi32, #tpu.memory_space<hbm>>, %arg3: memref<100000x16xf32, #tpu.memory_space<hbm>>, %arg4: memref<2x100000x16xf32, #tpu.memory_space<hbm>>, %arg5: memref<100000x16xf32, #tpu.memory_space<vmem_shared>>, %arg6: memref<384xi32, #tpu.memory_space<vmem>>, %arg7: memref<384xi32, #tpu.memory_space<vmem>>, %arg8: memref<384xi32, #tpu.memory_space<vmem>>, %arg9: memref<384xi32, #tpu.memory_space<vmem>>, %arg10: memref<384xi32, #tpu.memory_space<vmem>>, %arg11: memref<384xi32, #tpu.memory_space<vmem>>, %arg12: memref<384xi32, #tpu.memory_space<vmem>>, %arg13: memref<384xi32, #tpu.memory_space<vmem>>, %arg14: memref<384x16xf32, #tpu.memory_space<vmem>>, %arg15: memref<384x16xf32, #tpu.memory_space<vmem>>, %arg16: memref<384x16xf32, #tpu.memory_space<vmem>>, %arg17: memref<384x16xf32, #tpu.memory_space<vmem>>, %arg18: memref<128xi32, #tpu.memory_space<vmem>>, %arg19: memref<128xi32, #tpu.memory_space<vmem>>, %arg20: memref<!tpu.dma_semaphore, #tpu.memory_space<semaphore_mem>>, %arg21: memref<!tpu.dma_semaphore, #tpu.memory_space<semaphore_mem>>, %arg22: memref<!tpu.dma_semaphore, #tpu.memory_space<semaphore_mem>>, %arg23: memref<!tpu.dma_semaphore, #tpu.memory_space<semaphore_mem>>, %arg24: memref<!tpu.dma_semaphore, #tpu.memory_space<semaphore_mem>>, %arg25: memref<!tpu.dma_semaphore, #tpu.memory_space<semaphore_mem>>, %arg26: memref<!tpu.dma_semaphore, #tpu.memory_space<semaphore_mem>>, %arg27: memref<!tpu.dma_semaphore, #tpu.memory_space<semaphore_mem>>, %arg28: memref<!tpu.dma_semaphore, #tpu.memory_space<semaphore_mem>>, %arg29: memref<!tpu.dma_semaphore, #tpu.memory_space<semaphore_mem>>, %arg30: memref<!tpu.dma_semaphore, #tpu.memory_space<semaphore_mem>>, %arg31: memref<!tpu.dma_semaphore, #tpu.memory_space<semaphore_mem>>) attributes {dimension_semantics = [#tpu.dimension_semantics<core_parallel>, #tpu.dimension_semantics<subcore_parallel>], iteration_bounds = array<i64: 2, 16>, scalar_prefetch = 0 : i64, scratch_operands = 27 : i64, tpu.core_type = #tpu.core_type<sc_vector_subcore>, window_params = [{transform_indices = #map}, {transform_indices = #map}, {transform_indices = #map1}]} {
    %mul3A = arith.constant 16 : i32
    %mul3A_0 = arith.muli %arg0, %mul3A : i32
    %add3A = arith.addi %mul3A_0, %arg1 : i32
    %mul3A_1 = arith.constant 781 : i32
    %mul3A_2 = arith.muli %mul3A_1, %add3A : i32
    %min3A = arith.constant 8 : i32
    %min3A_3 = arith.minsi %add3A, %min3A : i32
    %add3A_4 = arith.addi %mul3A_2, %min3A_3 : i32
    %mul3A_5 = arith.constant 128 : i32
    %mul3A_6 = arith.muli %add3A_4, %mul3A_5 : i32
    %scan3A = arith.constant 0 : i32
    %scan3A_7 = arith.constant 250 : i32
    %scan3A_8 = arith.addi %scan3A, %scan3A_7 : i32
    %scan3A_9 = arith.constant 1 : i32
    scf.for %scan3A_400 = %scan3A to %scan3A_8 step %scan3A_9  : i32 {
      %mul3A_401 = arith.constant 1 : i32
      %mul3A_402 = arith.muli %scan3A_400, %mul3A_401 : i32
      %add3A_403 = arith.constant 0 : i32
      %add3A_404 = arith.addi %add3A_403, %mul3A_402 : i32
      %broadcast_in_dim3A = arith.constant 0.000000e+00 : f32
      %broadcast_in_dim3A_405 = vector.broadcast %broadcast_in_dim3A : f32 to vector<16xf32>
      %swap3A = arith.index_cast %add3A_404 : i32 to index
      %swap3A_406 = arith.constant 0 : index
      %swap3A_407 = tpu.vector_load %arg14[%swap3A, %swap3A_406] {strides = array<i32>} : memref<384x16xf32, #tpu.memory_space<vmem>>, vector<1x16xf32>,
      %swap3A_408 = vector.shape_cast %swap3A_407 : vector<1x16xf32> to vector<16xf32>
      %swap3A_409 = vector.shape_cast %broadcast_in_dim3A_405 : vector<16xf32> to vector<1x16xf32>
      tpu.vector_store %arg14[%swap3A, %swap3A_406], %swap3A_409 {strides = array<i32>} : memref<384x16xf32, #tpu.memory_space<vmem>>, vector<1x16xf32>,
    }
    %scan3A_10 = arith.constant 250 : i32
    %mul3A_11 = arith.constant 6250 : i32
    %mul3A_12 = arith.muli %arg1, %mul3A_11 : i32
    %scan3A_13 = arith.constant 0 : i32
    %scan3A_14 = arith.constant 25 : i32
    %scan3A_15 = arith.addi %scan3A_13, %scan3A_14 : i32
    %scan3A_16 = arith.constant 1 : i32
    scf.for %scan3A_400 = %scan3A_13 to %scan3A_15 step %scan3A_16  : i32 {
      %mul3A_401 = arith.constant 1 : i32
      %mul3A_402 = arith.muli %scan3A_400, %mul3A_401 : i32
      %add3A_403 = arith.constant 0 : i32
      %add3A_404 = arith.addi %add3A_403, %mul3A_402 : i32
      %mul3A_405 = arith.constant 250 : i32
      %mul3A_406 = arith.muli %add3A_404, %mul3A_405 : i32
      %add3A_407 = arith.addi %mul3A_12, %mul3A_406 : i32
      "tpu.region"() ({
        %run_scoped3A_408 = tpu.sem_alloc : memref<!tpu.dma_semaphore, #tpu.memory_space<semaphore_mem>>
        %dma_start3A_409 = arith.constant 0 : i32
        %dma_start3A_410 = arith.constant 0 : i32
        %dma_start3A_411 = tpu.memref_slice %arg14[%dma_start3A_409, %dma_start3A_410] : memref<384x16xf32, #tpu.memory_space<vmem>> -> memref<250x16xf32, #tpu.memory_space<vmem>>
        %dma_start3A_412 = arith.constant 0 : i32
        %dma_start3A_413 = tpu.memref_slice %arg5[%add3A_407, %dma_start3A_412] : memref<100000x16xf32, #tpu.memory_space<vmem_shared>> -> memref<250x16xf32, #tpu.memory_space<vmem_shared>>
        %dma_start3A_414 = arith.constant 0 : i32
        %dma_start3A_415 = tpu.memref_slice %arg5[%add3A_407, %dma_start3A_414] : memref<100000x16xf32, #tpu.memory_space<vmem_shared>> -> memref<250x16xf32, #tpu.memory_space<vmem_shared>>
        %dma_start3A_416 = arith.constant 0 : i32
        %dma_start3A_417 = arith.constant 0 : i32
        %dma_start3A_418 = tpu.memref_slice %arg14[%dma_start3A_416, %dma_start3A_417] : memref<384x16xf32, #tpu.memory_space<vmem>> -> memref<250x16xf32, #tpu.memory_space<vmem>>
        tpu.enqueue_dma source(%dma_start3A_418 : memref<250x16xf32, #tpu.memory_space<vmem>>) target(%dma_start3A_415 : memref<250x16xf32, #tpu.memory_space<vmem_shared>>) target_semaphore(%run_scoped3A_408 : memref<!tpu.dma_semaphore, #tpu.memory_space<semaphore_mem>>)
        %dma_wait3A_419 = arith.constant 0 : i32
        %dma_wait3A_420 = arith.constant 0 : i32
        %dma_wait3A_421 = tpu.memref_slice %arg14[%dma_wait3A_419, %dma_wait3A_420] : memref<384x16xf32, #tpu.memory_space<vmem>> -> memref<250x16xf32, #tpu.memory_space<vmem>>
        %dma_wait3A_422 = arith.constant 0 : i32
        %dma_wait3A_423 = tpu.memref_slice %arg5[%add3A_407, %dma_wait3A_422] : memref<100000x16xf32, #tpu.memory_space<vmem_shared>> -> memref<250x16xf32, #tpu.memory_space<vmem_shared>>
        %dma_wait3A_424 = arith.constant 0 : i32
        %dma_wait3A_425 = tpu.memref_slice %arg5[%add3A_407, %dma_wait3A_424] : memref<100000x16xf32, #tpu.memory_space<vmem_shared>> -> memref<250x16xf32, #tpu.memory_space<vmem_shared>>
        %dma_wait3A_426 = arith.constant 0 : i32
        %dma_wait3A_427 = arith.constant 0 : i32
        %dma_wait3A_428 = tpu.memref_slice %arg14[%dma_wait3A_426, %dma_wait3A_427] : memref<384x16xf32, #tpu.memory_space<vmem>> -> memref<250x16xf32, #tpu.memory_space<vmem>>
        tpu.wait_dma2 semaphore(%run_scoped3A_408 : memref<!tpu.dma_semaphore, #tpu.memory_space<semaphore_mem>>) src(%dma_wait3A_428 : memref<250x16xf32, #tpu.memory_space<vmem>>) dst(%dma_wait3A_425 : memref<250x16xf32, #tpu.memory_space<vmem_shared>>)
        tpu.yield
      }) : () -> ()
    }
    %scan3A_17 = arith.constant 25 : i32
    %barrier3A = arith.constant 0 : index
    tpu.barrier barrier_id(%barrier3A)
    %add3A_18 = arith.constant 0 : i32
    %add3A_19 = arith.addi %mul3A_6, %add3A_18 : i32
    %dma_start3A = arith.constant 0 : i32
    %dma_start3A_20 = tpu.memref_slice %arg2[%dma_start3A, %add3A_19] : memref<2x3200000xi32, #tpu.memory_space<hbm>> -> memref<1x384xi32, #tpu.memory_space<hbm>>
    %dma_start3A_21 = tpu.memref_squeeze %dma_start3A_20 : memref<1x384xi32, #tpu.memory_space<hbm>> -> memref<384xi32, #tpu.memory_space<hbm>>
    %dma_start3A_22 = tpu.memref_slice %arg2[%dma_start3A, %add3A_19] : memref<2x3200000xi32, #tpu.memory_space<hbm>> -> memref<1x384xi32, #tpu.memory_space<hbm>>
    %dma_start3A_23 = tpu.memref_squeeze %dma_start3A_22 : memref<1x384xi32, #tpu.memory_space<hbm>> -> memref<384xi32, #tpu.memory_space<hbm>>
    tpu.enqueue_dma source(%dma_start3A_23 : memref<384xi32, #tpu.memory_space<hbm>>) target(%arg6 : memref<384xi32, #tpu.memory_space<vmem>>) target_semaphore(%arg20 : memref<!tpu.dma_semaphore, #tpu.memory_space<semaphore_mem>>)
    %dma_start3A_24 = arith.constant 1 : i32
    %dma_start3A_25 = tpu.memref_slice %arg2[%dma_start3A_24, %add3A_19] : memref<2x3200000xi32, #tpu.memory_space<hbm>> -> memref<1x384xi32, #tpu.memory_space<hbm>>
    %dma_start3A_26 = tpu.memref_squeeze %dma_start3A_25 : memref<1x384xi32, #tpu.memory_space<hbm>> -> memref<384xi32, #tpu.memory_space<hbm>>
    %dma_start3A_27 = tpu.memref_slice %arg2[%dma_start3A_24, %add3A_19] : memref<2x3200000xi32, #tpu.memory_space<hbm>> -> memref<1x384xi32, #tpu.memory_space<hbm>>
    %dma_start3A_28 = tpu.memref_squeeze %dma_start3A_27 : memref<1x384xi32, #tpu.memory_space<hbm>> -> memref<384xi32, #tpu.memory_space<hbm>>
    tpu.enqueue_dma source(%dma_start3A_28 : memref<384xi32, #tpu.memory_space<hbm>>) target(%arg10 : memref<384xi32, #tpu.memory_space<vmem>>) target_semaphore(%arg20 : memref<!tpu.dma_semaphore, #tpu.memory_space<semaphore_mem>>)
    %add3A_29 = arith.constant 384 : i32
    %add3A_30 = arith.addi %mul3A_6, %add3A_29 : i32
    %dma_start3A_31 = arith.constant 0 : i32
    %dma_start3A_32 = tpu.memref_slice %arg2[%dma_start3A_31, %add3A_30] : memref<2x3200000xi32, #tpu.memory_space<hbm>> -> memref<1x384xi32, #tpu.memory_space<hbm>>
    %dma_start3A_33 = tpu.memref_squeeze %dma_start3A_32 : memref<1x384xi32, #tpu.memory_space<hbm>> -> memref<384xi32, #tpu.memory_space<hbm>>
    %dma_start3A_34 = tpu.memref_slice %arg2[%dma_start3A_31, %add3A_30] : memref<2x3200000xi32, #tpu.memory_space<hbm>> -> memref<1x384xi32, #tpu.memory_space<hbm>>
    %dma_start3A_35 = tpu.memref_squeeze %dma_start3A_34 : memref<1x384xi32, #tpu.memory_space<hbm>> -> memref<384xi32, #tpu.memory_space<hbm>>
    tpu.enqueue_dma source(%dma_start3A_35 : memref<384xi32, #tpu.memory_space<hbm>>) target(%arg7 : memref<384xi32, #tpu.memory_space<vmem>>) target_semaphore(%arg21 : memref<!tpu.dma_semaphore, #tpu.memory_space<semaphore_mem>>)
    %dma_start3A_36 = arith.constant 1 : i32
    %dma_start3A_37 = tpu.memref_slice %arg2[%dma_start3A_36, %add3A_30] : memref<2x3200000xi32, #tpu.memory_space<hbm>> -> memref<1x384xi32, #tpu.memory_space<hbm>>
    %dma_start3A_38 = tpu.memref_squeeze %dma_start3A_37 : memref<1x384xi32, #tpu.memory_space<hbm>> -> memref<384xi32, #tpu.memory_space<hbm>>
    %dma_start3A_39 = tpu.memref_slice %arg2[%dma_start3A_36, %add3A_30] : memref<2x3200000xi32, #tpu.memory_space<hbm>> -> memref<1x384xi32, #tpu.memory_space<hbm>>
    %dma_start3A_40 = tpu.memref_squeeze %dma_start3A_39 : memref<1x384xi32, #tpu.memory_space<hbm>> -> memref<384xi32, #tpu.memory_space<hbm>>
    tpu.enqueue_dma source(%dma_start3A_40 : memref<384xi32, #tpu.memory_space<hbm>>) target(%arg11 : memref<384xi32, #tpu.memory_space<vmem>>) target_semaphore(%arg21 : memref<!tpu.dma_semaphore, #tpu.memory_space<semaphore_mem>>)
    %dma_wait3A = arith.constant 0 : i32
    %dma_wait3A_41 = arith.constant 0 : i32
    %dma_wait3A_42 = tpu.memref_slice %arg2[%dma_wait3A, %dma_wait3A_41] : memref<2x3200000xi32, #tpu.memory_space<hbm>> -> memref<1x384xi32, #tpu.memory_space<hbm>>
    %dma_wait3A_43 = tpu.memref_squeeze %dma_wait3A_42 : memref<1x384xi32, #tpu.memory_space<hbm>> -> memref<384xi32, #tpu.memory_space<hbm>>
    %dma_wait3A_44 = arith.constant 0 : i32
    %dma_wait3A_45 = tpu.memref_slice %arg2[%dma_wait3A, %dma_wait3A_44] : memref<2x3200000xi32, #tpu.memory_space<hbm>> -> memref<1x384xi32, #tpu.memory_space<hbm>>
    %dma_wait3A_46 = tpu.memref_squeeze %dma_wait3A_45 : memref<1x384xi32, #tpu.memory_space<hbm>> -> memref<384xi32, #tpu.memory_space<hbm>>
    tpu.wait_dma2 semaphore(%arg20 : memref<!tpu.dma_semaphore, #tpu.memory_space<semaphore_mem>>) src(%dma_wait3A_46 : memref<384xi32, #tpu.memory_space<hbm>>) dst(%arg6 : memref<384xi32, #tpu.memory_space<vmem>>)
    %dma_wait3A_47 = arith.constant 0 : i32
    %dma_wait3A_48 = arith.constant 0 : i32
    %dma_wait3A_49 = tpu.memref_slice %arg2[%dma_wait3A_47, %dma_wait3A_48] : memref<2x3200000xi32, #tpu.memory_space<hbm>> -> memref<1x384xi32, #tpu.memory_space<hbm>>
    %dma_wait3A_50 = tpu.memref_squeeze %dma_wait3A_49 : memref<1x384xi32, #tpu.memory_space<hbm>> -> memref<384xi32, #tpu.memory_space<hbm>>
    %dma_wait3A_51 = arith.constant 0 : i32
    %dma_wait3A_52 = tpu.memref_slice %arg2[%dma_wait3A_47, %dma_wait3A_51] : memref<2x3200000xi32, #tpu.memory_space<hbm>> -> memref<1x384xi32, #tpu.memory_space<hbm>>
    %dma_wait3A_53 = tpu.memref_squeeze %dma_wait3A_52 : memref<1x384xi32, #tpu.memory_space<hbm>> -> memref<384xi32, #tpu.memory_space<hbm>>
    tpu.wait_dma2 semaphore(%arg20 : memref<!tpu.dma_semaphore, #tpu.memory_space<semaphore_mem>>) src(%dma_wait3A_53 : memref<384xi32, #tpu.memory_space<hbm>>) dst(%arg10 : memref<384xi32, #tpu.memory_space<vmem>>)
    %dma_start3A_54 = arith.constant 0 : i32
    %dma_start3A_55 = arith.constant 0 : i32
    %dma_start3A_56 = tpu.memref_slice %arg3[%dma_start3A_54, %dma_start3A_55] : memref<100000x16xf32, #tpu.memory_space<hbm>> -> memref<100000x16xf32, #tpu.memory_space<hbm>>
    tpu.enqueue_indirect_dma source(%dma_start3A_56 : memref<100000x16xf32, #tpu.memory_space<hbm>>) target(%arg14 : memref<384x16xf32, #tpu.memory_space<vmem>>) offsets(%arg6 : memref<384xi32, #tpu.memory_space<vmem>>) semaphore(%arg24 : memref<!tpu.dma_semaphore, #tpu.memory_space<semaphore_mem>>)
    %add3A_57 = arith.constant 768 : i32
    %add3A_58 = arith.addi %mul3A_6, %add3A_57 : i32
    %dma_start3A_59 = arith.constant 0 : i32
    %dma_start3A_60 = tpu.memref_slice %arg2[%dma_start3A_59, %add3A_58] : memref<2x3200000xi32, #tpu.memory_space<hbm>> -> memref<1x384xi32, #tpu.memory_space<hbm>>
    %dma_start3A_61 = tpu.memref_squeeze %dma_start3A_60 : memref<1x384xi32, #tpu.memory_space<hbm>> -> memref<384xi32, #tpu.memory_space<hbm>>
    %dma_start3A_62 = tpu.memref_slice %arg2[%dma_start3A_59, %add3A_58] : memref<2x3200000xi32, #tpu.memory_space<hbm>> -> memref<1x384xi32, #tpu.memory_space<hbm>>
    %dma_start3A_63 = tpu.memref_squeeze %dma_start3A_62 : memref<1x384xi32, #tpu.memory_space<hbm>> -> memref<384xi32, #tpu.memory_space<hbm>>
    tpu.enqueue_dma source(%dma_start3A_63 : memref<384xi32, #tpu.memory_space<hbm>>) target(%arg8 : memref<384xi32, #tpu.memory_space<vmem>>) target_semaphore(%arg22 : memref<!tpu.dma_semaphore, #tpu.memory_space<semaphore_mem>>)
    %dma_start3A_64 = arith.constant 1 : i32
    %dma_start3A_65 = tpu.memref_slice %arg2[%dma_start3A_64, %add3A_58] : memref<2x3200000xi32, #tpu.memory_space<hbm>> -> memref<1x384xi32, #tpu.memory_space<hbm>>
    %dma_start3A_66 = tpu.memref_squeeze %dma_start3A_65 : memref<1x384xi32, #tpu.memory_space<hbm>> -> memref<384xi32, #tpu.memory_space<hbm>>
    %dma_start3A_67 = tpu.memref_slice %arg2[%dma_start3A_64, %add3A_58] : memref<2x3200000xi32, #tpu.memory_space<hbm>> -> memref<1x384xi32, #tpu.memory_space<hbm>>
    %dma_start3A_68 = tpu.memref_squeeze %dma_start3A_67 : memref<1x384xi32, #tpu.memory_space<hbm>> -> memref<384xi32, #tpu.memory_space<hbm>>
    tpu.enqueue_dma source(%dma_start3A_68 : memref<384xi32, #tpu.memory_space<hbm>>) target(%arg12 : memref<384xi32, #tpu.memory_space<vmem>>) target_semaphore(%arg22 : memref<!tpu.dma_semaphore, #tpu.memory_space<semaphore_mem>>)
    %dma_wait3A_69 = arith.constant 0 : i32
    %dma_wait3A_70 = arith.constant 0 : i32
    %dma_wait3A_71 = tpu.memref_slice %arg2[%dma_wait3A_69, %dma_wait3A_70] : memref<2x3200000xi32, #tpu.memory_space<hbm>> -> memref<1x384xi32, #tpu.memory_space<hbm>>
    %dma_wait3A_72 = tpu.memref_squeeze %dma_wait3A_71 : memref<1x384xi32, #tpu.memory_space<hbm>> -> memref<384xi32, #tpu.memory_space<hbm>>
    %dma_wait3A_73 = arith.constant 0 : i32
    %dma_wait3A_74 = tpu.memref_slice %arg2[%dma_wait3A_69, %dma_wait3A_73] : memref<2x3200000xi32, #tpu.memory_space<hbm>> -> memref<1x384xi32, #tpu.memory_space<hbm>>
    %dma_wait3A_75 = tpu.memref_squeeze %dma_wait3A_74 : memref<1x384xi32, #tpu.memory_space<hbm>> -> memref<384xi32, #tpu.memory_space<hbm>>
    tpu.wait_dma2 semaphore(%arg21 : memref<!tpu.dma_semaphore, #tpu.memory_space<semaphore_mem>>) src(%dma_wait3A_75 : memref<384xi32, #tpu.memory_space<hbm>>) dst(%arg7 : memref<384xi32, #tpu.memory_space<vmem>>)
    %dma_wait3A_76 = arith.constant 0 : i32
    %dma_wait3A_77 = arith.constant 0 : i32
    %dma_wait3A_78 = tpu.memref_slice %arg2[%dma_wait3A_76, %dma_wait3A_77] : memref<2x3200000xi32, #tpu.memory_space<hbm>> -> memref<1x384xi32, #tpu.memory_space<hbm>>
    %dma_wait3A_79 = tpu.memref_squeeze %dma_wait3A_78 : memref<1x384xi32, #tpu.memory_space<hbm>> -> memref<384xi32, #tpu.memory_space<hbm>>
    %dma_wait3A_80 = arith.constant 0 : i32
    %dma_wait3A_81 = tpu.memref_slice %arg2[%dma_wait3A_76, %dma_wait3A_80] : memref<2x3200000xi32, #tpu.memory_space<hbm>> -> memref<1x384xi32, #tpu.memory_space<hbm>>
    %dma_wait3A_82 = tpu.memref_squeeze %dma_wait3A_81 : memref<1x384xi32, #tpu.memory_space<hbm>> -> memref<384xi32, #tpu.memory_space<hbm>>
    tpu.wait_dma2 semaphore(%arg21 : memref<!tpu.dma_semaphore, #tpu.memory_space<semaphore_mem>>) src(%dma_wait3A_82 : memref<384xi32, #tpu.memory_space<hbm>>) dst(%arg11 : memref<384xi32, #tpu.memory_space<vmem>>)
    %dma_start3A_83 = arith.constant 0 : i32
    %dma_start3A_84 = arith.constant 0 : i32
    %dma_start3A_85 = tpu.memref_slice %arg3[%dma_start3A_83, %dma_start3A_84] : memref<100000x16xf32, #tpu.memory_space<hbm>> -> memref<100000x16xf32, #tpu.memory_space<hbm>>
    tpu.enqueue_indirect_dma source(%dma_start3A_85 : memref<100000x16xf32, #tpu.memory_space<hbm>>) target(%arg15 : memref<384x16xf32, #tpu.memory_space<vmem>>) offsets(%arg7 : memref<384xi32, #tpu.memory_space<vmem>>) semaphore(%arg25 : memref<!tpu.dma_semaphore, #tpu.memory_space<semaphore_mem>>)
    %dma_wait3A_86 = arith.constant 0 : i32
    %dma_wait3A_87 = arith.constant 0 : i32
    %dma_wait3A_88 = tpu.memref_slice %arg3[%dma_wait3A_86, %dma_wait3A_87] : memref<100000x16xf32, #tpu.memory_space<hbm>> -> memref<384x16xf32, #tpu.memory_space<hbm>>
    %dma_wait3A_89 = arith.constant 0 : i32
    %dma_wait3A_90 = arith.constant 0 : i32
    %dma_wait3A_91 = tpu.memref_slice %arg3[%dma_wait3A_89, %dma_wait3A_90] : memref<100000x16xf32, #tpu.memory_space<hbm>> -> memref<384x16xf32, #tpu.memory_space<hbm>>
    tpu.wait_dma2 semaphore(%arg24 : memref<!tpu.dma_semaphore, #tpu.memory_space<semaphore_mem>>) src(%dma_wait3A_91 : memref<384x16xf32, #tpu.memory_space<hbm>>) dst(%arg14 : memref<384x16xf32, #tpu.memory_space<vmem>>)
    %dma_start3A_92 = arith.constant 0 : i32
    %dma_start3A_93 = arith.constant 0 : i32
    %dma_start3A_94 = tpu.memref_slice %arg5[%dma_start3A_92, %dma_start3A_93] : memref<100000x16xf32, #tpu.memory_space<vmem_shared>> -> memref<100000x16xf32, #tpu.memory_space<vmem_shared>>
    tpu.enqueue_indirect_dma source(%arg14 : memref<384x16xf32, #tpu.memory_space<vmem>>) target(%dma_start3A_94 : memref<100000x16xf32, #tpu.memory_space<vmem_shared>>) offsets(%arg10 : memref<384xi32, #tpu.memory_space<vmem>>) semaphore(%arg28 : memref<!tpu.dma_semaphore, #tpu.memory_space<semaphore_mem>>) {add = true}
    %add3A_95 = arith.constant 1152 : i32
    %add3A_96 = arith.addi %mul3A_6, %add3A_95 : i32
    %dma_start3A_97 = arith.constant 0 : i32
    %dma_start3A_98 = tpu.memref_slice %arg2[%dma_start3A_97, %add3A_96] : memref<2x3200000xi32, #tpu.memory_space<hbm>> -> memref<1x384xi32, #tpu.memory_space<hbm>>
    %dma_start3A_99 = tpu.memref_squeeze %dma_start3A_98 : memref<1x384xi32, #tpu.memory_space<hbm>> -> memref<384xi32, #tpu.memory_space<hbm>>
    %dma_start3A_100 = tpu.memref_slice %arg2[%dma_start3A_97, %add3A_96] : memref<2x3200000xi32, #tpu.memory_space<hbm>> -> memref<1x384xi32, #tpu.memory_space<hbm>>
    %dma_start3A_101 = tpu.memref_squeeze %dma_start3A_100 : memref<1x384xi32, #tpu.memory_space<hbm>> -> memref<384xi32, #tpu.memory_space<hbm>>
    tpu.enqueue_dma source(%dma_start3A_101 : memref<384xi32, #tpu.memory_space<hbm>>) target(%arg9 : memref<384xi32, #tpu.memory_space<vmem>>) target_semaphore(%arg23 : memref<!tpu.dma_semaphore, #tpu.memory_space<semaphore_mem>>)
    %dma_start3A_102 = arith.constant 1 : i32
    %dma_start3A_103 = tpu.memref_slice %arg2[%dma_start3A_102, %add3A_96] : memref<2x3200000xi32, #tpu.memory_space<hbm>> -> memref<1x384xi32, #tpu.memory_space<hbm>>
    %dma_start3A_104 = tpu.memref_squeeze %dma_start3A_103 : memref<1x384xi32, #tpu.memory_space<hbm>> -> memref<384xi32, #tpu.memory_space<hbm>>
    %dma_start3A_105 = tpu.memref_slice %arg2[%dma_start3A_102, %add3A_96] : memref<2x3200000xi32, #tpu.memory_space<hbm>> -> memref<1x384xi32, #tpu.memory_space<hbm>>
    %dma_start3A_106 = tpu.memref_squeeze %dma_start3A_105 : memref<1x384xi32, #tpu.memory_space<hbm>> -> memref<384xi32, #tpu.memory_space<hbm>>
    tpu.enqueue_dma source(%dma_start3A_106 : memref<384xi32, #tpu.memory_space<hbm>>) target(%arg13 : memref<384xi32, #tpu.memory_space<vmem>>) target_semaphore(%arg23 : memref<!tpu.dma_semaphore, #tpu.memory_space<semaphore_mem>>)
    %dma_wait3A_107 = arith.constant 0 : i32
    %dma_wait3A_108 = arith.constant 0 : i32
    %dma_wait3A_109 = tpu.memref_slice %arg2[%dma_wait3A_107, %dma_wait3A_108] : memref<2x3200000xi32, #tpu.memory_space<hbm>> -> memref<1x384xi32, #tpu.memory_space<hbm>>
    %dma_wait3A_110 = tpu.memref_squeeze %dma_wait3A_109 : memref<1x384xi32, #tpu.memory_space<hbm>> -> memref<384xi32, #tpu.memory_space<hbm>>
    %dma_wait3A_111 = arith.constant 0 : i32
    %dma_wait3A_112 = tpu.memref_slice %arg2[%dma_wait3A_107, %dma_wait3A_111] : memref<2x3200000xi32, #tpu.memory_space<hbm>> -> memref<1x384xi32, #tpu.memory_space<hbm>>
    %dma_wait3A_113 = tpu.memref_squeeze %dma_wait3A_112 : memref<1x384xi32, #tpu.memory_space<hbm>> -> memref<384xi32, #tpu.memory_space<hbm>>
    tpu.wait_dma2 semaphore(%arg22 : memref<!tpu.dma_semaphore, #tpu.memory_space<semaphore_mem>>) src(%dma_wait3A_113 : memref<384xi32, #tpu.memory_space<hbm>>) dst(%arg8 : memref<384xi32, #tpu.memory_space<vmem>>)
    %dma_wait3A_114 = arith.constant 0 : i32
    %dma_wait3A_115 = arith.constant 0 : i32
    %dma_wait3A_116 = tpu.memref_slice %arg2[%dma_wait3A_114, %dma_wait3A_115] : memref<2x3200000xi32, #tpu.memory_space<hbm>> -> memref<1x384xi32, #tpu.memory_space<hbm>>
    %dma_wait3A_117 = tpu.memref_squeeze %dma_wait3A_116 : memref<1x384xi32, #tpu.memory_space<hbm>> -> memref<384xi32, #tpu.memory_space<hbm>>
    %dma_wait3A_118 = arith.constant 0 : i32
    %dma_wait3A_119 = tpu.memref_slice %arg2[%dma_wait3A_114, %dma_wait3A_118] : memref<2x3200000xi32, #tpu.memory_space<hbm>> -> memref<1x384xi32, #tpu.memory_space<hbm>>
    %dma_wait3A_120 = tpu.memref_squeeze %dma_wait3A_119 : memref<1x384xi32, #tpu.memory_space<hbm>> -> memref<384xi32, #tpu.memory_space<hbm>>
    tpu.wait_dma2 semaphore(%arg22 : memref<!tpu.dma_semaphore, #tpu.memory_space<semaphore_mem>>) src(%dma_wait3A_120 : memref<384xi32, #tpu.memory_space<hbm>>) dst(%arg12 : memref<384xi32, #tpu.memory_space<vmem>>)
    %dma_start3A_121 = arith.constant 0 : i32
    %dma_start3A_122 = arith.constant 0 : i32
    %dma_start3A_123 = tpu.memref_slice %arg3[%dma_start3A_121, %dma_start3A_122] : memref<100000x16xf32, #tpu.memory_space<hbm>> -> memref<100000x16xf32, #tpu.memory_space<hbm>>
    tpu.enqueue_indirect_dma source(%dma_start3A_123 : memref<100000x16xf32, #tpu.memory_space<hbm>>) target(%arg16 : memref<384x16xf32, #tpu.memory_space<vmem>>) offsets(%arg8 : memref<384xi32, #tpu.memory_space<vmem>>) semaphore(%arg26 : memref<!tpu.dma_semaphore, #tpu.memory_space<semaphore_mem>>)
    %dma_wait3A_124 = arith.constant 0 : i32
    %dma_wait3A_125 = arith.constant 0 : i32
    %dma_wait3A_126 = tpu.memref_slice %arg3[%dma_wait3A_124, %dma_wait3A_125] : memref<100000x16xf32, #tpu.memory_space<hbm>> -> memref<384x16xf32, #tpu.memory_space<hbm>>
    %dma_wait3A_127 = arith.constant 0 : i32
    %dma_wait3A_128 = arith.constant 0 : i32
    %dma_wait3A_129 = tpu.memref_slice %arg3[%dma_wait3A_127, %dma_wait3A_128] : memref<100000x16xf32, #tpu.memory_space<hbm>> -> memref<384x16xf32, #tpu.memory_space<hbm>>
    tpu.wait_dma2 semaphore(%arg25 : memref<!tpu.dma_semaphore, #tpu.memory_space<semaphore_mem>>) src(%dma_wait3A_129 : memref<384x16xf32, #tpu.memory_space<hbm>>) dst(%arg15 : memref<384x16xf32, #tpu.memory_space<vmem>>)
    %dma_start3A_130 = arith.constant 0 : i32
    %dma_start3A_131 = arith.constant 0 : i32
    %dma_start3A_132 = tpu.memref_slice %arg5[%dma_start3A_130, %dma_start3A_131] : memref<100000x16xf32, #tpu.memory_space<vmem_shared>> -> memref<100000x16xf32, #tpu.memory_space<vmem_shared>>
    tpu.enqueue_indirect_dma source(%arg15 : memref<384x16xf32, #tpu.memory_space<vmem>>) target(%dma_start3A_132 : memref<100000x16xf32, #tpu.memory_space<vmem_shared>>) offsets(%arg11 : memref<384xi32, #tpu.memory_space<vmem>>) semaphore(%arg29 : memref<!tpu.dma_semaphore, #tpu.memory_space<semaphore_mem>>) {add = true}
    %dma_wait3A_133 = arith.constant 0 : i32
    %dma_wait3A_134 = arith.constant 0 : i32
    %dma_wait3A_135 = tpu.memref_slice %arg3[%dma_wait3A_133, %dma_wait3A_134] : memref<100000x16xf32, #tpu.memory_space<hbm>> -> memref<384x16xf32, #tpu.memory_space<hbm>>
    %dma_wait3A_136 = arith.constant 0 : i32
    %dma_wait3A_137 = arith.constant 0 : i32
    %dma_wait3A_138 = tpu.memref_slice %arg3[%dma_wait3A_136, %dma_wait3A_137] : memref<100000x16xf32, #tpu.memory_space<hbm>> -> memref<384x16xf32, #tpu.memory_space<hbm>>
    tpu.wait_dma2 semaphore(%arg28 : memref<!tpu.dma_semaphore, #tpu.memory_space<semaphore_mem>>) src(%dma_wait3A_138 : memref<384x16xf32, #tpu.memory_space<hbm>>) dst(%arg14 : memref<384x16xf32, #tpu.memory_space<vmem>>)
    %add3A_139 = arith.constant 1536 : i32
    %add3A_140 = arith.addi %mul3A_6, %add3A_139 : i32
    %dma_start3A_141 = arith.constant 0 : i32
    %dma_start3A_142 = tpu.memref_slice %arg2[%dma_start3A_141, %add3A_140] : memref<2x3200000xi32, #tpu.memory_space<hbm>> -> memref<1x384xi32, #tpu.memory_space<hbm>>
    %dma_start3A_143 = tpu.memref_squeeze %dma_start3A_142 : memref<1x384xi32, #tpu.memory_space<hbm>> -> memref<384xi32, #tpu.memory_space<hbm>>
    %dma_start3A_144 = tpu.memref_slice %arg2[%dma_start3A_141, %add3A_140] : memref<2x3200000xi32, #tpu.memory_space<hbm>> -> memref<1x384xi32, #tpu.memory_space<hbm>>
    %dma_start3A_145 = tpu.memref_squeeze %dma_start3A_144 : memref<1x384xi32, #tpu.memory_space<hbm>> -> memref<384xi32, #tpu.memory_space<hbm>>
    tpu.enqueue_dma source(%dma_start3A_145 : memref<384xi32, #tpu.memory_space<hbm>>) target(%arg6 : memref<384xi32, #tpu.memory_space<vmem>>) target_semaphore(%arg20 : memref<!tpu.dma_semaphore, #tpu.memory_space<semaphore_mem>>)
    %dma_start3A_146 = arith.constant 1 : i32
    %dma_start3A_147 = tpu.memref_slice %arg2[%dma_start3A_146, %add3A_140] : memref<2x3200000xi32, #tpu.memory_space<hbm>> -> memref<1x384xi32, #tpu.memory_space<hbm>>
    %dma_start3A_148 = tpu.memref_squeeze %dma_start3A_147 : memref<1x384xi32, #tpu.memory_space<hbm>> -> memref<384xi32, #tpu.memory_space<hbm>>
    %dma_start3A_149 = tpu.memref_slice %arg2[%dma_start3A_146, %add3A_140] : memref<2x3200000xi32, #tpu.memory_space<hbm>> -> memref<1x384xi32, #tpu.memory_space<hbm>>
    %dma_start3A_150 = tpu.memref_squeeze %dma_start3A_149 : memref<1x384xi32, #tpu.memory_space<hbm>> -> memref<384xi32, #tpu.memory_space<hbm>>
    tpu.enqueue_dma source(%dma_start3A_150 : memref<384xi32, #tpu.memory_space<hbm>>) target(%arg10 : memref<384xi32, #tpu.memory_space<vmem>>) target_semaphore(%arg20 : memref<!tpu.dma_semaphore, #tpu.memory_space<semaphore_mem>>)
    %dma_wait3A_151 = arith.constant 0 : i32
    %dma_wait3A_152 = arith.constant 0 : i32
    %dma_wait3A_153 = tpu.memref_slice %arg2[%dma_wait3A_151, %dma_wait3A_152] : memref<2x3200000xi32, #tpu.memory_space<hbm>> -> memref<1x384xi32, #tpu.memory_space<hbm>>
    %dma_wait3A_154 = tpu.memref_squeeze %dma_wait3A_153 : memref<1x384xi32, #tpu.memory_space<hbm>> -> memref<384xi32, #tpu.memory_space<hbm>>
    %dma_wait3A_155 = arith.constant 0 : i32
    %dma_wait3A_156 = tpu.memref_slice %arg2[%dma_wait3A_151, %dma_wait3A_155] : memref<2x3200000xi32, #tpu.memory_space<hbm>> -> memref<1x384xi32, #tpu.memory_space<hbm>>
    %dma_wait3A_157 = tpu.memref_squeeze %dma_wait3A_156 : memref<1x384xi32, #tpu.memory_space<hbm>> -> memref<384xi32, #tpu.memory_space<hbm>>
    tpu.wait_dma2 semaphore(%arg23 : memref<!tpu.dma_semaphore, #tpu.memory_space<semaphore_mem>>) src(%dma_wait3A_157 : memref<384xi32, #tpu.memory_space<hbm>>) dst(%arg9 : memref<384xi32, #tpu.memory_space<vmem>>)
    %dma_wait3A_158 = arith.constant 0 : i32
    %dma_wait3A_159 = arith.constant 0 : i32
    %dma_wait3A_160 = tpu.memref_slice %arg2[%dma_wait3A_158, %dma_wait3A_159] : memref<2x3200000xi32, #tpu.memory_space<hbm>> -> memref<1x384xi32, #tpu.memory_space<hbm>>
    %dma_wait3A_161 = tpu.memref_squeeze %dma_wait3A_160 : memref<1x384xi32, #tpu.memory_space<hbm>> -> memref<384xi32, #tpu.memory_space<hbm>>
    %dma_wait3A_162 = arith.constant 0 : i32
    %dma_wait3A_163 = tpu.memref_slice %arg2[%dma_wait3A_158, %dma_wait3A_162] : memref<2x3200000xi32, #tpu.memory_space<hbm>> -> memref<1x384xi32, #tpu.memory_space<hbm>>
    %dma_wait3A_164 = tpu.memref_squeeze %dma_wait3A_163 : memref<1x384xi32, #tpu.memory_space<hbm>> -> memref<384xi32, #tpu.memory_space<hbm>>
    tpu.wait_dma2 semaphore(%arg23 : memref<!tpu.dma_semaphore, #tpu.memory_space<semaphore_mem>>) src(%dma_wait3A_164 : memref<384xi32, #tpu.memory_space<hbm>>) dst(%arg13 : memref<384xi32, #tpu.memory_space<vmem>>)
    %dma_start3A_165 = arith.constant 0 : i32
    %dma_start3A_166 = arith.constant 0 : i32
    %dma_start3A_167 = tpu.memref_slice %arg3[%dma_start3A_165, %dma_start3A_166] : memref<100000x16xf32, #tpu.memory_space<hbm>> -> memref<100000x16xf32, #tpu.memory_space<hbm>>
    tpu.enqueue_indirect_dma source(%dma_start3A_167 : memref<100000x16xf32, #tpu.memory_space<hbm>>) target(%arg17 : memref<384x16xf32, #tpu.memory_space<vmem>>) offsets(%arg9 : memref<384xi32, #tpu.memory_space<vmem>>) semaphore(%arg27 : memref<!tpu.dma_semaphore, #tpu.memory_space<semaphore_mem>>)
    %dma_wait3A_168 = arith.constant 0 : i32
    %dma_wait3A_169 = arith.constant 0 : i32
    %dma_wait3A_170 = tpu.memref_slice %arg3[%dma_wait3A_168, %dma_wait3A_169] : memref<100000x16xf32, #tpu.memory_space<hbm>> -> memref<384x16xf32, #tpu.memory_space<hbm>>
    %dma_wait3A_171 = arith.constant 0 : i32
    %dma_wait3A_172 = arith.constant 0 : i32
    %dma_wait3A_173 = tpu.memref_slice %arg3[%dma_wait3A_171, %dma_wait3A_172] : memref<100000x16xf32, #tpu.memory_space<hbm>> -> memref<384x16xf32, #tpu.memory_space<hbm>>
    tpu.wait_dma2 semaphore(%arg26 : memref<!tpu.dma_semaphore, #tpu.memory_space<semaphore_mem>>) src(%dma_wait3A_173 : memref<384x16xf32, #tpu.memory_space<hbm>>) dst(%arg16 : memref<384x16xf32, #tpu.memory_space<vmem>>)
    %dma_start3A_174 = arith.constant 0 : i32
    %dma_start3A_175 = arith.constant 0 : i32
    %dma_start3A_176 = tpu.memref_slice %arg5[%dma_start3A_174, %dma_start3A_175] : memref<100000x16xf32, #tpu.memory_space<vmem_shared>> -> memref<100000x16xf32, #tpu.memory_space<vmem_shared>>
    tpu.enqueue_indirect_dma source(%arg16 : memref<384x16xf32, #tpu.memory_space<vmem>>) target(%dma_start3A_176 : memref<100000x16xf32, #tpu.memory_space<vmem_shared>>) offsets(%arg12 : memref<384xi32, #tpu.memory_space<vmem>>) semaphore(%arg30 : memref<!tpu.dma_semaphore, #tpu.memory_space<semaphore_mem>>) {add = true}
    %dma_wait3A_177 = arith.constant 0 : i32
    %dma_wait3A_178 = arith.constant 0 : i32
    %dma_wait3A_179 = tpu.memref_slice %arg3[%dma_wait3A_177, %dma_wait3A_178] : memref<100000x16xf32, #tpu.memory_space<hbm>> -> memref<384x16xf32, #tpu.memory_space<hbm>>
    %dma_wait3A_180 = arith.constant 0 : i32
    %dma_wait3A_181 = arith.constant 0 : i32
    %dma_wait3A_182 = tpu.memref_slice %arg3[%dma_wait3A_180, %dma_wait3A_181] : memref<100000x16xf32, #tpu.memory_space<hbm>> -> memref<384x16xf32, #tpu.memory_space<hbm>>
    tpu.wait_dma2 semaphore(%arg29 : memref<!tpu.dma_semaphore, #tpu.memory_space<semaphore_mem>>) src(%dma_wait3A_182 : memref<384x16xf32, #tpu.memory_space<hbm>>) dst(%arg15 : memref<384x16xf32, #tpu.memory_space<vmem>>)
    %add3A_183 = arith.constant 1920 : i32
    %add3A_184 = arith.addi %mul3A_6, %add3A_183 : i32
    %dma_start3A_185 = arith.constant 0 : i32
    %dma_start3A_186 = tpu.memref_slice %arg2[%dma_start3A_185, %add3A_184] : memref<2x3200000xi32, #tpu.memory_space<hbm>> -> memref<1x384xi32, #tpu.memory_space<hbm>>
    %dma_start3A_187 = tpu.memref_squeeze %dma_start3A_186 : memref<1x384xi32, #tpu.memory_space<hbm>> -> memref<384xi32, #tpu.memory_space<hbm>>
    %dma_start3A_188 = tpu.memref_slice %arg2[%dma_start3A_185, %add3A_184] : memref<2x3200000xi32, #tpu.memory_space<hbm>> -> memref<1x384xi32, #tpu.memory_space<hbm>>
    %dma_start3A_189 = tpu.memref_squeeze %dma_start3A_188 : memref<1x384xi32, #tpu.memory_space<hbm>> -> memref<384xi32, #tpu.memory_space<hbm>>
    tpu.enqueue_dma source(%dma_start3A_189 : memref<384xi32, #tpu.memory_space<hbm>>) target(%arg7 : memref<384xi32, #tpu.memory_space<vmem>>) target_semaphore(%arg21 : memref<!tpu.dma_semaphore, #tpu.memory_space<semaphore_mem>>)
    %dma_start3A_190 = arith.constant 1 : i32
    %dma_start3A_191 = tpu.memref_slice %arg2[%dma_start3A_190, %add3A_184] : memref<2x3200000xi32, #tpu.memory_space<hbm>> -> memref<1x384xi32, #tpu.memory_space<hbm>>
    %dma_start3A_192 = tpu.memref_squeeze %dma_start3A_191 : memref<1x384xi32, #tpu.memory_space<hbm>> -> memref<384xi32, #tpu.memory_space<hbm>>
    %dma_start3A_193 = tpu.memref_slice %arg2[%dma_start3A_190, %add3A_184] : memref<2x3200000xi32, #tpu.memory_space<hbm>> -> memref<1x384xi32, #tpu.memory_space<hbm>>
    %dma_start3A_194 = tpu.memref_squeeze %dma_start3A_193 : memref<1x384xi32, #tpu.memory_space<hbm>> -> memref<384xi32, #tpu.memory_space<hbm>>
    tpu.enqueue_dma source(%dma_start3A_194 : memref<384xi32, #tpu.memory_space<hbm>>) target(%arg11 : memref<384xi32, #tpu.memory_space<vmem>>) target_semaphore(%arg21 : memref<!tpu.dma_semaphore, #tpu.memory_space<semaphore_mem>>)
    %dma_wait3A_195 = arith.constant 0 : i32
    %dma_wait3A_196 = arith.constant 0 : i32
    %dma_wait3A_197 = tpu.memref_slice %arg2[%dma_wait3A_195, %dma_wait3A_196] : memref<2x3200000xi32, #tpu.memory_space<hbm>> -> memref<1x384xi32, #tpu.memory_space<hbm>>
    %dma_wait3A_198 = tpu.memref_squeeze %dma_wait3A_197 : memref<1x384xi32, #tpu.memory_space<hbm>> -> memref<384xi32, #tpu.memory_space<hbm>>
    %dma_wait3A_199 = arith.constant 0 : i32
    %dma_wait3A_200 = tpu.memref_slice %arg2[%dma_wait3A_195, %dma_wait3A_199] : memref<2x3200000xi32, #tpu.memory_space<hbm>> -> memref<1x384xi32, #tpu.memory_space<hbm>>
    %dma_wait3A_201 = tpu.memref_squeeze %dma_wait3A_200 : memref<1x384xi32, #tpu.memory_space<hbm>> -> memref<384xi32, #tpu.memory_space<hbm>>
    tpu.wait_dma2 semaphore(%arg20 : memref<!tpu.dma_semaphore, #tpu.memory_space<semaphore_mem>>) src(%dma_wait3A_201 : memref<384xi32, #tpu.memory_space<hbm>>) dst(%arg6 : memref<384xi32, #tpu.memory_space<vmem>>)
    %dma_wait3A_202 = arith.constant 0 : i32
    %dma_wait3A_203 = arith.constant 0 : i32
    %dma_wait3A_204 = tpu.memref_slice %arg2[%dma_wait3A_202, %dma_wait3A_203] : memref<2x3200000xi32, #tpu.memory_space<hbm>> -> memref<1x384xi32, #tpu.memory_space<hbm>>
    %dma_wait3A_205 = tpu.memref_squeeze %dma_wait3A_204 : memref<1x384xi32, #tpu.memory_space<hbm>> -> memref<384xi32, #tpu.memory_space<hbm>>
    %dma_wait3A_206 = arith.constant 0 : i32
    %dma_wait3A_207 = tpu.memref_slice %arg2[%dma_wait3A_202, %dma_wait3A_206] : memref<2x3200000xi32, #tpu.memory_space<hbm>> -> memref<1x384xi32, #tpu.memory_space<hbm>>
    %dma_wait3A_208 = tpu.memref_squeeze %dma_wait3A_207 : memref<1x384xi32, #tpu.memory_space<hbm>> -> memref<384xi32, #tpu.memory_space<hbm>>
    tpu.wait_dma2 semaphore(%arg20 : memref<!tpu.dma_semaphore, #tpu.memory_space<semaphore_mem>>) src(%dma_wait3A_208 : memref<384xi32, #tpu.memory_space<hbm>>) dst(%arg10 : memref<384xi32, #tpu.memory_space<vmem>>)
    %dma_start3A_209 = arith.constant 0 : i32
    %dma_start3A_210 = arith.constant 0 : i32
    %dma_start3A_211 = tpu.memref_slice %arg3[%dma_start3A_209, %dma_start3A_210] : memref<100000x16xf32, #tpu.memory_space<hbm>> -> memref<100000x16xf32, #tpu.memory_space<hbm>>
    tpu.enqueue_indirect_dma source(%dma_start3A_211 : memref<100000x16xf32, #tpu.memory_space<hbm>>) target(%arg14 : memref<384x16xf32, #tpu.memory_space<vmem>>) offsets(%arg6 : memref<384xi32, #tpu.memory_space<vmem>>) semaphore(%arg24 : memref<!tpu.dma_semaphore, #tpu.memory_space<semaphore_mem>>)
    %dma_wait3A_212 = arith.constant 0 : i32
    %dma_wait3A_213 = arith.constant 0 : i32
    %dma_wait3A_214 = tpu.memref_slice %arg3[%dma_wait3A_212, %dma_wait3A_213] : memref<100000x16xf32, #tpu.memory_space<hbm>> -> memref<384x16xf32, #tpu.memory_space<hbm>>
    %dma_wait3A_215 = arith.constant 0 : i32
    %dma_wait3A_216 = arith.constant 0 : i32
    %dma_wait3A_217 = tpu.memref_slice %arg3[%dma_wait3A_215, %dma_wait3A_216] : memref<100000x16xf32, #tpu.memory_space<hbm>> -> memref<384x16xf32, #tpu.memory_space<hbm>>
    tpu.wait_dma2 semaphore(%arg27 : memref<!tpu.dma_semaphore, #tpu.memory_space<semaphore_mem>>) src(%dma_wait3A_217 : memref<384x16xf32, #tpu.memory_space<hbm>>) dst(%arg17 : memref<384x16xf32, #tpu.memory_space<vmem>>)
    %dma_start3A_218 = arith.constant 0 : i32
    %dma_start3A_219 = arith.constant 0 : i32
    %dma_start3A_220 = tpu.memref_slice %arg5[%dma_start3A_218, %dma_start3A_219] : memref<100000x16xf32, #tpu.memory_space<vmem_shared>> -> memref<100000x16xf32, #tpu.memory_space<vmem_shared>>
    tpu.enqueue_indirect_dma source(%arg17 : memref<384x16xf32, #tpu.memory_space<vmem>>) target(%dma_start3A_220 : memref<100000x16xf32, #tpu.memory_space<vmem_shared>>) offsets(%arg13 : memref<384xi32, #tpu.memory_space<vmem>>) semaphore(%arg31 : memref<!tpu.dma_semaphore, #tpu.memory_space<semaphore_mem>>) {add = true}
    %scan3A_221 = arith.constant 0 : i32
    %scan3A_222 = arith.constant 63 : i32
    %scan3A_223 = arith.addi %scan3A_221, %scan3A_222 : i32
    %scan3A_224 = arith.constant 1 : i32
    scf.for %scan3A_400 = %scan3A_221 to %scan3A_223 step %scan3A_224  : i32 {
      %mul3A_401 = arith.constant 1 : i32
      %mul3A_402 = arith.muli %scan3A_400, %mul3A_401 : i32
      %add3A_403 = arith.constant 1 : i32
      %add3A_404 = arith.addi %add3A_403, %mul3A_402 : i32
      %mul3A_405 = arith.constant 4 : i32
      %mul3A_406 = arith.muli %mul3A_405, %add3A_404 : i32
      %add3A_407 = arith.constant 0 : i32
      %add3A_408 = arith.addi %mul3A_406, %add3A_407 : i32
      %dma_wait3A_409 = arith.constant 0 : i32
      %dma_wait3A_410 = arith.constant 0 : i32
      %dma_wait3A_411 = tpu.memref_slice %arg3[%dma_wait3A_409, %dma_wait3A_410] : memref<100000x16xf32, #tpu.memory_space<hbm>> -> memref<384x16xf32, #tpu.memory_space<hbm>>
      %dma_wait3A_412 = arith.constant 0 : i32
      %dma_wait3A_413 = arith.constant 0 : i32
      %dma_wait3A_414 = tpu.memref_slice %arg3[%dma_wait3A_412, %dma_wait3A_413] : memref<100000x16xf32, #tpu.memory_space<hbm>> -> memref<384x16xf32, #tpu.memory_space<hbm>>
      tpu.wait_dma2 semaphore(%arg30 : memref<!tpu.dma_semaphore, #tpu.memory_space<semaphore_mem>>) src(%dma_wait3A_414 : memref<384x16xf32, #tpu.memory_space<hbm>>) dst(%arg16 : memref<384x16xf32, #tpu.memory_space<vmem>>)
      %add3A_415 = arith.constant 2 : i32
      %add3A_416 = arith.addi %add3A_408, %add3A_415 : i32
      %mul3A_417 = arith.constant 384 : i32
      %mul3A_418 = arith.muli %add3A_416, %mul3A_417 : i32
      %add3A_419 = arith.addi %mul3A_6, %mul3A_418 : i32
      %dma_start3A_420 = arith.constant 0 : i32
      %dma_start3A_421 = tpu.memref_slice %arg2[%dma_start3A_420, %add3A_419] : memref<2x3200000xi32, #tpu.memory_space<hbm>> -> memref<1x384xi32, #tpu.memory_space<hbm>>
      %dma_start3A_422 = tpu.memref_squeeze %dma_start3A_421 : memref<1x384xi32, #tpu.memory_space<hbm>> -> memref<384xi32, #tpu.memory_space<hbm>>
      %dma_start3A_423 = tpu.memref_slice %arg2[%dma_start3A_420, %add3A_419] : memref<2x3200000xi32, #tpu.memory_space<hbm>> -> memref<1x384xi32, #tpu.memory_space<hbm>>
      %dma_start3A_424 = tpu.memref_squeeze %dma_start3A_423 : memref<1x384xi32, #tpu.memory_space<hbm>> -> memref<384xi32, #tpu.memory_space<hbm>>
      tpu.enqueue_dma source(%dma_start3A_424 : memref<384xi32, #tpu.memory_space<hbm>>) target(%arg8 : memref<384xi32, #tpu.memory_space<vmem>>) target_semaphore(%arg22 : memref<!tpu.dma_semaphore, #tpu.memory_space<semaphore_mem>>)
      %dma_start3A_425 = arith.constant 1 : i32
      %dma_start3A_426 = tpu.memref_slice %arg2[%dma_start3A_425, %add3A_419] : memref<2x3200000xi32, #tpu.memory_space<hbm>> -> memref<1x384xi32, #tpu.memory_space<hbm>>
      %dma_start3A_427 = tpu.memref_squeeze %dma_start3A_426 : memref<1x384xi32, #tpu.memory_space<hbm>> -> memref<384xi32, #tpu.memory_space<hbm>>
      %dma_start3A_428 = tpu.memref_slice %arg2[%dma_start3A_425, %add3A_419] : memref<2x3200000xi32, #tpu.memory_space<hbm>> -> memref<1x384xi32, #tpu.memory_space<hbm>>
      %dma_start3A_429 = tpu.memref_squeeze %dma_start3A_428 : memref<1x384xi32, #tpu.memory_space<hbm>> -> memref<384xi32, #tpu.memory_space<hbm>>
      tpu.enqueue_dma source(%dma_start3A_429 : memref<384xi32, #tpu.memory_space<hbm>>) target(%arg12 : memref<384xi32, #tpu.memory_space<vmem>>) target_semaphore(%arg22 : memref<!tpu.dma_semaphore, #tpu.memory_space<semaphore_mem>>)
      %dma_wait3A_430 = arith.constant 0 : i32
      %dma_wait3A_431 = arith.constant 0 : i32
      %dma_wait3A_432 = tpu.memref_slice %arg2[%dma_wait3A_430, %dma_wait3A_431] : memref<2x3200000xi32, #tpu.memory_space<hbm>> -> memref<1x384xi32, #tpu.memory_space<hbm>>
      %dma_wait3A_433 = tpu.memref_squeeze %dma_wait3A_432 : memref<1x384xi32, #tpu.memory_space<hbm>> -> memref<384xi32, #tpu.memory_space<hbm>>
      %dma_wait3A_434 = arith.constant 0 : i32
      %dma_wait3A_435 = tpu.memref_slice %arg2[%dma_wait3A_430, %dma_wait3A_434] : memref<2x3200000xi32, #tpu.memory_space<hbm>> -> memref<1x384xi32, #tpu.memory_space<hbm>>
      %dma_wait3A_436 = tpu.memref_squeeze %dma_wait3A_435 : memref<1x384xi32, #tpu.memory_space<hbm>> -> memref<384xi32, #tpu.memory_space<hbm>>
      tpu.wait_dma2 semaphore(%arg21 : memref<!tpu.dma_semaphore, #tpu.memory_space<semaphore_mem>>) src(%dma_wait3A_436 : memref<384xi32, #tpu.memory_space<hbm>>) dst(%arg7 : memref<384xi32, #tpu.memory_space<vmem>>)
      %dma_wait3A_437 = arith.constant 0 : i32
      %dma_wait3A_438 = arith.constant 0 : i32
      %dma_wait3A_439 = tpu.memref_slice %arg2[%dma_wait3A_437, %dma_wait3A_438] : memref<2x3200000xi32, #tpu.memory_space<hbm>> -> memref<1x384xi32, #tpu.memory_space<hbm>>
      %dma_wait3A_440 = tpu.memref_squeeze %dma_wait3A_439 : memref<1x384xi32, #tpu.memory_space<hbm>> -> memref<384xi32, #tpu.memory_space<hbm>>
      %dma_wait3A_441 = arith.constant 0 : i32
      %dma_wait3A_442 = tpu.memref_slice %arg2[%dma_wait3A_437, %dma_wait3A_441] : memref<2x3200000xi32, #tpu.memory_space<hbm>> -> memref<1x384xi32, #tpu.memory_space<hbm>>
      %dma_wait3A_443 = tpu.memref_squeeze %dma_wait3A_442 : memref<1x384xi32, #tpu.memory_space<hbm>> -> memref<384xi32, #tpu.memory_space<hbm>>
      tpu.wait_dma2 semaphore(%arg21 : memref<!tpu.dma_semaphore, #tpu.memory_space<semaphore_mem>>) src(%dma_wait3A_443 : memref<384xi32, #tpu.memory_space<hbm>>) dst(%arg11 : memref<384xi32, #tpu.memory_space<vmem>>)
      %dma_start3A_444 = arith.constant 0 : i32
      %dma_start3A_445 = arith.constant 0 : i32
      %dma_start3A_446 = tpu.memref_slice %arg3[%dma_start3A_444, %dma_start3A_445] : memref<100000x16xf32, #tpu.memory_space<hbm>> -> memref<100000x16xf32, #tpu.memory_space<hbm>>
      tpu.enqueue_indirect_dma source(%dma_start3A_446 : memref<100000x16xf32, #tpu.memory_space<hbm>>) target(%arg15 : memref<384x16xf32, #tpu.memory_space<vmem>>) offsets(%arg7 : memref<384xi32, #tpu.memory_space<vmem>>) semaphore(%arg25 : memref<!tpu.dma_semaphore, #tpu.memory_space<semaphore_mem>>)
      %dma_wait3A_447 = arith.constant 0 : i32
      %dma_wait3A_448 = arith.constant 0 : i32
      %dma_wait3A_449 = tpu.memref_slice %arg3[%dma_wait3A_447, %dma_wait3A_448] : memref<100000x16xf32, #tpu.memory_space<hbm>> -> memref<384x16xf32, #tpu.memory_space<hbm>>
      %dma_wait3A_450 = arith.constant 0 : i32
      %dma_wait3A_451 = arith.constant 0 : i32
      %dma_wait3A_452 = tpu.memref_slice %arg3[%dma_wait3A_450, %dma_wait3A_451] : memref<100000x16xf32, #tpu.memory_space<hbm>> -> memref<384x16xf32, #tpu.memory_space<hbm>>
      tpu.wait_dma2 semaphore(%arg24 : memref<!tpu.dma_semaphore, #tpu.memory_space<semaphore_mem>>) src(%dma_wait3A_452 : memref<384x16xf32, #tpu.memory_space<hbm>>) dst(%arg14 : memref<384x16xf32, #tpu.memory_space<vmem>>)
      %dma_start3A_453 = arith.constant 0 : i32
      %dma_start3A_454 = arith.constant 0 : i32
      %dma_start3A_455 = tpu.memref_slice %arg5[%dma_start3A_453, %dma_start3A_454] : memref<100000x16xf32, #tpu.memory_space<vmem_shared>> -> memref<100000x16xf32, #tpu.memory_space<vmem_shared>>
      tpu.enqueue_indirect_dma source(%arg14 : memref<384x16xf32, #tpu.memory_space<vmem>>) target(%dma_start3A_455 : memref<100000x16xf32, #tpu.memory_space<vmem_shared>>) offsets(%arg10 : memref<384xi32, #tpu.memory_space<vmem>>) semaphore(%arg28 : memref<!tpu.dma_semaphore, #tpu.memory_space<semaphore_mem>>) {add = true}
      %add3A_456 = arith.constant 1 : i32
      %add3A_457 = arith.addi %mul3A_406, %add3A_456 : i32
      %dma_wait3A_458 = arith.constant 0 : i32
      %dma_wait3A_459 = arith.constant 0 : i32
      %dma_wait3A_460 = tpu.memref_slice %arg3[%dma_wait3A_458, %dma_wait3A_459] : memref<100000x16xf32, #tpu.memory_space<hbm>> -> memref<384x16xf32, #tpu.memory_space<hbm>>
      %dma_wait3A_461 = arith.constant 0 : i32
      %dma_wait3A_462 = arith.constant 0 : i32
      %dma_wait3A_463 = tpu.memref_slice %arg3[%dma_wait3A_461, %dma_wait3A_462] : memref<100000x16xf32, #tpu.memory_space<hbm>> -> memref<384x16xf32, #tpu.memory_space<hbm>>
      tpu.wait_dma2 semaphore(%arg31 : memref<!tpu.dma_semaphore, #tpu.memory_space<semaphore_mem>>) src(%dma_wait3A_463 : memref<384x16xf32, #tpu.memory_space<hbm>>) dst(%arg17 : memref<384x16xf32, #tpu.memory_space<vmem>>)
      %add3A_464 = arith.constant 2 : i32
      %add3A_465 = arith.addi %add3A_457, %add3A_464 : i32
      %mul3A_466 = arith.constant 384 : i32
      %mul3A_467 = arith.muli %add3A_465, %mul3A_466 : i32
      %add3A_468 = arith.addi %mul3A_6, %mul3A_467 : i32
      %dma_start3A_469 = arith.constant 0 : i32
      %dma_start3A_470 = tpu.memref_slice %arg2[%dma_start3A_469, %add3A_468] : memref<2x3200000xi32, #tpu.memory_space<hbm>> -> memref<1x384xi32, #tpu.memory_space<hbm>>
      %dma_start3A_471 = tpu.memref_squeeze %dma_start3A_470 : memref<1x384xi32, #tpu.memory_space<hbm>> -> memref<384xi32, #tpu.memory_space<hbm>>
      %dma_start3A_472 = tpu.memref_slice %arg2[%dma_start3A_469, %add3A_468] : memref<2x3200000xi32, #tpu.memory_space<hbm>> -> memref<1x384xi32, #tpu.memory_space<hbm>>
      %dma_start3A_473 = tpu.memref_squeeze %dma_start3A_472 : memref<1x384xi32, #tpu.memory_space<hbm>> -> memref<384xi32, #tpu.memory_space<hbm>>
      tpu.enqueue_dma source(%dma_start3A_473 : memref<384xi32, #tpu.memory_space<hbm>>) target(%arg9 : memref<384xi32, #tpu.memory_space<vmem>>) target_semaphore(%arg23 : memref<!tpu.dma_semaphore, #tpu.memory_space<semaphore_mem>>)
      %dma_start3A_474 = arith.constant 1 : i32
      %dma_start3A_475 = tpu.memref_slice %arg2[%dma_start3A_474, %add3A_468] : memref<2x3200000xi32, #tpu.memory_space<hbm>> -> memref<1x384xi32, #tpu.memory_space<hbm>>
      %dma_start3A_476 = tpu.memref_squeeze %dma_start3A_475 : memref<1x384xi32, #tpu.memory_space<hbm>> -> memref<384xi32, #tpu.memory_space<hbm>>
      %dma_start3A_477 = tpu.memref_slice %arg2[%dma_start3A_474, %add3A_468] : memref<2x3200000xi32, #tpu.memory_space<hbm>> -> memref<1x384xi32, #tpu.memory_space<hbm>>
      %dma_start3A_478 = tpu.memref_squeeze %dma_start3A_477 : memref<1x384xi32, #tpu.memory_space<hbm>> -> memref<384xi32, #tpu.memory_space<hbm>>
      tpu.enqueue_dma source(%dma_start3A_478 : memref<384xi32, #tpu.memory_space<hbm>>) target(%arg13 : memref<384xi32, #tpu.memory_space<vmem>>) target_semaphore(%arg23 : memref<!tpu.dma_semaphore, #tpu.memory_space<semaphore_mem>>)
      %dma_wait3A_479 = arith.constant 0 : i32
      %dma_wait3A_480 = arith.constant 0 : i32
      %dma_wait3A_481 = tpu.memref_slice %arg2[%dma_wait3A_479, %dma_wait3A_480] : memref<2x3200000xi32, #tpu.memory_space<hbm>> -> memref<1x384xi32, #tpu.memory_space<hbm>>
      %dma_wait3A_482 = tpu.memref_squeeze %dma_wait3A_481 : memref<1x384xi32, #tpu.memory_space<hbm>> -> memref<384xi32, #tpu.memory_space<hbm>>
      %dma_wait3A_483 = arith.constant 0 : i32
      %dma_wait3A_484 = tpu.memref_slice %arg2[%dma_wait3A_479, %dma_wait3A_483] : memref<2x3200000xi32, #tpu.memory_space<hbm>> -> memref<1x384xi32, #tpu.memory_space<hbm>>
      %dma_wait3A_485 = tpu.memref_squeeze %dma_wait3A_484 : memref<1x384xi32, #tpu.memory_space<hbm>> -> memref<384xi32, #tpu.memory_space<hbm>>
      tpu.wait_dma2 semaphore(%arg22 : memref<!tpu.dma_semaphore, #tpu.memory_space<semaphore_mem>>) src(%dma_wait3A_485 : memref<384xi32, #tpu.memory_space<hbm>>) dst(%arg8 : memref<384xi32, #tpu.memory_space<vmem>>)
      %dma_wait3A_486 = arith.constant 0 : i32
      %dma_wait3A_487 = arith.constant 0 : i32
      %dma_wait3A_488 = tpu.memref_slice %arg2[%dma_wait3A_486, %dma_wait3A_487] : memref<2x3200000xi32, #tpu.memory_space<hbm>> -> memref<1x384xi32, #tpu.memory_space<hbm>>
      %dma_wait3A_489 = tpu.memref_squeeze %dma_wait3A_488 : memref<1x384xi32, #tpu.memory_space<hbm>> -> memref<384xi32, #tpu.memory_space<hbm>>
      %dma_wait3A_490 = arith.constant 0 : i32
      %dma_wait3A_491 = tpu.memref_slice %arg2[%dma_wait3A_486, %dma_wait3A_490] : memref<2x3200000xi32, #tpu.memory_space<hbm>> -> memref<1x384xi32, #tpu.memory_space<hbm>>
      %dma_wait3A_492 = tpu.memref_squeeze %dma_wait3A_491 : memref<1x384xi32, #tpu.memory_space<hbm>> -> memref<384xi32, #tpu.memory_space<hbm>>
      tpu.wait_dma2 semaphore(%arg22 : memref<!tpu.dma_semaphore, #tpu.memory_space<semaphore_mem>>) src(%dma_wait3A_492 : memref<384xi32, #tpu.memory_space<hbm>>) dst(%arg12 : memref<384xi32, #tpu.memory_space<vmem>>)
      %dma_start3A_493 = arith.constant 0 : i32
      %dma_start3A_494 = arith.constant 0 : i32
      %dma_start3A_495 = tpu.memref_slice %arg3[%dma_start3A_493, %dma_start3A_494] : memref<100000x16xf32, #tpu.memory_space<hbm>> -> memref<100000x16xf32, #tpu.memory_space<hbm>>
      tpu.enqueue_indirect_dma source(%dma_start3A_495 : memref<100000x16xf32, #tpu.memory_space<hbm>>) target(%arg16 : memref<384x16xf32, #tpu.memory_space<vmem>>) offsets(%arg8 : memref<384xi32, #tpu.memory_space<vmem>>) semaphore(%arg26 : memref<!tpu.dma_semaphore, #tpu.memory_space<semaphore_mem>>)
      %dma_wait3A_496 = arith.constant 0 : i32
      %dma_wait3A_497 = arith.constant 0 : i32
      %dma_wait3A_498 = tpu.memref_slice %arg3[%dma_wait3A_496, %dma_wait3A_497] : memref<100000x16xf32, #tpu.memory_space<hbm>> -> memref<384x16xf32, #tpu.memory_space<hbm>>
      %dma_wait3A_499 = arith.constant 0 : i32
      %dma_wait3A_500 = arith.constant 0 : i32
      %dma_wait3A_501 = tpu.memref_slice %arg3[%dma_wait3A_499, %dma_wait3A_500] : memref<100000x16xf32, #tpu.memory_space<hbm>> -> memref<384x16xf32, #tpu.memory_space<hbm>>
      tpu.wait_dma2 semaphore(%arg25 : memref<!tpu.dma_semaphore, #tpu.memory_space<semaphore_mem>>) src(%dma_wait3A_501 : memref<384x16xf32, #tpu.memory_space<hbm>>) dst(%arg15 : memref<384x16xf32, #tpu.memory_space<vmem>>)
      %dma_start3A_502 = arith.constant 0 : i32
      %dma_start3A_503 = arith.constant 0 : i32
      %dma_start3A_504 = tpu.memref_slice %arg5[%dma_start3A_502, %dma_start3A_503] : memref<100000x16xf32, #tpu.memory_space<vmem_shared>> -> memref<100000x16xf32, #tpu.memory_space<vmem_shared>>
      tpu.enqueue_indirect_dma source(%arg15 : memref<384x16xf32, #tpu.memory_space<vmem>>) target(%dma_start3A_504 : memref<100000x16xf32, #tpu.memory_space<vmem_shared>>) offsets(%arg11 : memref<384xi32, #tpu.memory_space<vmem>>) semaphore(%arg29 : memref<!tpu.dma_semaphore, #tpu.memory_space<semaphore_mem>>) {add = true}
      %add3A_505 = arith.constant 2 : i32
      %add3A_506 = arith.addi %mul3A_406, %add3A_505 : i32
      %dma_wait3A_507 = arith.constant 0 : i32
      %dma_wait3A_508 = arith.constant 0 : i32
      %dma_wait3A_509 = tpu.memref_slice %arg3[%dma_wait3A_507, %dma_wait3A_508] : memref<100000x16xf32, #tpu.memory_space<hbm>> -> memref<384x16xf32, #tpu.memory_space<hbm>>
      %dma_wait3A_510 = arith.constant 0 : i32
      %dma_wait3A_511 = arith.constant 0 : i32
      %dma_wait3A_512 = tpu.memref_slice %arg3[%dma_wait3A_510, %dma_wait3A_511] : memref<100000x16xf32, #tpu.memory_space<hbm>> -> memref<384x16xf32, #tpu.memory_space<hbm>>
      tpu.wait_dma2 semaphore(%arg28 : memref<!tpu.dma_semaphore, #tpu.memory_space<semaphore_mem>>) src(%dma_wait3A_512 : memref<384x16xf32, #tpu.memory_space<hbm>>) dst(%arg14 : memref<384x16xf32, #tpu.memory_space<vmem>>)
      %add3A_513 = arith.constant 2 : i32
      %add3A_514 = arith.addi %add3A_506, %add3A_513 : i32
      %mul3A_515 = arith.constant 384 : i32
      %mul3A_516 = arith.muli %add3A_514, %mul3A_515 : i32
      %add3A_517 = arith.addi %mul3A_6, %mul3A_516 : i32
      %dma_start3A_518 = arith.constant 0 : i32
      %dma_start3A_519 = tpu.memref_slice %arg2[%dma_start3A_518, %add3A_517] : memref<2x3200000xi32, #tpu.memory_space<hbm>> -> memref<1x384xi32, #tpu.memory_space<hbm>>
      %dma_start3A_520 = tpu.memref_squeeze %dma_start3A_519 : memref<1x384xi32, #tpu.memory_space<hbm>> -> memref<384xi32, #tpu.memory_space<hbm>>
      %dma_start3A_521 = tpu.memref_slice %arg2[%dma_start3A_518, %add3A_517] : memref<2x3200000xi32, #tpu.memory_space<hbm>> -> memref<1x384xi32, #tpu.memory_space<hbm>>
      %dma_start3A_522 = tpu.memref_squeeze %dma_start3A_521 : memref<1x384xi32, #tpu.memory_space<hbm>> -> memref<384xi32, #tpu.memory_space<hbm>>
      tpu.enqueue_dma source(%dma_start3A_522 : memref<384xi32, #tpu.memory_space<hbm>>) target(%arg6 : memref<384xi32, #tpu.memory_space<vmem>>) target_semaphore(%arg20 : memref<!tpu.dma_semaphore, #tpu.memory_space<semaphore_mem>>)
      %dma_start3A_523 = arith.constant 1 : i32
      %dma_start3A_524 = tpu.memref_slice %arg2[%dma_start3A_523, %add3A_517] : memref<2x3200000xi32, #tpu.memory_space<hbm>> -> memref<1x384xi32, #tpu.memory_space<hbm>>
      %dma_start3A_525 = tpu.memref_squeeze %dma_start3A_524 : memref<1x384xi32, #tpu.memory_space<hbm>> -> memref<384xi32, #tpu.memory_space<hbm>>
      %dma_start3A_526 = tpu.memref_slice %arg2[%dma_start3A_523, %add3A_517] : memref<2x3200000xi32, #tpu.memory_space<hbm>> -> memref<1x384xi32, #tpu.memory_space<hbm>>
      %dma_start3A_527 = tpu.memref_squeeze %dma_start3A_526 : memref<1x384xi32, #tpu.memory_space<hbm>> -> memref<384xi32, #tpu.memory_space<hbm>>
      tpu.enqueue_dma source(%dma_start3A_527 : memref<384xi32, #tpu.memory_space<hbm>>) target(%arg10 : memref<384xi32, #tpu.memory_space<vmem>>) target_semaphore(%arg20 : memref<!tpu.dma_semaphore, #tpu.memory_space<semaphore_mem>>)
      %dma_wait3A_528 = arith.constant 0 : i32
      %dma_wait3A_529 = arith.constant 0 : i32
      %dma_wait3A_530 = tpu.memref_slice %arg2[%dma_wait3A_528, %dma_wait3A_529] : memref<2x3200000xi32, #tpu.memory_space<hbm>> -> memref<1x384xi32, #tpu.memory_space<hbm>>
      %dma_wait3A_531 = tpu.memref_squeeze %dma_wait3A_530 : memref<1x384xi32, #tpu.memory_space<hbm>> -> memref<384xi32, #tpu.memory_space<hbm>>
      %dma_wait3A_532 = arith.constant 0 : i32
      %dma_wait3A_533 = tpu.memref_slice %arg2[%dma_wait3A_528, %dma_wait3A_532] : memref<2x3200000xi32, #tpu.memory_space<hbm>> -> memref<1x384xi32, #tpu.memory_space<hbm>>
      %dma_wait3A_534 = tpu.memref_squeeze %dma_wait3A_533 : memref<1x384xi32, #tpu.memory_space<hbm>> -> memref<384xi32, #tpu.memory_space<hbm>>
      tpu.wait_dma2 semaphore(%arg23 : memref<!tpu.dma_semaphore, #tpu.memory_space<semaphore_mem>>) src(%dma_wait3A_534 : memref<384xi32, #tpu.memory_space<hbm>>) dst(%arg9 : memref<384xi32, #tpu.memory_space<vmem>>)
      %dma_wait3A_535 = arith.constant 0 : i32
      %dma_wait3A_536 = arith.constant 0 : i32
      %dma_wait3A_537 = tpu.memref_slice %arg2[%dma_wait3A_535, %dma_wait3A_536] : memref<2x3200000xi32, #tpu.memory_space<hbm>> -> memref<1x384xi32, #tpu.memory_space<hbm>>
      %dma_wait3A_538 = tpu.memref_squeeze %dma_wait3A_537 : memref<1x384xi32, #tpu.memory_space<hbm>> -> memref<384xi32, #tpu.memory_space<hbm>>
      %dma_wait3A_539 = arith.constant 0 : i32
      %dma_wait3A_540 = tpu.memref_slice %arg2[%dma_wait3A_535, %dma_wait3A_539] : memref<2x3200000xi32, #tpu.memory_space<hbm>> -> memref<1x384xi32, #tpu.memory_space<hbm>>
      %dma_wait3A_541 = tpu.memref_squeeze %dma_wait3A_540 : memref<1x384xi32, #tpu.memory_space<hbm>> -> memref<384xi32, #tpu.memory_space<hbm>>
      tpu.wait_dma2 semaphore(%arg23 : memref<!tpu.dma_semaphore, #tpu.memory_space<semaphore_mem>>) src(%dma_wait3A_541 : memref<384xi32, #tpu.memory_space<hbm>>) dst(%arg13 : memref<384xi32, #tpu.memory_space<vmem>>)
      %dma_start3A_542 = arith.constant 0 : i32
      %dma_start3A_543 = arith.constant 0 : i32
      %dma_start3A_544 = tpu.memref_slice %arg3[%dma_start3A_542, %dma_start3A_543] : memref<100000x16xf32, #tpu.memory_space<hbm>> -> memref<100000x16xf32, #tpu.memory_space<hbm>>
      tpu.enqueue_indirect_dma source(%dma_start3A_544 : memref<100000x16xf32, #tpu.memory_space<hbm>>) target(%arg17 : memref<384x16xf32, #tpu.memory_space<vmem>>) offsets(%arg9 : memref<384xi32, #tpu.memory_space<vmem>>) semaphore(%arg27 : memref<!tpu.dma_semaphore, #tpu.memory_space<semaphore_mem>>)
      %dma_wait3A_545 = arith.constant 0 : i32
      %dma_wait3A_546 = arith.constant 0 : i32
      %dma_wait3A_547 = tpu.memref_slice %arg3[%dma_wait3A_545, %dma_wait3A_546] : memref<100000x16xf32, #tpu.memory_space<hbm>> -> memref<384x16xf32, #tpu.memory_space<hbm>>
      %dma_wait3A_548 = arith.constant 0 : i32
      %dma_wait3A_549 = arith.constant 0 : i32
      %dma_wait3A_550 = tpu.memref_slice %arg3[%dma_wait3A_548, %dma_wait3A_549] : memref<100000x16xf32, #tpu.memory_space<hbm>> -> memref<384x16xf32, #tpu.memory_space<hbm>>
      tpu.wait_dma2 semaphore(%arg26 : memref<!tpu.dma_semaphore, #tpu.memory_space<semaphore_mem>>) src(%dma_wait3A_550 : memref<384x16xf32, #tpu.memory_space<hbm>>) dst(%arg16 : memref<384x16xf32, #tpu.memory_space<vmem>>)
      %dma_start3A_551 = arith.constant 0 : i32
      %dma_start3A_552 = arith.constant 0 : i32
      %dma_start3A_553 = tpu.memref_slice %arg5[%dma_start3A_551, %dma_start3A_552] : memref<100000x16xf32, #tpu.memory_space<vmem_shared>> -> memref<100000x16xf32, #tpu.memory_space<vmem_shared>>
      tpu.enqueue_indirect_dma source(%arg16 : memref<384x16xf32, #tpu.memory_space<vmem>>) target(%dma_start3A_553 : memref<100000x16xf32, #tpu.memory_space<vmem_shared>>) offsets(%arg12 : memref<384xi32, #tpu.memory_space<vmem>>) semaphore(%arg30 : memref<!tpu.dma_semaphore, #tpu.memory_space<semaphore_mem>>) {add = true}
      %add3A_554 = arith.constant 3 : i32
      %add3A_555 = arith.addi %mul3A_406, %add3A_554 : i32
      %dma_wait3A_556 = arith.constant 0 : i32
      %dma_wait3A_557 = arith.constant 0 : i32
      %dma_wait3A_558 = tpu.memref_slice %arg3[%dma_wait3A_556, %dma_wait3A_557] : memref<100000x16xf32, #tpu.memory_space<hbm>> -> memref<384x16xf32, #tpu.memory_space<hbm>>
      %dma_wait3A_559 = arith.constant 0 : i32
      %dma_wait3A_560 = arith.constant 0 : i32
      %dma_wait3A_561 = tpu.memref_slice %arg3[%dma_wait3A_559, %dma_wait3A_560] : memref<100000x16xf32, #tpu.memory_space<hbm>> -> memref<384x16xf32, #tpu.memory_space<hbm>>
      tpu.wait_dma2 semaphore(%arg29 : memref<!tpu.dma_semaphore, #tpu.memory_space<semaphore_mem>>) src(%dma_wait3A_561 : memref<384x16xf32, #tpu.memory_space<hbm>>) dst(%arg15 : memref<384x16xf32, #tpu.memory_space<vmem>>)
      %add3A_562 = arith.constant 2 : i32
      %add3A_563 = arith.addi %add3A_555, %add3A_562 : i32
      %mul3A_564 = arith.constant 384 : i32
      %mul3A_565 = arith.muli %add3A_563, %mul3A_564 : i32
      %add3A_566 = arith.addi %mul3A_6, %mul3A_565 : i32
      %dma_start3A_567 = arith.constant 0 : i32
      %dma_start3A_568 = tpu.memref_slice %arg2[%dma_start3A_567, %add3A_566] : memref<2x3200000xi32, #tpu.memory_space<hbm>> -> memref<1x384xi32, #tpu.memory_space<hbm>>
      %dma_start3A_569 = tpu.memref_squeeze %dma_start3A_568 : memref<1x384xi32, #tpu.memory_space<hbm>> -> memref<384xi32, #tpu.memory_space<hbm>>
      %dma_start3A_570 = tpu.memref_slice %arg2[%dma_start3A_567, %add3A_566] : memref<2x3200000xi32, #tpu.memory_space<hbm>> -> memref<1x384xi32, #tpu.memory_space<hbm>>
      %dma_start3A_571 = tpu.memref_squeeze %dma_start3A_570 : memref<1x384xi32, #tpu.memory_space<hbm>> -> memref<384xi32, #tpu.memory_space<hbm>>
      tpu.enqueue_dma source(%dma_start3A_571 : memref<384xi32, #tpu.memory_space<hbm>>) target(%arg7 : memref<384xi32, #tpu.memory_space<vmem>>) target_semaphore(%arg21 : memref<!tpu.dma_semaphore, #tpu.memory_space<semaphore_mem>>)
      %dma_start3A_572 = arith.constant 1 : i32
      %dma_start3A_573 = tpu.memref_slice %arg2[%dma_start3A_572, %add3A_566] : memref<2x3200000xi32, #tpu.memory_space<hbm>> -> memref<1x384xi32, #tpu.memory_space<hbm>>
      %dma_start3A_574 = tpu.memref_squeeze %dma_start3A_573 : memref<1x384xi32, #tpu.memory_space<hbm>> -> memref<384xi32, #tpu.memory_space<hbm>>
      %dma_start3A_575 = tpu.memref_slice %arg2[%dma_start3A_572, %add3A_566] : memref<2x3200000xi32, #tpu.memory_space<hbm>> -> memref<1x384xi32, #tpu.memory_space<hbm>>
      %dma_start3A_576 = tpu.memref_squeeze %dma_start3A_575 : memref<1x384xi32, #tpu.memory_space<hbm>> -> memref<384xi32, #tpu.memory_space<hbm>>
      tpu.enqueue_dma source(%dma_start3A_576 : memref<384xi32, #tpu.memory_space<hbm>>) target(%arg11 : memref<384xi32, #tpu.memory_space<vmem>>) target_semaphore(%arg21 : memref<!tpu.dma_semaphore, #tpu.memory_space<semaphore_mem>>)
      %dma_wait3A_577 = arith.constant 0 : i32
      %dma_wait3A_578 = arith.constant 0 : i32
      %dma_wait3A_579 = tpu.memref_slice %arg2[%dma_wait3A_577, %dma_wait3A_578] : memref<2x3200000xi32, #tpu.memory_space<hbm>> -> memref<1x384xi32, #tpu.memory_space<hbm>>
      %dma_wait3A_580 = tpu.memref_squeeze %dma_wait3A_579 : memref<1x384xi32, #tpu.memory_space<hbm>> -> memref<384xi32, #tpu.memory_space<hbm>>
      %dma_wait3A_581 = arith.constant 0 : i32
      %dma_wait3A_582 = tpu.memref_slice %arg2[%dma_wait3A_577, %dma_wait3A_581] : memref<2x3200000xi32, #tpu.memory_space<hbm>> -> memref<1x384xi32, #tpu.memory_space<hbm>>
      %dma_wait3A_583 = tpu.memref_squeeze %dma_wait3A_582 : memref<1x384xi32, #tpu.memory_space<hbm>> -> memref<384xi32, #tpu.memory_space<hbm>>
      tpu.wait_dma2 semaphore(%arg20 : memref<!tpu.dma_semaphore, #tpu.memory_space<semaphore_mem>>) src(%dma_wait3A_583 : memref<384xi32, #tpu.memory_space<hbm>>) dst(%arg6 : memref<384xi32, #tpu.memory_space<vmem>>)
      %dma_wait3A_584 = arith.constant 0 : i32
      %dma_wait3A_585 = arith.constant 0 : i32
      %dma_wait3A_586 = tpu.memref_slice %arg2[%dma_wait3A_584, %dma_wait3A_585] : memref<2x3200000xi32, #tpu.memory_space<hbm>> -> memref<1x384xi32, #tpu.memory_space<hbm>>
      %dma_wait3A_587 = tpu.memref_squeeze %dma_wait3A_586 : memref<1x384xi32, #tpu.memory_space<hbm>> -> memref<384xi32, #tpu.memory_space<hbm>>
      %dma_wait3A_588 = arith.constant 0 : i32
      %dma_wait3A_589 = tpu.memref_slice %arg2[%dma_wait3A_584, %dma_wait3A_588] : memref<2x3200000xi32, #tpu.memory_space<hbm>> -> memref<1x384xi32, #tpu.memory_space<hbm>>
      %dma_wait3A_590 = tpu.memref_squeeze %dma_wait3A_589 : memref<1x384xi32, #tpu.memory_space<hbm>> -> memref<384xi32, #tpu.memory_space<hbm>>
      tpu.wait_dma2 semaphore(%arg20 : memref<!tpu.dma_semaphore, #tpu.memory_space<semaphore_mem>>) src(%dma_wait3A_590 : memref<384xi32, #tpu.memory_space<hbm>>) dst(%arg10 : memref<384xi32, #tpu.memory_space<vmem>>)
      %dma_start3A_591 = arith.constant 0 : i32
      %dma_start3A_592 = arith.constant 0 : i32
      %dma_start3A_593 = tpu.memref_slice %arg3[%dma_start3A_591, %dma_start3A_592] : memref<100000x16xf32, #tpu.memory_space<hbm>> -> memref<100000x16xf32, #tpu.memory_space<hbm>>
      tpu.enqueue_indirect_dma source(%dma_start3A_593 : memref<100000x16xf32, #tpu.memory_space<hbm>>) target(%arg14 : memref<384x16xf32, #tpu.memory_space<vmem>>) offsets(%arg6 : memref<384xi32, #tpu.memory_space<vmem>>) semaphore(%arg24 : memref<!tpu.dma_semaphore, #tpu.memory_space<semaphore_mem>>)
      %dma_wait3A_594 = arith.constant 0 : i32
      %dma_wait3A_595 = arith.constant 0 : i32
      %dma_wait3A_596 = tpu.memref_slice %arg3[%dma_wait3A_594, %dma_wait3A_595] : memref<100000x16xf32, #tpu.memory_space<hbm>> -> memref<384x16xf32, #tpu.memory_space<hbm>>
      %dma_wait3A_597 = arith.constant 0 : i32
      %dma_wait3A_598 = arith.constant 0 : i32
      %dma_wait3A_599 = tpu.memref_slice %arg3[%dma_wait3A_597, %dma_wait3A_598] : memref<100000x16xf32, #tpu.memory_space<hbm>> -> memref<384x16xf32, #tpu.memory_space<hbm>>
      tpu.wait_dma2 semaphore(%arg27 : memref<!tpu.dma_semaphore, #tpu.memory_space<semaphore_mem>>) src(%dma_wait3A_599 : memref<384x16xf32, #tpu.memory_space<hbm>>) dst(%arg17 : memref<384x16xf32, #tpu.memory_space<vmem>>)
      %dma_start3A_600 = arith.constant 0 : i32
      %dma_start3A_601 = arith.constant 0 : i32
      %dma_start3A_602 = tpu.memref_slice %arg5[%dma_start3A_600, %dma_start3A_601] : memref<100000x16xf32, #tpu.memory_space<vmem_shared>> -> memref<100000x16xf32, #tpu.memory_space<vmem_shared>>
      tpu.enqueue_indirect_dma source(%arg17 : memref<384x16xf32, #tpu.memory_space<vmem>>) target(%dma_start3A_602 : memref<100000x16xf32, #tpu.memory_space<vmem_shared>>) offsets(%arg13 : memref<384xi32, #tpu.memory_space<vmem>>) semaphore(%arg31 : memref<!tpu.dma_semaphore, #tpu.memory_space<semaphore_mem>>) {add = true}
    }
    %scan3A_225 = arith.constant 63 : i32
    %dma_wait3A_226 = arith.constant 0 : i32
    %dma_wait3A_227 = arith.constant 0 : i32
    %dma_wait3A_228 = tpu.memref_slice %arg3[%dma_wait3A_226, %dma_wait3A_227] : memref<100000x16xf32, #tpu.memory_space<hbm>> -> memref<384x16xf32, #tpu.memory_space<hbm>>
    %dma_wait3A_229 = arith.constant 0 : i32
    %dma_wait3A_230 = arith.constant 0 : i32
    %dma_wait3A_231 = tpu.memref_slice %arg3[%dma_wait3A_229, %dma_wait3A_230] : memref<100000x16xf32, #tpu.memory_space<hbm>> -> memref<384x16xf32, #tpu.memory_space<hbm>>
    tpu.wait_dma2 semaphore(%arg30 : memref<!tpu.dma_semaphore, #tpu.memory_space<semaphore_mem>>) src(%dma_wait3A_231 : memref<384x16xf32, #tpu.memory_space<hbm>>) dst(%arg16 : memref<384x16xf32, #tpu.memory_space<vmem>>)
    %add3A_232 = arith.constant 99072 : i32
    %add3A_233 = arith.addi %mul3A_6, %add3A_232 : i32
    %dma_start3A_234 = arith.constant 0 : i32
    %dma_start3A_235 = tpu.memref_slice %arg2[%dma_start3A_234, %add3A_233] : memref<2x3200000xi32, #tpu.memory_space<hbm>> -> memref<1x384xi32, #tpu.memory_space<hbm>>
    %dma_start3A_236 = tpu.memref_squeeze %dma_start3A_235 : memref<1x384xi32, #tpu.memory_space<hbm>> -> memref<384xi32, #tpu.memory_space<hbm>>
    %dma_start3A_237 = tpu.memref_slice %arg2[%dma_start3A_234, %add3A_233] : memref<2x3200000xi32, #tpu.memory_space<hbm>> -> memref<1x384xi32, #tpu.memory_space<hbm>>
    %dma_start3A_238 = tpu.memref_squeeze %dma_start3A_237 : memref<1x384xi32, #tpu.memory_space<hbm>> -> memref<384xi32, #tpu.memory_space<hbm>>
    tpu.enqueue_dma source(%dma_start3A_238 : memref<384xi32, #tpu.memory_space<hbm>>) target(%arg8 : memref<384xi32, #tpu.memory_space<vmem>>) target_semaphore(%arg22 : memref<!tpu.dma_semaphore, #tpu.memory_space<semaphore_mem>>)
    %dma_start3A_239 = arith.constant 1 : i32
    %dma_start3A_240 = tpu.memref_slice %arg2[%dma_start3A_239, %add3A_233] : memref<2x3200000xi32, #tpu.memory_space<hbm>> -> memref<1x384xi32, #tpu.memory_space<hbm>>
    %dma_start3A_241 = tpu.memref_squeeze %dma_start3A_240 : memref<1x384xi32, #tpu.memory_space<hbm>> -> memref<384xi32, #tpu.memory_space<hbm>>
    %dma_start3A_242 = tpu.memref_slice %arg2[%dma_start3A_239, %add3A_233] : memref<2x3200000xi32, #tpu.memory_space<hbm>> -> memref<1x384xi32, #tpu.memory_space<hbm>>
    %dma_start3A_243 = tpu.memref_squeeze %dma_start3A_242 : memref<1x384xi32, #tpu.memory_space<hbm>> -> memref<384xi32, #tpu.memory_space<hbm>>
    tpu.enqueue_dma source(%dma_start3A_243 : memref<384xi32, #tpu.memory_space<hbm>>) target(%arg12 : memref<384xi32, #tpu.memory_space<vmem>>) target_semaphore(%arg22 : memref<!tpu.dma_semaphore, #tpu.memory_space<semaphore_mem>>)
    %dma_wait3A_244 = arith.constant 0 : i32
    %dma_wait3A_245 = arith.constant 0 : i32
    %dma_wait3A_246 = tpu.memref_slice %arg2[%dma_wait3A_244, %dma_wait3A_245] : memref<2x3200000xi32, #tpu.memory_space<hbm>> -> memref<1x384xi32, #tpu.memory_space<hbm>>
    %dma_wait3A_247 = tpu.memref_squeeze %dma_wait3A_246 : memref<1x384xi32, #tpu.memory_space<hbm>> -> memref<384xi32, #tpu.memory_space<hbm>>
    %dma_wait3A_248 = arith.constant 0 : i32
    %dma_wait3A_249 = tpu.memref_slice %arg2[%dma_wait3A_244, %dma_wait3A_248] : memref<2x3200000xi32, #tpu.memory_space<hbm>> -> memref<1x384xi32, #tpu.memory_space<hbm>>
    %dma_wait3A_250 = tpu.memref_squeeze %dma_wait3A_249 : memref<1x384xi32, #tpu.memory_space<hbm>> -> memref<384xi32, #tpu.memory_space<hbm>>
    tpu.wait_dma2 semaphore(%arg21 : memref<!tpu.dma_semaphore, #tpu.memory_space<semaphore_mem>>) src(%dma_wait3A_250 : memref<384xi32, #tpu.memory_space<hbm>>) dst(%arg7 : memref<384xi32, #tpu.memory_space<vmem>>)
    %dma_wait3A_251 = arith.constant 0 : i32
    %dma_wait3A_252 = arith.constant 0 : i32
    %dma_wait3A_253 = tpu.memref_slice %arg2[%dma_wait3A_251, %dma_wait3A_252] : memref<2x3200000xi32, #tpu.memory_space<hbm>> -> memref<1x384xi32, #tpu.memory_space<hbm>>
    %dma_wait3A_254 = tpu.memref_squeeze %dma_wait3A_253 : memref<1x384xi32, #tpu.memory_space<hbm>> -> memref<384xi32, #tpu.memory_space<hbm>>
    %dma_wait3A_255 = arith.constant 0 : i32
    %dma_wait3A_256 = tpu.memref_slice %arg2[%dma_wait3A_251, %dma_wait3A_255] : memref<2x3200000xi32, #tpu.memory_space<hbm>> -> memref<1x384xi32, #tpu.memory_space<hbm>>
    %dma_wait3A_257 = tpu.memref_squeeze %dma_wait3A_256 : memref<1x384xi32, #tpu.memory_space<hbm>> -> memref<384xi32, #tpu.memory_space<hbm>>
    tpu.wait_dma2 semaphore(%arg21 : memref<!tpu.dma_semaphore, #tpu.memory_space<semaphore_mem>>) src(%dma_wait3A_257 : memref<384xi32, #tpu.memory_space<hbm>>) dst(%arg11 : memref<384xi32, #tpu.memory_space<vmem>>)
    %dma_start3A_258 = arith.constant 0 : i32
    %dma_start3A_259 = arith.constant 0 : i32
    %dma_start3A_260 = tpu.memref_slice %arg3[%dma_start3A_258, %dma_start3A_259] : memref<100000x16xf32, #tpu.memory_space<hbm>> -> memref<100000x16xf32, #tpu.memory_space<hbm>>
    tpu.enqueue_indirect_dma source(%dma_start3A_260 : memref<100000x16xf32, #tpu.memory_space<hbm>>) target(%arg15 : memref<384x16xf32, #tpu.memory_space<vmem>>) offsets(%arg7 : memref<384xi32, #tpu.memory_space<vmem>>) semaphore(%arg25 : memref<!tpu.dma_semaphore, #tpu.memory_space<semaphore_mem>>)
    %dma_wait3A_261 = arith.constant 0 : i32
    %dma_wait3A_262 = arith.constant 0 : i32
    %dma_wait3A_263 = tpu.memref_slice %arg3[%dma_wait3A_261, %dma_wait3A_262] : memref<100000x16xf32, #tpu.memory_space<hbm>> -> memref<384x16xf32, #tpu.memory_space<hbm>>
    %dma_wait3A_264 = arith.constant 0 : i32
    %dma_wait3A_265 = arith.constant 0 : i32
    %dma_wait3A_266 = tpu.memref_slice %arg3[%dma_wait3A_264, %dma_wait3A_265] : memref<100000x16xf32, #tpu.memory_space<hbm>> -> memref<384x16xf32, #tpu.memory_space<hbm>>
    tpu.wait_dma2 semaphore(%arg24 : memref<!tpu.dma_semaphore, #tpu.memory_space<semaphore_mem>>) src(%dma_wait3A_266 : memref<384x16xf32, #tpu.memory_space<hbm>>) dst(%arg14 : memref<384x16xf32, #tpu.memory_space<vmem>>)
    %dma_start3A_267 = arith.constant 0 : i32
    %dma_start3A_268 = arith.constant 0 : i32
    %dma_start3A_269 = tpu.memref_slice %arg5[%dma_start3A_267, %dma_start3A_268] : memref<100000x16xf32, #tpu.memory_space<vmem_shared>> -> memref<100000x16xf32, #tpu.memory_space<vmem_shared>>
    tpu.enqueue_indirect_dma source(%arg14 : memref<384x16xf32, #tpu.memory_space<vmem>>) target(%dma_start3A_269 : memref<100000x16xf32, #tpu.memory_space<vmem_shared>>) offsets(%arg10 : memref<384xi32, #tpu.memory_space<vmem>>) semaphore(%arg28 : memref<!tpu.dma_semaphore, #tpu.memory_space<semaphore_mem>>) {add = true}
    %dma_wait3A_270 = arith.constant 0 : i32
    %dma_wait3A_271 = arith.constant 0 : i32
    %dma_wait3A_272 = tpu.memref_slice %arg3[%dma_wait3A_270, %dma_wait3A_271] : memref<100000x16xf32, #tpu.memory_space<hbm>> -> memref<384x16xf32, #tpu.memory_space<hbm>>
    %dma_wait3A_273 = arith.constant 0 : i32
    %dma_wait3A_274 = arith.constant 0 : i32
    %dma_wait3A_275 = tpu.memref_slice %arg3[%dma_wait3A_273, %dma_wait3A_274] : memref<100000x16xf32, #tpu.memory_space<hbm>> -> memref<384x16xf32, #tpu.memory_space<hbm>>
    tpu.wait_dma2 semaphore(%arg31 : memref<!tpu.dma_semaphore, #tpu.memory_space<semaphore_mem>>) src(%dma_wait3A_275 : memref<384x16xf32, #tpu.memory_space<hbm>>) dst(%arg17 : memref<384x16xf32, #tpu.memory_space<vmem>>)
    %add3A_276 = arith.constant 99456 : i32
    %add3A_277 = arith.addi %mul3A_6, %add3A_276 : i32
    %dma_start3A_278 = arith.constant 0 : i32
    %dma_start3A_279 = tpu.memref_slice %arg2[%dma_start3A_278, %add3A_277] : memref<2x3200000xi32, #tpu.memory_space<hbm>> -> memref<1x384xi32, #tpu.memory_space<hbm>>
    %dma_start3A_280 = tpu.memref_squeeze %dma_start3A_279 : memref<1x384xi32, #tpu.memory_space<hbm>> -> memref<384xi32, #tpu.memory_space<hbm>>
    %dma_start3A_281 = tpu.memref_slice %arg2[%dma_start3A_278, %add3A_277] : memref<2x3200000xi32, #tpu.memory_space<hbm>> -> memref<1x384xi32, #tpu.memory_space<hbm>>
    %dma_start3A_282 = tpu.memref_squeeze %dma_start3A_281 : memref<1x384xi32, #tpu.memory_space<hbm>> -> memref<384xi32, #tpu.memory_space<hbm>>
    tpu.enqueue_dma source(%dma_start3A_282 : memref<384xi32, #tpu.memory_space<hbm>>) target(%arg9 : memref<384xi32, #tpu.memory_space<vmem>>) target_semaphore(%arg23 : memref<!tpu.dma_semaphore, #tpu.memory_space<semaphore_mem>>)
    %dma_start3A_283 = arith.constant 1 : i32
    %dma_start3A_284 = tpu.memref_slice %arg2[%dma_start3A_283, %add3A_277] : memref<2x3200000xi32, #tpu.memory_space<hbm>> -> memref<1x384xi32, #tpu.memory_space<hbm>>
    %dma_start3A_285 = tpu.memref_squeeze %dma_start3A_284 : memref<1x384xi32, #tpu.memory_space<hbm>> -> memref<384xi32, #tpu.memory_space<hbm>>
    %dma_start3A_286 = tpu.memref_slice %arg2[%dma_start3A_283, %add3A_277] : memref<2x3200000xi32, #tpu.memory_space<hbm>> -> memref<1x384xi32, #tpu.memory_space<hbm>>
    %dma_start3A_287 = tpu.memref_squeeze %dma_start3A_286 : memref<1x384xi32, #tpu.memory_space<hbm>> -> memref<384xi32, #tpu.memory_space<hbm>>
    tpu.enqueue_dma source(%dma_start3A_287 : memref<384xi32, #tpu.memory_space<hbm>>) target(%arg13 : memref<384xi32, #tpu.memory_space<vmem>>) target_semaphore(%arg23 : memref<!tpu.dma_semaphore, #tpu.memory_space<semaphore_mem>>)
    %dma_wait3A_288 = arith.constant 0 : i32
    %dma_wait3A_289 = arith.constant 0 : i32
    %dma_wait3A_290 = tpu.memref_slice %arg2[%dma_wait3A_288, %dma_wait3A_289] : memref<2x3200000xi32, #tpu.memory_space<hbm>> -> memref<1x384xi32, #tpu.memory_space<hbm>>
    %dma_wait3A_291 = tpu.memref_squeeze %dma_wait3A_290 : memref<1x384xi32, #tpu.memory_space<hbm>> -> memref<384xi32, #tpu.memory_space<hbm>>
    %dma_wait3A_292 = arith.constant 0 : i32
    %dma_wait3A_293 = tpu.memref_slice %arg2[%dma_wait3A_288, %dma_wait3A_292] : memref<2x3200000xi32, #tpu.memory_space<hbm>> -> memref<1x384xi32, #tpu.memory_space<hbm>>
    %dma_wait3A_294 = tpu.memref_squeeze %dma_wait3A_293 : memref<1x384xi32, #tpu.memory_space<hbm>> -> memref<384xi32, #tpu.memory_space<hbm>>
    tpu.wait_dma2 semaphore(%arg22 : memref<!tpu.dma_semaphore, #tpu.memory_space<semaphore_mem>>) src(%dma_wait3A_294 : memref<384xi32, #tpu.memory_space<hbm>>) dst(%arg8 : memref<384xi32, #tpu.memory_space<vmem>>)
    %dma_wait3A_295 = arith.constant 0 : i32
    %dma_wait3A_296 = arith.constant 0 : i32
    %dma_wait3A_297 = tpu.memref_slice %arg2[%dma_wait3A_295, %dma_wait3A_296] : memref<2x3200000xi32, #tpu.memory_space<hbm>> -> memref<1x384xi32, #tpu.memory_space<hbm>>
    %dma_wait3A_298 = tpu.memref_squeeze %dma_wait3A_297 : memref<1x384xi32, #tpu.memory_space<hbm>> -> memref<384xi32, #tpu.memory_space<hbm>>
    %dma_wait3A_299 = arith.constant 0 : i32
    %dma_wait3A_300 = tpu.memref_slice %arg2[%dma_wait3A_295, %dma_wait3A_299] : memref<2x3200000xi32, #tpu.memory_space<hbm>> -> memref<1x384xi32, #tpu.memory_space<hbm>>
    %dma_wait3A_301 = tpu.memref_squeeze %dma_wait3A_300 : memref<1x384xi32, #tpu.memory_space<hbm>> -> memref<384xi32, #tpu.memory_space<hbm>>
    tpu.wait_dma2 semaphore(%arg22 : memref<!tpu.dma_semaphore, #tpu.memory_space<semaphore_mem>>) src(%dma_wait3A_301 : memref<384xi32, #tpu.memory_space<hbm>>) dst(%arg12 : memref<384xi32, #tpu.memory_space<vmem>>)
    %dma_start3A_302 = arith.constant 0 : i32
    %dma_start3A_303 = arith.constant 0 : i32
    %dma_start3A_304 = tpu.memref_slice %arg3[%dma_start3A_302, %dma_start3A_303] : memref<100000x16xf32, #tpu.memory_space<hbm>> -> memref<100000x16xf32, #tpu.memory_space<hbm>>
    tpu.enqueue_indirect_dma source(%dma_start3A_304 : memref<100000x16xf32, #tpu.memory_space<hbm>>) target(%arg16 : memref<384x16xf32, #tpu.memory_space<vmem>>) offsets(%arg8 : memref<384xi32, #tpu.memory_space<vmem>>) semaphore(%arg26 : memref<!tpu.dma_semaphore, #tpu.memory_space<semaphore_mem>>)
    %dma_wait3A_305 = arith.constant 0 : i32
    %dma_wait3A_306 = arith.constant 0 : i32
    %dma_wait3A_307 = tpu.memref_slice %arg3[%dma_wait3A_305, %dma_wait3A_306] : memref<100000x16xf32, #tpu.memory_space<hbm>> -> memref<384x16xf32, #tpu.memory_space<hbm>>
    %dma_wait3A_308 = arith.constant 0 : i32
    %dma_wait3A_309 = arith.constant 0 : i32
    %dma_wait3A_310 = tpu.memref_slice %arg3[%dma_wait3A_308, %dma_wait3A_309] : memref<100000x16xf32, #tpu.memory_space<hbm>> -> memref<384x16xf32, #tpu.memory_space<hbm>>
    tpu.wait_dma2 semaphore(%arg25 : memref<!tpu.dma_semaphore, #tpu.memory_space<semaphore_mem>>) src(%dma_wait3A_310 : memref<384x16xf32, #tpu.memory_space<hbm>>) dst(%arg15 : memref<384x16xf32, #tpu.memory_space<vmem>>)
    %dma_start3A_311 = arith.constant 0 : i32
    %dma_start3A_312 = arith.constant 0 : i32
    %dma_start3A_313 = tpu.memref_slice %arg5[%dma_start3A_311, %dma_start3A_312] : memref<100000x16xf32, #tpu.memory_space<vmem_shared>> -> memref<100000x16xf32, #tpu.memory_space<vmem_shared>>
    tpu.enqueue_indirect_dma source(%arg15 : memref<384x16xf32, #tpu.memory_space<vmem>>) target(%dma_start3A_313 : memref<100000x16xf32, #tpu.memory_space<vmem_shared>>) offsets(%arg11 : memref<384xi32, #tpu.memory_space<vmem>>) semaphore(%arg29 : memref<!tpu.dma_semaphore, #tpu.memory_space<semaphore_mem>>) {add = true}
    %dma_wait3A_314 = arith.constant 0 : i32
    %dma_wait3A_315 = arith.constant 0 : i32
    %dma_wait3A_316 = tpu.memref_slice %arg3[%dma_wait3A_314, %dma_wait3A_315] : memref<100000x16xf32, #tpu.memory_space<hbm>> -> memref<384x16xf32, #tpu.memory_space<hbm>>
    %dma_wait3A_317 = arith.constant 0 : i32
    %dma_wait3A_318 = arith.constant 0 : i32
    %dma_wait3A_319 = tpu.memref_slice %arg3[%dma_wait3A_317, %dma_wait3A_318] : memref<100000x16xf32, #tpu.memory_space<hbm>> -> memref<384x16xf32, #tpu.memory_space<hbm>>
    tpu.wait_dma2 semaphore(%arg28 : memref<!tpu.dma_semaphore, #tpu.memory_space<semaphore_mem>>) src(%dma_wait3A_319 : memref<384x16xf32, #tpu.memory_space<hbm>>) dst(%arg14 : memref<384x16xf32, #tpu.memory_space<vmem>>)
    %dma_wait3A_320 = arith.constant 0 : i32
    %dma_wait3A_321 = arith.constant 0 : i32
    %dma_wait3A_322 = tpu.memref_slice %arg2[%dma_wait3A_320, %dma_wait3A_321] : memref<2x3200000xi32, #tpu.memory_space<hbm>> -> memref<1x384xi32, #tpu.memory_space<hbm>>
    %dma_wait3A_323 = tpu.memref_squeeze %dma_wait3A_322 : memref<1x384xi32, #tpu.memory_space<hbm>> -> memref<384xi32, #tpu.memory_space<hbm>>
    %dma_wait3A_324 = arith.constant 0 : i32
    %dma_wait3A_325 = tpu.memref_slice %arg2[%dma_wait3A_320, %dma_wait3A_324] : memref<2x3200000xi32, #tpu.memory_space<hbm>> -> memref<1x384xi32, #tpu.memory_space<hbm>>
    %dma_wait3A_326 = tpu.memref_squeeze %dma_wait3A_325 : memref<1x384xi32, #tpu.memory_space<hbm>> -> memref<384xi32, #tpu.memory_space<hbm>>
    tpu.wait_dma2 semaphore(%arg23 : memref<!tpu.dma_semaphore, #tpu.memory_space<semaphore_mem>>) src(%dma_wait3A_326 : memref<384xi32, #tpu.memory_space<hbm>>) dst(%arg9 : memref<384xi32, #tpu.memory_space<vmem>>)
    %dma_wait3A_327 = arith.constant 0 : i32
    %dma_wait3A_328 = arith.constant 0 : i32
    %dma_wait3A_329 = tpu.memref_slice %arg2[%dma_wait3A_327, %dma_wait3A_328] : memref<2x3200000xi32, #tpu.memory_space<hbm>> -> memref<1x384xi32, #tpu.memory_space<hbm>>
    %dma_wait3A_330 = tpu.memref_squeeze %dma_wait3A_329 : memref<1x384xi32, #tpu.memory_space<hbm>> -> memref<384xi32, #tpu.memory_space<hbm>>
    %dma_wait3A_331 = arith.constant 0 : i32
    %dma_wait3A_332 = tpu.memref_slice %arg2[%dma_wait3A_327, %dma_wait3A_331] : memref<2x3200000xi32, #tpu.memory_space<hbm>> -> memref<1x384xi32, #tpu.memory_space<hbm>>
    %dma_wait3A_333 = tpu.memref_squeeze %dma_wait3A_332 : memref<1x384xi32, #tpu.memory_space<hbm>> -> memref<384xi32, #tpu.memory_space<hbm>>
    tpu.wait_dma2 semaphore(%arg23 : memref<!tpu.dma_semaphore, #tpu.memory_space<semaphore_mem>>) src(%dma_wait3A_333 : memref<384xi32, #tpu.memory_space<hbm>>) dst(%arg13 : memref<384xi32, #tpu.memory_space<vmem>>)
    %dma_start3A_334 = arith.constant 0 : i32
    %dma_start3A_335 = arith.constant 0 : i32
    %dma_start3A_336 = tpu.memref_slice %arg3[%dma_start3A_334, %dma_start3A_335] : memref<100000x16xf32, #tpu.memory_space<hbm>> -> memref<100000x16xf32, #tpu.memory_space<hbm>>
    tpu.enqueue_indirect_dma source(%dma_start3A_336 : memref<100000x16xf32, #tpu.memory_space<hbm>>) target(%arg17 : memref<384x16xf32, #tpu.memory_space<vmem>>) offsets(%arg9 : memref<384xi32, #tpu.memory_space<vmem>>) semaphore(%arg27 : memref<!tpu.dma_semaphore, #tpu.memory_space<semaphore_mem>>)
    %dma_wait3A_337 = arith.constant 0 : i32
    %dma_wait3A_338 = arith.constant 0 : i32
    %dma_wait3A_339 = tpu.memref_slice %arg3[%dma_wait3A_337, %dma_wait3A_338] : memref<100000x16xf32, #tpu.memory_space<hbm>> -> memref<384x16xf32, #tpu.memory_space<hbm>>
    %dma_wait3A_340 = arith.constant 0 : i32
    %dma_wait3A_341 = arith.constant 0 : i32
    %dma_wait3A_342 = tpu.memref_slice %arg3[%dma_wait3A_340, %dma_wait3A_341] : memref<100000x16xf32, #tpu.memory_space<hbm>> -> memref<384x16xf32, #tpu.memory_space<hbm>>
    tpu.wait_dma2 semaphore(%arg26 : memref<!tpu.dma_semaphore, #tpu.memory_space<semaphore_mem>>) src(%dma_wait3A_342 : memref<384x16xf32, #tpu.memory_space<hbm>>) dst(%arg16 : memref<384x16xf32, #tpu.memory_space<vmem>>)
    %dma_start3A_343 = arith.constant 0 : i32
    %dma_start3A_344 = arith.constant 0 : i32
    %dma_start3A_345 = tpu.memref_slice %arg5[%dma_start3A_343, %dma_start3A_344] : memref<100000x16xf32, #tpu.memory_space<vmem_shared>> -> memref<100000x16xf32, #tpu.memory_space<vmem_shared>>
    tpu.enqueue_indirect_dma source(%arg16 : memref<384x16xf32, #tpu.memory_space<vmem>>) target(%dma_start3A_345 : memref<100000x16xf32, #tpu.memory_space<vmem_shared>>) offsets(%arg12 : memref<384xi32, #tpu.memory_space<vmem>>) semaphore(%arg30 : memref<!tpu.dma_semaphore, #tpu.memory_space<semaphore_mem>>) {add = true}
    %dma_wait3A_346 = arith.constant 0 : i32
    %dma_wait3A_347 = arith.constant 0 : i32
    %dma_wait3A_348 = tpu.memref_slice %arg3[%dma_wait3A_346, %dma_wait3A_347] : memref<100000x16xf32, #tpu.memory_space<hbm>> -> memref<384x16xf32, #tpu.memory_space<hbm>>
    %dma_wait3A_349 = arith.constant 0 : i32
    %dma_wait3A_350 = arith.constant 0 : i32
    %dma_wait3A_351 = tpu.memref_slice %arg3[%dma_wait3A_349, %dma_wait3A_350] : memref<100000x16xf32, #tpu.memory_space<hbm>> -> memref<384x16xf32, #tpu.memory_space<hbm>>
    tpu.wait_dma2 semaphore(%arg29 : memref<!tpu.dma_semaphore, #tpu.memory_space<semaphore_mem>>) src(%dma_wait3A_351 : memref<384x16xf32, #tpu.memory_space<hbm>>) dst(%arg15 : memref<384x16xf32, #tpu.memory_space<vmem>>)
    %dma_wait3A_352 = arith.constant 0 : i32
    %dma_wait3A_353 = arith.constant 0 : i32
    %dma_wait3A_354 = tpu.memref_slice %arg3[%dma_wait3A_352, %dma_wait3A_353] : memref<100000x16xf32, #tpu.memory_space<hbm>> -> memref<384x16xf32, #tpu.memory_space<hbm>>
    %dma_wait3A_355 = arith.constant 0 : i32
    %dma_wait3A_356 = arith.constant 0 : i32
    %dma_wait3A_357 = tpu.memref_slice %arg3[%dma_wait3A_355, %dma_wait3A_356] : memref<100000x16xf32, #tpu.memory_space<hbm>> -> memref<384x16xf32, #tpu.memory_space<hbm>>
    tpu.wait_dma2 semaphore(%arg27 : memref<!tpu.dma_semaphore, #tpu.memory_space<semaphore_mem>>) src(%dma_wait3A_357 : memref<384x16xf32, #tpu.memory_space<hbm>>) dst(%arg17 : memref<384x16xf32, #tpu.memory_space<vmem>>)
    %dma_start3A_358 = arith.constant 0 : i32
    %dma_start3A_359 = arith.constant 0 : i32
    %dma_start3A_360 = tpu.memref_slice %arg5[%dma_start3A_358, %dma_start3A_359] : memref<100000x16xf32, #tpu.memory_space<vmem_shared>> -> memref<100000x16xf32, #tpu.memory_space<vmem_shared>>
    tpu.enqueue_indirect_dma source(%arg17 : memref<384x16xf32, #tpu.memory_space<vmem>>) target(%dma_start3A_360 : memref<100000x16xf32, #tpu.memory_space<vmem_shared>>) offsets(%arg13 : memref<384xi32, #tpu.memory_space<vmem>>) semaphore(%arg31 : memref<!tpu.dma_semaphore, #tpu.memory_space<semaphore_mem>>) {add = true}
    %dma_wait3A_361 = arith.constant 0 : i32
    %dma_wait3A_362 = arith.constant 0 : i32
    %dma_wait3A_363 = tpu.memref_slice %arg3[%dma_wait3A_361, %dma_wait3A_362] : memref<100000x16xf32, #tpu.memory_space<hbm>> -> memref<384x16xf32, #tpu.memory_space<hbm>>
    %dma_wait3A_364 = arith.constant 0 : i32
    %dma_wait3A_365 = arith.constant 0 : i32
    %dma_wait3A_366 = tpu.memref_slice %arg3[%dma_wait3A_364, %dma_wait3A_365] : memref<100000x16xf32, #tpu.memory_space<hbm>> -> memref<384x16xf32, #tpu.memory_space<hbm>>
    tpu.wait_dma2 semaphore(%arg30 : memref<!tpu.dma_semaphore, #tpu.memory_space<semaphore_mem>>) src(%dma_wait3A_366 : memref<384x16xf32, #tpu.memory_space<hbm>>) dst(%arg16 : memref<384x16xf32, #tpu.memory_space<vmem>>)
    %dma_wait3A_367 = arith.constant 0 : i32
    %dma_wait3A_368 = arith.constant 0 : i32
    %dma_wait3A_369 = tpu.memref_slice %arg3[%dma_wait3A_367, %dma_wait3A_368] : memref<100000x16xf32, #tpu.memory_space<hbm>> -> memref<384x16xf32, #tpu.memory_space<hbm>>
    %dma_wait3A_370 = arith.constant 0 : i32
    %dma_wait3A_371 = arith.constant 0 : i32
    %dma_wait3A_372 = tpu.memref_slice %arg3[%dma_wait3A_370, %dma_wait3A_371] : memref<100000x16xf32, #tpu.memory_space<hbm>> -> memref<384x16xf32, #tpu.memory_space<hbm>>
    tpu.wait_dma2 semaphore(%arg31 : memref<!tpu.dma_semaphore, #tpu.memory_space<semaphore_mem>>) src(%dma_wait3A_372 : memref<384x16xf32, #tpu.memory_space<hbm>>) dst(%arg17 : memref<384x16xf32, #tpu.memory_space<vmem>>)
    %add3A_373 = arith.constant 780 : i32
    %add3A_374 = arith.addi %add3A_4, %add3A_373 : i32
    %mul3A_375 = arith.constant 128 : i32
    %mul3A_376 = arith.muli %add3A_374, %mul3A_375 : i32
    %run_scoped3A = arith.constant 0 : i32
    "tpu.region"() ({
      %run_scoped3A_400 = tpu.sem_alloc : memref<!tpu.dma_semaphore, #tpu.memory_space<semaphore_mem>>
      %dma_start3A_401 = tpu.memref_slice %arg2[%run_scoped3A, %mul3A_376] : memref<2x3200000xi32, #tpu.memory_space<hbm>> -> memref<1x128xi32, #tpu.memory_space<hbm>>
      %dma_start3A_402 = tpu.memref_squeeze %dma_start3A_401 : memref<1x128xi32, #tpu.memory_space<hbm>> -> memref<128xi32, #tpu.memory_space<hbm>>
      %dma_start3A_403 = tpu.memref_slice %arg2[%run_scoped3A, %mul3A_376] : memref<2x3200000xi32, #tpu.memory_space<hbm>> -> memref<1x128xi32, #tpu.memory_space<hbm>>
      %dma_start3A_404 = tpu.memref_squeeze %dma_start3A_403 : memref<1x128xi32, #tpu.memory_space<hbm>> -> memref<128xi32, #tpu.memory_space<hbm>>
      tpu.enqueue_dma source(%dma_start3A_404 : memref<128xi32, #tpu.memory_space<hbm>>) target(%arg18 : memref<128xi32, #tpu.memory_space<vmem>>) target_semaphore(%run_scoped3A_400 : memref<!tpu.dma_semaphore, #tpu.memory_space<semaphore_mem>>)
      %dma_wait3A_405 = tpu.memref_slice %arg2[%run_scoped3A, %mul3A_376] : memref<2x3200000xi32, #tpu.memory_space<hbm>> -> memref<1x128xi32, #tpu.memory_space<hbm>>
      %dma_wait3A_406 = tpu.memref_squeeze %dma_wait3A_405 : memref<1x128xi32, #tpu.memory_space<hbm>> -> memref<128xi32, #tpu.memory_space<hbm>>
      %dma_wait3A_407 = tpu.memref_slice %arg2[%run_scoped3A, %mul3A_376] : memref<2x3200000xi32, #tpu.memory_space<hbm>> -> memref<1x128xi32, #tpu.memory_space<hbm>>
      %dma_wait3A_408 = tpu.memref_squeeze %dma_wait3A_407 : memref<1x128xi32, #tpu.memory_space<hbm>> -> memref<128xi32, #tpu.memory_space<hbm>>
      tpu.wait_dma2 semaphore(%run_scoped3A_400 : memref<!tpu.dma_semaphore, #tpu.memory_space<semaphore_mem>>) src(%dma_wait3A_408 : memref<128xi32, #tpu.memory_space<hbm>>) dst(%arg18 : memref<128xi32, #tpu.memory_space<vmem>>)
      tpu.yield
    }) : () -> ()
    %mul3A_377 = arith.constant 128 : i32
    %mul3A_378 = arith.muli %add3A_374, %mul3A_377 : i32
    %run_scoped3A_379 = arith.constant 1 : i32
    "tpu.region"() ({
      %run_scoped3A_400 = tpu.sem_alloc : memref<!tpu.dma_semaphore, #tpu.memory_space<semaphore_mem>>
      %dma_start3A_401 = tpu.memref_slice %arg2[%run_scoped3A_379, %mul3A_378] : memref<2x3200000xi32, #tpu.memory_space<hbm>> -> memref<1x128xi32, #tpu.memory_space<hbm>>
      %dma_start3A_402 = tpu.memref_squeeze %dma_start3A_401 : memref<1x128xi32, #tpu.memory_space<hbm>> -> memref<128xi32, #tpu.memory_space<hbm>>
      %dma_start3A_403 = tpu.memref_slice %arg2[%run_scoped3A_379, %mul3A_378] : memref<2x3200000xi32, #tpu.memory_space<hbm>> -> memref<1x128xi32, #tpu.memory_space<hbm>>
      %dma_start3A_404 = tpu.memref_squeeze %dma_start3A_403 : memref<1x128xi32, #tpu.memory_space<hbm>> -> memref<128xi32, #tpu.memory_space<hbm>>
      tpu.enqueue_dma source(%dma_start3A_404 : memref<128xi32, #tpu.memory_space<hbm>>) target(%arg19 : memref<128xi32, #tpu.memory_space<vmem>>) target_semaphore(%run_scoped3A_400 : memref<!tpu.dma_semaphore, #tpu.memory_space<semaphore_mem>>)
      %dma_wait3A_405 = tpu.memref_slice %arg2[%run_scoped3A_379, %mul3A_378] : memref<2x3200000xi32, #tpu.memory_space<hbm>> -> memref<1x128xi32, #tpu.memory_space<hbm>>
      %dma_wait3A_406 = tpu.memref_squeeze %dma_wait3A_405 : memref<1x128xi32, #tpu.memory_space<hbm>> -> memref<128xi32, #tpu.memory_space<hbm>>
      %dma_wait3A_407 = tpu.memref_slice %arg2[%run_scoped3A_379, %mul3A_378] : memref<2x3200000xi32, #tpu.memory_space<hbm>> -> memref<1x128xi32, #tpu.memory_space<hbm>>
      %dma_wait3A_408 = tpu.memref_squeeze %dma_wait3A_407 : memref<1x128xi32, #tpu.memory_space<hbm>> -> memref<128xi32, #tpu.memory_space<hbm>>
      tpu.wait_dma2 semaphore(%run_scoped3A_400 : memref<!tpu.dma_semaphore, #tpu.memory_space<semaphore_mem>>) src(%dma_wait3A_408 : memref<128xi32, #tpu.memory_space<hbm>>) dst(%arg19 : memref<128xi32, #tpu.memory_space<vmem>>)
      tpu.yield
    }) : () -> ()
    %dma_start3A_380 = arith.constant 0 : i32
    %dma_start3A_381 = arith.constant 0 : i32
    %dma_start3A_382 = tpu.memref_slice %arg14[%dma_start3A_380, %dma_start3A_381] : memref<384x16xf32, #tpu.memory_space<vmem>> -> memref<128x16xf32, #tpu.memory_space<vmem>>
    %dma_start3A_383 = arith.constant 0 : i32
    %dma_start3A_384 = arith.constant 0 : i32
    %dma_start3A_385 = tpu.memref_slice %arg3[%dma_start3A_383, %dma_start3A_384] : memref<100000x16xf32, #tpu.memory_space<hbm>> -> memref<100000x16xf32, #tpu.memory_space<hbm>>
    tpu.enqueue_indirect_dma source(%dma_start3A_385 : memref<100000x16xf32, #tpu.memory_space<hbm>>) target(%dma_start3A_382 : memref<128x16xf32, #tpu.memory_space<vmem>>) offsets(%arg18 : memref<128xi32, #tpu.memory_space<vmem>>) semaphore(%arg24 : memref<!tpu.dma_semaphore, #tpu.memory_space<semaphore_mem>>)
    %dma_wait3A_386 = arith.constant 0 : i32
    %dma_wait3A_387 = arith.constant 0 : i32
    %dma_wait3A_388 = tpu.memref_slice %arg14[%dma_wait3A_386, %dma_wait3A_387] : memref<384x16xf32, #tpu.memory_space<vmem>> -> memref<128x16xf32, #tpu.memory_space<vmem>>
    %dma_wait3A_389 = arith.constant 0 : i32
    %dma_wait3A_390 = arith.constant 0 : i32
    %dma_wait3A_391 = tpu.memref_slice %arg3[%dma_wait3A_389, %dma_wait3A_390] : memref<100000x16xf32, #tpu.memory_space<hbm>> -> memref<100000x16xf32, #tpu.memory_space<hbm>>
    tpu.wait_indirect_dma semaphore(%arg24 : memref<!tpu.dma_semaphore, #tpu.memory_space<semaphore_mem>>) src(%dma_wait3A_391 : memref<100000x16xf32, #tpu.memory_space<hbm>>) dst(%dma_wait3A_388 : memref<128x16xf32, #tpu.memory_space<vmem>>)
    "tpu.region"() ({
      %run_scoped3A_400 = tpu.sem_alloc : memref<!tpu.dma_semaphore, #tpu.memory_space<semaphore_mem>>
      %dma_start3A_401 = arith.constant 0 : i32
      %dma_start3A_402 = arith.constant 0 : i32
      %dma_start3A_403 = tpu.memref_slice %arg14[%dma_start3A_401, %dma_start3A_402] : memref<384x16xf32, #tpu.memory_space<vmem>> -> memref<128x16xf32, #tpu.memory_space<vmem>>
      %dma_start3A_404 = arith.constant 0 : i32
      %dma_start3A_405 = arith.constant 0 : i32
      %dma_start3A_406 = tpu.memref_slice %arg5[%dma_start3A_404, %dma_start3A_405] : memref<100000x16xf32, #tpu.memory_space<vmem_shared>> -> memref<100000x16xf32, #tpu.memory_space<vmem_shared>>
      tpu.enqueue_indirect_dma source(%dma_start3A_403 : memref<128x16xf32, #tpu.memory_space<vmem>>) target(%dma_start3A_406 : memref<100000x16xf32, #tpu.memory_space<vmem_shared>>) offsets(%arg19 : memref<128xi32, #tpu.memory_space<vmem>>) semaphore(%run_scoped3A_400 : memref<!tpu.dma_semaphore, #tpu.memory_space<semaphore_mem>>) {add = true}
      %dma_wait3A_407 = arith.constant 0 : i32
      %dma_wait3A_408 = arith.constant 0 : i32
      %dma_wait3A_409 = tpu.memref_slice %arg14[%dma_wait3A_407, %dma_wait3A_408] : memref<384x16xf32, #tpu.memory_space<vmem>> -> memref<128x16xf32, #tpu.memory_space<vmem>>
      %dma_wait3A_410 = arith.constant 0 : i32
      %dma_wait3A_411 = arith.constant 0 : i32
      %dma_wait3A_412 = tpu.memref_slice %arg5[%dma_wait3A_410, %dma_wait3A_411] : memref<100000x16xf32, #tpu.memory_space<vmem_shared>> -> memref<100000x16xf32, #tpu.memory_space<vmem_shared>>
      tpu.wait_indirect_dma semaphore(%run_scoped3A_400 : memref<!tpu.dma_semaphore, #tpu.memory_space<semaphore_mem>>) src(%dma_wait3A_409 : memref<128x16xf32, #tpu.memory_space<vmem>>) dst(%dma_wait3A_412 : memref<100000x16xf32, #tpu.memory_space<vmem_shared>>)
      tpu.yield
    }) : () -> ()
    %lt3A = arith.constant 8 : i32
    %lt3A_392 = arith.cmpi slt, %add3A, %lt3A : i32
    %convert_element_type3A = arith.extui %lt3A_392 : i1 to i32
    %cond3A = arith.constant 0 : i32
    %cond3A_393 = arith.cmpi ne, %convert_element_type3A, %cond3A : i32
    scf.if %cond3A_393 {
      %add3A_400 = arith.constant 781 : i32
      %add3A_401 = arith.addi %add3A_4, %add3A_400 : i32
      %mul3A_402 = arith.constant 128 : i32
      %mul3A_403 = arith.muli %add3A_401, %mul3A_402 : i32
      %run_scoped3A_404 = arith.constant 0 : i32
      "tpu.region"() ({
        %run_scoped3A_420 = tpu.sem_alloc : memref<!tpu.dma_semaphore, #tpu.memory_space<semaphore_mem>>
        %dma_start3A_421 = tpu.memref_slice %arg2[%run_scoped3A_404, %mul3A_403] : memref<2x3200000xi32, #tpu.memory_space<hbm>> -> memref<1x128xi32, #tpu.memory_space<hbm>>
        %dma_start3A_422 = tpu.memref_squeeze %dma_start3A_421 : memref<1x128xi32, #tpu.memory_space<hbm>> -> memref<128xi32, #tpu.memory_space<hbm>>
        %dma_start3A_423 = tpu.memref_slice %arg2[%run_scoped3A_404, %mul3A_403] : memref<2x3200000xi32, #tpu.memory_space<hbm>> -> memref<1x128xi32, #tpu.memory_space<hbm>>
        %dma_start3A_424 = tpu.memref_squeeze %dma_start3A_423 : memref<1x128xi32, #tpu.memory_space<hbm>> -> memref<128xi32, #tpu.memory_space<hbm>>
        tpu.enqueue_dma source(%dma_start3A_424 : memref<128xi32, #tpu.memory_space<hbm>>) target(%arg18 : memref<128xi32, #tpu.memory_space<vmem>>) target_semaphore(%run_scoped3A_420 : memref<!tpu.dma_semaphore, #tpu.memory_space<semaphore_mem>>)
        %dma_wait3A_425 = tpu.memref_slice %arg2[%run_scoped3A_404, %mul3A_403] : memref<2x3200000xi32, #tpu.memory_space<hbm>> -> memref<1x128xi32, #tpu.memory_space<hbm>>
        %dma_wait3A_426 = tpu.memref_squeeze %dma_wait3A_425 : memref<1x128xi32, #tpu.memory_space<hbm>> -> memref<128xi32, #tpu.memory_space<hbm>>
        %dma_wait3A_427 = tpu.memref_slice %arg2[%run_scoped3A_404, %mul3A_403] : memref<2x3200000xi32, #tpu.memory_space<hbm>> -> memref<1x128xi32, #tpu.memory_space<hbm>>
        %dma_wait3A_428 = tpu.memref_squeeze %dma_wait3A_427 : memref<1x128xi32, #tpu.memory_space<hbm>> -> memref<128xi32, #tpu.memory_space<hbm>>
        tpu.wait_dma2 semaphore(%run_scoped3A_420 : memref<!tpu.dma_semaphore, #tpu.memory_space<semaphore_mem>>) src(%dma_wait3A_428 : memref<128xi32, #tpu.memory_space<hbm>>) dst(%arg18 : memref<128xi32, #tpu.memory_space<vmem>>)
        tpu.yield
      }) : () -> ()
      %mul3A_405 = arith.constant 128 : i32
      %mul3A_406 = arith.muli %add3A_401, %mul3A_405 : i32
      %run_scoped3A_407 = arith.constant 1 : i32
      "tpu.region"() ({
        %run_scoped3A_420 = tpu.sem_alloc : memref<!tpu.dma_semaphore, #tpu.memory_space<semaphore_mem>>
        %dma_start3A_421 = tpu.memref_slice %arg2[%run_scoped3A_407, %mul3A_406] : memref<2x3200000xi32, #tpu.memory_space<hbm>> -> memref<1x128xi32, #tpu.memory_space<hbm>>
        %dma_start3A_422 = tpu.memref_squeeze %dma_start3A_421 : memref<1x128xi32, #tpu.memory_space<hbm>> -> memref<128xi32, #tpu.memory_space<hbm>>
        %dma_start3A_423 = tpu.memref_slice %arg2[%run_scoped3A_407, %mul3A_406] : memref<2x3200000xi32, #tpu.memory_space<hbm>> -> memref<1x128xi32, #tpu.memory_space<hbm>>
        %dma_start3A_424 = tpu.memref_squeeze %dma_start3A_423 : memref<1x128xi32, #tpu.memory_space<hbm>> -> memref<128xi32, #tpu.memory_space<hbm>>
        tpu.enqueue_dma source(%dma_start3A_424 : memref<128xi32, #tpu.memory_space<hbm>>) target(%arg19 : memref<128xi32, #tpu.memory_space<vmem>>) target_semaphore(%run_scoped3A_420 : memref<!tpu.dma_semaphore, #tpu.memory_space<semaphore_mem>>)
        %dma_wait3A_425 = tpu.memref_slice %arg2[%run_scoped3A_407, %mul3A_406] : memref<2x3200000xi32, #tpu.memory_space<hbm>> -> memref<1x128xi32, #tpu.memory_space<hbm>>
        %dma_wait3A_426 = tpu.memref_squeeze %dma_wait3A_425 : memref<1x128xi32, #tpu.memory_space<hbm>> -> memref<128xi32, #tpu.memory_space<hbm>>
        %dma_wait3A_427 = tpu.memref_slice %arg2[%run_scoped3A_407, %mul3A_406] : memref<2x3200000xi32, #tpu.memory_space<hbm>> -> memref<1x128xi32, #tpu.memory_space<hbm>>
        %dma_wait3A_428 = tpu.memref_squeeze %dma_wait3A_427 : memref<1x128xi32, #tpu.memory_space<hbm>> -> memref<128xi32, #tpu.memory_space<hbm>>
        tpu.wait_dma2 semaphore(%run_scoped3A_420 : memref<!tpu.dma_semaphore, #tpu.memory_space<semaphore_mem>>) src(%dma_wait3A_428 : memref<128xi32, #tpu.memory_space<hbm>>) dst(%arg19 : memref<128xi32, #tpu.memory_space<vmem>>)
        tpu.yield
      }) : () -> ()
      %dma_start3A_408 = arith.constant 0 : i32
      %dma_start3A_409 = arith.constant 0 : i32
      %dma_start3A_410 = tpu.memref_slice %arg14[%dma_start3A_408, %dma_start3A_409] : memref<384x16xf32, #tpu.memory_space<vmem>> -> memref<128x16xf32, #tpu.memory_space<vmem>>
      %dma_start3A_411 = arith.constant 0 : i32
      %dma_start3A_412 = arith.constant 0 : i32
      %dma_start3A_413 = tpu.memref_slice %arg3[%dma_start3A_411, %dma_start3A_412] : memref<100000x16xf32, #tpu.memory_space<hbm>> -> memref<100000x16xf32, #tpu.memory_space<hbm>>
      tpu.enqueue_indirect_dma source(%dma_start3A_413 : memref<100000x16xf32, #tpu.memory_space<hbm>>) target(%dma_start3A_410 : memref<128x16xf32, #tpu.memory_space<vmem>>) offsets(%arg18 : memref<128xi32, #tpu.memory_space<vmem>>) semaphore(%arg24 : memref<!tpu.dma_semaphore, #tpu.memory_space<semaphore_mem>>)
      %dma_wait3A_414 = arith.constant 0 : i32
      %dma_wait3A_415 = arith.constant 0 : i32
      %dma_wait3A_416 = tpu.memref_slice %arg14[%dma_wait3A_414, %dma_wait3A_415] : memref<384x16xf32, #tpu.memory_space<vmem>> -> memref<128x16xf32, #tpu.memory_space<vmem>>
      %dma_wait3A_417 = arith.constant 0 : i32
      %dma_wait3A_418 = arith.constant 0 : i32
      %dma_wait3A_419 = tpu.memref_slice %arg3[%dma_wait3A_417, %dma_wait3A_418] : memref<100000x16xf32, #tpu.memory_space<hbm>> -> memref<100000x16xf32, #tpu.memory_space<hbm>>
      tpu.wait_indirect_dma semaphore(%arg24 : memref<!tpu.dma_semaphore, #tpu.memory_space<semaphore_mem>>) src(%dma_wait3A_419 : memref<100000x16xf32, #tpu.memory_space<hbm>>) dst(%dma_wait3A_416 : memref<128x16xf32, #tpu.memory_space<vmem>>)
      "tpu.region"() ({
        %run_scoped3A_420 = tpu.sem_alloc : memref<!tpu.dma_semaphore, #tpu.memory_space<semaphore_mem>>
        %dma_start3A_421 = arith.constant 0 : i32
        %dma_start3A_422 = arith.constant 0 : i32
        %dma_start3A_423 = tpu.memref_slice %arg14[%dma_start3A_421, %dma_start3A_422] : memref<384x16xf32, #tpu.memory_space<vmem>> -> memref<128x16xf32, #tpu.memory_space<vmem>>
        %dma_start3A_424 = arith.constant 0 : i32
        %dma_start3A_425 = arith.constant 0 : i32
        %dma_start3A_426 = tpu.memref_slice %arg5[%dma_start3A_424, %dma_start3A_425] : memref<100000x16xf32, #tpu.memory_space<vmem_shared>> -> memref<100000x16xf32, #tpu.memory_space<vmem_shared>>
        tpu.enqueue_indirect_dma source(%dma_start3A_423 : memref<128x16xf32, #tpu.memory_space<vmem>>) target(%dma_start3A_426 : memref<100000x16xf32, #tpu.memory_space<vmem_shared>>) offsets(%arg19 : memref<128xi32, #tpu.memory_space<vmem>>) semaphore(%run_scoped3A_420 : memref<!tpu.dma_semaphore, #tpu.memory_space<semaphore_mem>>) {add = true}
        %dma_wait3A_427 = arith.constant 0 : i32
        %dma_wait3A_428 = arith.constant 0 : i32
        %dma_wait3A_429 = tpu.memref_slice %arg14[%dma_wait3A_427, %dma_wait3A_428] : memref<384x16xf32, #tpu.memory_space<vmem>> -> memref<128x16xf32, #tpu.memory_space<vmem>>
        %dma_wait3A_430 = arith.constant 0 : i32
        %dma_wait3A_431 = arith.constant 0 : i32
        %dma_wait3A_432 = tpu.memref_slice %arg5[%dma_wait3A_430, %dma_wait3A_431] : memref<100000x16xf32, #tpu.memory_space<vmem_shared>> -> memref<100000x16xf32, #tpu.memory_space<vmem_shared>>
        tpu.wait_indirect_dma semaphore(%run_scoped3A_420 : memref<!tpu.dma_semaphore, #tpu.memory_space<semaphore_mem>>) src(%dma_wait3A_429 : memref<128x16xf32, #tpu.memory_space<vmem>>) dst(%dma_wait3A_432 : memref<100000x16xf32, #tpu.memory_space<vmem_shared>>)
        tpu.yield
      }) : () -> ()
    } else {
    }
    %barrier3A_394 = arith.constant 0 : index
    tpu.barrier barrier_id(%barrier3A_394)
    %scan3A_395 = arith.constant 0 : i32
    %scan3A_396 = arith.constant 25 : i32
    %scan3A_397 = arith.addi %scan3A_395, %scan3A_396 : i32
    %scan3A_398 = arith.constant 1 : i32
    scf.for %scan3A_400 = %scan3A_395 to %scan3A_397 step %scan3A_398  : i32 {
      %mul3A_401 = arith.constant 1 : i32
      %mul3A_402 = arith.muli %scan3A_400, %mul3A_401 : i32
      %add3A_403 = arith.constant 0 : i32
      %add3A_404 = arith.addi %add3A_403, %mul3A_402 : i32
      %mul3A_405 = arith.constant 250 : i32
      %mul3A_406 = arith.muli %add3A_404, %mul3A_405 : i32
      %add3A_407 = arith.addi %mul3A_12, %mul3A_406 : i32
      "tpu.region"() ({
        %run_scoped3A_411 = tpu.sem_alloc : memref<!tpu.dma_semaphore, #tpu.memory_space<semaphore_mem>>
        %dma_start3A_412 = arith.constant 0 : i32
        %dma_start3A_413 = arith.constant 0 : i32
        %dma_start3A_414 = tpu.memref_slice %arg14[%dma_start3A_412, %dma_start3A_413] : memref<384x16xf32, #tpu.memory_space<vmem>> -> memref<250x16xf32, #tpu.memory_space<vmem>>
        %dma_start3A_415 = arith.constant 0 : i32
        %dma_start3A_416 = tpu.memref_slice %arg5[%add3A_407, %dma_start3A_415] : memref<100000x16xf32, #tpu.memory_space<vmem_shared>> -> memref<250x16xf32, #tpu.memory_space<vmem_shared>>
        %dma_start3A_417 = arith.constant 0 : i32
        %dma_start3A_418 = arith.constant 0 : i32
        %dma_start3A_419 = tpu.memref_slice %arg14[%dma_start3A_417, %dma_start3A_418] : memref<384x16xf32, #tpu.memory_space<vmem>> -> memref<250x16xf32, #tpu.memory_space<vmem>>
        %dma_start3A_420 = arith.constant 0 : i32
        %dma_start3A_421 = tpu.memref_slice %arg5[%add3A_407, %dma_start3A_420] : memref<100000x16xf32, #tpu.memory_space<vmem_shared>> -> memref<250x16xf32, #tpu.memory_space<vmem_shared>>
        tpu.enqueue_dma source(%dma_start3A_421 : memref<250x16xf32, #tpu.memory_space<vmem_shared>>) target(%dma_start3A_419 : memref<250x16xf32, #tpu.memory_space<vmem>>) target_semaphore(%run_scoped3A_411 : memref<!tpu.dma_semaphore, #tpu.memory_space<semaphore_mem>>)
        %dma_wait3A_422 = arith.constant 0 : i32
        %dma_wait3A_423 = arith.constant 0 : i32
        %dma_wait3A_424 = tpu.memref_slice %arg14[%dma_wait3A_422, %dma_wait3A_423] : memref<384x16xf32, #tpu.memory_space<vmem>> -> memref<250x16xf32, #tpu.memory_space<vmem>>
        %dma_wait3A_425 = arith.constant 0 : i32
        %dma_wait3A_426 = tpu.memref_slice %arg5[%add3A_407, %dma_wait3A_425] : memref<100000x16xf32, #tpu.memory_space<vmem_shared>> -> memref<250x16xf32, #tpu.memory_space<vmem_shared>>
        %dma_wait3A_427 = arith.constant 0 : i32
        %dma_wait3A_428 = arith.constant 0 : i32
        %dma_wait3A_429 = tpu.memref_slice %arg14[%dma_wait3A_427, %dma_wait3A_428] : memref<384x16xf32, #tpu.memory_space<vmem>> -> memref<250x16xf32, #tpu.memory_space<vmem>>
        %dma_wait3A_430 = arith.constant 0 : i32
        %dma_wait3A_431 = tpu.memref_slice %arg5[%add3A_407, %dma_wait3A_430] : memref<100000x16xf32, #tpu.memory_space<vmem_shared>> -> memref<250x16xf32, #tpu.memory_space<vmem_shared>>
        tpu.wait_dma2 semaphore(%run_scoped3A_411 : memref<!tpu.dma_semaphore, #tpu.memory_space<semaphore_mem>>) src(%dma_wait3A_431 : memref<250x16xf32, #tpu.memory_space<vmem_shared>>) dst(%dma_wait3A_429 : memref<250x16xf32, #tpu.memory_space<vmem>>)
        tpu.yield
      }) : () -> ()
      %mul3A_408 = arith.constant 250 : i32
      %mul3A_409 = arith.muli %add3A_404, %mul3A_408 : i32
      %add3A_410 = arith.addi %mul3A_12, %mul3A_409 : i32
      "tpu.region"() ({
        %run_scoped3A_411 = tpu.sem_alloc : memref<!tpu.dma_semaphore, #tpu.memory_space<semaphore_mem>>
        %dma_start3A_412 = arith.constant 0 : i32
        %dma_start3A_413 = arith.constant 0 : i32
        %dma_start3A_414 = tpu.memref_slice %arg14[%dma_start3A_412, %dma_start3A_413] : memref<384x16xf32, #tpu.memory_space<vmem>> -> memref<250x16xf32, #tpu.memory_space<vmem>>
        %dma_start3A_415 = arith.constant 0 : i32
        %dma_start3A_416 = tpu.memref_slice %arg4[%arg0, %add3A_410, %dma_start3A_415] : memref<2x100000x16xf32, #tpu.memory_space<hbm>> -> memref<1x250x16xf32, #tpu.memory_space<hbm>>
        %dma_start3A_417 = tpu.memref_squeeze %dma_start3A_416 : memref<1x250x16xf32, #tpu.memory_space<hbm>> -> memref<250x16xf32, #tpu.memory_space<hbm>>
        %dma_start3A_418 = arith.constant 0 : i32
        %dma_start3A_419 = tpu.memref_slice %arg4[%arg0, %add3A_410, %dma_start3A_418] : memref<2x100000x16xf32, #tpu.memory_space<hbm>> -> memref<1x250x16xf32, #tpu.memory_space<hbm>>
        %dma_start3A_420 = tpu.memref_squeeze %dma_start3A_419 : memref<1x250x16xf32, #tpu.memory_space<hbm>> -> memref<250x16xf32, #tpu.memory_space<hbm>>
        %dma_start3A_421 = arith.constant 0 : i32
        %dma_start3A_422 = arith.constant 0 : i32
        %dma_start3A_423 = tpu.memref_slice %arg14[%dma_start3A_421, %dma_start3A_422] : memref<384x16xf32, #tpu.memory_space<vmem>> -> memref<250x16xf32, #tpu.memory_space<vmem>>
        tpu.enqueue_dma source(%dma_start3A_423 : memref<250x16xf32, #tpu.memory_space<vmem>>) target(%dma_start3A_420 : memref<250x16xf32, #tpu.memory_space<hbm>>) target_semaphore(%run_scoped3A_411 : memref<!tpu.dma_semaphore, #tpu.memory_space<semaphore_mem>>)
        %dma_wait3A_424 = arith.constant 0 : i32
        %dma_wait3A_425 = arith.constant 0 : i32
        %dma_wait3A_426 = tpu.memref_slice %arg14[%dma_wait3A_424, %dma_wait3A_425] : memref<384x16xf32, #tpu.memory_space<vmem>> -> memref<250x16xf32, #tpu.memory_space<vmem>>
        %dma_wait3A_427 = arith.constant 0 : i32
        %dma_wait3A_428 = tpu.memref_slice %arg4[%arg0, %add3A_410, %dma_wait3A_427] : memref<2x100000x16xf32, #tpu.memory_space<hbm>> -> memref<1x250x16xf32, #tpu.memory_space<hbm>>
        %dma_wait3A_429 = tpu.memref_squeeze %dma_wait3A_428 : memref<1x250x16xf32, #tpu.memory_space<hbm>> -> memref<250x16xf32, #tpu.memory_space<hbm>>
        %dma_wait3A_430 = arith.constant 0 : i32
        %dma_wait3A_431 = tpu.memref_slice %arg4[%arg0, %add3A_410, %dma_wait3A_430] : memref<2x100000x16xf32, #tpu.memory_space<hbm>> -> memref<1x250x16xf32, #tpu.memory_space<hbm>>
        %dma_wait3A_432 = tpu.memref_squeeze %dma_wait3A_431 : memref<1x250x16xf32, #tpu.memory_space<hbm>> -> memref<250x16xf32, #tpu.memory_space<hbm>>
        %dma_wait3A_433 = arith.constant 0 : i32
        %dma_wait3A_434 = arith.constant 0 : i32
        %dma_wait3A_435 = tpu.memref_slice %arg14[%dma_wait3A_433, %dma_wait3A_434] : memref<384x16xf32, #tpu.memory_space<vmem>> -> memref<250x16xf32, #tpu.memory_space<vmem>>
        tpu.wait_dma2 semaphore(%run_scoped3A_411 : memref<!tpu.dma_semaphore, #tpu.memory_space<semaphore_mem>>) src(%dma_wait3A_435 : memref<250x16xf32, #tpu.memory_space<vmem>>) dst(%dma_wait3A_432 : memref<250x16xf32, #tpu.memory_space<hbm>>)
        tpu.yield
      }) : () -> ()
    }
    %scan3A_399 = arith.constant 25 : i32
    return
  }
}

#map = affine_map<(d0, d1) -> (0, 0)>
#map1 = affine_map<(d0, d1) -> (0)>
module attributes {stable_mosaic.version = 14 : i64} {
  func.func @_sc_degree(%arg0: i32, %arg1: i32, %arg2: memref<2x3200000xi32, #tpu.memory_space<hbm>>, %arg3: memref<200192xf32, #tpu.memory_space<hbm>>, %arg4: memref<100096xf32, #tpu.memory_space<vmem_shared>>, %arg5: memref<1024xi32, #tpu.memory_space<vmem>>, %arg6: memref<1024xi32, #tpu.memory_space<vmem>>, %arg7: memref<128xi32, #tpu.memory_space<vmem>>, %arg8: memref<1024xf32, #tpu.memory_space<vmem>>, %arg9: memref<6256xf32, #tpu.memory_space<vmem>>, %arg10: memref<!tpu.dma_semaphore, #tpu.memory_space<semaphore_mem>>, %arg11: memref<!tpu.dma_semaphore, #tpu.memory_space<semaphore_mem>>) attributes {dimension_semantics = [#tpu.dimension_semantics<core_parallel>, #tpu.dimension_semantics<subcore_parallel>], iteration_bounds = array<i64: 2, 16>, scalar_prefetch = 0 : i64, scratch_operands = 8 : i64, tpu.core_type = #tpu.core_type<sc_vector_subcore>, window_params = [{transform_indices = #map}, {transform_indices = #map1}]} {
    %mul3A = arith.constant 16 : i32
    %mul3A_0 = arith.muli %arg0, %mul3A : i32
    %add3A = arith.addi %mul3A_0, %arg1 : i32
    %mul3A_1 = arith.constant 781 : i32
    %mul3A_2 = arith.muli %mul3A_1, %add3A : i32
    %min3A = arith.constant 8 : i32
    %min3A_3 = arith.minsi %add3A, %min3A : i32
    %add3A_4 = arith.addi %mul3A_2, %min3A_3 : i32
    %mul3A_5 = arith.constant 128 : i32
    %mul3A_6 = arith.muli %add3A_4, %mul3A_5 : i32
    %scan3A = arith.constant 0 : i32
    %scan3A_7 = arith.constant 64 : i32
    %scan3A_8 = arith.addi %scan3A, %scan3A_7 : i32
    %scan3A_9 = arith.constant 1 : i32
    scf.for %scan3A_70 = %scan3A to %scan3A_8 step %scan3A_9  : i32 {
      %mul3A_71 = arith.constant 1 : i32
      %mul3A_72 = arith.muli %scan3A_70, %mul3A_71 : i32
      %add3A_73 = arith.constant 0 : i32
      %add3A_74 = arith.addi %add3A_73, %mul3A_72 : i32
      %broadcast_in_dim3A = arith.constant 1.000000e+00 : f32
      %broadcast_in_dim3A_75 = vector.broadcast %broadcast_in_dim3A : f32 to vector<16xf32>
      %mul3A_76 = arith.constant 16 : i32
      %mul3A_77 = arith.muli %add3A_74, %mul3A_76 : i32
      %swap3A = arith.index_cast %mul3A_77 : i32 to index
      %swap3A_78 = tpu.vector_load %arg8[%swap3A] {strides = array<i32>} : memref<1024xf32, #tpu.memory_space<vmem>>, vector<16xf32>,
      %swap3A_79 = vector.shape_cast %swap3A_78 : vector<16xf32> to vector<16xf32>
      %swap3A_80 = vector.shape_cast %broadcast_in_dim3A_75 : vector<16xf32> to vector<16xf32>
      tpu.vector_store %arg8[%swap3A], %swap3A_80 {strides = array<i32>} : memref<1024xf32, #tpu.memory_space<vmem>>, vector<16xf32>,
    }
    %scan3A_10 = arith.constant 64 : i32
    %scan3A_11 = arith.constant 0 : i32
    %scan3A_12 = arith.constant 391 : i32
    %scan3A_13 = arith.addi %scan3A_11, %scan3A_12 : i32
    %scan3A_14 = arith.constant 1 : i32
    scf.for %scan3A_70 = %scan3A_11 to %scan3A_13 step %scan3A_14  : i32 {
      %mul3A_71 = arith.constant 1 : i32
      %mul3A_72 = arith.muli %scan3A_70, %mul3A_71 : i32
      %add3A_73 = arith.constant 0 : i32
      %add3A_74 = arith.addi %add3A_73, %mul3A_72 : i32
      %broadcast_in_dim3A = arith.constant 0.000000e+00 : f32
      %broadcast_in_dim3A_75 = vector.broadcast %broadcast_in_dim3A : f32 to vector<16xf32>
      %mul3A_76 = arith.constant 16 : i32
      %mul3A_77 = arith.muli %add3A_74, %mul3A_76 : i32
      %swap3A = arith.index_cast %mul3A_77 : i32 to index
      %swap3A_78 = tpu.vector_load %arg9[%swap3A] {strides = array<i32>} : memref<6256xf32, #tpu.memory_space<vmem>>, vector<16xf32>,
      %swap3A_79 = vector.shape_cast %swap3A_78 : vector<16xf32> to vector<16xf32>
      %swap3A_80 = vector.shape_cast %broadcast_in_dim3A_75 : vector<16xf32> to vector<16xf32>
      tpu.vector_store %arg9[%swap3A], %swap3A_80 {strides = array<i32>} : memref<6256xf32, #tpu.memory_space<vmem>>, vector<16xf32>,
    }
    %scan3A_15 = arith.constant 391 : i32
    %mul3A_16 = arith.constant 6256 : i32
    %mul3A_17 = arith.muli %arg1, %mul3A_16 : i32
    "tpu.region"() ({
      %run_scoped3A_70 = tpu.sem_alloc : memref<!tpu.dma_semaphore, #tpu.memory_space<semaphore_mem>>
      %dma_start3A_71 = tpu.memref_slice %arg4[%mul3A_17] : memref<100096xf32, #tpu.memory_space<vmem_shared>> -> memref<6256xf32, #tpu.memory_space<vmem_shared>>
      %dma_start3A_72 = tpu.memref_slice %arg4[%mul3A_17] : memref<100096xf32, #tpu.memory_space<vmem_shared>> -> memref<6256xf32, #tpu.memory_space<vmem_shared>>
      tpu.enqueue_dma source(%arg9 : memref<6256xf32, #tpu.memory_space<vmem>>) target(%dma_start3A_72 : memref<6256xf32, #tpu.memory_space<vmem_shared>>) target_semaphore(%run_scoped3A_70 : memref<!tpu.dma_semaphore, #tpu.memory_space<semaphore_mem>>)
      %dma_wait3A_73 = tpu.memref_slice %arg4[%mul3A_17] : memref<100096xf32, #tpu.memory_space<vmem_shared>> -> memref<6256xf32, #tpu.memory_space<vmem_shared>>
      %dma_wait3A_74 = tpu.memref_slice %arg4[%mul3A_17] : memref<100096xf32, #tpu.memory_space<vmem_shared>> -> memref<6256xf32, #tpu.memory_space<vmem_shared>>
      tpu.wait_dma2 semaphore(%run_scoped3A_70 : memref<!tpu.dma_semaphore, #tpu.memory_space<semaphore_mem>>) src(%arg9 : memref<6256xf32, #tpu.memory_space<vmem>>) dst(%dma_wait3A_74 : memref<6256xf32, #tpu.memory_space<vmem_shared>>)
      tpu.yield
    }) : () -> ()
    %barrier3A = arith.constant 0 : index
    tpu.barrier barrier_id(%barrier3A)
    %add3A_18 = arith.constant 0 : i32
    %add3A_19 = arith.addi %mul3A_6, %add3A_18 : i32
    %run_scoped3A = arith.constant 1 : i32
    "tpu.region"() ({
      %run_scoped3A_70 = tpu.sem_alloc : memref<!tpu.dma_semaphore, #tpu.memory_space<semaphore_mem>>
      %dma_start3A_71 = tpu.memref_slice %arg2[%run_scoped3A, %add3A_19] : memref<2x3200000xi32, #tpu.memory_space<hbm>> -> memref<1x1024xi32, #tpu.memory_space<hbm>>
      %dma_start3A_72 = tpu.memref_squeeze %dma_start3A_71 : memref<1x1024xi32, #tpu.memory_space<hbm>> -> memref<1024xi32, #tpu.memory_space<hbm>>
      %dma_start3A_73 = tpu.memref_slice %arg2[%run_scoped3A, %add3A_19] : memref<2x3200000xi32, #tpu.memory_space<hbm>> -> memref<1x1024xi32, #tpu.memory_space<hbm>>
      %dma_start3A_74 = tpu.memref_squeeze %dma_start3A_73 : memref<1x1024xi32, #tpu.memory_space<hbm>> -> memref<1024xi32, #tpu.memory_space<hbm>>
      tpu.enqueue_dma source(%dma_start3A_74 : memref<1024xi32, #tpu.memory_space<hbm>>) target(%arg5 : memref<1024xi32, #tpu.memory_space<vmem>>) target_semaphore(%run_scoped3A_70 : memref<!tpu.dma_semaphore, #tpu.memory_space<semaphore_mem>>)
      %dma_wait3A_75 = tpu.memref_slice %arg2[%run_scoped3A, %add3A_19] : memref<2x3200000xi32, #tpu.memory_space<hbm>> -> memref<1x1024xi32, #tpu.memory_space<hbm>>
      %dma_wait3A_76 = tpu.memref_squeeze %dma_wait3A_75 : memref<1x1024xi32, #tpu.memory_space<hbm>> -> memref<1024xi32, #tpu.memory_space<hbm>>
      %dma_wait3A_77 = tpu.memref_slice %arg2[%run_scoped3A, %add3A_19] : memref<2x3200000xi32, #tpu.memory_space<hbm>> -> memref<1x1024xi32, #tpu.memory_space<hbm>>
      %dma_wait3A_78 = tpu.memref_squeeze %dma_wait3A_77 : memref<1x1024xi32, #tpu.memory_space<hbm>> -> memref<1024xi32, #tpu.memory_space<hbm>>
      tpu.wait_dma2 semaphore(%run_scoped3A_70 : memref<!tpu.dma_semaphore, #tpu.memory_space<semaphore_mem>>) src(%dma_wait3A_78 : memref<1024xi32, #tpu.memory_space<hbm>>) dst(%arg5 : memref<1024xi32, #tpu.memory_space<vmem>>)
      tpu.yield
    }) : () -> ()
    %dma_start3A = arith.constant 0 : i32
    %dma_start3A_20 = tpu.memref_slice %arg4[%dma_start3A] : memref<100096xf32, #tpu.memory_space<vmem_shared>> -> memref<100096xf32, #tpu.memory_space<vmem_shared>>
    tpu.enqueue_indirect_dma source(%arg8 : memref<1024xf32, #tpu.memory_space<vmem>>) target(%dma_start3A_20 : memref<100096xf32, #tpu.memory_space<vmem_shared>>) offsets(%arg5 : memref<1024xi32, #tpu.memory_space<vmem>>) semaphore(%arg10 : memref<!tpu.dma_semaphore, #tpu.memory_space<semaphore_mem>>) {add = true}
    %add3A_21 = arith.constant 1024 : i32
    %add3A_22 = arith.addi %mul3A_6, %add3A_21 : i32
    %run_scoped3A_23 = arith.constant 1 : i32
    "tpu.region"() ({
      %run_scoped3A_70 = tpu.sem_alloc : memref<!tpu.dma_semaphore, #tpu.memory_space<semaphore_mem>>
      %dma_start3A_71 = tpu.memref_slice %arg2[%run_scoped3A_23, %add3A_22] : memref<2x3200000xi32, #tpu.memory_space<hbm>> -> memref<1x1024xi32, #tpu.memory_space<hbm>>
      %dma_start3A_72 = tpu.memref_squeeze %dma_start3A_71 : memref<1x1024xi32, #tpu.memory_space<hbm>> -> memref<1024xi32, #tpu.memory_space<hbm>>
      %dma_start3A_73 = tpu.memref_slice %arg2[%run_scoped3A_23, %add3A_22] : memref<2x3200000xi32, #tpu.memory_space<hbm>> -> memref<1x1024xi32, #tpu.memory_space<hbm>>
      %dma_start3A_74 = tpu.memref_squeeze %dma_start3A_73 : memref<1x1024xi32, #tpu.memory_space<hbm>> -> memref<1024xi32, #tpu.memory_space<hbm>>
      tpu.enqueue_dma source(%dma_start3A_74 : memref<1024xi32, #tpu.memory_space<hbm>>) target(%arg6 : memref<1024xi32, #tpu.memory_space<vmem>>) target_semaphore(%run_scoped3A_70 : memref<!tpu.dma_semaphore, #tpu.memory_space<semaphore_mem>>)
      %dma_wait3A_75 = tpu.memref_slice %arg2[%run_scoped3A_23, %add3A_22] : memref<2x3200000xi32, #tpu.memory_space<hbm>> -> memref<1x1024xi32, #tpu.memory_space<hbm>>
      %dma_wait3A_76 = tpu.memref_squeeze %dma_wait3A_75 : memref<1x1024xi32, #tpu.memory_space<hbm>> -> memref<1024xi32, #tpu.memory_space<hbm>>
      %dma_wait3A_77 = tpu.memref_slice %arg2[%run_scoped3A_23, %add3A_22] : memref<2x3200000xi32, #tpu.memory_space<hbm>> -> memref<1x1024xi32, #tpu.memory_space<hbm>>
      %dma_wait3A_78 = tpu.memref_squeeze %dma_wait3A_77 : memref<1x1024xi32, #tpu.memory_space<hbm>> -> memref<1024xi32, #tpu.memory_space<hbm>>
      tpu.wait_dma2 semaphore(%run_scoped3A_70 : memref<!tpu.dma_semaphore, #tpu.memory_space<semaphore_mem>>) src(%dma_wait3A_78 : memref<1024xi32, #tpu.memory_space<hbm>>) dst(%arg6 : memref<1024xi32, #tpu.memory_space<vmem>>)
      tpu.yield
    }) : () -> ()
    %dma_start3A_24 = arith.constant 0 : i32
    %dma_start3A_25 = tpu.memref_slice %arg4[%dma_start3A_24] : memref<100096xf32, #tpu.memory_space<vmem_shared>> -> memref<100096xf32, #tpu.memory_space<vmem_shared>>
    tpu.enqueue_indirect_dma source(%arg8 : memref<1024xf32, #tpu.memory_space<vmem>>) target(%dma_start3A_25 : memref<100096xf32, #tpu.memory_space<vmem_shared>>) offsets(%arg6 : memref<1024xi32, #tpu.memory_space<vmem>>) semaphore(%arg11 : memref<!tpu.dma_semaphore, #tpu.memory_space<semaphore_mem>>) {add = true}
    %scan3A_26 = arith.constant 0 : i32
    %scan3A_27 = arith.constant 47 : i32
    %scan3A_28 = arith.addi %scan3A_26, %scan3A_27 : i32
    %scan3A_29 = arith.constant 1 : i32
    scf.for %scan3A_70 = %scan3A_26 to %scan3A_28 step %scan3A_29  : i32 {
      %mul3A_71 = arith.constant 1 : i32
      %mul3A_72 = arith.muli %scan3A_70, %mul3A_71 : i32
      %add3A_73 = arith.constant 1 : i32
      %add3A_74 = arith.addi %add3A_73, %mul3A_72 : i32
      %mul3A_75 = arith.constant 2 : i32
      %mul3A_76 = arith.muli %mul3A_75, %add3A_74 : i32
      %dma_wait3A_77 = arith.constant 0 : i32
      %dma_wait3A_78 = tpu.memref_slice %arg9[%dma_wait3A_77] : memref<6256xf32, #tpu.memory_space<vmem>> -> memref<1024xf32, #tpu.memory_space<vmem>>
      %dma_wait3A_79 = arith.constant 0 : i32
      %dma_wait3A_80 = tpu.memref_slice %arg3[%dma_wait3A_79] : memref<200192xf32, #tpu.memory_space<hbm>> -> memref<1024xf32, #tpu.memory_space<hbm>>
      %dma_wait3A_81 = arith.constant 0 : i32
      %dma_wait3A_82 = tpu.memref_slice %arg9[%dma_wait3A_81] : memref<6256xf32, #tpu.memory_space<vmem>> -> memref<1024xf32, #tpu.memory_space<vmem>>
      %dma_wait3A_83 = arith.constant 0 : i32
      %dma_wait3A_84 = tpu.memref_slice %arg3[%dma_wait3A_83] : memref<200192xf32, #tpu.memory_space<hbm>> -> memref<1024xf32, #tpu.memory_space<hbm>>
      tpu.wait_dma2 semaphore(%arg10 : memref<!tpu.dma_semaphore, #tpu.memory_space<semaphore_mem>>) src(%dma_wait3A_84 : memref<1024xf32, #tpu.memory_space<hbm>>) dst(%dma_wait3A_82 : memref<1024xf32, #tpu.memory_space<vmem>>)
      %mul3A_85 = arith.constant 1024 : i32
      %mul3A_86 = arith.muli %mul3A_76, %mul3A_85 : i32
      %add3A_87 = arith.addi %mul3A_6, %mul3A_86 : i32
      %run_scoped3A_88 = arith.constant 1 : i32
      "tpu.region"() ({
        %run_scoped3A_107 = tpu.sem_alloc : memref<!tpu.dma_semaphore, #tpu.memory_space<semaphore_mem>>
        %dma_start3A_108 = tpu.memref_slice %arg2[%run_scoped3A_88, %add3A_87] : memref<2x3200000xi32, #tpu.memory_space<hbm>> -> memref<1x1024xi32, #tpu.memory_space<hbm>>
        %dma_start3A_109 = tpu.memref_squeeze %dma_start3A_108 : memref<1x1024xi32, #tpu.memory_space<hbm>> -> memref<1024xi32, #tpu.memory_space<hbm>>
        %dma_start3A_110 = tpu.memref_slice %arg2[%run_scoped3A_88, %add3A_87] : memref<2x3200000xi32, #tpu.memory_space<hbm>> -> memref<1x1024xi32, #tpu.memory_space<hbm>>
        %dma_start3A_111 = tpu.memref_squeeze %dma_start3A_110 : memref<1x1024xi32, #tpu.memory_space<hbm>> -> memref<1024xi32, #tpu.memory_space<hbm>>
        tpu.enqueue_dma source(%dma_start3A_111 : memref<1024xi32, #tpu.memory_space<hbm>>) target(%arg5 : memref<1024xi32, #tpu.memory_space<vmem>>) target_semaphore(%run_scoped3A_107 : memref<!tpu.dma_semaphore, #tpu.memory_space<semaphore_mem>>)
        %dma_wait3A_112 = tpu.memref_slice %arg2[%run_scoped3A_88, %add3A_87] : memref<2x3200000xi32, #tpu.memory_space<hbm>> -> memref<1x1024xi32, #tpu.memory_space<hbm>>
        %dma_wait3A_113 = tpu.memref_squeeze %dma_wait3A_112 : memref<1x1024xi32, #tpu.memory_space<hbm>> -> memref<1024xi32, #tpu.memory_space<hbm>>
        %dma_wait3A_114 = tpu.memref_slice %arg2[%run_scoped3A_88, %add3A_87] : memref<2x3200000xi32, #tpu.memory_space<hbm>> -> memref<1x1024xi32, #tpu.memory_space<hbm>>
        %dma_wait3A_115 = tpu.memref_squeeze %dma_wait3A_114 : memref<1x1024xi32, #tpu.memory_space<hbm>> -> memref<1024xi32, #tpu.memory_space<hbm>>
        tpu.wait_dma2 semaphore(%run_scoped3A_107 : memref<!tpu.dma_semaphore, #tpu.memory_space<semaphore_mem>>) src(%dma_wait3A_115 : memref<1024xi32, #tpu.memory_space<hbm>>) dst(%arg5 : memref<1024xi32, #tpu.memory_space<vmem>>)
        tpu.yield
      }) : () -> ()
      %dma_start3A_89 = arith.constant 0 : i32
      %dma_start3A_90 = tpu.memref_slice %arg4[%dma_start3A_89] : memref<100096xf32, #tpu.memory_space<vmem_shared>> -> memref<100096xf32, #tpu.memory_space<vmem_shared>>
      tpu.enqueue_indirect_dma source(%arg8 : memref<1024xf32, #tpu.memory_space<vmem>>) target(%dma_start3A_90 : memref<100096xf32, #tpu.memory_space<vmem_shared>>) offsets(%arg5 : memref<1024xi32, #tpu.memory_space<vmem>>) semaphore(%arg10 : memref<!tpu.dma_semaphore, #tpu.memory_space<semaphore_mem>>) {add = true}
      %add3A_91 = arith.constant 1 : i32
      %add3A_92 = arith.addi %mul3A_76, %add3A_91 : i32
      %dma_wait3A_93 = arith.constant 0 : i32
      %dma_wait3A_94 = tpu.memref_slice %arg9[%dma_wait3A_93] : memref<6256xf32, #tpu.memory_space<vmem>> -> memref<1024xf32, #tpu.memory_space<vmem>>
      %dma_wait3A_95 = arith.constant 0 : i32
      %dma_wait3A_96 = tpu.memref_slice %arg3[%dma_wait3A_95] : memref<200192xf32, #tpu.memory_space<hbm>> -> memref<1024xf32, #tpu.memory_space<hbm>>
      %dma_wait3A_97 = arith.constant 0 : i32
      %dma_wait3A_98 = tpu.memref_slice %arg9[%dma_wait3A_97] : memref<6256xf32, #tpu.memory_space<vmem>> -> memref<1024xf32, #tpu.memory_space<vmem>>
      %dma_wait3A_99 = arith.constant 0 : i32
      %dma_wait3A_100 = tpu.memref_slice %arg3[%dma_wait3A_99] : memref<200192xf32, #tpu.memory_space<hbm>> -> memref<1024xf32, #tpu.memory_space<hbm>>
      tpu.wait_dma2 semaphore(%arg11 : memref<!tpu.dma_semaphore, #tpu.memory_space<semaphore_mem>>) src(%dma_wait3A_100 : memref<1024xf32, #tpu.memory_space<hbm>>) dst(%dma_wait3A_98 : memref<1024xf32, #tpu.memory_space<vmem>>)
      %mul3A_101 = arith.constant 1024 : i32
      %mul3A_102 = arith.muli %add3A_92, %mul3A_101 : i32
      %add3A_103 = arith.addi %mul3A_6, %mul3A_102 : i32
      %run_scoped3A_104 = arith.constant 1 : i32
      "tpu.region"() ({
        %run_scoped3A_107 = tpu.sem_alloc : memref<!tpu.dma_semaphore, #tpu.memory_space<semaphore_mem>>
        %dma_start3A_108 = tpu.memref_slice %arg2[%run_scoped3A_104, %add3A_103] : memref<2x3200000xi32, #tpu.memory_space<hbm>> -> memref<1x1024xi32, #tpu.memory_space<hbm>>
        %dma_start3A_109 = tpu.memref_squeeze %dma_start3A_108 : memref<1x1024xi32, #tpu.memory_space<hbm>> -> memref<1024xi32, #tpu.memory_space<hbm>>
        %dma_start3A_110 = tpu.memref_slice %arg2[%run_scoped3A_104, %add3A_103] : memref<2x3200000xi32, #tpu.memory_space<hbm>> -> memref<1x1024xi32, #tpu.memory_space<hbm>>
        %dma_start3A_111 = tpu.memref_squeeze %dma_start3A_110 : memref<1x1024xi32, #tpu.memory_space<hbm>> -> memref<1024xi32, #tpu.memory_space<hbm>>
        tpu.enqueue_dma source(%dma_start3A_111 : memref<1024xi32, #tpu.memory_space<hbm>>) target(%arg6 : memref<1024xi32, #tpu.memory_space<vmem>>) target_semaphore(%run_scoped3A_107 : memref<!tpu.dma_semaphore, #tpu.memory_space<semaphore_mem>>)
        %dma_wait3A_112 = tpu.memref_slice %arg2[%run_scoped3A_104, %add3A_103] : memref<2x3200000xi32, #tpu.memory_space<hbm>> -> memref<1x1024xi32, #tpu.memory_space<hbm>>
        %dma_wait3A_113 = tpu.memref_squeeze %dma_wait3A_112 : memref<1x1024xi32, #tpu.memory_space<hbm>> -> memref<1024xi32, #tpu.memory_space<hbm>>
        %dma_wait3A_114 = tpu.memref_slice %arg2[%run_scoped3A_104, %add3A_103] : memref<2x3200000xi32, #tpu.memory_space<hbm>> -> memref<1x1024xi32, #tpu.memory_space<hbm>>
        %dma_wait3A_115 = tpu.memref_squeeze %dma_wait3A_114 : memref<1x1024xi32, #tpu.memory_space<hbm>> -> memref<1024xi32, #tpu.memory_space<hbm>>
        tpu.wait_dma2 semaphore(%run_scoped3A_107 : memref<!tpu.dma_semaphore, #tpu.memory_space<semaphore_mem>>) src(%dma_wait3A_115 : memref<1024xi32, #tpu.memory_space<hbm>>) dst(%arg6 : memref<1024xi32, #tpu.memory_space<vmem>>)
        tpu.yield
      }) : () -> ()
      %dma_start3A_105 = arith.constant 0 : i32
      %dma_start3A_106 = tpu.memref_slice %arg4[%dma_start3A_105] : memref<100096xf32, #tpu.memory_space<vmem_shared>> -> memref<100096xf32, #tpu.memory_space<vmem_shared>>
      tpu.enqueue_indirect_dma source(%arg8 : memref<1024xf32, #tpu.memory_space<vmem>>) target(%dma_start3A_106 : memref<100096xf32, #tpu.memory_space<vmem_shared>>) offsets(%arg6 : memref<1024xi32, #tpu.memory_space<vmem>>) semaphore(%arg11 : memref<!tpu.dma_semaphore, #tpu.memory_space<semaphore_mem>>) {add = true}
    }
    %scan3A_30 = arith.constant 47 : i32
    %dma_wait3A = arith.constant 0 : i32
    %dma_wait3A_31 = tpu.memref_slice %arg9[%dma_wait3A] : memref<6256xf32, #tpu.memory_space<vmem>> -> memref<1024xf32, #tpu.memory_space<vmem>>
    %dma_wait3A_32 = arith.constant 0 : i32
    %dma_wait3A_33 = tpu.memref_slice %arg3[%dma_wait3A_32] : memref<200192xf32, #tpu.memory_space<hbm>> -> memref<1024xf32, #tpu.memory_space<hbm>>
    %dma_wait3A_34 = arith.constant 0 : i32
    %dma_wait3A_35 = tpu.memref_slice %arg9[%dma_wait3A_34] : memref<6256xf32, #tpu.memory_space<vmem>> -> memref<1024xf32, #tpu.memory_space<vmem>>
    %dma_wait3A_36 = arith.constant 0 : i32
    %dma_wait3A_37 = tpu.memref_slice %arg3[%dma_wait3A_36] : memref<200192xf32, #tpu.memory_space<hbm>> -> memref<1024xf32, #tpu.memory_space<hbm>>
    tpu.wait_dma2 semaphore(%arg10 : memref<!tpu.dma_semaphore, #tpu.memory_space<semaphore_mem>>) src(%dma_wait3A_37 : memref<1024xf32, #tpu.memory_space<hbm>>) dst(%dma_wait3A_35 : memref<1024xf32, #tpu.memory_space<vmem>>)
    %add3A_38 = arith.constant 98304 : i32
    %add3A_39 = arith.addi %mul3A_6, %add3A_38 : i32
    %run_scoped3A_40 = arith.constant 1 : i32
    "tpu.region"() ({
      %run_scoped3A_70 = tpu.sem_alloc : memref<!tpu.dma_semaphore, #tpu.memory_space<semaphore_mem>>
      %dma_start3A_71 = tpu.memref_slice %arg2[%run_scoped3A_40, %add3A_39] : memref<2x3200000xi32, #tpu.memory_space<hbm>> -> memref<1x1024xi32, #tpu.memory_space<hbm>>
      %dma_start3A_72 = tpu.memref_squeeze %dma_start3A_71 : memref<1x1024xi32, #tpu.memory_space<hbm>> -> memref<1024xi32, #tpu.memory_space<hbm>>
      %dma_start3A_73 = tpu.memref_slice %arg2[%run_scoped3A_40, %add3A_39] : memref<2x3200000xi32, #tpu.memory_space<hbm>> -> memref<1x1024xi32, #tpu.memory_space<hbm>>
      %dma_start3A_74 = tpu.memref_squeeze %dma_start3A_73 : memref<1x1024xi32, #tpu.memory_space<hbm>> -> memref<1024xi32, #tpu.memory_space<hbm>>
      tpu.enqueue_dma source(%dma_start3A_74 : memref<1024xi32, #tpu.memory_space<hbm>>) target(%arg5 : memref<1024xi32, #tpu.memory_space<vmem>>) target_semaphore(%run_scoped3A_70 : memref<!tpu.dma_semaphore, #tpu.memory_space<semaphore_mem>>)
      %dma_wait3A_75 = tpu.memref_slice %arg2[%run_scoped3A_40, %add3A_39] : memref<2x3200000xi32, #tpu.memory_space<hbm>> -> memref<1x1024xi32, #tpu.memory_space<hbm>>
      %dma_wait3A_76 = tpu.memref_squeeze %dma_wait3A_75 : memref<1x1024xi32, #tpu.memory_space<hbm>> -> memref<1024xi32, #tpu.memory_space<hbm>>
      %dma_wait3A_77 = tpu.memref_slice %arg2[%run_scoped3A_40, %add3A_39] : memref<2x3200000xi32, #tpu.memory_space<hbm>> -> memref<1x1024xi32, #tpu.memory_space<hbm>>
      %dma_wait3A_78 = tpu.memref_squeeze %dma_wait3A_77 : memref<1x1024xi32, #tpu.memory_space<hbm>> -> memref<1024xi32, #tpu.memory_space<hbm>>
      tpu.wait_dma2 semaphore(%run_scoped3A_70 : memref<!tpu.dma_semaphore, #tpu.memory_space<semaphore_mem>>) src(%dma_wait3A_78 : memref<1024xi32, #tpu.memory_space<hbm>>) dst(%arg5 : memref<1024xi32, #tpu.memory_space<vmem>>)
      tpu.yield
    }) : () -> ()
    %dma_start3A_41 = arith.constant 0 : i32
    %dma_start3A_42 = tpu.memref_slice %arg4[%dma_start3A_41] : memref<100096xf32, #tpu.memory_space<vmem_shared>> -> memref<100096xf32, #tpu.memory_space<vmem_shared>>
    tpu.enqueue_indirect_dma source(%arg8 : memref<1024xf32, #tpu.memory_space<vmem>>) target(%dma_start3A_42 : memref<100096xf32, #tpu.memory_space<vmem_shared>>) offsets(%arg5 : memref<1024xi32, #tpu.memory_space<vmem>>) semaphore(%arg10 : memref<!tpu.dma_semaphore, #tpu.memory_space<semaphore_mem>>) {add = true}
    %dma_wait3A_43 = arith.constant 0 : i32
    %dma_wait3A_44 = tpu.memref_slice %arg9[%dma_wait3A_43] : memref<6256xf32, #tpu.memory_space<vmem>> -> memref<1024xf32, #tpu.memory_space<vmem>>
    %dma_wait3A_45 = arith.constant 0 : i32
    %dma_wait3A_46 = tpu.memref_slice %arg3[%dma_wait3A_45] : memref<200192xf32, #tpu.memory_space<hbm>> -> memref<1024xf32, #tpu.memory_space<hbm>>
    %dma_wait3A_47 = arith.constant 0 : i32
    %dma_wait3A_48 = tpu.memref_slice %arg9[%dma_wait3A_47] : memref<6256xf32, #tpu.memory_space<vmem>> -> memref<1024xf32, #tpu.memory_space<vmem>>
    %dma_wait3A_49 = arith.constant 0 : i32
    %dma_wait3A_50 = tpu.memref_slice %arg3[%dma_wait3A_49] : memref<200192xf32, #tpu.memory_space<hbm>> -> memref<1024xf32, #tpu.memory_space<hbm>>
    tpu.wait_dma2 semaphore(%arg10 : memref<!tpu.dma_semaphore, #tpu.memory_space<semaphore_mem>>) src(%dma_wait3A_50 : memref<1024xf32, #tpu.memory_space<hbm>>) dst(%dma_wait3A_48 : memref<1024xf32, #tpu.memory_space<vmem>>)
    %dma_wait3A_51 = arith.constant 0 : i32
    %dma_wait3A_52 = tpu.memref_slice %arg9[%dma_wait3A_51] : memref<6256xf32, #tpu.memory_space<vmem>> -> memref<1024xf32, #tpu.memory_space<vmem>>
    %dma_wait3A_53 = arith.constant 0 : i32
    %dma_wait3A_54 = tpu.memref_slice %arg3[%dma_wait3A_53] : memref<200192xf32, #tpu.memory_space<hbm>> -> memref<1024xf32, #tpu.memory_space<hbm>>
    %dma_wait3A_55 = arith.constant 0 : i32
    %dma_wait3A_56 = tpu.memref_slice %arg9[%dma_wait3A_55] : memref<6256xf32, #tpu.memory_space<vmem>> -> memref<1024xf32, #tpu.memory_space<vmem>>
    %dma_wait3A_57 = arith.constant 0 : i32
    %dma_wait3A_58 = tpu.memref_slice %arg3[%dma_wait3A_57] : memref<200192xf32, #tpu.memory_space<hbm>> -> memref<1024xf32, #tpu.memory_space<hbm>>
    tpu.wait_dma2 semaphore(%arg11 : memref<!tpu.dma_semaphore, #tpu.memory_space<semaphore_mem>>) src(%dma_wait3A_58 : memref<1024xf32, #tpu.memory_space<hbm>>) dst(%dma_wait3A_56 : memref<1024xf32, #tpu.memory_space<vmem>>)
    %scan3A_59 = arith.constant 0 : i32
    %scan3A_60 = arith.constant 5 : i32
    %scan3A_61 = arith.addi %scan3A_59, %scan3A_60 : i32
    %scan3A_62 = arith.constant 1 : i32
    scf.for %scan3A_70 = %scan3A_59 to %scan3A_61 step %scan3A_62  : i32 {
      %mul3A_71 = arith.constant 1 : i32
      %mul3A_72 = arith.muli %scan3A_70, %mul3A_71 : i32
      %add3A_73 = arith.constant 776 : i32
      %add3A_74 = arith.addi %add3A_73, %mul3A_72 : i32
      %jit3A = arith.constant 128 : i32
      %div3A = arith.divsi %mul3A_6, %jit3A : i32
      %sign3A = arith.constant 0 : i32
      %sign3A_75 = arith.cmpi sgt, %mul3A_6, %sign3A : i32
      %sign3A_76 = arith.extui %sign3A_75 : i1 to i32
      %sign3A_77 = arith.constant 0 : i32
      %sign3A_78 = arith.cmpi slt, %mul3A_6, %sign3A_77 : i32
      %sign3A_79 = arith.extui %sign3A_78 : i1 to i32
      %sign3A_80 = arith.subi %sign3A_76, %sign3A_79 : i32
      %sign3A_81 = arith.constant 0 : i32
      %sign3A_82 = arith.cmpi sgt, %jit3A, %sign3A_81 : i32
      %sign3A_83 = arith.extui %sign3A_82 : i1 to i32
      %sign3A_84 = arith.constant 0 : i32
      %sign3A_85 = arith.cmpi slt, %jit3A, %sign3A_84 : i32
      %sign3A_86 = arith.extui %sign3A_85 : i1 to i32
      %sign3A_87 = arith.subi %sign3A_83, %sign3A_86 : i32
      %ne3A = arith.cmpi ne, %sign3A_80, %sign3A_87 : i32
      %rem3A = arith.remsi %mul3A_6, %jit3A : i32
      %ne3A_88 = arith.constant 0 : i32
      %ne3A_89 = arith.cmpi ne, %rem3A, %ne3A_88 : i32
      %and3A = arith.andi %ne3A, %ne3A_89 : i1
      %sub3A = arith.constant 1 : i32
      %sub3A_90 = arith.subi %div3A, %sub3A : i32
      %select_n3A = arith.select %and3A, %sub3A_90, %div3A : i32
      %add3A_91 = arith.addi %select_n3A, %add3A_74 : i32
      %mul3A_92 = arith.constant 128 : i32
      %mul3A_93 = arith.muli %add3A_91, %mul3A_92 : i32
      %run_scoped3A_94 = arith.constant 1 : i32
      "tpu.region"() ({
        %run_scoped3A_95 = tpu.sem_alloc : memref<!tpu.dma_semaphore, #tpu.memory_space<semaphore_mem>>
        %dma_start3A_96 = tpu.memref_slice %arg2[%run_scoped3A_94, %mul3A_93] : memref<2x3200000xi32, #tpu.memory_space<hbm>> -> memref<1x128xi32, #tpu.memory_space<hbm>>
        %dma_start3A_97 = tpu.memref_squeeze %dma_start3A_96 : memref<1x128xi32, #tpu.memory_space<hbm>> -> memref<128xi32, #tpu.memory_space<hbm>>
        %dma_start3A_98 = tpu.memref_slice %arg2[%run_scoped3A_94, %mul3A_93] : memref<2x3200000xi32, #tpu.memory_space<hbm>> -> memref<1x128xi32, #tpu.memory_space<hbm>>
        %dma_start3A_99 = tpu.memref_squeeze %dma_start3A_98 : memref<1x128xi32, #tpu.memory_space<hbm>> -> memref<128xi32, #tpu.memory_space<hbm>>
        tpu.enqueue_dma source(%dma_start3A_99 : memref<128xi32, #tpu.memory_space<hbm>>) target(%arg7 : memref<128xi32, #tpu.memory_space<vmem>>) target_semaphore(%run_scoped3A_95 : memref<!tpu.dma_semaphore, #tpu.memory_space<semaphore_mem>>)
        %dma_wait3A_100 = tpu.memref_slice %arg2[%run_scoped3A_94, %mul3A_93] : memref<2x3200000xi32, #tpu.memory_space<hbm>> -> memref<1x128xi32, #tpu.memory_space<hbm>>
        %dma_wait3A_101 = tpu.memref_squeeze %dma_wait3A_100 : memref<1x128xi32, #tpu.memory_space<hbm>> -> memref<128xi32, #tpu.memory_space<hbm>>
        %dma_wait3A_102 = tpu.memref_slice %arg2[%run_scoped3A_94, %mul3A_93] : memref<2x3200000xi32, #tpu.memory_space<hbm>> -> memref<1x128xi32, #tpu.memory_space<hbm>>
        %dma_wait3A_103 = tpu.memref_squeeze %dma_wait3A_102 : memref<1x128xi32, #tpu.memory_space<hbm>> -> memref<128xi32, #tpu.memory_space<hbm>>
        tpu.wait_dma2 semaphore(%run_scoped3A_95 : memref<!tpu.dma_semaphore, #tpu.memory_space<semaphore_mem>>) src(%dma_wait3A_103 : memref<128xi32, #tpu.memory_space<hbm>>) dst(%arg7 : memref<128xi32, #tpu.memory_space<vmem>>)
        tpu.yield
      }) : () -> ()
      "tpu.region"() ({
        %run_scoped3A_95 = tpu.sem_alloc : memref<!tpu.dma_semaphore, #tpu.memory_space<semaphore_mem>>
        %dma_start3A_96 = arith.constant 0 : i32
        %dma_start3A_97 = tpu.memref_slice %arg8[%dma_start3A_96] : memref<1024xf32, #tpu.memory_space<vmem>> -> memref<128xf32, #tpu.memory_space<vmem>>
        %dma_start3A_98 = arith.constant 0 : i32
        %dma_start3A_99 = tpu.memref_slice %arg4[%dma_start3A_98] : memref<100096xf32, #tpu.memory_space<vmem_shared>> -> memref<100096xf32, #tpu.memory_space<vmem_shared>>
        tpu.enqueue_indirect_dma source(%dma_start3A_97 : memref<128xf32, #tpu.memory_space<vmem>>) target(%dma_start3A_99 : memref<100096xf32, #tpu.memory_space<vmem_shared>>) offsets(%arg7 : memref<128xi32, #tpu.memory_space<vmem>>) semaphore(%run_scoped3A_95 : memref<!tpu.dma_semaphore, #tpu.memory_space<semaphore_mem>>) {add = true}
        %dma_wait3A_100 = arith.constant 0 : i32
        %dma_wait3A_101 = tpu.memref_slice %arg8[%dma_wait3A_100] : memref<1024xf32, #tpu.memory_space<vmem>> -> memref<128xf32, #tpu.memory_space<vmem>>
        %dma_wait3A_102 = arith.constant 0 : i32
        %dma_wait3A_103 = tpu.memref_slice %arg4[%dma_wait3A_102] : memref<100096xf32, #tpu.memory_space<vmem_shared>> -> memref<100096xf32, #tpu.memory_space<vmem_shared>>
        tpu.wait_indirect_dma semaphore(%run_scoped3A_95 : memref<!tpu.dma_semaphore, #tpu.memory_space<semaphore_mem>>) src(%dma_wait3A_101 : memref<128xf32, #tpu.memory_space<vmem>>) dst(%dma_wait3A_103 : memref<100096xf32, #tpu.memory_space<vmem_shared>>)
        tpu.yield
      }) : () -> ()
    }
    %scan3A_63 = arith.constant 5 : i32
    %lt3A = arith.constant 8 : i32
    %lt3A_64 = arith.cmpi slt, %add3A, %lt3A : i32
    %convert_element_type3A = arith.extui %lt3A_64 : i1 to i32
    %cond3A = arith.constant 0 : i32
    %cond3A_65 = arith.cmpi ne, %convert_element_type3A, %cond3A : i32
    scf.if %cond3A_65 {
      %jit3A = arith.constant 128 : i32
      %div3A = arith.divsi %mul3A_6, %jit3A : i32
      %sign3A = arith.constant 0 : i32
      %sign3A_70 = arith.cmpi sgt, %mul3A_6, %sign3A : i32
      %sign3A_71 = arith.extui %sign3A_70 : i1 to i32
      %sign3A_72 = arith.constant 0 : i32
      %sign3A_73 = arith.cmpi slt, %mul3A_6, %sign3A_72 : i32
      %sign3A_74 = arith.extui %sign3A_73 : i1 to i32
      %sign3A_75 = arith.subi %sign3A_71, %sign3A_74 : i32
      %sign3A_76 = arith.constant 0 : i32
      %sign3A_77 = arith.cmpi sgt, %jit3A, %sign3A_76 : i32
      %sign3A_78 = arith.extui %sign3A_77 : i1 to i32
      %sign3A_79 = arith.constant 0 : i32
      %sign3A_80 = arith.cmpi slt, %jit3A, %sign3A_79 : i32
      %sign3A_81 = arith.extui %sign3A_80 : i1 to i32
      %sign3A_82 = arith.subi %sign3A_78, %sign3A_81 : i32
      %ne3A = arith.cmpi ne, %sign3A_75, %sign3A_82 : i32
      %rem3A = arith.remsi %mul3A_6, %jit3A : i32
      %ne3A_83 = arith.constant 0 : i32
      %ne3A_84 = arith.cmpi ne, %rem3A, %ne3A_83 : i32
      %and3A = arith.andi %ne3A, %ne3A_84 : i1
      %sub3A = arith.constant 1 : i32
      %sub3A_85 = arith.subi %div3A, %sub3A : i32
      %select_n3A = arith.select %and3A, %sub3A_85, %div3A : i32
      %add3A_86 = arith.constant 781 : i32
      %add3A_87 = arith.addi %select_n3A, %add3A_86 : i32
      %mul3A_88 = arith.constant 128 : i32
      %mul3A_89 = arith.muli %add3A_87, %mul3A_88 : i32
      %run_scoped3A_90 = arith.constant 1 : i32
      "tpu.region"() ({
        %run_scoped3A_91 = tpu.sem_alloc : memref<!tpu.dma_semaphore, #tpu.memory_space<semaphore_mem>>
        %dma_start3A_92 = tpu.memref_slice %arg2[%run_scoped3A_90, %mul3A_89] : memref<2x3200000xi32, #tpu.memory_space<hbm>> -> memref<1x128xi32, #tpu.memory_space<hbm>>
        %dma_start3A_93 = tpu.memref_squeeze %dma_start3A_92 : memref<1x128xi32, #tpu.memory_space<hbm>> -> memref<128xi32, #tpu.memory_space<hbm>>
        %dma_start3A_94 = tpu.memref_slice %arg2[%run_scoped3A_90, %mul3A_89] : memref<2x3200000xi32, #tpu.memory_space<hbm>> -> memref<1x128xi32, #tpu.memory_space<hbm>>
        %dma_start3A_95 = tpu.memref_squeeze %dma_start3A_94 : memref<1x128xi32, #tpu.memory_space<hbm>> -> memref<128xi32, #tpu.memory_space<hbm>>
        tpu.enqueue_dma source(%dma_start3A_95 : memref<128xi32, #tpu.memory_space<hbm>>) target(%arg7 : memref<128xi32, #tpu.memory_space<vmem>>) target_semaphore(%run_scoped3A_91 : memref<!tpu.dma_semaphore, #tpu.memory_space<semaphore_mem>>)
        %dma_wait3A_96 = tpu.memref_slice %arg2[%run_scoped3A_90, %mul3A_89] : memref<2x3200000xi32, #tpu.memory_space<hbm>> -> memref<1x128xi32, #tpu.memory_space<hbm>>
        %dma_wait3A_97 = tpu.memref_squeeze %dma_wait3A_96 : memref<1x128xi32, #tpu.memory_space<hbm>> -> memref<128xi32, #tpu.memory_space<hbm>>
        %dma_wait3A_98 = tpu.memref_slice %arg2[%run_scoped3A_90, %mul3A_89] : memref<2x3200000xi32, #tpu.memory_space<hbm>> -> memref<1x128xi32, #tpu.memory_space<hbm>>
        %dma_wait3A_99 = tpu.memref_squeeze %dma_wait3A_98 : memref<1x128xi32, #tpu.memory_space<hbm>> -> memref<128xi32, #tpu.memory_space<hbm>>
        tpu.wait_dma2 semaphore(%run_scoped3A_91 : memref<!tpu.dma_semaphore, #tpu.memory_space<semaphore_mem>>) src(%dma_wait3A_99 : memref<128xi32, #tpu.memory_space<hbm>>) dst(%arg7 : memref<128xi32, #tpu.memory_space<vmem>>)
        tpu.yield
      }) : () -> ()
      "tpu.region"() ({
        %run_scoped3A_91 = tpu.sem_alloc : memref<!tpu.dma_semaphore, #tpu.memory_space<semaphore_mem>>
        %dma_start3A_92 = arith.constant 0 : i32
        %dma_start3A_93 = tpu.memref_slice %arg8[%dma_start3A_92] : memref<1024xf32, #tpu.memory_space<vmem>> -> memref<128xf32, #tpu.memory_space<vmem>>
        %dma_start3A_94 = arith.constant 0 : i32
        %dma_start3A_95 = tpu.memref_slice %arg4[%dma_start3A_94] : memref<100096xf32, #tpu.memory_space<vmem_shared>> -> memref<100096xf32, #tpu.memory_space<vmem_shared>>
        tpu.enqueue_indirect_dma source(%dma_start3A_93 : memref<128xf32, #tpu.memory_space<vmem>>) target(%dma_start3A_95 : memref<100096xf32, #tpu.memory_space<vmem_shared>>) offsets(%arg7 : memref<128xi32, #tpu.memory_space<vmem>>) semaphore(%run_scoped3A_91 : memref<!tpu.dma_semaphore, #tpu.memory_space<semaphore_mem>>) {add = true}
        %dma_wait3A_96 = arith.constant 0 : i32
        %dma_wait3A_97 = tpu.memref_slice %arg8[%dma_wait3A_96] : memref<1024xf32, #tpu.memory_space<vmem>> -> memref<128xf32, #tpu.memory_space<vmem>>
        %dma_wait3A_98 = arith.constant 0 : i32
        %dma_wait3A_99 = tpu.memref_slice %arg4[%dma_wait3A_98] : memref<100096xf32, #tpu.memory_space<vmem_shared>> -> memref<100096xf32, #tpu.memory_space<vmem_shared>>
        tpu.wait_indirect_dma semaphore(%run_scoped3A_91 : memref<!tpu.dma_semaphore, #tpu.memory_space<semaphore_mem>>) src(%dma_wait3A_97 : memref<128xf32, #tpu.memory_space<vmem>>) dst(%dma_wait3A_99 : memref<100096xf32, #tpu.memory_space<vmem_shared>>)
        tpu.yield
      }) : () -> ()
    } else {
    }
    %barrier3A_66 = arith.constant 0 : index
    tpu.barrier barrier_id(%barrier3A_66)
    "tpu.region"() ({
      %run_scoped3A_70 = tpu.sem_alloc : memref<!tpu.dma_semaphore, #tpu.memory_space<semaphore_mem>>
      %dma_start3A_71 = tpu.memref_slice %arg4[%mul3A_17] : memref<100096xf32, #tpu.memory_space<vmem_shared>> -> memref<6256xf32, #tpu.memory_space<vmem_shared>>
      %dma_start3A_72 = tpu.memref_slice %arg4[%mul3A_17] : memref<100096xf32, #tpu.memory_space<vmem_shared>> -> memref<6256xf32, #tpu.memory_space<vmem_shared>>
      tpu.enqueue_dma source(%dma_start3A_72 : memref<6256xf32, #tpu.memory_space<vmem_shared>>) target(%arg9 : memref<6256xf32, #tpu.memory_space<vmem>>) target_semaphore(%run_scoped3A_70 : memref<!tpu.dma_semaphore, #tpu.memory_space<semaphore_mem>>)
      %dma_wait3A_73 = tpu.memref_slice %arg4[%mul3A_17] : memref<100096xf32, #tpu.memory_space<vmem_shared>> -> memref<6256xf32, #tpu.memory_space<vmem_shared>>
      %dma_wait3A_74 = tpu.memref_slice %arg4[%mul3A_17] : memref<100096xf32, #tpu.memory_space<vmem_shared>> -> memref<6256xf32, #tpu.memory_space<vmem_shared>>
      tpu.wait_dma2 semaphore(%run_scoped3A_70 : memref<!tpu.dma_semaphore, #tpu.memory_space<semaphore_mem>>) src(%dma_wait3A_74 : memref<6256xf32, #tpu.memory_space<vmem_shared>>) dst(%arg9 : memref<6256xf32, #tpu.memory_space<vmem>>)
      tpu.yield
    }) : () -> ()
    %mul3A_67 = arith.constant 100096 : i32
    %mul3A_68 = arith.muli %arg0, %mul3A_67 : i32
    %add3A_69 = arith.addi %mul3A_68, %mul3A_17 : i32
    "tpu.region"() ({
      %run_scoped3A_70 = tpu.sem_alloc : memref<!tpu.dma_semaphore, #tpu.memory_space<semaphore_mem>>
      %dma_start3A_71 = tpu.memref_slice %arg3[%add3A_69] : memref<200192xf32, #tpu.memory_space<hbm>> -> memref<6256xf32, #tpu.memory_space<hbm>>
      %dma_start3A_72 = tpu.memref_slice %arg3[%add3A_69] : memref<200192xf32, #tpu.memory_space<hbm>> -> memref<6256xf32, #tpu.memory_space<hbm>>
      tpu.enqueue_dma source(%arg9 : memref<6256xf32, #tpu.memory_space<vmem>>) target(%dma_start3A_72 : memref<6256xf32, #tpu.memory_space<hbm>>) target_semaphore(%run_scoped3A_70 : memref<!tpu.dma_semaphore, #tpu.memory_space<semaphore_mem>>)
      %dma_wait3A_73 = tpu.memref_slice %arg3[%add3A_69] : memref<200192xf32, #tpu.memory_space<hbm>> -> memref<6256xf32, #tpu.memory_space<hbm>>
      %dma_wait3A_74 = tpu.memref_slice %arg3[%add3A_69] : memref<200192xf32, #tpu.memory_space<hbm>> -> memref<6256xf32, #tpu.memory_space<hbm>>
      tpu.wait_dma2 semaphore(%run_scoped3A_70 : memref<!tpu.dma_semaphore, #tpu.memory_space<semaphore_mem>>) src(%arg9 : memref<6256xf32, #tpu.memory_space<vmem>>) dst(%dma_wait3A_74 : memref<6256xf32, #tpu.memory_space<hbm>>)
      tpu.yield
    }) : () -> ()
    return
  }
}

#map = affine_map<(d0, d1) -> (0, 0)>
#map1 = affine_map<(d0, d1) -> (0, 0, 0)>
module attributes {stable_mosaic.version = 14 : i64} {
  func.func @_sc_scatter(%arg0: i32, %arg1: i32, %arg2: memref<2x3200000xi32, #tpu.memory_space<hbm>>, %arg3: memref<100000x16xf32, #tpu.memory_space<hbm>>, %arg4: memref<2x100000x16xf32, #tpu.memory_space<hbm>>, %arg5: memref<100000x16xf32, #tpu.memory_space<vmem_shared>>, %arg6: memref<384xi32, #tpu.memory_space<vmem>>, %arg7: memref<384xi32, #tpu.memory_space<vmem>>, %arg8: memref<384xi32, #tpu.memory_space<vmem>>, %arg9: memref<384xi32, #tpu.memory_space<vmem>>, %arg10: memref<384xi32, #tpu.memory_space<vmem>>, %arg11: memref<384xi32, #tpu.memory_space<vmem>>, %arg12: memref<384xi32, #tpu.memory_space<vmem>>, %arg13: memref<384xi32, #tpu.memory_space<vmem>>, %arg14: memref<384x16xf32, #tpu.memory_space<vmem>>, %arg15: memref<384x16xf32, #tpu.memory_space<vmem>>, %arg16: memref<384x16xf32, #tpu.memory_space<vmem>>, %arg17: memref<384x16xf32, #tpu.memory_space<vmem>>, %arg18: memref<128xi32, #tpu.memory_space<vmem>>, %arg19: memref<128xi32, #tpu.memory_space<vmem>>, %arg20: memref<!tpu.dma_semaphore, #tpu.memory_space<semaphore_mem>>, %arg21: memref<!tpu.dma_semaphore, #tpu.memory_space<semaphore_mem>>, %arg22: memref<!tpu.dma_semaphore, #tpu.memory_space<semaphore_mem>>, %arg23: memref<!tpu.dma_semaphore, #tpu.memory_space<semaphore_mem>>, %arg24: memref<!tpu.dma_semaphore, #tpu.memory_space<semaphore_mem>>, %arg25: memref<!tpu.dma_semaphore, #tpu.memory_space<semaphore_mem>>, %arg26: memref<!tpu.dma_semaphore, #tpu.memory_space<semaphore_mem>>, %arg27: memref<!tpu.dma_semaphore, #tpu.memory_space<semaphore_mem>>, %arg28: memref<!tpu.dma_semaphore, #tpu.memory_space<semaphore_mem>>, %arg29: memref<!tpu.dma_semaphore, #tpu.memory_space<semaphore_mem>>, %arg30: memref<!tpu.dma_semaphore, #tpu.memory_space<semaphore_mem>>, %arg31: memref<!tpu.dma_semaphore, #tpu.memory_space<semaphore_mem>>) attributes {dimension_semantics = [#tpu.dimension_semantics<core_parallel>, #tpu.dimension_semantics<subcore_parallel>], iteration_bounds = array<i64: 2, 16>, scalar_prefetch = 0 : i64, scratch_operands = 27 : i64, tpu.core_type = #tpu.core_type<sc_vector_subcore>, window_params = [{transform_indices = #map}, {transform_indices = #map}, {transform_indices = #map1}]} {
    %mul3A = arith.constant 16 : i32
    %mul3A_0 = arith.muli %arg0, %mul3A : i32
    %add3A = arith.addi %mul3A_0, %arg1 : i32
    %mul3A_1 = arith.constant 781 : i32
    %mul3A_2 = arith.muli %mul3A_1, %add3A : i32
    %min3A = arith.constant 8 : i32
    %min3A_3 = arith.minsi %add3A, %min3A : i32
    %add3A_4 = arith.addi %mul3A_2, %min3A_3 : i32
    %mul3A_5 = arith.constant 128 : i32
    %mul3A_6 = arith.muli %add3A_4, %mul3A_5 : i32
    %scan3A = arith.constant 0 : i32
    %scan3A_7 = arith.constant 250 : i32
    %scan3A_8 = arith.addi %scan3A, %scan3A_7 : i32
    %scan3A_9 = arith.constant 1 : i32
    scf.for %scan3A_400 = %scan3A to %scan3A_8 step %scan3A_9  : i32 {
      %mul3A_401 = arith.constant 1 : i32
      %mul3A_402 = arith.muli %scan3A_400, %mul3A_401 : i32
      %add3A_403 = arith.constant 0 : i32
      %add3A_404 = arith.addi %add3A_403, %mul3A_402 : i32
      %broadcast_in_dim3A = arith.constant 0.000000e+00 : f32
      %broadcast_in_dim3A_405 = vector.broadcast %broadcast_in_dim3A : f32 to vector<16xf32>
      %swap3A = arith.index_cast %add3A_404 : i32 to index
      %swap3A_406 = arith.constant 0 : index
      %swap3A_407 = tpu.vector_load %arg14[%swap3A, %swap3A_406] {strides = array<i32>} : memref<384x16xf32, #tpu.memory_space<vmem>>, vector<1x16xf32>,
      %swap3A_408 = vector.shape_cast %swap3A_407 : vector<1x16xf32> to vector<16xf32>
      %swap3A_409 = vector.shape_cast %broadcast_in_dim3A_405 : vector<16xf32> to vector<1x16xf32>
      tpu.vector_store %arg14[%swap3A, %swap3A_406], %swap3A_409 {strides = array<i32>} : memref<384x16xf32, #tpu.memory_space<vmem>>, vector<1x16xf32>,
    }
    %scan3A_10 = arith.constant 250 : i32
    %mul3A_11 = arith.constant 6250 : i32
    %mul3A_12 = arith.muli %arg1, %mul3A_11 : i32
    %scan3A_13 = arith.constant 0 : i32
    %scan3A_14 = arith.constant 25 : i32
    %scan3A_15 = arith.addi %scan3A_13, %scan3A_14 : i32
    %scan3A_16 = arith.constant 1 : i32
    scf.for %scan3A_400 = %scan3A_13 to %scan3A_15 step %scan3A_16  : i32 {
      %mul3A_401 = arith.constant 1 : i32
      %mul3A_402 = arith.muli %scan3A_400, %mul3A_401 : i32
      %add3A_403 = arith.constant 0 : i32
      %add3A_404 = arith.addi %add3A_403, %mul3A_402 : i32
      %mul3A_405 = arith.constant 250 : i32
      %mul3A_406 = arith.muli %add3A_404, %mul3A_405 : i32
      %add3A_407 = arith.addi %mul3A_12, %mul3A_406 : i32
      "tpu.region"() ({
        %run_scoped3A_408 = tpu.sem_alloc : memref<!tpu.dma_semaphore, #tpu.memory_space<semaphore_mem>>
        %dma_start3A_409 = arith.constant 0 : i32
        %dma_start3A_410 = arith.constant 0 : i32
        %dma_start3A_411 = tpu.memref_slice %arg14[%dma_start3A_409, %dma_start3A_410] : memref<384x16xf32, #tpu.memory_space<vmem>> -> memref<250x16xf32, #tpu.memory_space<vmem>>
        %dma_start3A_412 = arith.constant 0 : i32
        %dma_start3A_413 = tpu.memref_slice %arg5[%add3A_407, %dma_start3A_412] : memref<100000x16xf32, #tpu.memory_space<vmem_shared>> -> memref<250x16xf32, #tpu.memory_space<vmem_shared>>
        %dma_start3A_414 = arith.constant 0 : i32
        %dma_start3A_415 = tpu.memref_slice %arg5[%add3A_407, %dma_start3A_414] : memref<100000x16xf32, #tpu.memory_space<vmem_shared>> -> memref<250x16xf32, #tpu.memory_space<vmem_shared>>
        %dma_start3A_416 = arith.constant 0 : i32
        %dma_start3A_417 = arith.constant 0 : i32
        %dma_start3A_418 = tpu.memref_slice %arg14[%dma_start3A_416, %dma_start3A_417] : memref<384x16xf32, #tpu.memory_space<vmem>> -> memref<250x16xf32, #tpu.memory_space<vmem>>
        tpu.enqueue_dma source(%dma_start3A_418 : memref<250x16xf32, #tpu.memory_space<vmem>>) target(%dma_start3A_415 : memref<250x16xf32, #tpu.memory_space<vmem_shared>>) target_semaphore(%run_scoped3A_408 : memref<!tpu.dma_semaphore, #tpu.memory_space<semaphore_mem>>)
        %dma_wait3A_419 = arith.constant 0 : i32
        %dma_wait3A_420 = arith.constant 0 : i32
        %dma_wait3A_421 = tpu.memref_slice %arg14[%dma_wait3A_419, %dma_wait3A_420] : memref<384x16xf32, #tpu.memory_space<vmem>> -> memref<250x16xf32, #tpu.memory_space<vmem>>
        %dma_wait3A_422 = arith.constant 0 : i32
        %dma_wait3A_423 = tpu.memref_slice %arg5[%add3A_407, %dma_wait3A_422] : memref<100000x16xf32, #tpu.memory_space<vmem_shared>> -> memref<250x16xf32, #tpu.memory_space<vmem_shared>>
        %dma_wait3A_424 = arith.constant 0 : i32
        %dma_wait3A_425 = tpu.memref_slice %arg5[%add3A_407, %dma_wait3A_424] : memref<100000x16xf32, #tpu.memory_space<vmem_shared>> -> memref<250x16xf32, #tpu.memory_space<vmem_shared>>
        %dma_wait3A_426 = arith.constant 0 : i32
        %dma_wait3A_427 = arith.constant 0 : i32
        %dma_wait3A_428 = tpu.memref_slice %arg14[%dma_wait3A_426, %dma_wait3A_427] : memref<384x16xf32, #tpu.memory_space<vmem>> -> memref<250x16xf32, #tpu.memory_space<vmem>>
        tpu.wait_dma2 semaphore(%run_scoped3A_408 : memref<!tpu.dma_semaphore, #tpu.memory_space<semaphore_mem>>) src(%dma_wait3A_428 : memref<250x16xf32, #tpu.memory_space<vmem>>) dst(%dma_wait3A_425 : memref<250x16xf32, #tpu.memory_space<vmem_shared>>)
        tpu.yield
      }) : () -> ()
    }
    %scan3A_17 = arith.constant 25 : i32
    %barrier3A = arith.constant 0 : index
    tpu.barrier barrier_id(%barrier3A)
    %add3A_18 = arith.constant 0 : i32
    %add3A_19 = arith.addi %mul3A_6, %add3A_18 : i32
    %dma_start3A = arith.constant 0 : i32
    %dma_start3A_20 = tpu.memref_slice %arg2[%dma_start3A, %add3A_19] : memref<2x3200000xi32, #tpu.memory_space<hbm>> -> memref<1x384xi32, #tpu.memory_space<hbm>>
    %dma_start3A_21 = tpu.memref_squeeze %dma_start3A_20 : memref<1x384xi32, #tpu.memory_space<hbm>> -> memref<384xi32, #tpu.memory_space<hbm>>
    %dma_start3A_22 = tpu.memref_slice %arg2[%dma_start3A, %add3A_19] : memref<2x3200000xi32, #tpu.memory_space<hbm>> -> memref<1x384xi32, #tpu.memory_space<hbm>>
    %dma_start3A_23 = tpu.memref_squeeze %dma_start3A_22 : memref<1x384xi32, #tpu.memory_space<hbm>> -> memref<384xi32, #tpu.memory_space<hbm>>
    tpu.enqueue_dma source(%dma_start3A_23 : memref<384xi32, #tpu.memory_space<hbm>>) target(%arg6 : memref<384xi32, #tpu.memory_space<vmem>>) target_semaphore(%arg20 : memref<!tpu.dma_semaphore, #tpu.memory_space<semaphore_mem>>)
    %dma_start3A_24 = arith.constant 1 : i32
    %dma_start3A_25 = tpu.memref_slice %arg2[%dma_start3A_24, %add3A_19] : memref<2x3200000xi32, #tpu.memory_space<hbm>> -> memref<1x384xi32, #tpu.memory_space<hbm>>
    %dma_start3A_26 = tpu.memref_squeeze %dma_start3A_25 : memref<1x384xi32, #tpu.memory_space<hbm>> -> memref<384xi32, #tpu.memory_space<hbm>>
    %dma_start3A_27 = tpu.memref_slice %arg2[%dma_start3A_24, %add3A_19] : memref<2x3200000xi32, #tpu.memory_space<hbm>> -> memref<1x384xi32, #tpu.memory_space<hbm>>
    %dma_start3A_28 = tpu.memref_squeeze %dma_start3A_27 : memref<1x384xi32, #tpu.memory_space<hbm>> -> memref<384xi32, #tpu.memory_space<hbm>>
    tpu.enqueue_dma source(%dma_start3A_28 : memref<384xi32, #tpu.memory_space<hbm>>) target(%arg10 : memref<384xi32, #tpu.memory_space<vmem>>) target_semaphore(%arg20 : memref<!tpu.dma_semaphore, #tpu.memory_space<semaphore_mem>>)
    %add3A_29 = arith.constant 384 : i32
    %add3A_30 = arith.addi %mul3A_6, %add3A_29 : i32
    %dma_start3A_31 = arith.constant 0 : i32
    %dma_start3A_32 = tpu.memref_slice %arg2[%dma_start3A_31, %add3A_30] : memref<2x3200000xi32, #tpu.memory_space<hbm>> -> memref<1x384xi32, #tpu.memory_space<hbm>>
    %dma_start3A_33 = tpu.memref_squeeze %dma_start3A_32 : memref<1x384xi32, #tpu.memory_space<hbm>> -> memref<384xi32, #tpu.memory_space<hbm>>
    %dma_start3A_34 = tpu.memref_slice %arg2[%dma_start3A_31, %add3A_30] : memref<2x3200000xi32, #tpu.memory_space<hbm>> -> memref<1x384xi32, #tpu.memory_space<hbm>>
    %dma_start3A_35 = tpu.memref_squeeze %dma_start3A_34 : memref<1x384xi32, #tpu.memory_space<hbm>> -> memref<384xi32, #tpu.memory_space<hbm>>
    tpu.enqueue_dma source(%dma_start3A_35 : memref<384xi32, #tpu.memory_space<hbm>>) target(%arg7 : memref<384xi32, #tpu.memory_space<vmem>>) target_semaphore(%arg21 : memref<!tpu.dma_semaphore, #tpu.memory_space<semaphore_mem>>)
    %dma_start3A_36 = arith.constant 1 : i32
    %dma_start3A_37 = tpu.memref_slice %arg2[%dma_start3A_36, %add3A_30] : memref<2x3200000xi32, #tpu.memory_space<hbm>> -> memref<1x384xi32, #tpu.memory_space<hbm>>
    %dma_start3A_38 = tpu.memref_squeeze %dma_start3A_37 : memref<1x384xi32, #tpu.memory_space<hbm>> -> memref<384xi32, #tpu.memory_space<hbm>>
    %dma_start3A_39 = tpu.memref_slice %arg2[%dma_start3A_36, %add3A_30] : memref<2x3200000xi32, #tpu.memory_space<hbm>> -> memref<1x384xi32, #tpu.memory_space<hbm>>
    %dma_start3A_40 = tpu.memref_squeeze %dma_start3A_39 : memref<1x384xi32, #tpu.memory_space<hbm>> -> memref<384xi32, #tpu.memory_space<hbm>>
    tpu.enqueue_dma source(%dma_start3A_40 : memref<384xi32, #tpu.memory_space<hbm>>) target(%arg11 : memref<384xi32, #tpu.memory_space<vmem>>) target_semaphore(%arg21 : memref<!tpu.dma_semaphore, #tpu.memory_space<semaphore_mem>>)
    %dma_wait3A = arith.constant 0 : i32
    %dma_wait3A_41 = arith.constant 0 : i32
    %dma_wait3A_42 = tpu.memref_slice %arg2[%dma_wait3A, %dma_wait3A_41] : memref<2x3200000xi32, #tpu.memory_space<hbm>> -> memref<1x384xi32, #tpu.memory_space<hbm>>
    %dma_wait3A_43 = tpu.memref_squeeze %dma_wait3A_42 : memref<1x384xi32, #tpu.memory_space<hbm>> -> memref<384xi32, #tpu.memory_space<hbm>>
    %dma_wait3A_44 = arith.constant 0 : i32
    %dma_wait3A_45 = tpu.memref_slice %arg2[%dma_wait3A, %dma_wait3A_44] : memref<2x3200000xi32, #tpu.memory_space<hbm>> -> memref<1x384xi32, #tpu.memory_space<hbm>>
    %dma_wait3A_46 = tpu.memref_squeeze %dma_wait3A_45 : memref<1x384xi32, #tpu.memory_space<hbm>> -> memref<384xi32, #tpu.memory_space<hbm>>
    tpu.wait_dma2 semaphore(%arg20 : memref<!tpu.dma_semaphore, #tpu.memory_space<semaphore_mem>>) src(%dma_wait3A_46 : memref<384xi32, #tpu.memory_space<hbm>>) dst(%arg6 : memref<384xi32, #tpu.memory_space<vmem>>)
    %dma_wait3A_47 = arith.constant 0 : i32
    %dma_wait3A_48 = arith.constant 0 : i32
    %dma_wait3A_49 = tpu.memref_slice %arg2[%dma_wait3A_47, %dma_wait3A_48] : memref<2x3200000xi32, #tpu.memory_space<hbm>> -> memref<1x384xi32, #tpu.memory_space<hbm>>
    %dma_wait3A_50 = tpu.memref_squeeze %dma_wait3A_49 : memref<1x384xi32, #tpu.memory_space<hbm>> -> memref<384xi32, #tpu.memory_space<hbm>>
    %dma_wait3A_51 = arith.constant 0 : i32
    %dma_wait3A_52 = tpu.memref_slice %arg2[%dma_wait3A_47, %dma_wait3A_51] : memref<2x3200000xi32, #tpu.memory_space<hbm>> -> memref<1x384xi32, #tpu.memory_space<hbm>>
    %dma_wait3A_53 = tpu.memref_squeeze %dma_wait3A_52 : memref<1x384xi32, #tpu.memory_space<hbm>> -> memref<384xi32, #tpu.memory_space<hbm>>
    tpu.wait_dma2 semaphore(%arg20 : memref<!tpu.dma_semaphore, #tpu.memory_space<semaphore_mem>>) src(%dma_wait3A_53 : memref<384xi32, #tpu.memory_space<hbm>>) dst(%arg10 : memref<384xi32, #tpu.memory_space<vmem>>)
    %dma_start3A_54 = arith.constant 0 : i32
    %dma_start3A_55 = arith.constant 0 : i32
    %dma_start3A_56 = tpu.memref_slice %arg3[%dma_start3A_54, %dma_start3A_55] : memref<100000x16xf32, #tpu.memory_space<hbm>> -> memref<100000x16xf32, #tpu.memory_space<hbm>>
    tpu.enqueue_indirect_dma source(%dma_start3A_56 : memref<100000x16xf32, #tpu.memory_space<hbm>>) target(%arg14 : memref<384x16xf32, #tpu.memory_space<vmem>>) offsets(%arg6 : memref<384xi32, #tpu.memory_space<vmem>>) semaphore(%arg24 : memref<!tpu.dma_semaphore, #tpu.memory_space<semaphore_mem>>)
    %add3A_57 = arith.constant 768 : i32
    %add3A_58 = arith.addi %mul3A_6, %add3A_57 : i32
    %dma_start3A_59 = arith.constant 0 : i32
    %dma_start3A_60 = tpu.memref_slice %arg2[%dma_start3A_59, %add3A_58] : memref<2x3200000xi32, #tpu.memory_space<hbm>> -> memref<1x384xi32, #tpu.memory_space<hbm>>
    %dma_start3A_61 = tpu.memref_squeeze %dma_start3A_60 : memref<1x384xi32, #tpu.memory_space<hbm>> -> memref<384xi32, #tpu.memory_space<hbm>>
    %dma_start3A_62 = tpu.memref_slice %arg2[%dma_start3A_59, %add3A_58] : memref<2x3200000xi32, #tpu.memory_space<hbm>> -> memref<1x384xi32, #tpu.memory_space<hbm>>
    %dma_start3A_63 = tpu.memref_squeeze %dma_start3A_62 : memref<1x384xi32, #tpu.memory_space<hbm>> -> memref<384xi32, #tpu.memory_space<hbm>>
    tpu.enqueue_dma source(%dma_start3A_63 : memref<384xi32, #tpu.memory_space<hbm>>) target(%arg8 : memref<384xi32, #tpu.memory_space<vmem>>) target_semaphore(%arg22 : memref<!tpu.dma_semaphore, #tpu.memory_space<semaphore_mem>>)
    %dma_start3A_64 = arith.constant 1 : i32
    %dma_start3A_65 = tpu.memref_slice %arg2[%dma_start3A_64, %add3A_58] : memref<2x3200000xi32, #tpu.memory_space<hbm>> -> memref<1x384xi32, #tpu.memory_space<hbm>>
    %dma_start3A_66 = tpu.memref_squeeze %dma_start3A_65 : memref<1x384xi32, #tpu.memory_space<hbm>> -> memref<384xi32, #tpu.memory_space<hbm>>
    %dma_start3A_67 = tpu.memref_slice %arg2[%dma_start3A_64, %add3A_58] : memref<2x3200000xi32, #tpu.memory_space<hbm>> -> memref<1x384xi32, #tpu.memory_space<hbm>>
    %dma_start3A_68 = tpu.memref_squeeze %dma_start3A_67 : memref<1x384xi32, #tpu.memory_space<hbm>> -> memref<384xi32, #tpu.memory_space<hbm>>
    tpu.enqueue_dma source(%dma_start3A_68 : memref<384xi32, #tpu.memory_space<hbm>>) target(%arg12 : memref<384xi32, #tpu.memory_space<vmem>>) target_semaphore(%arg22 : memref<!tpu.dma_semaphore, #tpu.memory_space<semaphore_mem>>)
    %dma_wait3A_69 = arith.constant 0 : i32
    %dma_wait3A_70 = arith.constant 0 : i32
    %dma_wait3A_71 = tpu.memref_slice %arg2[%dma_wait3A_69, %dma_wait3A_70] : memref<2x3200000xi32, #tpu.memory_space<hbm>> -> memref<1x384xi32, #tpu.memory_space<hbm>>
    %dma_wait3A_72 = tpu.memref_squeeze %dma_wait3A_71 : memref<1x384xi32, #tpu.memory_space<hbm>> -> memref<384xi32, #tpu.memory_space<hbm>>
    %dma_wait3A_73 = arith.constant 0 : i32
    %dma_wait3A_74 = tpu.memref_slice %arg2[%dma_wait3A_69, %dma_wait3A_73] : memref<2x3200000xi32, #tpu.memory_space<hbm>> -> memref<1x384xi32, #tpu.memory_space<hbm>>
    %dma_wait3A_75 = tpu.memref_squeeze %dma_wait3A_74 : memref<1x384xi32, #tpu.memory_space<hbm>> -> memref<384xi32, #tpu.memory_space<hbm>>
    tpu.wait_dma2 semaphore(%arg21 : memref<!tpu.dma_semaphore, #tpu.memory_space<semaphore_mem>>) src(%dma_wait3A_75 : memref<384xi32, #tpu.memory_space<hbm>>) dst(%arg7 : memref<384xi32, #tpu.memory_space<vmem>>)
    %dma_wait3A_76 = arith.constant 0 : i32
    %dma_wait3A_77 = arith.constant 0 : i32
    %dma_wait3A_78 = tpu.memref_slice %arg2[%dma_wait3A_76, %dma_wait3A_77] : memref<2x3200000xi32, #tpu.memory_space<hbm>> -> memref<1x384xi32, #tpu.memory_space<hbm>>
    %dma_wait3A_79 = tpu.memref_squeeze %dma_wait3A_78 : memref<1x384xi32, #tpu.memory_space<hbm>> -> memref<384xi32, #tpu.memory_space<hbm>>
    %dma_wait3A_80 = arith.constant 0 : i32
    %dma_wait3A_81 = tpu.memref_slice %arg2[%dma_wait3A_76, %dma_wait3A_80] : memref<2x3200000xi32, #tpu.memory_space<hbm>> -> memref<1x384xi32, #tpu.memory_space<hbm>>
    %dma_wait3A_82 = tpu.memref_squeeze %dma_wait3A_81 : memref<1x384xi32, #tpu.memory_space<hbm>> -> memref<384xi32, #tpu.memory_space<hbm>>
    tpu.wait_dma2 semaphore(%arg21 : memref<!tpu.dma_semaphore, #tpu.memory_space<semaphore_mem>>) src(%dma_wait3A_82 : memref<384xi32, #tpu.memory_space<hbm>>) dst(%arg11 : memref<384xi32, #tpu.memory_space<vmem>>)
    %dma_start3A_83 = arith.constant 0 : i32
    %dma_start3A_84 = arith.constant 0 : i32
    %dma_start3A_85 = tpu.memref_slice %arg3[%dma_start3A_83, %dma_start3A_84] : memref<100000x16xf32, #tpu.memory_space<hbm>> -> memref<100000x16xf32, #tpu.memory_space<hbm>>
    tpu.enqueue_indirect_dma source(%dma_start3A_85 : memref<100000x16xf32, #tpu.memory_space<hbm>>) target(%arg15 : memref<384x16xf32, #tpu.memory_space<vmem>>) offsets(%arg7 : memref<384xi32, #tpu.memory_space<vmem>>) semaphore(%arg25 : memref<!tpu.dma_semaphore, #tpu.memory_space<semaphore_mem>>)
    %dma_wait3A_86 = arith.constant 0 : i32
    %dma_wait3A_87 = arith.constant 0 : i32
    %dma_wait3A_88 = tpu.memref_slice %arg3[%dma_wait3A_86, %dma_wait3A_87] : memref<100000x16xf32, #tpu.memory_space<hbm>> -> memref<384x16xf32, #tpu.memory_space<hbm>>
    %dma_wait3A_89 = arith.constant 0 : i32
    %dma_wait3A_90 = arith.constant 0 : i32
    %dma_wait3A_91 = tpu.memref_slice %arg3[%dma_wait3A_89, %dma_wait3A_90] : memref<100000x16xf32, #tpu.memory_space<hbm>> -> memref<384x16xf32, #tpu.memory_space<hbm>>
    tpu.wait_dma2 semaphore(%arg24 : memref<!tpu.dma_semaphore, #tpu.memory_space<semaphore_mem>>) src(%dma_wait3A_91 : memref<384x16xf32, #tpu.memory_space<hbm>>) dst(%arg14 : memref<384x16xf32, #tpu.memory_space<vmem>>)
    %dma_start3A_92 = arith.constant 0 : i32
    %dma_start3A_93 = arith.constant 0 : i32
    %dma_start3A_94 = tpu.memref_slice %arg5[%dma_start3A_92, %dma_start3A_93] : memref<100000x16xf32, #tpu.memory_space<vmem_shared>> -> memref<100000x16xf32, #tpu.memory_space<vmem_shared>>
    tpu.enqueue_indirect_dma source(%arg14 : memref<384x16xf32, #tpu.memory_space<vmem>>) target(%dma_start3A_94 : memref<100000x16xf32, #tpu.memory_space<vmem_shared>>) offsets(%arg10 : memref<384xi32, #tpu.memory_space<vmem>>) semaphore(%arg28 : memref<!tpu.dma_semaphore, #tpu.memory_space<semaphore_mem>>) {add = true}
    %add3A_95 = arith.constant 1152 : i32
    %add3A_96 = arith.addi %mul3A_6, %add3A_95 : i32
    %dma_start3A_97 = arith.constant 0 : i32
    %dma_start3A_98 = tpu.memref_slice %arg2[%dma_start3A_97, %add3A_96] : memref<2x3200000xi32, #tpu.memory_space<hbm>> -> memref<1x384xi32, #tpu.memory_space<hbm>>
    %dma_start3A_99 = tpu.memref_squeeze %dma_start3A_98 : memref<1x384xi32, #tpu.memory_space<hbm>> -> memref<384xi32, #tpu.memory_space<hbm>>
    %dma_start3A_100 = tpu.memref_slice %arg2[%dma_start3A_97, %add3A_96] : memref<2x3200000xi32, #tpu.memory_space<hbm>> -> memref<1x384xi32, #tpu.memory_space<hbm>>
    %dma_start3A_101 = tpu.memref_squeeze %dma_start3A_100 : memref<1x384xi32, #tpu.memory_space<hbm>> -> memref<384xi32, #tpu.memory_space<hbm>>
    tpu.enqueue_dma source(%dma_start3A_101 : memref<384xi32, #tpu.memory_space<hbm>>) target(%arg9 : memref<384xi32, #tpu.memory_space<vmem>>) target_semaphore(%arg23 : memref<!tpu.dma_semaphore, #tpu.memory_space<semaphore_mem>>)
    %dma_start3A_102 = arith.constant 1 : i32
    %dma_start3A_103 = tpu.memref_slice %arg2[%dma_start3A_102, %add3A_96] : memref<2x3200000xi32, #tpu.memory_space<hbm>> -> memref<1x384xi32, #tpu.memory_space<hbm>>
    %dma_start3A_104 = tpu.memref_squeeze %dma_start3A_103 : memref<1x384xi32, #tpu.memory_space<hbm>> -> memref<384xi32, #tpu.memory_space<hbm>>
    %dma_start3A_105 = tpu.memref_slice %arg2[%dma_start3A_102, %add3A_96] : memref<2x3200000xi32, #tpu.memory_space<hbm>> -> memref<1x384xi32, #tpu.memory_space<hbm>>
    %dma_start3A_106 = tpu.memref_squeeze %dma_start3A_105 : memref<1x384xi32, #tpu.memory_space<hbm>> -> memref<384xi32, #tpu.memory_space<hbm>>
    tpu.enqueue_dma source(%dma_start3A_106 : memref<384xi32, #tpu.memory_space<hbm>>) target(%arg13 : memref<384xi32, #tpu.memory_space<vmem>>) target_semaphore(%arg23 : memref<!tpu.dma_semaphore, #tpu.memory_space<semaphore_mem>>)
    %dma_wait3A_107 = arith.constant 0 : i32
    %dma_wait3A_108 = arith.constant 0 : i32
    %dma_wait3A_109 = tpu.memref_slice %arg2[%dma_wait3A_107, %dma_wait3A_108] : memref<2x3200000xi32, #tpu.memory_space<hbm>> -> memref<1x384xi32, #tpu.memory_space<hbm>>
    %dma_wait3A_110 = tpu.memref_squeeze %dma_wait3A_109 : memref<1x384xi32, #tpu.memory_space<hbm>> -> memref<384xi32, #tpu.memory_space<hbm>>
    %dma_wait3A_111 = arith.constant 0 : i32
    %dma_wait3A_112 = tpu.memref_slice %arg2[%dma_wait3A_107, %dma_wait3A_111] : memref<2x3200000xi32, #tpu.memory_space<hbm>> -> memref<1x384xi32, #tpu.memory_space<hbm>>
    %dma_wait3A_113 = tpu.memref_squeeze %dma_wait3A_112 : memref<1x384xi32, #tpu.memory_space<hbm>> -> memref<384xi32, #tpu.memory_space<hbm>>
    tpu.wait_dma2 semaphore(%arg22 : memref<!tpu.dma_semaphore, #tpu.memory_space<semaphore_mem>>) src(%dma_wait3A_113 : memref<384xi32, #tpu.memory_space<hbm>>) dst(%arg8 : memref<384xi32, #tpu.memory_space<vmem>>)
    %dma_wait3A_114 = arith.constant 0 : i32
    %dma_wait3A_115 = arith.constant 0 : i32
    %dma_wait3A_116 = tpu.memref_slice %arg2[%dma_wait3A_114, %dma_wait3A_115] : memref<2x3200000xi32, #tpu.memory_space<hbm>> -> memref<1x384xi32, #tpu.memory_space<hbm>>
    %dma_wait3A_117 = tpu.memref_squeeze %dma_wait3A_116 : memref<1x384xi32, #tpu.memory_space<hbm>> -> memref<384xi32, #tpu.memory_space<hbm>>
    %dma_wait3A_118 = arith.constant 0 : i32
    %dma_wait3A_119 = tpu.memref_slice %arg2[%dma_wait3A_114, %dma_wait3A_118] : memref<2x3200000xi32, #tpu.memory_space<hbm>> -> memref<1x384xi32, #tpu.memory_space<hbm>>
    %dma_wait3A_120 = tpu.memref_squeeze %dma_wait3A_119 : memref<1x384xi32, #tpu.memory_space<hbm>> -> memref<384xi32, #tpu.memory_space<hbm>>
    tpu.wait_dma2 semaphore(%arg22 : memref<!tpu.dma_semaphore, #tpu.memory_space<semaphore_mem>>) src(%dma_wait3A_120 : memref<384xi32, #tpu.memory_space<hbm>>) dst(%arg12 : memref<384xi32, #tpu.memory_space<vmem>>)
    %dma_start3A_121 = arith.constant 0 : i32
    %dma_start3A_122 = arith.constant 0 : i32
    %dma_start3A_123 = tpu.memref_slice %arg3[%dma_start3A_121, %dma_start3A_122] : memref<100000x16xf32, #tpu.memory_space<hbm>> -> memref<100000x16xf32, #tpu.memory_space<hbm>>
    tpu.enqueue_indirect_dma source(%dma_start3A_123 : memref<100000x16xf32, #tpu.memory_space<hbm>>) target(%arg16 : memref<384x16xf32, #tpu.memory_space<vmem>>) offsets(%arg8 : memref<384xi32, #tpu.memory_space<vmem>>) semaphore(%arg26 : memref<!tpu.dma_semaphore, #tpu.memory_space<semaphore_mem>>)
    %dma_wait3A_124 = arith.constant 0 : i32
    %dma_wait3A_125 = arith.constant 0 : i32
    %dma_wait3A_126 = tpu.memref_slice %arg3[%dma_wait3A_124, %dma_wait3A_125] : memref<100000x16xf32, #tpu.memory_space<hbm>> -> memref<384x16xf32, #tpu.memory_space<hbm>>
    %dma_wait3A_127 = arith.constant 0 : i32
    %dma_wait3A_128 = arith.constant 0 : i32
    %dma_wait3A_129 = tpu.memref_slice %arg3[%dma_wait3A_127, %dma_wait3A_128] : memref<100000x16xf32, #tpu.memory_space<hbm>> -> memref<384x16xf32, #tpu.memory_space<hbm>>
    tpu.wait_dma2 semaphore(%arg25 : memref<!tpu.dma_semaphore, #tpu.memory_space<semaphore_mem>>) src(%dma_wait3A_129 : memref<384x16xf32, #tpu.memory_space<hbm>>) dst(%arg15 : memref<384x16xf32, #tpu.memory_space<vmem>>)
    %dma_start3A_130 = arith.constant 0 : i32
    %dma_start3A_131 = arith.constant 0 : i32
    %dma_start3A_132 = tpu.memref_slice %arg5[%dma_start3A_130, %dma_start3A_131] : memref<100000x16xf32, #tpu.memory_space<vmem_shared>> -> memref<100000x16xf32, #tpu.memory_space<vmem_shared>>
    tpu.enqueue_indirect_dma source(%arg15 : memref<384x16xf32, #tpu.memory_space<vmem>>) target(%dma_start3A_132 : memref<100000x16xf32, #tpu.memory_space<vmem_shared>>) offsets(%arg11 : memref<384xi32, #tpu.memory_space<vmem>>) semaphore(%arg29 : memref<!tpu.dma_semaphore, #tpu.memory_space<semaphore_mem>>) {add = true}
    %dma_wait3A_133 = arith.constant 0 : i32
    %dma_wait3A_134 = arith.constant 0 : i32
    %dma_wait3A_135 = tpu.memref_slice %arg3[%dma_wait3A_133, %dma_wait3A_134] : memref<100000x16xf32, #tpu.memory_space<hbm>> -> memref<384x16xf32, #tpu.memory_space<hbm>>
    %dma_wait3A_136 = arith.constant 0 : i32
    %dma_wait3A_137 = arith.constant 0 : i32
    %dma_wait3A_138 = tpu.memref_slice %arg3[%dma_wait3A_136, %dma_wait3A_137] : memref<100000x16xf32, #tpu.memory_space<hbm>> -> memref<384x16xf32, #tpu.memory_space<hbm>>
    tpu.wait_dma2 semaphore(%arg28 : memref<!tpu.dma_semaphore, #tpu.memory_space<semaphore_mem>>) src(%dma_wait3A_138 : memref<384x16xf32, #tpu.memory_space<hbm>>) dst(%arg14 : memref<384x16xf32, #tpu.memory_space<vmem>>)
    %add3A_139 = arith.constant 1536 : i32
    %add3A_140 = arith.addi %mul3A_6, %add3A_139 : i32
    %dma_start3A_141 = arith.constant 0 : i32
    %dma_start3A_142 = tpu.memref_slice %arg2[%dma_start3A_141, %add3A_140] : memref<2x3200000xi32, #tpu.memory_space<hbm>> -> memref<1x384xi32, #tpu.memory_space<hbm>>
    %dma_start3A_143 = tpu.memref_squeeze %dma_start3A_142 : memref<1x384xi32, #tpu.memory_space<hbm>> -> memref<384xi32, #tpu.memory_space<hbm>>
    %dma_start3A_144 = tpu.memref_slice %arg2[%dma_start3A_141, %add3A_140] : memref<2x3200000xi32, #tpu.memory_space<hbm>> -> memref<1x384xi32, #tpu.memory_space<hbm>>
    %dma_start3A_145 = tpu.memref_squeeze %dma_start3A_144 : memref<1x384xi32, #tpu.memory_space<hbm>> -> memref<384xi32, #tpu.memory_space<hbm>>
    tpu.enqueue_dma source(%dma_start3A_145 : memref<384xi32, #tpu.memory_space<hbm>>) target(%arg6 : memref<384xi32, #tpu.memory_space<vmem>>) target_semaphore(%arg20 : memref<!tpu.dma_semaphore, #tpu.memory_space<semaphore_mem>>)
    %dma_start3A_146 = arith.constant 1 : i32
    %dma_start3A_147 = tpu.memref_slice %arg2[%dma_start3A_146, %add3A_140] : memref<2x3200000xi32, #tpu.memory_space<hbm>> -> memref<1x384xi32, #tpu.memory_space<hbm>>
    %dma_start3A_148 = tpu.memref_squeeze %dma_start3A_147 : memref<1x384xi32, #tpu.memory_space<hbm>> -> memref<384xi32, #tpu.memory_space<hbm>>
    %dma_start3A_149 = tpu.memref_slice %arg2[%dma_start3A_146, %add3A_140] : memref<2x3200000xi32, #tpu.memory_space<hbm>> -> memref<1x384xi32, #tpu.memory_space<hbm>>
    %dma_start3A_150 = tpu.memref_squeeze %dma_start3A_149 : memref<1x384xi32, #tpu.memory_space<hbm>> -> memref<384xi32, #tpu.memory_space<hbm>>
    tpu.enqueue_dma source(%dma_start3A_150 : memref<384xi32, #tpu.memory_space<hbm>>) target(%arg10 : memref<384xi32, #tpu.memory_space<vmem>>) target_semaphore(%arg20 : memref<!tpu.dma_semaphore, #tpu.memory_space<semaphore_mem>>)
    %dma_wait3A_151 = arith.constant 0 : i32
    %dma_wait3A_152 = arith.constant 0 : i32
    %dma_wait3A_153 = tpu.memref_slice %arg2[%dma_wait3A_151, %dma_wait3A_152] : memref<2x3200000xi32, #tpu.memory_space<hbm>> -> memref<1x384xi32, #tpu.memory_space<hbm>>
    %dma_wait3A_154 = tpu.memref_squeeze %dma_wait3A_153 : memref<1x384xi32, #tpu.memory_space<hbm>> -> memref<384xi32, #tpu.memory_space<hbm>>
    %dma_wait3A_155 = arith.constant 0 : i32
    %dma_wait3A_156 = tpu.memref_slice %arg2[%dma_wait3A_151, %dma_wait3A_155] : memref<2x3200000xi32, #tpu.memory_space<hbm>> -> memref<1x384xi32, #tpu.memory_space<hbm>>
    %dma_wait3A_157 = tpu.memref_squeeze %dma_wait3A_156 : memref<1x384xi32, #tpu.memory_space<hbm>> -> memref<384xi32, #tpu.memory_space<hbm>>
    tpu.wait_dma2 semaphore(%arg23 : memref<!tpu.dma_semaphore, #tpu.memory_space<semaphore_mem>>) src(%dma_wait3A_157 : memref<384xi32, #tpu.memory_space<hbm>>) dst(%arg9 : memref<384xi32, #tpu.memory_space<vmem>>)
    %dma_wait3A_158 = arith.constant 0 : i32
    %dma_wait3A_159 = arith.constant 0 : i32
    %dma_wait3A_160 = tpu.memref_slice %arg2[%dma_wait3A_158, %dma_wait3A_159] : memref<2x3200000xi32, #tpu.memory_space<hbm>> -> memref<1x384xi32, #tpu.memory_space<hbm>>
    %dma_wait3A_161 = tpu.memref_squeeze %dma_wait3A_160 : memref<1x384xi32, #tpu.memory_space<hbm>> -> memref<384xi32, #tpu.memory_space<hbm>>
    %dma_wait3A_162 = arith.constant 0 : i32
    %dma_wait3A_163 = tpu.memref_slice %arg2[%dma_wait3A_158, %dma_wait3A_162] : memref<2x3200000xi32, #tpu.memory_space<hbm>> -> memref<1x384xi32, #tpu.memory_space<hbm>>
    %dma_wait3A_164 = tpu.memref_squeeze %dma_wait3A_163 : memref<1x384xi32, #tpu.memory_space<hbm>> -> memref<384xi32, #tpu.memory_space<hbm>>
    tpu.wait_dma2 semaphore(%arg23 : memref<!tpu.dma_semaphore, #tpu.memory_space<semaphore_mem>>) src(%dma_wait3A_164 : memref<384xi32, #tpu.memory_space<hbm>>) dst(%arg13 : memref<384xi32, #tpu.memory_space<vmem>>)
    %dma_start3A_165 = arith.constant 0 : i32
    %dma_start3A_166 = arith.constant 0 : i32
    %dma_start3A_167 = tpu.memref_slice %arg3[%dma_start3A_165, %dma_start3A_166] : memref<100000x16xf32, #tpu.memory_space<hbm>> -> memref<100000x16xf32, #tpu.memory_space<hbm>>
    tpu.enqueue_indirect_dma source(%dma_start3A_167 : memref<100000x16xf32, #tpu.memory_space<hbm>>) target(%arg17 : memref<384x16xf32, #tpu.memory_space<vmem>>) offsets(%arg9 : memref<384xi32, #tpu.memory_space<vmem>>) semaphore(%arg27 : memref<!tpu.dma_semaphore, #tpu.memory_space<semaphore_mem>>)
    %dma_wait3A_168 = arith.constant 0 : i32
    %dma_wait3A_169 = arith.constant 0 : i32
    %dma_wait3A_170 = tpu.memref_slice %arg3[%dma_wait3A_168, %dma_wait3A_169] : memref<100000x16xf32, #tpu.memory_space<hbm>> -> memref<384x16xf32, #tpu.memory_space<hbm>>
    %dma_wait3A_171 = arith.constant 0 : i32
    %dma_wait3A_172 = arith.constant 0 : i32
    %dma_wait3A_173 = tpu.memref_slice %arg3[%dma_wait3A_171, %dma_wait3A_172] : memref<100000x16xf32, #tpu.memory_space<hbm>> -> memref<384x16xf32, #tpu.memory_space<hbm>>
    tpu.wait_dma2 semaphore(%arg26 : memref<!tpu.dma_semaphore, #tpu.memory_space<semaphore_mem>>) src(%dma_wait3A_173 : memref<384x16xf32, #tpu.memory_space<hbm>>) dst(%arg16 : memref<384x16xf32, #tpu.memory_space<vmem>>)
    %dma_start3A_174 = arith.constant 0 : i32
    %dma_start3A_175 = arith.constant 0 : i32
    %dma_start3A_176 = tpu.memref_slice %arg5[%dma_start3A_174, %dma_start3A_175] : memref<100000x16xf32, #tpu.memory_space<vmem_shared>> -> memref<100000x16xf32, #tpu.memory_space<vmem_shared>>
    tpu.enqueue_indirect_dma source(%arg16 : memref<384x16xf32, #tpu.memory_space<vmem>>) target(%dma_start3A_176 : memref<100000x16xf32, #tpu.memory_space<vmem_shared>>) offsets(%arg12 : memref<384xi32, #tpu.memory_space<vmem>>) semaphore(%arg30 : memref<!tpu.dma_semaphore, #tpu.memory_space<semaphore_mem>>) {add = true}
    %dma_wait3A_177 = arith.constant 0 : i32
    %dma_wait3A_178 = arith.constant 0 : i32
    %dma_wait3A_179 = tpu.memref_slice %arg3[%dma_wait3A_177, %dma_wait3A_178] : memref<100000x16xf32, #tpu.memory_space<hbm>> -> memref<384x16xf32, #tpu.memory_space<hbm>>
    %dma_wait3A_180 = arith.constant 0 : i32
    %dma_wait3A_181 = arith.constant 0 : i32
    %dma_wait3A_182 = tpu.memref_slice %arg3[%dma_wait3A_180, %dma_wait3A_181] : memref<100000x16xf32, #tpu.memory_space<hbm>> -> memref<384x16xf32, #tpu.memory_space<hbm>>
    tpu.wait_dma2 semaphore(%arg29 : memref<!tpu.dma_semaphore, #tpu.memory_space<semaphore_mem>>) src(%dma_wait3A_182 : memref<384x16xf32, #tpu.memory_space<hbm>>) dst(%arg15 : memref<384x16xf32, #tpu.memory_space<vmem>>)
    %add3A_183 = arith.constant 1920 : i32
    %add3A_184 = arith.addi %mul3A_6, %add3A_183 : i32
    %dma_start3A_185 = arith.constant 0 : i32
    %dma_start3A_186 = tpu.memref_slice %arg2[%dma_start3A_185, %add3A_184] : memref<2x3200000xi32, #tpu.memory_space<hbm>> -> memref<1x384xi32, #tpu.memory_space<hbm>>
    %dma_start3A_187 = tpu.memref_squeeze %dma_start3A_186 : memref<1x384xi32, #tpu.memory_space<hbm>> -> memref<384xi32, #tpu.memory_space<hbm>>
    %dma_start3A_188 = tpu.memref_slice %arg2[%dma_start3A_185, %add3A_184] : memref<2x3200000xi32, #tpu.memory_space<hbm>> -> memref<1x384xi32, #tpu.memory_space<hbm>>
    %dma_start3A_189 = tpu.memref_squeeze %dma_start3A_188 : memref<1x384xi32, #tpu.memory_space<hbm>> -> memref<384xi32, #tpu.memory_space<hbm>>
    tpu.enqueue_dma source(%dma_start3A_189 : memref<384xi32, #tpu.memory_space<hbm>>) target(%arg7 : memref<384xi32, #tpu.memory_space<vmem>>) target_semaphore(%arg21 : memref<!tpu.dma_semaphore, #tpu.memory_space<semaphore_mem>>)
    %dma_start3A_190 = arith.constant 1 : i32
    %dma_start3A_191 = tpu.memref_slice %arg2[%dma_start3A_190, %add3A_184] : memref<2x3200000xi32, #tpu.memory_space<hbm>> -> memref<1x384xi32, #tpu.memory_space<hbm>>
    %dma_start3A_192 = tpu.memref_squeeze %dma_start3A_191 : memref<1x384xi32, #tpu.memory_space<hbm>> -> memref<384xi32, #tpu.memory_space<hbm>>
    %dma_start3A_193 = tpu.memref_slice %arg2[%dma_start3A_190, %add3A_184] : memref<2x3200000xi32, #tpu.memory_space<hbm>> -> memref<1x384xi32, #tpu.memory_space<hbm>>
    %dma_start3A_194 = tpu.memref_squeeze %dma_start3A_193 : memref<1x384xi32, #tpu.memory_space<hbm>> -> memref<384xi32, #tpu.memory_space<hbm>>
    tpu.enqueue_dma source(%dma_start3A_194 : memref<384xi32, #tpu.memory_space<hbm>>) target(%arg11 : memref<384xi32, #tpu.memory_space<vmem>>) target_semaphore(%arg21 : memref<!tpu.dma_semaphore, #tpu.memory_space<semaphore_mem>>)
    %dma_wait3A_195 = arith.constant 0 : i32
    %dma_wait3A_196 = arith.constant 0 : i32
    %dma_wait3A_197 = tpu.memref_slice %arg2[%dma_wait3A_195, %dma_wait3A_196] : memref<2x3200000xi32, #tpu.memory_space<hbm>> -> memref<1x384xi32, #tpu.memory_space<hbm>>
    %dma_wait3A_198 = tpu.memref_squeeze %dma_wait3A_197 : memref<1x384xi32, #tpu.memory_space<hbm>> -> memref<384xi32, #tpu.memory_space<hbm>>
    %dma_wait3A_199 = arith.constant 0 : i32
    %dma_wait3A_200 = tpu.memref_slice %arg2[%dma_wait3A_195, %dma_wait3A_199] : memref<2x3200000xi32, #tpu.memory_space<hbm>> -> memref<1x384xi32, #tpu.memory_space<hbm>>
    %dma_wait3A_201 = tpu.memref_squeeze %dma_wait3A_200 : memref<1x384xi32, #tpu.memory_space<hbm>> -> memref<384xi32, #tpu.memory_space<hbm>>
    tpu.wait_dma2 semaphore(%arg20 : memref<!tpu.dma_semaphore, #tpu.memory_space<semaphore_mem>>) src(%dma_wait3A_201 : memref<384xi32, #tpu.memory_space<hbm>>) dst(%arg6 : memref<384xi32, #tpu.memory_space<vmem>>)
    %dma_wait3A_202 = arith.constant 0 : i32
    %dma_wait3A_203 = arith.constant 0 : i32
    %dma_wait3A_204 = tpu.memref_slice %arg2[%dma_wait3A_202, %dma_wait3A_203] : memref<2x3200000xi32, #tpu.memory_space<hbm>> -> memref<1x384xi32, #tpu.memory_space<hbm>>
    %dma_wait3A_205 = tpu.memref_squeeze %dma_wait3A_204 : memref<1x384xi32, #tpu.memory_space<hbm>> -> memref<384xi32, #tpu.memory_space<hbm>>
    %dma_wait3A_206 = arith.constant 0 : i32
    %dma_wait3A_207 = tpu.memref_slice %arg2[%dma_wait3A_202, %dma_wait3A_206] : memref<2x3200000xi32, #tpu.memory_space<hbm>> -> memref<1x384xi32, #tpu.memory_space<hbm>>
    %dma_wait3A_208 = tpu.memref_squeeze %dma_wait3A_207 : memref<1x384xi32, #tpu.memory_space<hbm>> -> memref<384xi32, #tpu.memory_space<hbm>>
    tpu.wait_dma2 semaphore(%arg20 : memref<!tpu.dma_semaphore, #tpu.memory_space<semaphore_mem>>) src(%dma_wait3A_208 : memref<384xi32, #tpu.memory_space<hbm>>) dst(%arg10 : memref<384xi32, #tpu.memory_space<vmem>>)
    %dma_start3A_209 = arith.constant 0 : i32
    %dma_start3A_210 = arith.constant 0 : i32
    %dma_start3A_211 = tpu.memref_slice %arg3[%dma_start3A_209, %dma_start3A_210] : memref<100000x16xf32, #tpu.memory_space<hbm>> -> memref<100000x16xf32, #tpu.memory_space<hbm>>
    tpu.enqueue_indirect_dma source(%dma_start3A_211 : memref<100000x16xf32, #tpu.memory_space<hbm>>) target(%arg14 : memref<384x16xf32, #tpu.memory_space<vmem>>) offsets(%arg6 : memref<384xi32, #tpu.memory_space<vmem>>) semaphore(%arg24 : memref<!tpu.dma_semaphore, #tpu.memory_space<semaphore_mem>>)
    %dma_wait3A_212 = arith.constant 0 : i32
    %dma_wait3A_213 = arith.constant 0 : i32
    %dma_wait3A_214 = tpu.memref_slice %arg3[%dma_wait3A_212, %dma_wait3A_213] : memref<100000x16xf32, #tpu.memory_space<hbm>> -> memref<384x16xf32, #tpu.memory_space<hbm>>
    %dma_wait3A_215 = arith.constant 0 : i32
    %dma_wait3A_216 = arith.constant 0 : i32
    %dma_wait3A_217 = tpu.memref_slice %arg3[%dma_wait3A_215, %dma_wait3A_216] : memref<100000x16xf32, #tpu.memory_space<hbm>> -> memref<384x16xf32, #tpu.memory_space<hbm>>
    tpu.wait_dma2 semaphore(%arg27 : memref<!tpu.dma_semaphore, #tpu.memory_space<semaphore_mem>>) src(%dma_wait3A_217 : memref<384x16xf32, #tpu.memory_space<hbm>>) dst(%arg17 : memref<384x16xf32, #tpu.memory_space<vmem>>)
    %dma_start3A_218 = arith.constant 0 : i32
    %dma_start3A_219 = arith.constant 0 : i32
    %dma_start3A_220 = tpu.memref_slice %arg5[%dma_start3A_218, %dma_start3A_219] : memref<100000x16xf32, #tpu.memory_space<vmem_shared>> -> memref<100000x16xf32, #tpu.memory_space<vmem_shared>>
    tpu.enqueue_indirect_dma source(%arg17 : memref<384x16xf32, #tpu.memory_space<vmem>>) target(%dma_start3A_220 : memref<100000x16xf32, #tpu.memory_space<vmem_shared>>) offsets(%arg13 : memref<384xi32, #tpu.memory_space<vmem>>) semaphore(%arg31 : memref<!tpu.dma_semaphore, #tpu.memory_space<semaphore_mem>>) {add = true}
    %scan3A_221 = arith.constant 0 : i32
    %scan3A_222 = arith.constant 63 : i32
    %scan3A_223 = arith.addi %scan3A_221, %scan3A_222 : i32
    %scan3A_224 = arith.constant 1 : i32
    scf.for %scan3A_400 = %scan3A_221 to %scan3A_223 step %scan3A_224  : i32 {
      %mul3A_401 = arith.constant 1 : i32
      %mul3A_402 = arith.muli %scan3A_400, %mul3A_401 : i32
      %add3A_403 = arith.constant 1 : i32
      %add3A_404 = arith.addi %add3A_403, %mul3A_402 : i32
      %mul3A_405 = arith.constant 4 : i32
      %mul3A_406 = arith.muli %mul3A_405, %add3A_404 : i32
      %add3A_407 = arith.constant 0 : i32
      %add3A_408 = arith.addi %mul3A_406, %add3A_407 : i32
      %dma_wait3A_409 = arith.constant 0 : i32
      %dma_wait3A_410 = arith.constant 0 : i32
      %dma_wait3A_411 = tpu.memref_slice %arg3[%dma_wait3A_409, %dma_wait3A_410] : memref<100000x16xf32, #tpu.memory_space<hbm>> -> memref<384x16xf32, #tpu.memory_space<hbm>>
      %dma_wait3A_412 = arith.constant 0 : i32
      %dma_wait3A_413 = arith.constant 0 : i32
      %dma_wait3A_414 = tpu.memref_slice %arg3[%dma_wait3A_412, %dma_wait3A_413] : memref<100000x16xf32, #tpu.memory_space<hbm>> -> memref<384x16xf32, #tpu.memory_space<hbm>>
      tpu.wait_dma2 semaphore(%arg30 : memref<!tpu.dma_semaphore, #tpu.memory_space<semaphore_mem>>) src(%dma_wait3A_414 : memref<384x16xf32, #tpu.memory_space<hbm>>) dst(%arg16 : memref<384x16xf32, #tpu.memory_space<vmem>>)
      %add3A_415 = arith.constant 2 : i32
      %add3A_416 = arith.addi %add3A_408, %add3A_415 : i32
      %mul3A_417 = arith.constant 384 : i32
      %mul3A_418 = arith.muli %add3A_416, %mul3A_417 : i32
      %add3A_419 = arith.addi %mul3A_6, %mul3A_418 : i32
      %dma_start3A_420 = arith.constant 0 : i32
      %dma_start3A_421 = tpu.memref_slice %arg2[%dma_start3A_420, %add3A_419] : memref<2x3200000xi32, #tpu.memory_space<hbm>> -> memref<1x384xi32, #tpu.memory_space<hbm>>
      %dma_start3A_422 = tpu.memref_squeeze %dma_start3A_421 : memref<1x384xi32, #tpu.memory_space<hbm>> -> memref<384xi32, #tpu.memory_space<hbm>>
      %dma_start3A_423 = tpu.memref_slice %arg2[%dma_start3A_420, %add3A_419] : memref<2x3200000xi32, #tpu.memory_space<hbm>> -> memref<1x384xi32, #tpu.memory_space<hbm>>
      %dma_start3A_424 = tpu.memref_squeeze %dma_start3A_423 : memref<1x384xi32, #tpu.memory_space<hbm>> -> memref<384xi32, #tpu.memory_space<hbm>>
      tpu.enqueue_dma source(%dma_start3A_424 : memref<384xi32, #tpu.memory_space<hbm>>) target(%arg8 : memref<384xi32, #tpu.memory_space<vmem>>) target_semaphore(%arg22 : memref<!tpu.dma_semaphore, #tpu.memory_space<semaphore_mem>>)
      %dma_start3A_425 = arith.constant 1 : i32
      %dma_start3A_426 = tpu.memref_slice %arg2[%dma_start3A_425, %add3A_419] : memref<2x3200000xi32, #tpu.memory_space<hbm>> -> memref<1x384xi32, #tpu.memory_space<hbm>>
      %dma_start3A_427 = tpu.memref_squeeze %dma_start3A_426 : memref<1x384xi32, #tpu.memory_space<hbm>> -> memref<384xi32, #tpu.memory_space<hbm>>
      %dma_start3A_428 = tpu.memref_slice %arg2[%dma_start3A_425, %add3A_419] : memref<2x3200000xi32, #tpu.memory_space<hbm>> -> memref<1x384xi32, #tpu.memory_space<hbm>>
      %dma_start3A_429 = tpu.memref_squeeze %dma_start3A_428 : memref<1x384xi32, #tpu.memory_space<hbm>> -> memref<384xi32, #tpu.memory_space<hbm>>
      tpu.enqueue_dma source(%dma_start3A_429 : memref<384xi32, #tpu.memory_space<hbm>>) target(%arg12 : memref<384xi32, #tpu.memory_space<vmem>>) target_semaphore(%arg22 : memref<!tpu.dma_semaphore, #tpu.memory_space<semaphore_mem>>)
      %dma_wait3A_430 = arith.constant 0 : i32
      %dma_wait3A_431 = arith.constant 0 : i32
      %dma_wait3A_432 = tpu.memref_slice %arg2[%dma_wait3A_430, %dma_wait3A_431] : memref<2x3200000xi32, #tpu.memory_space<hbm>> -> memref<1x384xi32, #tpu.memory_space<hbm>>
      %dma_wait3A_433 = tpu.memref_squeeze %dma_wait3A_432 : memref<1x384xi32, #tpu.memory_space<hbm>> -> memref<384xi32, #tpu.memory_space<hbm>>
      %dma_wait3A_434 = arith.constant 0 : i32
      %dma_wait3A_435 = tpu.memref_slice %arg2[%dma_wait3A_430, %dma_wait3A_434] : memref<2x3200000xi32, #tpu.memory_space<hbm>> -> memref<1x384xi32, #tpu.memory_space<hbm>>
      %dma_wait3A_436 = tpu.memref_squeeze %dma_wait3A_435 : memref<1x384xi32, #tpu.memory_space<hbm>> -> memref<384xi32, #tpu.memory_space<hbm>>
      tpu.wait_dma2 semaphore(%arg21 : memref<!tpu.dma_semaphore, #tpu.memory_space<semaphore_mem>>) src(%dma_wait3A_436 : memref<384xi32, #tpu.memory_space<hbm>>) dst(%arg7 : memref<384xi32, #tpu.memory_space<vmem>>)
      %dma_wait3A_437 = arith.constant 0 : i32
      %dma_wait3A_438 = arith.constant 0 : i32
      %dma_wait3A_439 = tpu.memref_slice %arg2[%dma_wait3A_437, %dma_wait3A_438] : memref<2x3200000xi32, #tpu.memory_space<hbm>> -> memref<1x384xi32, #tpu.memory_space<hbm>>
      %dma_wait3A_440 = tpu.memref_squeeze %dma_wait3A_439 : memref<1x384xi32, #tpu.memory_space<hbm>> -> memref<384xi32, #tpu.memory_space<hbm>>
      %dma_wait3A_441 = arith.constant 0 : i32
      %dma_wait3A_442 = tpu.memref_slice %arg2[%dma_wait3A_437, %dma_wait3A_441] : memref<2x3200000xi32, #tpu.memory_space<hbm>> -> memref<1x384xi32, #tpu.memory_space<hbm>>
      %dma_wait3A_443 = tpu.memref_squeeze %dma_wait3A_442 : memref<1x384xi32, #tpu.memory_space<hbm>> -> memref<384xi32, #tpu.memory_space<hbm>>
      tpu.wait_dma2 semaphore(%arg21 : memref<!tpu.dma_semaphore, #tpu.memory_space<semaphore_mem>>) src(%dma_wait3A_443 : memref<384xi32, #tpu.memory_space<hbm>>) dst(%arg11 : memref<384xi32, #tpu.memory_space<vmem>>)
      %dma_start3A_444 = arith.constant 0 : i32
      %dma_start3A_445 = arith.constant 0 : i32
      %dma_start3A_446 = tpu.memref_slice %arg3[%dma_start3A_444, %dma_start3A_445] : memref<100000x16xf32, #tpu.memory_space<hbm>> -> memref<100000x16xf32, #tpu.memory_space<hbm>>
      tpu.enqueue_indirect_dma source(%dma_start3A_446 : memref<100000x16xf32, #tpu.memory_space<hbm>>) target(%arg15 : memref<384x16xf32, #tpu.memory_space<vmem>>) offsets(%arg7 : memref<384xi32, #tpu.memory_space<vmem>>) semaphore(%arg25 : memref<!tpu.dma_semaphore, #tpu.memory_space<semaphore_mem>>)
      %dma_wait3A_447 = arith.constant 0 : i32
      %dma_wait3A_448 = arith.constant 0 : i32
      %dma_wait3A_449 = tpu.memref_slice %arg3[%dma_wait3A_447, %dma_wait3A_448] : memref<100000x16xf32, #tpu.memory_space<hbm>> -> memref<384x16xf32, #tpu.memory_space<hbm>>
      %dma_wait3A_450 = arith.constant 0 : i32
      %dma_wait3A_451 = arith.constant 0 : i32
      %dma_wait3A_452 = tpu.memref_slice %arg3[%dma_wait3A_450, %dma_wait3A_451] : memref<100000x16xf32, #tpu.memory_space<hbm>> -> memref<384x16xf32, #tpu.memory_space<hbm>>
      tpu.wait_dma2 semaphore(%arg24 : memref<!tpu.dma_semaphore, #tpu.memory_space<semaphore_mem>>) src(%dma_wait3A_452 : memref<384x16xf32, #tpu.memory_space<hbm>>) dst(%arg14 : memref<384x16xf32, #tpu.memory_space<vmem>>)
      %dma_start3A_453 = arith.constant 0 : i32
      %dma_start3A_454 = arith.constant 0 : i32
      %dma_start3A_455 = tpu.memref_slice %arg5[%dma_start3A_453, %dma_start3A_454] : memref<100000x16xf32, #tpu.memory_space<vmem_shared>> -> memref<100000x16xf32, #tpu.memory_space<vmem_shared>>
      tpu.enqueue_indirect_dma source(%arg14 : memref<384x16xf32, #tpu.memory_space<vmem>>) target(%dma_start3A_455 : memref<100000x16xf32, #tpu.memory_space<vmem_shared>>) offsets(%arg10 : memref<384xi32, #tpu.memory_space<vmem>>) semaphore(%arg28 : memref<!tpu.dma_semaphore, #tpu.memory_space<semaphore_mem>>) {add = true}
      %add3A_456 = arith.constant 1 : i32
      %add3A_457 = arith.addi %mul3A_406, %add3A_456 : i32
      %dma_wait3A_458 = arith.constant 0 : i32
      %dma_wait3A_459 = arith.constant 0 : i32
      %dma_wait3A_460 = tpu.memref_slice %arg3[%dma_wait3A_458, %dma_wait3A_459] : memref<100000x16xf32, #tpu.memory_space<hbm>> -> memref<384x16xf32, #tpu.memory_space<hbm>>
      %dma_wait3A_461 = arith.constant 0 : i32
      %dma_wait3A_462 = arith.constant 0 : i32
      %dma_wait3A_463 = tpu.memref_slice %arg3[%dma_wait3A_461, %dma_wait3A_462] : memref<100000x16xf32, #tpu.memory_space<hbm>> -> memref<384x16xf32, #tpu.memory_space<hbm>>
      tpu.wait_dma2 semaphore(%arg31 : memref<!tpu.dma_semaphore, #tpu.memory_space<semaphore_mem>>) src(%dma_wait3A_463 : memref<384x16xf32, #tpu.memory_space<hbm>>) dst(%arg17 : memref<384x16xf32, #tpu.memory_space<vmem>>)
      %add3A_464 = arith.constant 2 : i32
      %add3A_465 = arith.addi %add3A_457, %add3A_464 : i32
      %mul3A_466 = arith.constant 384 : i32
      %mul3A_467 = arith.muli %add3A_465, %mul3A_466 : i32
      %add3A_468 = arith.addi %mul3A_6, %mul3A_467 : i32
      %dma_start3A_469 = arith.constant 0 : i32
      %dma_start3A_470 = tpu.memref_slice %arg2[%dma_start3A_469, %add3A_468] : memref<2x3200000xi32, #tpu.memory_space<hbm>> -> memref<1x384xi32, #tpu.memory_space<hbm>>
      %dma_start3A_471 = tpu.memref_squeeze %dma_start3A_470 : memref<1x384xi32, #tpu.memory_space<hbm>> -> memref<384xi32, #tpu.memory_space<hbm>>
      %dma_start3A_472 = tpu.memref_slice %arg2[%dma_start3A_469, %add3A_468] : memref<2x3200000xi32, #tpu.memory_space<hbm>> -> memref<1x384xi32, #tpu.memory_space<hbm>>
      %dma_start3A_473 = tpu.memref_squeeze %dma_start3A_472 : memref<1x384xi32, #tpu.memory_space<hbm>> -> memref<384xi32, #tpu.memory_space<hbm>>
      tpu.enqueue_dma source(%dma_start3A_473 : memref<384xi32, #tpu.memory_space<hbm>>) target(%arg9 : memref<384xi32, #tpu.memory_space<vmem>>) target_semaphore(%arg23 : memref<!tpu.dma_semaphore, #tpu.memory_space<semaphore_mem>>)
      %dma_start3A_474 = arith.constant 1 : i32
      %dma_start3A_475 = tpu.memref_slice %arg2[%dma_start3A_474, %add3A_468] : memref<2x3200000xi32, #tpu.memory_space<hbm>> -> memref<1x384xi32, #tpu.memory_space<hbm>>
      %dma_start3A_476 = tpu.memref_squeeze %dma_start3A_475 : memref<1x384xi32, #tpu.memory_space<hbm>> -> memref<384xi32, #tpu.memory_space<hbm>>
      %dma_start3A_477 = tpu.memref_slice %arg2[%dma_start3A_474, %add3A_468] : memref<2x3200000xi32, #tpu.memory_space<hbm>> -> memref<1x384xi32, #tpu.memory_space<hbm>>
      %dma_start3A_478 = tpu.memref_squeeze %dma_start3A_477 : memref<1x384xi32, #tpu.memory_space<hbm>> -> memref<384xi32, #tpu.memory_space<hbm>>
      tpu.enqueue_dma source(%dma_start3A_478 : memref<384xi32, #tpu.memory_space<hbm>>) target(%arg13 : memref<384xi32, #tpu.memory_space<vmem>>) target_semaphore(%arg23 : memref<!tpu.dma_semaphore, #tpu.memory_space<semaphore_mem>>)
      %dma_wait3A_479 = arith.constant 0 : i32
      %dma_wait3A_480 = arith.constant 0 : i32
      %dma_wait3A_481 = tpu.memref_slice %arg2[%dma_wait3A_479, %dma_wait3A_480] : memref<2x3200000xi32, #tpu.memory_space<hbm>> -> memref<1x384xi32, #tpu.memory_space<hbm>>
      %dma_wait3A_482 = tpu.memref_squeeze %dma_wait3A_481 : memref<1x384xi32, #tpu.memory_space<hbm>> -> memref<384xi32, #tpu.memory_space<hbm>>
      %dma_wait3A_483 = arith.constant 0 : i32
      %dma_wait3A_484 = tpu.memref_slice %arg2[%dma_wait3A_479, %dma_wait3A_483] : memref<2x3200000xi32, #tpu.memory_space<hbm>> -> memref<1x384xi32, #tpu.memory_space<hbm>>
      %dma_wait3A_485 = tpu.memref_squeeze %dma_wait3A_484 : memref<1x384xi32, #tpu.memory_space<hbm>> -> memref<384xi32, #tpu.memory_space<hbm>>
      tpu.wait_dma2 semaphore(%arg22 : memref<!tpu.dma_semaphore, #tpu.memory_space<semaphore_mem>>) src(%dma_wait3A_485 : memref<384xi32, #tpu.memory_space<hbm>>) dst(%arg8 : memref<384xi32, #tpu.memory_space<vmem>>)
      %dma_wait3A_486 = arith.constant 0 : i32
      %dma_wait3A_487 = arith.constant 0 : i32
      %dma_wait3A_488 = tpu.memref_slice %arg2[%dma_wait3A_486, %dma_wait3A_487] : memref<2x3200000xi32, #tpu.memory_space<hbm>> -> memref<1x384xi32, #tpu.memory_space<hbm>>
      %dma_wait3A_489 = tpu.memref_squeeze %dma_wait3A_488 : memref<1x384xi32, #tpu.memory_space<hbm>> -> memref<384xi32, #tpu.memory_space<hbm>>
      %dma_wait3A_490 = arith.constant 0 : i32
      %dma_wait3A_491 = tpu.memref_slice %arg2[%dma_wait3A_486, %dma_wait3A_490] : memref<2x3200000xi32, #tpu.memory_space<hbm>> -> memref<1x384xi32, #tpu.memory_space<hbm>>
      %dma_wait3A_492 = tpu.memref_squeeze %dma_wait3A_491 : memref<1x384xi32, #tpu.memory_space<hbm>> -> memref<384xi32, #tpu.memory_space<hbm>>
      tpu.wait_dma2 semaphore(%arg22 : memref<!tpu.dma_semaphore, #tpu.memory_space<semaphore_mem>>) src(%dma_wait3A_492 : memref<384xi32, #tpu.memory_space<hbm>>) dst(%arg12 : memref<384xi32, #tpu.memory_space<vmem>>)
      %dma_start3A_493 = arith.constant 0 : i32
      %dma_start3A_494 = arith.constant 0 : i32
      %dma_start3A_495 = tpu.memref_slice %arg3[%dma_start3A_493, %dma_start3A_494] : memref<100000x16xf32, #tpu.memory_space<hbm>> -> memref<100000x16xf32, #tpu.memory_space<hbm>>
      tpu.enqueue_indirect_dma source(%dma_start3A_495 : memref<100000x16xf32, #tpu.memory_space<hbm>>) target(%arg16 : memref<384x16xf32, #tpu.memory_space<vmem>>) offsets(%arg8 : memref<384xi32, #tpu.memory_space<vmem>>) semaphore(%arg26 : memref<!tpu.dma_semaphore, #tpu.memory_space<semaphore_mem>>)
      %dma_wait3A_496 = arith.constant 0 : i32
      %dma_wait3A_497 = arith.constant 0 : i32
      %dma_wait3A_498 = tpu.memref_slice %arg3[%dma_wait3A_496, %dma_wait3A_497] : memref<100000x16xf32, #tpu.memory_space<hbm>> -> memref<384x16xf32, #tpu.memory_space<hbm>>
      %dma_wait3A_499 = arith.constant 0 : i32
      %dma_wait3A_500 = arith.constant 0 : i32
      %dma_wait3A_501 = tpu.memref_slice %arg3[%dma_wait3A_499, %dma_wait3A_500] : memref<100000x16xf32, #tpu.memory_space<hbm>> -> memref<384x16xf32, #tpu.memory_space<hbm>>
      tpu.wait_dma2 semaphore(%arg25 : memref<!tpu.dma_semaphore, #tpu.memory_space<semaphore_mem>>) src(%dma_wait3A_501 : memref<384x16xf32, #tpu.memory_space<hbm>>) dst(%arg15 : memref<384x16xf32, #tpu.memory_space<vmem>>)
      %dma_start3A_502 = arith.constant 0 : i32
      %dma_start3A_503 = arith.constant 0 : i32
      %dma_start3A_504 = tpu.memref_slice %arg5[%dma_start3A_502, %dma_start3A_503] : memref<100000x16xf32, #tpu.memory_space<vmem_shared>> -> memref<100000x16xf32, #tpu.memory_space<vmem_shared>>
      tpu.enqueue_indirect_dma source(%arg15 : memref<384x16xf32, #tpu.memory_space<vmem>>) target(%dma_start3A_504 : memref<100000x16xf32, #tpu.memory_space<vmem_shared>>) offsets(%arg11 : memref<384xi32, #tpu.memory_space<vmem>>) semaphore(%arg29 : memref<!tpu.dma_semaphore, #tpu.memory_space<semaphore_mem>>) {add = true}
      %add3A_505 = arith.constant 2 : i32
      %add3A_506 = arith.addi %mul3A_406, %add3A_505 : i32
      %dma_wait3A_507 = arith.constant 0 : i32
      %dma_wait3A_508 = arith.constant 0 : i32
      %dma_wait3A_509 = tpu.memref_slice %arg3[%dma_wait3A_507, %dma_wait3A_508] : memref<100000x16xf32, #tpu.memory_space<hbm>> -> memref<384x16xf32, #tpu.memory_space<hbm>>
      %dma_wait3A_510 = arith.constant 0 : i32
      %dma_wait3A_511 = arith.constant 0 : i32
      %dma_wait3A_512 = tpu.memref_slice %arg3[%dma_wait3A_510, %dma_wait3A_511] : memref<100000x16xf32, #tpu.memory_space<hbm>> -> memref<384x16xf32, #tpu.memory_space<hbm>>
      tpu.wait_dma2 semaphore(%arg28 : memref<!tpu.dma_semaphore, #tpu.memory_space<semaphore_mem>>) src(%dma_wait3A_512 : memref<384x16xf32, #tpu.memory_space<hbm>>) dst(%arg14 : memref<384x16xf32, #tpu.memory_space<vmem>>)
      %add3A_513 = arith.constant 2 : i32
      %add3A_514 = arith.addi %add3A_506, %add3A_513 : i32
      %mul3A_515 = arith.constant 384 : i32
      %mul3A_516 = arith.muli %add3A_514, %mul3A_515 : i32
      %add3A_517 = arith.addi %mul3A_6, %mul3A_516 : i32
      %dma_start3A_518 = arith.constant 0 : i32
      %dma_start3A_519 = tpu.memref_slice %arg2[%dma_start3A_518, %add3A_517] : memref<2x3200000xi32, #tpu.memory_space<hbm>> -> memref<1x384xi32, #tpu.memory_space<hbm>>
      %dma_start3A_520 = tpu.memref_squeeze %dma_start3A_519 : memref<1x384xi32, #tpu.memory_space<hbm>> -> memref<384xi32, #tpu.memory_space<hbm>>
      %dma_start3A_521 = tpu.memref_slice %arg2[%dma_start3A_518, %add3A_517] : memref<2x3200000xi32, #tpu.memory_space<hbm>> -> memref<1x384xi32, #tpu.memory_space<hbm>>
      %dma_start3A_522 = tpu.memref_squeeze %dma_start3A_521 : memref<1x384xi32, #tpu.memory_space<hbm>> -> memref<384xi32, #tpu.memory_space<hbm>>
      tpu.enqueue_dma source(%dma_start3A_522 : memref<384xi32, #tpu.memory_space<hbm>>) target(%arg6 : memref<384xi32, #tpu.memory_space<vmem>>) target_semaphore(%arg20 : memref<!tpu.dma_semaphore, #tpu.memory_space<semaphore_mem>>)
      %dma_start3A_523 = arith.constant 1 : i32
      %dma_start3A_524 = tpu.memref_slice %arg2[%dma_start3A_523, %add3A_517] : memref<2x3200000xi32, #tpu.memory_space<hbm>> -> memref<1x384xi32, #tpu.memory_space<hbm>>
      %dma_start3A_525 = tpu.memref_squeeze %dma_start3A_524 : memref<1x384xi32, #tpu.memory_space<hbm>> -> memref<384xi32, #tpu.memory_space<hbm>>
      %dma_start3A_526 = tpu.memref_slice %arg2[%dma_start3A_523, %add3A_517] : memref<2x3200000xi32, #tpu.memory_space<hbm>> -> memref<1x384xi32, #tpu.memory_space<hbm>>
      %dma_start3A_527 = tpu.memref_squeeze %dma_start3A_526 : memref<1x384xi32, #tpu.memory_space<hbm>> -> memref<384xi32, #tpu.memory_space<hbm>>
      tpu.enqueue_dma source(%dma_start3A_527 : memref<384xi32, #tpu.memory_space<hbm>>) target(%arg10 : memref<384xi32, #tpu.memory_space<vmem>>) target_semaphore(%arg20 : memref<!tpu.dma_semaphore, #tpu.memory_space<semaphore_mem>>)
      %dma_wait3A_528 = arith.constant 0 : i32
      %dma_wait3A_529 = arith.constant 0 : i32
      %dma_wait3A_530 = tpu.memref_slice %arg2[%dma_wait3A_528, %dma_wait3A_529] : memref<2x3200000xi32, #tpu.memory_space<hbm>> -> memref<1x384xi32, #tpu.memory_space<hbm>>
      %dma_wait3A_531 = tpu.memref_squeeze %dma_wait3A_530 : memref<1x384xi32, #tpu.memory_space<hbm>> -> memref<384xi32, #tpu.memory_space<hbm>>
      %dma_wait3A_532 = arith.constant 0 : i32
      %dma_wait3A_533 = tpu.memref_slice %arg2[%dma_wait3A_528, %dma_wait3A_532] : memref<2x3200000xi32, #tpu.memory_space<hbm>> -> memref<1x384xi32, #tpu.memory_space<hbm>>
      %dma_wait3A_534 = tpu.memref_squeeze %dma_wait3A_533 : memref<1x384xi32, #tpu.memory_space<hbm>> -> memref<384xi32, #tpu.memory_space<hbm>>
      tpu.wait_dma2 semaphore(%arg23 : memref<!tpu.dma_semaphore, #tpu.memory_space<semaphore_mem>>) src(%dma_wait3A_534 : memref<384xi32, #tpu.memory_space<hbm>>) dst(%arg9 : memref<384xi32, #tpu.memory_space<vmem>>)
      %dma_wait3A_535 = arith.constant 0 : i32
      %dma_wait3A_536 = arith.constant 0 : i32
      %dma_wait3A_537 = tpu.memref_slice %arg2[%dma_wait3A_535, %dma_wait3A_536] : memref<2x3200000xi32, #tpu.memory_space<hbm>> -> memref<1x384xi32, #tpu.memory_space<hbm>>
      %dma_wait3A_538 = tpu.memref_squeeze %dma_wait3A_537 : memref<1x384xi32, #tpu.memory_space<hbm>> -> memref<384xi32, #tpu.memory_space<hbm>>
      %dma_wait3A_539 = arith.constant 0 : i32
      %dma_wait3A_540 = tpu.memref_slice %arg2[%dma_wait3A_535, %dma_wait3A_539] : memref<2x3200000xi32, #tpu.memory_space<hbm>> -> memref<1x384xi32, #tpu.memory_space<hbm>>
      %dma_wait3A_541 = tpu.memref_squeeze %dma_wait3A_540 : memref<1x384xi32, #tpu.memory_space<hbm>> -> memref<384xi32, #tpu.memory_space<hbm>>
      tpu.wait_dma2 semaphore(%arg23 : memref<!tpu.dma_semaphore, #tpu.memory_space<semaphore_mem>>) src(%dma_wait3A_541 : memref<384xi32, #tpu.memory_space<hbm>>) dst(%arg13 : memref<384xi32, #tpu.memory_space<vmem>>)
      %dma_start3A_542 = arith.constant 0 : i32
      %dma_start3A_543 = arith.constant 0 : i32
      %dma_start3A_544 = tpu.memref_slice %arg3[%dma_start3A_542, %dma_start3A_543] : memref<100000x16xf32, #tpu.memory_space<hbm>> -> memref<100000x16xf32, #tpu.memory_space<hbm>>
      tpu.enqueue_indirect_dma source(%dma_start3A_544 : memref<100000x16xf32, #tpu.memory_space<hbm>>) target(%arg17 : memref<384x16xf32, #tpu.memory_space<vmem>>) offsets(%arg9 : memref<384xi32, #tpu.memory_space<vmem>>) semaphore(%arg27 : memref<!tpu.dma_semaphore, #tpu.memory_space<semaphore_mem>>)
      %dma_wait3A_545 = arith.constant 0 : i32
      %dma_wait3A_546 = arith.constant 0 : i32
      %dma_wait3A_547 = tpu.memref_slice %arg3[%dma_wait3A_545, %dma_wait3A_546] : memref<100000x16xf32, #tpu.memory_space<hbm>> -> memref<384x16xf32, #tpu.memory_space<hbm>>
      %dma_wait3A_548 = arith.constant 0 : i32
      %dma_wait3A_549 = arith.constant 0 : i32
      %dma_wait3A_550 = tpu.memref_slice %arg3[%dma_wait3A_548, %dma_wait3A_549] : memref<100000x16xf32, #tpu.memory_space<hbm>> -> memref<384x16xf32, #tpu.memory_space<hbm>>
      tpu.wait_dma2 semaphore(%arg26 : memref<!tpu.dma_semaphore, #tpu.memory_space<semaphore_mem>>) src(%dma_wait3A_550 : memref<384x16xf32, #tpu.memory_space<hbm>>) dst(%arg16 : memref<384x16xf32, #tpu.memory_space<vmem>>)
      %dma_start3A_551 = arith.constant 0 : i32
      %dma_start3A_552 = arith.constant 0 : i32
      %dma_start3A_553 = tpu.memref_slice %arg5[%dma_start3A_551, %dma_start3A_552] : memref<100000x16xf32, #tpu.memory_space<vmem_shared>> -> memref<100000x16xf32, #tpu.memory_space<vmem_shared>>
      tpu.enqueue_indirect_dma source(%arg16 : memref<384x16xf32, #tpu.memory_space<vmem>>) target(%dma_start3A_553 : memref<100000x16xf32, #tpu.memory_space<vmem_shared>>) offsets(%arg12 : memref<384xi32, #tpu.memory_space<vmem>>) semaphore(%arg30 : memref<!tpu.dma_semaphore, #tpu.memory_space<semaphore_mem>>) {add = true}
      %add3A_554 = arith.constant 3 : i32
      %add3A_555 = arith.addi %mul3A_406, %add3A_554 : i32
      %dma_wait3A_556 = arith.constant 0 : i32
      %dma_wait3A_557 = arith.constant 0 : i32
      %dma_wait3A_558 = tpu.memref_slice %arg3[%dma_wait3A_556, %dma_wait3A_557] : memref<100000x16xf32, #tpu.memory_space<hbm>> -> memref<384x16xf32, #tpu.memory_space<hbm>>
      %dma_wait3A_559 = arith.constant 0 : i32
      %dma_wait3A_560 = arith.constant 0 : i32
      %dma_wait3A_561 = tpu.memref_slice %arg3[%dma_wait3A_559, %dma_wait3A_560] : memref<100000x16xf32, #tpu.memory_space<hbm>> -> memref<384x16xf32, #tpu.memory_space<hbm>>
      tpu.wait_dma2 semaphore(%arg29 : memref<!tpu.dma_semaphore, #tpu.memory_space<semaphore_mem>>) src(%dma_wait3A_561 : memref<384x16xf32, #tpu.memory_space<hbm>>) dst(%arg15 : memref<384x16xf32, #tpu.memory_space<vmem>>)
      %add3A_562 = arith.constant 2 : i32
      %add3A_563 = arith.addi %add3A_555, %add3A_562 : i32
      %mul3A_564 = arith.constant 384 : i32
      %mul3A_565 = arith.muli %add3A_563, %mul3A_564 : i32
      %add3A_566 = arith.addi %mul3A_6, %mul3A_565 : i32
      %dma_start3A_567 = arith.constant 0 : i32
      %dma_start3A_568 = tpu.memref_slice %arg2[%dma_start3A_567, %add3A_566] : memref<2x3200000xi32, #tpu.memory_space<hbm>> -> memref<1x384xi32, #tpu.memory_space<hbm>>
      %dma_start3A_569 = tpu.memref_squeeze %dma_start3A_568 : memref<1x384xi32, #tpu.memory_space<hbm>> -> memref<384xi32, #tpu.memory_space<hbm>>
      %dma_start3A_570 = tpu.memref_slice %arg2[%dma_start3A_567, %add3A_566] : memref<2x3200000xi32, #tpu.memory_space<hbm>> -> memref<1x384xi32, #tpu.memory_space<hbm>>
      %dma_start3A_571 = tpu.memref_squeeze %dma_start3A_570 : memref<1x384xi32, #tpu.memory_space<hbm>> -> memref<384xi32, #tpu.memory_space<hbm>>
      tpu.enqueue_dma source(%dma_start3A_571 : memref<384xi32, #tpu.memory_space<hbm>>) target(%arg7 : memref<384xi32, #tpu.memory_space<vmem>>) target_semaphore(%arg21 : memref<!tpu.dma_semaphore, #tpu.memory_space<semaphore_mem>>)
      %dma_start3A_572 = arith.constant 1 : i32
      %dma_start3A_573 = tpu.memref_slice %arg2[%dma_start3A_572, %add3A_566] : memref<2x3200000xi32, #tpu.memory_space<hbm>> -> memref<1x384xi32, #tpu.memory_space<hbm>>
      %dma_start3A_574 = tpu.memref_squeeze %dma_start3A_573 : memref<1x384xi32, #tpu.memory_space<hbm>> -> memref<384xi32, #tpu.memory_space<hbm>>
      %dma_start3A_575 = tpu.memref_slice %arg2[%dma_start3A_572, %add3A_566] : memref<2x3200000xi32, #tpu.memory_space<hbm>> -> memref<1x384xi32, #tpu.memory_space<hbm>>
      %dma_start3A_576 = tpu.memref_squeeze %dma_start3A_575 : memref<1x384xi32, #tpu.memory_space<hbm>> -> memref<384xi32, #tpu.memory_space<hbm>>
      tpu.enqueue_dma source(%dma_start3A_576 : memref<384xi32, #tpu.memory_space<hbm>>) target(%arg11 : memref<384xi32, #tpu.memory_space<vmem>>) target_semaphore(%arg21 : memref<!tpu.dma_semaphore, #tpu.memory_space<semaphore_mem>>)
      %dma_wait3A_577 = arith.constant 0 : i32
      %dma_wait3A_578 = arith.constant 0 : i32
      %dma_wait3A_579 = tpu.memref_slice %arg2[%dma_wait3A_577, %dma_wait3A_578] : memref<2x3200000xi32, #tpu.memory_space<hbm>> -> memref<1x384xi32, #tpu.memory_space<hbm>>
      %dma_wait3A_580 = tpu.memref_squeeze %dma_wait3A_579 : memref<1x384xi32, #tpu.memory_space<hbm>> -> memref<384xi32, #tpu.memory_space<hbm>>
      %dma_wait3A_581 = arith.constant 0 : i32
      %dma_wait3A_582 = tpu.memref_slice %arg2[%dma_wait3A_577, %dma_wait3A_581] : memref<2x3200000xi32, #tpu.memory_space<hbm>> -> memref<1x384xi32, #tpu.memory_space<hbm>>
      %dma_wait3A_583 = tpu.memref_squeeze %dma_wait3A_582 : memref<1x384xi32, #tpu.memory_space<hbm>> -> memref<384xi32, #tpu.memory_space<hbm>>
      tpu.wait_dma2 semaphore(%arg20 : memref<!tpu.dma_semaphore, #tpu.memory_space<semaphore_mem>>) src(%dma_wait3A_583 : memref<384xi32, #tpu.memory_space<hbm>>) dst(%arg6 : memref<384xi32, #tpu.memory_space<vmem>>)
      %dma_wait3A_584 = arith.constant 0 : i32
      %dma_wait3A_585 = arith.constant 0 : i32
      %dma_wait3A_586 = tpu.memref_slice %arg2[%dma_wait3A_584, %dma_wait3A_585] : memref<2x3200000xi32, #tpu.memory_space<hbm>> -> memref<1x384xi32, #tpu.memory_space<hbm>>
      %dma_wait3A_587 = tpu.memref_squeeze %dma_wait3A_586 : memref<1x384xi32, #tpu.memory_space<hbm>> -> memref<384xi32, #tpu.memory_space<hbm>>
      %dma_wait3A_588 = arith.constant 0 : i32
      %dma_wait3A_589 = tpu.memref_slice %arg2[%dma_wait3A_584, %dma_wait3A_588] : memref<2x3200000xi32, #tpu.memory_space<hbm>> -> memref<1x384xi32, #tpu.memory_space<hbm>>
      %dma_wait3A_590 = tpu.memref_squeeze %dma_wait3A_589 : memref<1x384xi32, #tpu.memory_space<hbm>> -> memref<384xi32, #tpu.memory_space<hbm>>
      tpu.wait_dma2 semaphore(%arg20 : memref<!tpu.dma_semaphore, #tpu.memory_space<semaphore_mem>>) src(%dma_wait3A_590 : memref<384xi32, #tpu.memory_space<hbm>>) dst(%arg10 : memref<384xi32, #tpu.memory_space<vmem>>)
      %dma_start3A_591 = arith.constant 0 : i32
      %dma_start3A_592 = arith.constant 0 : i32
      %dma_start3A_593 = tpu.memref_slice %arg3[%dma_start3A_591, %dma_start3A_592] : memref<100000x16xf32, #tpu.memory_space<hbm>> -> memref<100000x16xf32, #tpu.memory_space<hbm>>
      tpu.enqueue_indirect_dma source(%dma_start3A_593 : memref<100000x16xf32, #tpu.memory_space<hbm>>) target(%arg14 : memref<384x16xf32, #tpu.memory_space<vmem>>) offsets(%arg6 : memref<384xi32, #tpu.memory_space<vmem>>) semaphore(%arg24 : memref<!tpu.dma_semaphore, #tpu.memory_space<semaphore_mem>>)
      %dma_wait3A_594 = arith.constant 0 : i32
      %dma_wait3A_595 = arith.constant 0 : i32
      %dma_wait3A_596 = tpu.memref_slice %arg3[%dma_wait3A_594, %dma_wait3A_595] : memref<100000x16xf32, #tpu.memory_space<hbm>> -> memref<384x16xf32, #tpu.memory_space<hbm>>
      %dma_wait3A_597 = arith.constant 0 : i32
      %dma_wait3A_598 = arith.constant 0 : i32
      %dma_wait3A_599 = tpu.memref_slice %arg3[%dma_wait3A_597, %dma_wait3A_598] : memref<100000x16xf32, #tpu.memory_space<hbm>> -> memref<384x16xf32, #tpu.memory_space<hbm>>
      tpu.wait_dma2 semaphore(%arg27 : memref<!tpu.dma_semaphore, #tpu.memory_space<semaphore_mem>>) src(%dma_wait3A_599 : memref<384x16xf32, #tpu.memory_space<hbm>>) dst(%arg17 : memref<384x16xf32, #tpu.memory_space<vmem>>)
      %dma_start3A_600 = arith.constant 0 : i32
      %dma_start3A_601 = arith.constant 0 : i32
      %dma_start3A_602 = tpu.memref_slice %arg5[%dma_start3A_600, %dma_start3A_601] : memref<100000x16xf32, #tpu.memory_space<vmem_shared>> -> memref<100000x16xf32, #tpu.memory_space<vmem_shared>>
      tpu.enqueue_indirect_dma source(%arg17 : memref<384x16xf32, #tpu.memory_space<vmem>>) target(%dma_start3A_602 : memref<100000x16xf32, #tpu.memory_space<vmem_shared>>) offsets(%arg13 : memref<384xi32, #tpu.memory_space<vmem>>) semaphore(%arg31 : memref<!tpu.dma_semaphore, #tpu.memory_space<semaphore_mem>>) {add = true}
    }
    %scan3A_225 = arith.constant 63 : i32
    %dma_wait3A_226 = arith.constant 0 : i32
    %dma_wait3A_227 = arith.constant 0 : i32
    %dma_wait3A_228 = tpu.memref_slice %arg3[%dma_wait3A_226, %dma_wait3A_227] : memref<100000x16xf32, #tpu.memory_space<hbm>> -> memref<384x16xf32, #tpu.memory_space<hbm>>
    %dma_wait3A_229 = arith.constant 0 : i32
    %dma_wait3A_230 = arith.constant 0 : i32
    %dma_wait3A_231 = tpu.memref_slice %arg3[%dma_wait3A_229, %dma_wait3A_230] : memref<100000x16xf32, #tpu.memory_space<hbm>> -> memref<384x16xf32, #tpu.memory_space<hbm>>
    tpu.wait_dma2 semaphore(%arg30 : memref<!tpu.dma_semaphore, #tpu.memory_space<semaphore_mem>>) src(%dma_wait3A_231 : memref<384x16xf32, #tpu.memory_space<hbm>>) dst(%arg16 : memref<384x16xf32, #tpu.memory_space<vmem>>)
    %add3A_232 = arith.constant 99072 : i32
    %add3A_233 = arith.addi %mul3A_6, %add3A_232 : i32
    %dma_start3A_234 = arith.constant 0 : i32
    %dma_start3A_235 = tpu.memref_slice %arg2[%dma_start3A_234, %add3A_233] : memref<2x3200000xi32, #tpu.memory_space<hbm>> -> memref<1x384xi32, #tpu.memory_space<hbm>>
    %dma_start3A_236 = tpu.memref_squeeze %dma_start3A_235 : memref<1x384xi32, #tpu.memory_space<hbm>> -> memref<384xi32, #tpu.memory_space<hbm>>
    %dma_start3A_237 = tpu.memref_slice %arg2[%dma_start3A_234, %add3A_233] : memref<2x3200000xi32, #tpu.memory_space<hbm>> -> memref<1x384xi32, #tpu.memory_space<hbm>>
    %dma_start3A_238 = tpu.memref_squeeze %dma_start3A_237 : memref<1x384xi32, #tpu.memory_space<hbm>> -> memref<384xi32, #tpu.memory_space<hbm>>
    tpu.enqueue_dma source(%dma_start3A_238 : memref<384xi32, #tpu.memory_space<hbm>>) target(%arg8 : memref<384xi32, #tpu.memory_space<vmem>>) target_semaphore(%arg22 : memref<!tpu.dma_semaphore, #tpu.memory_space<semaphore_mem>>)
    %dma_start3A_239 = arith.constant 1 : i32
    %dma_start3A_240 = tpu.memref_slice %arg2[%dma_start3A_239, %add3A_233] : memref<2x3200000xi32, #tpu.memory_space<hbm>> -> memref<1x384xi32, #tpu.memory_space<hbm>>
    %dma_start3A_241 = tpu.memref_squeeze %dma_start3A_240 : memref<1x384xi32, #tpu.memory_space<hbm>> -> memref<384xi32, #tpu.memory_space<hbm>>
    %dma_start3A_242 = tpu.memref_slice %arg2[%dma_start3A_239, %add3A_233] : memref<2x3200000xi32, #tpu.memory_space<hbm>> -> memref<1x384xi32, #tpu.memory_space<hbm>>
    %dma_start3A_243 = tpu.memref_squeeze %dma_start3A_242 : memref<1x384xi32, #tpu.memory_space<hbm>> -> memref<384xi32, #tpu.memory_space<hbm>>
    tpu.enqueue_dma source(%dma_start3A_243 : memref<384xi32, #tpu.memory_space<hbm>>) target(%arg12 : memref<384xi32, #tpu.memory_space<vmem>>) target_semaphore(%arg22 : memref<!tpu.dma_semaphore, #tpu.memory_space<semaphore_mem>>)
    %dma_wait3A_244 = arith.constant 0 : i32
    %dma_wait3A_245 = arith.constant 0 : i32
    %dma_wait3A_246 = tpu.memref_slice %arg2[%dma_wait3A_244, %dma_wait3A_245] : memref<2x3200000xi32, #tpu.memory_space<hbm>> -> memref<1x384xi32, #tpu.memory_space<hbm>>
    %dma_wait3A_247 = tpu.memref_squeeze %dma_wait3A_246 : memref<1x384xi32, #tpu.memory_space<hbm>> -> memref<384xi32, #tpu.memory_space<hbm>>
    %dma_wait3A_248 = arith.constant 0 : i32
    %dma_wait3A_249 = tpu.memref_slice %arg2[%dma_wait3A_244, %dma_wait3A_248] : memref<2x3200000xi32, #tpu.memory_space<hbm>> -> memref<1x384xi32, #tpu.memory_space<hbm>>
    %dma_wait3A_250 = tpu.memref_squeeze %dma_wait3A_249 : memref<1x384xi32, #tpu.memory_space<hbm>> -> memref<384xi32, #tpu.memory_space<hbm>>
    tpu.wait_dma2 semaphore(%arg21 : memref<!tpu.dma_semaphore, #tpu.memory_space<semaphore_mem>>) src(%dma_wait3A_250 : memref<384xi32, #tpu.memory_space<hbm>>) dst(%arg7 : memref<384xi32, #tpu.memory_space<vmem>>)
    %dma_wait3A_251 = arith.constant 0 : i32
    %dma_wait3A_252 = arith.constant 0 : i32
    %dma_wait3A_253 = tpu.memref_slice %arg2[%dma_wait3A_251, %dma_wait3A_252] : memref<2x3200000xi32, #tpu.memory_space<hbm>> -> memref<1x384xi32, #tpu.memory_space<hbm>>
    %dma_wait3A_254 = tpu.memref_squeeze %dma_wait3A_253 : memref<1x384xi32, #tpu.memory_space<hbm>> -> memref<384xi32, #tpu.memory_space<hbm>>
    %dma_wait3A_255 = arith.constant 0 : i32
    %dma_wait3A_256 = tpu.memref_slice %arg2[%dma_wait3A_251, %dma_wait3A_255] : memref<2x3200000xi32, #tpu.memory_space<hbm>> -> memref<1x384xi32, #tpu.memory_space<hbm>>
    %dma_wait3A_257 = tpu.memref_squeeze %dma_wait3A_256 : memref<1x384xi32, #tpu.memory_space<hbm>> -> memref<384xi32, #tpu.memory_space<hbm>>
    tpu.wait_dma2 semaphore(%arg21 : memref<!tpu.dma_semaphore, #tpu.memory_space<semaphore_mem>>) src(%dma_wait3A_257 : memref<384xi32, #tpu.memory_space<hbm>>) dst(%arg11 : memref<384xi32, #tpu.memory_space<vmem>>)
    %dma_start3A_258 = arith.constant 0 : i32
    %dma_start3A_259 = arith.constant 0 : i32
    %dma_start3A_260 = tpu.memref_slice %arg3[%dma_start3A_258, %dma_start3A_259] : memref<100000x16xf32, #tpu.memory_space<hbm>> -> memref<100000x16xf32, #tpu.memory_space<hbm>>
    tpu.enqueue_indirect_dma source(%dma_start3A_260 : memref<100000x16xf32, #tpu.memory_space<hbm>>) target(%arg15 : memref<384x16xf32, #tpu.memory_space<vmem>>) offsets(%arg7 : memref<384xi32, #tpu.memory_space<vmem>>) semaphore(%arg25 : memref<!tpu.dma_semaphore, #tpu.memory_space<semaphore_mem>>)
    %dma_wait3A_261 = arith.constant 0 : i32
    %dma_wait3A_262 = arith.constant 0 : i32
    %dma_wait3A_263 = tpu.memref_slice %arg3[%dma_wait3A_261, %dma_wait3A_262] : memref<100000x16xf32, #tpu.memory_space<hbm>> -> memref<384x16xf32, #tpu.memory_space<hbm>>
    %dma_wait3A_264 = arith.constant 0 : i32
    %dma_wait3A_265 = arith.constant 0 : i32
    %dma_wait3A_266 = tpu.memref_slice %arg3[%dma_wait3A_264, %dma_wait3A_265] : memref<100000x16xf32, #tpu.memory_space<hbm>> -> memref<384x16xf32, #tpu.memory_space<hbm>>
    tpu.wait_dma2 semaphore(%arg24 : memref<!tpu.dma_semaphore, #tpu.memory_space<semaphore_mem>>) src(%dma_wait3A_266 : memref<384x16xf32, #tpu.memory_space<hbm>>) dst(%arg14 : memref<384x16xf32, #tpu.memory_space<vmem>>)
    %dma_start3A_267 = arith.constant 0 : i32
    %dma_start3A_268 = arith.constant 0 : i32
    %dma_start3A_269 = tpu.memref_slice %arg5[%dma_start3A_267, %dma_start3A_268] : memref<100000x16xf32, #tpu.memory_space<vmem_shared>> -> memref<100000x16xf32, #tpu.memory_space<vmem_shared>>
    tpu.enqueue_indirect_dma source(%arg14 : memref<384x16xf32, #tpu.memory_space<vmem>>) target(%dma_start3A_269 : memref<100000x16xf32, #tpu.memory_space<vmem_shared>>) offsets(%arg10 : memref<384xi32, #tpu.memory_space<vmem>>) semaphore(%arg28 : memref<!tpu.dma_semaphore, #tpu.memory_space<semaphore_mem>>) {add = true}
    %dma_wait3A_270 = arith.constant 0 : i32
    %dma_wait3A_271 = arith.constant 0 : i32
    %dma_wait3A_272 = tpu.memref_slice %arg3[%dma_wait3A_270, %dma_wait3A_271] : memref<100000x16xf32, #tpu.memory_space<hbm>> -> memref<384x16xf32, #tpu.memory_space<hbm>>
    %dma_wait3A_273 = arith.constant 0 : i32
    %dma_wait3A_274 = arith.constant 0 : i32
    %dma_wait3A_275 = tpu.memref_slice %arg3[%dma_wait3A_273, %dma_wait3A_274] : memref<100000x16xf32, #tpu.memory_space<hbm>> -> memref<384x16xf32, #tpu.memory_space<hbm>>
    tpu.wait_dma2 semaphore(%arg31 : memref<!tpu.dma_semaphore, #tpu.memory_space<semaphore_mem>>) src(%dma_wait3A_275 : memref<384x16xf32, #tpu.memory_space<hbm>>) dst(%arg17 : memref<384x16xf32, #tpu.memory_space<vmem>>)
    %add3A_276 = arith.constant 99456 : i32
    %add3A_277 = arith.addi %mul3A_6, %add3A_276 : i32
    %dma_start3A_278 = arith.constant 0 : i32
    %dma_start3A_279 = tpu.memref_slice %arg2[%dma_start3A_278, %add3A_277] : memref<2x3200000xi32, #tpu.memory_space<hbm>> -> memref<1x384xi32, #tpu.memory_space<hbm>>
    %dma_start3A_280 = tpu.memref_squeeze %dma_start3A_279 : memref<1x384xi32, #tpu.memory_space<hbm>> -> memref<384xi32, #tpu.memory_space<hbm>>
    %dma_start3A_281 = tpu.memref_slice %arg2[%dma_start3A_278, %add3A_277] : memref<2x3200000xi32, #tpu.memory_space<hbm>> -> memref<1x384xi32, #tpu.memory_space<hbm>>
    %dma_start3A_282 = tpu.memref_squeeze %dma_start3A_281 : memref<1x384xi32, #tpu.memory_space<hbm>> -> memref<384xi32, #tpu.memory_space<hbm>>
    tpu.enqueue_dma source(%dma_start3A_282 : memref<384xi32, #tpu.memory_space<hbm>>) target(%arg9 : memref<384xi32, #tpu.memory_space<vmem>>) target_semaphore(%arg23 : memref<!tpu.dma_semaphore, #tpu.memory_space<semaphore_mem>>)
    %dma_start3A_283 = arith.constant 1 : i32
    %dma_start3A_284 = tpu.memref_slice %arg2[%dma_start3A_283, %add3A_277] : memref<2x3200000xi32, #tpu.memory_space<hbm>> -> memref<1x384xi32, #tpu.memory_space<hbm>>
    %dma_start3A_285 = tpu.memref_squeeze %dma_start3A_284 : memref<1x384xi32, #tpu.memory_space<hbm>> -> memref<384xi32, #tpu.memory_space<hbm>>
    %dma_start3A_286 = tpu.memref_slice %arg2[%dma_start3A_283, %add3A_277] : memref<2x3200000xi32, #tpu.memory_space<hbm>> -> memref<1x384xi32, #tpu.memory_space<hbm>>
    %dma_start3A_287 = tpu.memref_squeeze %dma_start3A_286 : memref<1x384xi32, #tpu.memory_space<hbm>> -> memref<384xi32, #tpu.memory_space<hbm>>
    tpu.enqueue_dma source(%dma_start3A_287 : memref<384xi32, #tpu.memory_space<hbm>>) target(%arg13 : memref<384xi32, #tpu.memory_space<vmem>>) target_semaphore(%arg23 : memref<!tpu.dma_semaphore, #tpu.memory_space<semaphore_mem>>)
    %dma_wait3A_288 = arith.constant 0 : i32
    %dma_wait3A_289 = arith.constant 0 : i32
    %dma_wait3A_290 = tpu.memref_slice %arg2[%dma_wait3A_288, %dma_wait3A_289] : memref<2x3200000xi32, #tpu.memory_space<hbm>> -> memref<1x384xi32, #tpu.memory_space<hbm>>
    %dma_wait3A_291 = tpu.memref_squeeze %dma_wait3A_290 : memref<1x384xi32, #tpu.memory_space<hbm>> -> memref<384xi32, #tpu.memory_space<hbm>>
    %dma_wait3A_292 = arith.constant 0 : i32
    %dma_wait3A_293 = tpu.memref_slice %arg2[%dma_wait3A_288, %dma_wait3A_292] : memref<2x3200000xi32, #tpu.memory_space<hbm>> -> memref<1x384xi32, #tpu.memory_space<hbm>>
    %dma_wait3A_294 = tpu.memref_squeeze %dma_wait3A_293 : memref<1x384xi32, #tpu.memory_space<hbm>> -> memref<384xi32, #tpu.memory_space<hbm>>
    tpu.wait_dma2 semaphore(%arg22 : memref<!tpu.dma_semaphore, #tpu.memory_space<semaphore_mem>>) src(%dma_wait3A_294 : memref<384xi32, #tpu.memory_space<hbm>>) dst(%arg8 : memref<384xi32, #tpu.memory_space<vmem>>)
    %dma_wait3A_295 = arith.constant 0 : i32
    %dma_wait3A_296 = arith.constant 0 : i32
    %dma_wait3A_297 = tpu.memref_slice %arg2[%dma_wait3A_295, %dma_wait3A_296] : memref<2x3200000xi32, #tpu.memory_space<hbm>> -> memref<1x384xi32, #tpu.memory_space<hbm>>
    %dma_wait3A_298 = tpu.memref_squeeze %dma_wait3A_297 : memref<1x384xi32, #tpu.memory_space<hbm>> -> memref<384xi32, #tpu.memory_space<hbm>>
    %dma_wait3A_299 = arith.constant 0 : i32
    %dma_wait3A_300 = tpu.memref_slice %arg2[%dma_wait3A_295, %dma_wait3A_299] : memref<2x3200000xi32, #tpu.memory_space<hbm>> -> memref<1x384xi32, #tpu.memory_space<hbm>>
    %dma_wait3A_301 = tpu.memref_squeeze %dma_wait3A_300 : memref<1x384xi32, #tpu.memory_space<hbm>> -> memref<384xi32, #tpu.memory_space<hbm>>
    tpu.wait_dma2 semaphore(%arg22 : memref<!tpu.dma_semaphore, #tpu.memory_space<semaphore_mem>>) src(%dma_wait3A_301 : memref<384xi32, #tpu.memory_space<hbm>>) dst(%arg12 : memref<384xi32, #tpu.memory_space<vmem>>)
    %dma_start3A_302 = arith.constant 0 : i32
    %dma_start3A_303 = arith.constant 0 : i32
    %dma_start3A_304 = tpu.memref_slice %arg3[%dma_start3A_302, %dma_start3A_303] : memref<100000x16xf32, #tpu.memory_space<hbm>> -> memref<100000x16xf32, #tpu.memory_space<hbm>>
    tpu.enqueue_indirect_dma source(%dma_start3A_304 : memref<100000x16xf32, #tpu.memory_space<hbm>>) target(%arg16 : memref<384x16xf32, #tpu.memory_space<vmem>>) offsets(%arg8 : memref<384xi32, #tpu.memory_space<vmem>>) semaphore(%arg26 : memref<!tpu.dma_semaphore, #tpu.memory_space<semaphore_mem>>)
    %dma_wait3A_305 = arith.constant 0 : i32
    %dma_wait3A_306 = arith.constant 0 : i32
    %dma_wait3A_307 = tpu.memref_slice %arg3[%dma_wait3A_305, %dma_wait3A_306] : memref<100000x16xf32, #tpu.memory_space<hbm>> -> memref<384x16xf32, #tpu.memory_space<hbm>>
    %dma_wait3A_308 = arith.constant 0 : i32
    %dma_wait3A_309 = arith.constant 0 : i32
    %dma_wait3A_310 = tpu.memref_slice %arg3[%dma_wait3A_308, %dma_wait3A_309] : memref<100000x16xf32, #tpu.memory_space<hbm>> -> memref<384x16xf32, #tpu.memory_space<hbm>>
    tpu.wait_dma2 semaphore(%arg25 : memref<!tpu.dma_semaphore, #tpu.memory_space<semaphore_mem>>) src(%dma_wait3A_310 : memref<384x16xf32, #tpu.memory_space<hbm>>) dst(%arg15 : memref<384x16xf32, #tpu.memory_space<vmem>>)
    %dma_start3A_311 = arith.constant 0 : i32
    %dma_start3A_312 = arith.constant 0 : i32
    %dma_start3A_313 = tpu.memref_slice %arg5[%dma_start3A_311, %dma_start3A_312] : memref<100000x16xf32, #tpu.memory_space<vmem_shared>> -> memref<100000x16xf32, #tpu.memory_space<vmem_shared>>
    tpu.enqueue_indirect_dma source(%arg15 : memref<384x16xf32, #tpu.memory_space<vmem>>) target(%dma_start3A_313 : memref<100000x16xf32, #tpu.memory_space<vmem_shared>>) offsets(%arg11 : memref<384xi32, #tpu.memory_space<vmem>>) semaphore(%arg29 : memref<!tpu.dma_semaphore, #tpu.memory_space<semaphore_mem>>) {add = true}
    %dma_wait3A_314 = arith.constant 0 : i32
    %dma_wait3A_315 = arith.constant 0 : i32
    %dma_wait3A_316 = tpu.memref_slice %arg3[%dma_wait3A_314, %dma_wait3A_315] : memref<100000x16xf32, #tpu.memory_space<hbm>> -> memref<384x16xf32, #tpu.memory_space<hbm>>
    %dma_wait3A_317 = arith.constant 0 : i32
    %dma_wait3A_318 = arith.constant 0 : i32
    %dma_wait3A_319 = tpu.memref_slice %arg3[%dma_wait3A_317, %dma_wait3A_318] : memref<100000x16xf32, #tpu.memory_space<hbm>> -> memref<384x16xf32, #tpu.memory_space<hbm>>
    tpu.wait_dma2 semaphore(%arg28 : memref<!tpu.dma_semaphore, #tpu.memory_space<semaphore_mem>>) src(%dma_wait3A_319 : memref<384x16xf32, #tpu.memory_space<hbm>>) dst(%arg14 : memref<384x16xf32, #tpu.memory_space<vmem>>)
    %dma_wait3A_320 = arith.constant 0 : i32
    %dma_wait3A_321 = arith.constant 0 : i32
    %dma_wait3A_322 = tpu.memref_slice %arg2[%dma_wait3A_320, %dma_wait3A_321] : memref<2x3200000xi32, #tpu.memory_space<hbm>> -> memref<1x384xi32, #tpu.memory_space<hbm>>
    %dma_wait3A_323 = tpu.memref_squeeze %dma_wait3A_322 : memref<1x384xi32, #tpu.memory_space<hbm>> -> memref<384xi32, #tpu.memory_space<hbm>>
    %dma_wait3A_324 = arith.constant 0 : i32
    %dma_wait3A_325 = tpu.memref_slice %arg2[%dma_wait3A_320, %dma_wait3A_324] : memref<2x3200000xi32, #tpu.memory_space<hbm>> -> memref<1x384xi32, #tpu.memory_space<hbm>>
    %dma_wait3A_326 = tpu.memref_squeeze %dma_wait3A_325 : memref<1x384xi32, #tpu.memory_space<hbm>> -> memref<384xi32, #tpu.memory_space<hbm>>
    tpu.wait_dma2 semaphore(%arg23 : memref<!tpu.dma_semaphore, #tpu.memory_space<semaphore_mem>>) src(%dma_wait3A_326 : memref<384xi32, #tpu.memory_space<hbm>>) dst(%arg9 : memref<384xi32, #tpu.memory_space<vmem>>)
    %dma_wait3A_327 = arith.constant 0 : i32
    %dma_wait3A_328 = arith.constant 0 : i32
    %dma_wait3A_329 = tpu.memref_slice %arg2[%dma_wait3A_327, %dma_wait3A_328] : memref<2x3200000xi32, #tpu.memory_space<hbm>> -> memref<1x384xi32, #tpu.memory_space<hbm>>
    %dma_wait3A_330 = tpu.memref_squeeze %dma_wait3A_329 : memref<1x384xi32, #tpu.memory_space<hbm>> -> memref<384xi32, #tpu.memory_space<hbm>>
    %dma_wait3A_331 = arith.constant 0 : i32
    %dma_wait3A_332 = tpu.memref_slice %arg2[%dma_wait3A_327, %dma_wait3A_331] : memref<2x3200000xi32, #tpu.memory_space<hbm>> -> memref<1x384xi32, #tpu.memory_space<hbm>>
    %dma_wait3A_333 = tpu.memref_squeeze %dma_wait3A_332 : memref<1x384xi32, #tpu.memory_space<hbm>> -> memref<384xi32, #tpu.memory_space<hbm>>
    tpu.wait_dma2 semaphore(%arg23 : memref<!tpu.dma_semaphore, #tpu.memory_space<semaphore_mem>>) src(%dma_wait3A_333 : memref<384xi32, #tpu.memory_space<hbm>>) dst(%arg13 : memref<384xi32, #tpu.memory_space<vmem>>)
    %dma_start3A_334 = arith.constant 0 : i32
    %dma_start3A_335 = arith.constant 0 : i32
    %dma_start3A_336 = tpu.memref_slice %arg3[%dma_start3A_334, %dma_start3A_335] : memref<100000x16xf32, #tpu.memory_space<hbm>> -> memref<100000x16xf32, #tpu.memory_space<hbm>>
    tpu.enqueue_indirect_dma source(%dma_start3A_336 : memref<100000x16xf32, #tpu.memory_space<hbm>>) target(%arg17 : memref<384x16xf32, #tpu.memory_space<vmem>>) offsets(%arg9 : memref<384xi32, #tpu.memory_space<vmem>>) semaphore(%arg27 : memref<!tpu.dma_semaphore, #tpu.memory_space<semaphore_mem>>)
    %dma_wait3A_337 = arith.constant 0 : i32
    %dma_wait3A_338 = arith.constant 0 : i32
    %dma_wait3A_339 = tpu.memref_slice %arg3[%dma_wait3A_337, %dma_wait3A_338] : memref<100000x16xf32, #tpu.memory_space<hbm>> -> memref<384x16xf32, #tpu.memory_space<hbm>>
    %dma_wait3A_340 = arith.constant 0 : i32
    %dma_wait3A_341 = arith.constant 0 : i32
    %dma_wait3A_342 = tpu.memref_slice %arg3[%dma_wait3A_340, %dma_wait3A_341] : memref<100000x16xf32, #tpu.memory_space<hbm>> -> memref<384x16xf32, #tpu.memory_space<hbm>>
    tpu.wait_dma2 semaphore(%arg26 : memref<!tpu.dma_semaphore, #tpu.memory_space<semaphore_mem>>) src(%dma_wait3A_342 : memref<384x16xf32, #tpu.memory_space<hbm>>) dst(%arg16 : memref<384x16xf32, #tpu.memory_space<vmem>>)
    %dma_start3A_343 = arith.constant 0 : i32
    %dma_start3A_344 = arith.constant 0 : i32
    %dma_start3A_345 = tpu.memref_slice %arg5[%dma_start3A_343, %dma_start3A_344] : memref<100000x16xf32, #tpu.memory_space<vmem_shared>> -> memref<100000x16xf32, #tpu.memory_space<vmem_shared>>
    tpu.enqueue_indirect_dma source(%arg16 : memref<384x16xf32, #tpu.memory_space<vmem>>) target(%dma_start3A_345 : memref<100000x16xf32, #tpu.memory_space<vmem_shared>>) offsets(%arg12 : memref<384xi32, #tpu.memory_space<vmem>>) semaphore(%arg30 : memref<!tpu.dma_semaphore, #tpu.memory_space<semaphore_mem>>) {add = true}
    %dma_wait3A_346 = arith.constant 0 : i32
    %dma_wait3A_347 = arith.constant 0 : i32
    %dma_wait3A_348 = tpu.memref_slice %arg3[%dma_wait3A_346, %dma_wait3A_347] : memref<100000x16xf32, #tpu.memory_space<hbm>> -> memref<384x16xf32, #tpu.memory_space<hbm>>
    %dma_wait3A_349 = arith.constant 0 : i32
    %dma_wait3A_350 = arith.constant 0 : i32
    %dma_wait3A_351 = tpu.memref_slice %arg3[%dma_wait3A_349, %dma_wait3A_350] : memref<100000x16xf32, #tpu.memory_space<hbm>> -> memref<384x16xf32, #tpu.memory_space<hbm>>
    tpu.wait_dma2 semaphore(%arg29 : memref<!tpu.dma_semaphore, #tpu.memory_space<semaphore_mem>>) src(%dma_wait3A_351 : memref<384x16xf32, #tpu.memory_space<hbm>>) dst(%arg15 : memref<384x16xf32, #tpu.memory_space<vmem>>)
    %dma_wait3A_352 = arith.constant 0 : i32
    %dma_wait3A_353 = arith.constant 0 : i32
    %dma_wait3A_354 = tpu.memref_slice %arg3[%dma_wait3A_352, %dma_wait3A_353] : memref<100000x16xf32, #tpu.memory_space<hbm>> -> memref<384x16xf32, #tpu.memory_space<hbm>>
    %dma_wait3A_355 = arith.constant 0 : i32
    %dma_wait3A_356 = arith.constant 0 : i32
    %dma_wait3A_357 = tpu.memref_slice %arg3[%dma_wait3A_355, %dma_wait3A_356] : memref<100000x16xf32, #tpu.memory_space<hbm>> -> memref<384x16xf32, #tpu.memory_space<hbm>>
    tpu.wait_dma2 semaphore(%arg27 : memref<!tpu.dma_semaphore, #tpu.memory_space<semaphore_mem>>) src(%dma_wait3A_357 : memref<384x16xf32, #tpu.memory_space<hbm>>) dst(%arg17 : memref<384x16xf32, #tpu.memory_space<vmem>>)
    %dma_start3A_358 = arith.constant 0 : i32
    %dma_start3A_359 = arith.constant 0 : i32
    %dma_start3A_360 = tpu.memref_slice %arg5[%dma_start3A_358, %dma_start3A_359] : memref<100000x16xf32, #tpu.memory_space<vmem_shared>> -> memref<100000x16xf32, #tpu.memory_space<vmem_shared>>
    tpu.enqueue_indirect_dma source(%arg17 : memref<384x16xf32, #tpu.memory_space<vmem>>) target(%dma_start3A_360 : memref<100000x16xf32, #tpu.memory_space<vmem_shared>>) offsets(%arg13 : memref<384xi32, #tpu.memory_space<vmem>>) semaphore(%arg31 : memref<!tpu.dma_semaphore, #tpu.memory_space<semaphore_mem>>) {add = true}
    %dma_wait3A_361 = arith.constant 0 : i32
    %dma_wait3A_362 = arith.constant 0 : i32
    %dma_wait3A_363 = tpu.memref_slice %arg3[%dma_wait3A_361, %dma_wait3A_362] : memref<100000x16xf32, #tpu.memory_space<hbm>> -> memref<384x16xf32, #tpu.memory_space<hbm>>
    %dma_wait3A_364 = arith.constant 0 : i32
    %dma_wait3A_365 = arith.constant 0 : i32
    %dma_wait3A_366 = tpu.memref_slice %arg3[%dma_wait3A_364, %dma_wait3A_365] : memref<100000x16xf32, #tpu.memory_space<hbm>> -> memref<384x16xf32, #tpu.memory_space<hbm>>
    tpu.wait_dma2 semaphore(%arg30 : memref<!tpu.dma_semaphore, #tpu.memory_space<semaphore_mem>>) src(%dma_wait3A_366 : memref<384x16xf32, #tpu.memory_space<hbm>>) dst(%arg16 : memref<384x16xf32, #tpu.memory_space<vmem>>)
    %dma_wait3A_367 = arith.constant 0 : i32
    %dma_wait3A_368 = arith.constant 0 : i32
    %dma_wait3A_369 = tpu.memref_slice %arg3[%dma_wait3A_367, %dma_wait3A_368] : memref<100000x16xf32, #tpu.memory_space<hbm>> -> memref<384x16xf32, #tpu.memory_space<hbm>>
    %dma_wait3A_370 = arith.constant 0 : i32
    %dma_wait3A_371 = arith.constant 0 : i32
    %dma_wait3A_372 = tpu.memref_slice %arg3[%dma_wait3A_370, %dma_wait3A_371] : memref<100000x16xf32, #tpu.memory_space<hbm>> -> memref<384x16xf32, #tpu.memory_space<hbm>>
    tpu.wait_dma2 semaphore(%arg31 : memref<!tpu.dma_semaphore, #tpu.memory_space<semaphore_mem>>) src(%dma_wait3A_372 : memref<384x16xf32, #tpu.memory_space<hbm>>) dst(%arg17 : memref<384x16xf32, #tpu.memory_space<vmem>>)
    %add3A_373 = arith.constant 780 : i32
    %add3A_374 = arith.addi %add3A_4, %add3A_373 : i32
    %mul3A_375 = arith.constant 128 : i32
    %mul3A_376 = arith.muli %add3A_374, %mul3A_375 : i32
    %run_scoped3A = arith.constant 0 : i32
    "tpu.region"() ({
      %run_scoped3A_400 = tpu.sem_alloc : memref<!tpu.dma_semaphore, #tpu.memory_space<semaphore_mem>>
      %dma_start3A_401 = tpu.memref_slice %arg2[%run_scoped3A, %mul3A_376] : memref<2x3200000xi32, #tpu.memory_space<hbm>> -> memref<1x128xi32, #tpu.memory_space<hbm>>
      %dma_start3A_402 = tpu.memref_squeeze %dma_start3A_401 : memref<1x128xi32, #tpu.memory_space<hbm>> -> memref<128xi32, #tpu.memory_space<hbm>>
      %dma_start3A_403 = tpu.memref_slice %arg2[%run_scoped3A, %mul3A_376] : memref<2x3200000xi32, #tpu.memory_space<hbm>> -> memref<1x128xi32, #tpu.memory_space<hbm>>
      %dma_start3A_404 = tpu.memref_squeeze %dma_start3A_403 : memref<1x128xi32, #tpu.memory_space<hbm>> -> memref<128xi32, #tpu.memory_space<hbm>>
      tpu.enqueue_dma source(%dma_start3A_404 : memref<128xi32, #tpu.memory_space<hbm>>) target(%arg18 : memref<128xi32, #tpu.memory_space<vmem>>) target_semaphore(%run_scoped3A_400 : memref<!tpu.dma_semaphore, #tpu.memory_space<semaphore_mem>>)
      %dma_wait3A_405 = tpu.memref_slice %arg2[%run_scoped3A, %mul3A_376] : memref<2x3200000xi32, #tpu.memory_space<hbm>> -> memref<1x128xi32, #tpu.memory_space<hbm>>
      %dma_wait3A_406 = tpu.memref_squeeze %dma_wait3A_405 : memref<1x128xi32, #tpu.memory_space<hbm>> -> memref<128xi32, #tpu.memory_space<hbm>>
      %dma_wait3A_407 = tpu.memref_slice %arg2[%run_scoped3A, %mul3A_376] : memref<2x3200000xi32, #tpu.memory_space<hbm>> -> memref<1x128xi32, #tpu.memory_space<hbm>>
      %dma_wait3A_408 = tpu.memref_squeeze %dma_wait3A_407 : memref<1x128xi32, #tpu.memory_space<hbm>> -> memref<128xi32, #tpu.memory_space<hbm>>
      tpu.wait_dma2 semaphore(%run_scoped3A_400 : memref<!tpu.dma_semaphore, #tpu.memory_space<semaphore_mem>>) src(%dma_wait3A_408 : memref<128xi32, #tpu.memory_space<hbm>>) dst(%arg18 : memref<128xi32, #tpu.memory_space<vmem>>)
      tpu.yield
    }) : () -> ()
    %mul3A_377 = arith.constant 128 : i32
    %mul3A_378 = arith.muli %add3A_374, %mul3A_377 : i32
    %run_scoped3A_379 = arith.constant 1 : i32
    "tpu.region"() ({
      %run_scoped3A_400 = tpu.sem_alloc : memref<!tpu.dma_semaphore, #tpu.memory_space<semaphore_mem>>
      %dma_start3A_401 = tpu.memref_slice %arg2[%run_scoped3A_379, %mul3A_378] : memref<2x3200000xi32, #tpu.memory_space<hbm>> -> memref<1x128xi32, #tpu.memory_space<hbm>>
      %dma_start3A_402 = tpu.memref_squeeze %dma_start3A_401 : memref<1x128xi32, #tpu.memory_space<hbm>> -> memref<128xi32, #tpu.memory_space<hbm>>
      %dma_start3A_403 = tpu.memref_slice %arg2[%run_scoped3A_379, %mul3A_378] : memref<2x3200000xi32, #tpu.memory_space<hbm>> -> memref<1x128xi32, #tpu.memory_space<hbm>>
      %dma_start3A_404 = tpu.memref_squeeze %dma_start3A_403 : memref<1x128xi32, #tpu.memory_space<hbm>> -> memref<128xi32, #tpu.memory_space<hbm>>
      tpu.enqueue_dma source(%dma_start3A_404 : memref<128xi32, #tpu.memory_space<hbm>>) target(%arg19 : memref<128xi32, #tpu.memory_space<vmem>>) target_semaphore(%run_scoped3A_400 : memref<!tpu.dma_semaphore, #tpu.memory_space<semaphore_mem>>)
      %dma_wait3A_405 = tpu.memref_slice %arg2[%run_scoped3A_379, %mul3A_378] : memref<2x3200000xi32, #tpu.memory_space<hbm>> -> memref<1x128xi32, #tpu.memory_space<hbm>>
      %dma_wait3A_406 = tpu.memref_squeeze %dma_wait3A_405 : memref<1x128xi32, #tpu.memory_space<hbm>> -> memref<128xi32, #tpu.memory_space<hbm>>
      %dma_wait3A_407 = tpu.memref_slice %arg2[%run_scoped3A_379, %mul3A_378] : memref<2x3200000xi32, #tpu.memory_space<hbm>> -> memref<1x128xi32, #tpu.memory_space<hbm>>
      %dma_wait3A_408 = tpu.memref_squeeze %dma_wait3A_407 : memref<1x128xi32, #tpu.memory_space<hbm>> -> memref<128xi32, #tpu.memory_space<hbm>>
      tpu.wait_dma2 semaphore(%run_scoped3A_400 : memref<!tpu.dma_semaphore, #tpu.memory_space<semaphore_mem>>) src(%dma_wait3A_408 : memref<128xi32, #tpu.memory_space<hbm>>) dst(%arg19 : memref<128xi32, #tpu.memory_space<vmem>>)
      tpu.yield
    }) : () -> ()
    %dma_start3A_380 = arith.constant 0 : i32
    %dma_start3A_381 = arith.constant 0 : i32
    %dma_start3A_382 = tpu.memref_slice %arg14[%dma_start3A_380, %dma_start3A_381] : memref<384x16xf32, #tpu.memory_space<vmem>> -> memref<128x16xf32, #tpu.memory_space<vmem>>
    %dma_start3A_383 = arith.constant 0 : i32
    %dma_start3A_384 = arith.constant 0 : i32
    %dma_start3A_385 = tpu.memref_slice %arg3[%dma_start3A_383, %dma_start3A_384] : memref<100000x16xf32, #tpu.memory_space<hbm>> -> memref<100000x16xf32, #tpu.memory_space<hbm>>
    tpu.enqueue_indirect_dma source(%dma_start3A_385 : memref<100000x16xf32, #tpu.memory_space<hbm>>) target(%dma_start3A_382 : memref<128x16xf32, #tpu.memory_space<vmem>>) offsets(%arg18 : memref<128xi32, #tpu.memory_space<vmem>>) semaphore(%arg24 : memref<!tpu.dma_semaphore, #tpu.memory_space<semaphore_mem>>)
    %dma_wait3A_386 = arith.constant 0 : i32
    %dma_wait3A_387 = arith.constant 0 : i32
    %dma_wait3A_388 = tpu.memref_slice %arg14[%dma_wait3A_386, %dma_wait3A_387] : memref<384x16xf32, #tpu.memory_space<vmem>> -> memref<128x16xf32, #tpu.memory_space<vmem>>
    %dma_wait3A_389 = arith.constant 0 : i32
    %dma_wait3A_390 = arith.constant 0 : i32
    %dma_wait3A_391 = tpu.memref_slice %arg3[%dma_wait3A_389, %dma_wait3A_390] : memref<100000x16xf32, #tpu.memory_space<hbm>> -> memref<100000x16xf32, #tpu.memory_space<hbm>>
    tpu.wait_indirect_dma semaphore(%arg24 : memref<!tpu.dma_semaphore, #tpu.memory_space<semaphore_mem>>) src(%dma_wait3A_391 : memref<100000x16xf32, #tpu.memory_space<hbm>>) dst(%dma_wait3A_388 : memref<128x16xf32, #tpu.memory_space<vmem>>)
    "tpu.region"() ({
      %run_scoped3A_400 = tpu.sem_alloc : memref<!tpu.dma_semaphore, #tpu.memory_space<semaphore_mem>>
      %dma_start3A_401 = arith.constant 0 : i32
      %dma_start3A_402 = arith.constant 0 : i32
      %dma_start3A_403 = tpu.memref_slice %arg14[%dma_start3A_401, %dma_start3A_402] : memref<384x16xf32, #tpu.memory_space<vmem>> -> memref<128x16xf32, #tpu.memory_space<vmem>>
      %dma_start3A_404 = arith.constant 0 : i32
      %dma_start3A_405 = arith.constant 0 : i32
      %dma_start3A_406 = tpu.memref_slice %arg5[%dma_start3A_404, %dma_start3A_405] : memref<100000x16xf32, #tpu.memory_space<vmem_shared>> -> memref<100000x16xf32, #tpu.memory_space<vmem_shared>>
      tpu.enqueue_indirect_dma source(%dma_start3A_403 : memref<128x16xf32, #tpu.memory_space<vmem>>) target(%dma_start3A_406 : memref<100000x16xf32, #tpu.memory_space<vmem_shared>>) offsets(%arg19 : memref<128xi32, #tpu.memory_space<vmem>>) semaphore(%run_scoped3A_400 : memref<!tpu.dma_semaphore, #tpu.memory_space<semaphore_mem>>) {add = true}
      %dma_wait3A_407 = arith.constant 0 : i32
      %dma_wait3A_408 = arith.constant 0 : i32
      %dma_wait3A_409 = tpu.memref_slice %arg14[%dma_wait3A_407, %dma_wait3A_408] : memref<384x16xf32, #tpu.memory_space<vmem>> -> memref<128x16xf32, #tpu.memory_space<vmem>>
      %dma_wait3A_410 = arith.constant 0 : i32
      %dma_wait3A_411 = arith.constant 0 : i32
      %dma_wait3A_412 = tpu.memref_slice %arg5[%dma_wait3A_410, %dma_wait3A_411] : memref<100000x16xf32, #tpu.memory_space<vmem_shared>> -> memref<100000x16xf32, #tpu.memory_space<vmem_shared>>
      tpu.wait_indirect_dma semaphore(%run_scoped3A_400 : memref<!tpu.dma_semaphore, #tpu.memory_space<semaphore_mem>>) src(%dma_wait3A_409 : memref<128x16xf32, #tpu.memory_space<vmem>>) dst(%dma_wait3A_412 : memref<100000x16xf32, #tpu.memory_space<vmem_shared>>)
      tpu.yield
    }) : () -> ()
    %lt3A = arith.constant 8 : i32
    %lt3A_392 = arith.cmpi slt, %add3A, %lt3A : i32
    %convert_element_type3A = arith.extui %lt3A_392 : i1 to i32
    %cond3A = arith.constant 0 : i32
    %cond3A_393 = arith.cmpi ne, %convert_element_type3A, %cond3A : i32
    scf.if %cond3A_393 {
      %add3A_400 = arith.constant 781 : i32
      %add3A_401 = arith.addi %add3A_4, %add3A_400 : i32
      %mul3A_402 = arith.constant 128 : i32
      %mul3A_403 = arith.muli %add3A_401, %mul3A_402 : i32
      %run_scoped3A_404 = arith.constant 0 : i32
      "tpu.region"() ({
        %run_scoped3A_420 = tpu.sem_alloc : memref<!tpu.dma_semaphore, #tpu.memory_space<semaphore_mem>>
        %dma_start3A_421 = tpu.memref_slice %arg2[%run_scoped3A_404, %mul3A_403] : memref<2x3200000xi32, #tpu.memory_space<hbm>> -> memref<1x128xi32, #tpu.memory_space<hbm>>
        %dma_start3A_422 = tpu.memref_squeeze %dma_start3A_421 : memref<1x128xi32, #tpu.memory_space<hbm>> -> memref<128xi32, #tpu.memory_space<hbm>>
        %dma_start3A_423 = tpu.memref_slice %arg2[%run_scoped3A_404, %mul3A_403] : memref<2x3200000xi32, #tpu.memory_space<hbm>> -> memref<1x128xi32, #tpu.memory_space<hbm>>
        %dma_start3A_424 = tpu.memref_squeeze %dma_start3A_423 : memref<1x128xi32, #tpu.memory_space<hbm>> -> memref<128xi32, #tpu.memory_space<hbm>>
        tpu.enqueue_dma source(%dma_start3A_424 : memref<128xi32, #tpu.memory_space<hbm>>) target(%arg18 : memref<128xi32, #tpu.memory_space<vmem>>) target_semaphore(%run_scoped3A_420 : memref<!tpu.dma_semaphore, #tpu.memory_space<semaphore_mem>>)
        %dma_wait3A_425 = tpu.memref_slice %arg2[%run_scoped3A_404, %mul3A_403] : memref<2x3200000xi32, #tpu.memory_space<hbm>> -> memref<1x128xi32, #tpu.memory_space<hbm>>
        %dma_wait3A_426 = tpu.memref_squeeze %dma_wait3A_425 : memref<1x128xi32, #tpu.memory_space<hbm>> -> memref<128xi32, #tpu.memory_space<hbm>>
        %dma_wait3A_427 = tpu.memref_slice %arg2[%run_scoped3A_404, %mul3A_403] : memref<2x3200000xi32, #tpu.memory_space<hbm>> -> memref<1x128xi32, #tpu.memory_space<hbm>>
        %dma_wait3A_428 = tpu.memref_squeeze %dma_wait3A_427 : memref<1x128xi32, #tpu.memory_space<hbm>> -> memref<128xi32, #tpu.memory_space<hbm>>
        tpu.wait_dma2 semaphore(%run_scoped3A_420 : memref<!tpu.dma_semaphore, #tpu.memory_space<semaphore_mem>>) src(%dma_wait3A_428 : memref<128xi32, #tpu.memory_space<hbm>>) dst(%arg18 : memref<128xi32, #tpu.memory_space<vmem>>)
        tpu.yield
      }) : () -> ()
      %mul3A_405 = arith.constant 128 : i32
      %mul3A_406 = arith.muli %add3A_401, %mul3A_405 : i32
      %run_scoped3A_407 = arith.constant 1 : i32
      "tpu.region"() ({
        %run_scoped3A_420 = tpu.sem_alloc : memref<!tpu.dma_semaphore, #tpu.memory_space<semaphore_mem>>
        %dma_start3A_421 = tpu.memref_slice %arg2[%run_scoped3A_407, %mul3A_406] : memref<2x3200000xi32, #tpu.memory_space<hbm>> -> memref<1x128xi32, #tpu.memory_space<hbm>>
        %dma_start3A_422 = tpu.memref_squeeze %dma_start3A_421 : memref<1x128xi32, #tpu.memory_space<hbm>> -> memref<128xi32, #tpu.memory_space<hbm>>
        %dma_start3A_423 = tpu.memref_slice %arg2[%run_scoped3A_407, %mul3A_406] : memref<2x3200000xi32, #tpu.memory_space<hbm>> -> memref<1x128xi32, #tpu.memory_space<hbm>>
        %dma_start3A_424 = tpu.memref_squeeze %dma_start3A_423 : memref<1x128xi32, #tpu.memory_space<hbm>> -> memref<128xi32, #tpu.memory_space<hbm>>
        tpu.enqueue_dma source(%dma_start3A_424 : memref<128xi32, #tpu.memory_space<hbm>>) target(%arg19 : memref<128xi32, #tpu.memory_space<vmem>>) target_semaphore(%run_scoped3A_420 : memref<!tpu.dma_semaphore, #tpu.memory_space<semaphore_mem>>)
        %dma_wait3A_425 = tpu.memref_slice %arg2[%run_scoped3A_407, %mul3A_406] : memref<2x3200000xi32, #tpu.memory_space<hbm>> -> memref<1x128xi32, #tpu.memory_space<hbm>>
        %dma_wait3A_426 = tpu.memref_squeeze %dma_wait3A_425 : memref<1x128xi32, #tpu.memory_space<hbm>> -> memref<128xi32, #tpu.memory_space<hbm>>
        %dma_wait3A_427 = tpu.memref_slice %arg2[%run_scoped3A_407, %mul3A_406] : memref<2x3200000xi32, #tpu.memory_space<hbm>> -> memref<1x128xi32, #tpu.memory_space<hbm>>
        %dma_wait3A_428 = tpu.memref_squeeze %dma_wait3A_427 : memref<1x128xi32, #tpu.memory_space<hbm>> -> memref<128xi32, #tpu.memory_space<hbm>>
        tpu.wait_dma2 semaphore(%run_scoped3A_420 : memref<!tpu.dma_semaphore, #tpu.memory_space<semaphore_mem>>) src(%dma_wait3A_428 : memref<128xi32, #tpu.memory_space<hbm>>) dst(%arg19 : memref<128xi32, #tpu.memory_space<vmem>>)
        tpu.yield
      }) : () -> ()
      %dma_start3A_408 = arith.constant 0 : i32
      %dma_start3A_409 = arith.constant 0 : i32
      %dma_start3A_410 = tpu.memref_slice %arg14[%dma_start3A_408, %dma_start3A_409] : memref<384x16xf32, #tpu.memory_space<vmem>> -> memref<128x16xf32, #tpu.memory_space<vmem>>
      %dma_start3A_411 = arith.constant 0 : i32
      %dma_start3A_412 = arith.constant 0 : i32
      %dma_start3A_413 = tpu.memref_slice %arg3[%dma_start3A_411, %dma_start3A_412] : memref<100000x16xf32, #tpu.memory_space<hbm>> -> memref<100000x16xf32, #tpu.memory_space<hbm>>
      tpu.enqueue_indirect_dma source(%dma_start3A_413 : memref<100000x16xf32, #tpu.memory_space<hbm>>) target(%dma_start3A_410 : memref<128x16xf32, #tpu.memory_space<vmem>>) offsets(%arg18 : memref<128xi32, #tpu.memory_space<vmem>>) semaphore(%arg24 : memref<!tpu.dma_semaphore, #tpu.memory_space<semaphore_mem>>)
      %dma_wait3A_414 = arith.constant 0 : i32
      %dma_wait3A_415 = arith.constant 0 : i32
      %dma_wait3A_416 = tpu.memref_slice %arg14[%dma_wait3A_414, %dma_wait3A_415] : memref<384x16xf32, #tpu.memory_space<vmem>> -> memref<128x16xf32, #tpu.memory_space<vmem>>
      %dma_wait3A_417 = arith.constant 0 : i32
      %dma_wait3A_418 = arith.constant 0 : i32
      %dma_wait3A_419 = tpu.memref_slice %arg3[%dma_wait3A_417, %dma_wait3A_418] : memref<100000x16xf32, #tpu.memory_space<hbm>> -> memref<100000x16xf32, #tpu.memory_space<hbm>>
      tpu.wait_indirect_dma semaphore(%arg24 : memref<!tpu.dma_semaphore, #tpu.memory_space<semaphore_mem>>) src(%dma_wait3A_419 : memref<100000x16xf32, #tpu.memory_space<hbm>>) dst(%dma_wait3A_416 : memref<128x16xf32, #tpu.memory_space<vmem>>)
      "tpu.region"() ({
        %run_scoped3A_420 = tpu.sem_alloc : memref<!tpu.dma_semaphore, #tpu.memory_space<semaphore_mem>>
        %dma_start3A_421 = arith.constant 0 : i32
        %dma_start3A_422 = arith.constant 0 : i32
        %dma_start3A_423 = tpu.memref_slice %arg14[%dma_start3A_421, %dma_start3A_422] : memref<384x16xf32, #tpu.memory_space<vmem>> -> memref<128x16xf32, #tpu.memory_space<vmem>>
        %dma_start3A_424 = arith.constant 0 : i32
        %dma_start3A_425 = arith.constant 0 : i32
        %dma_start3A_426 = tpu.memref_slice %arg5[%dma_start3A_424, %dma_start3A_425] : memref<100000x16xf32, #tpu.memory_space<vmem_shared>> -> memref<100000x16xf32, #tpu.memory_space<vmem_shared>>
        tpu.enqueue_indirect_dma source(%dma_start3A_423 : memref<128x16xf32, #tpu.memory_space<vmem>>) target(%dma_start3A_426 : memref<100000x16xf32, #tpu.memory_space<vmem_shared>>) offsets(%arg19 : memref<128xi32, #tpu.memory_space<vmem>>) semaphore(%run_scoped3A_420 : memref<!tpu.dma_semaphore, #tpu.memory_space<semaphore_mem>>) {add = true}
        %dma_wait3A_427 = arith.constant 0 : i32
        %dma_wait3A_428 = arith.constant 0 : i32
        %dma_wait3A_429 = tpu.memref_slice %arg14[%dma_wait3A_427, %dma_wait3A_428] : memref<384x16xf32, #tpu.memory_space<vmem>> -> memref<128x16xf32, #tpu.memory_space<vmem>>
        %dma_wait3A_430 = arith.constant 0 : i32
        %dma_wait3A_431 = arith.constant 0 : i32
        %dma_wait3A_432 = tpu.memref_slice %arg5[%dma_wait3A_430, %dma_wait3A_431] : memref<100000x16xf32, #tpu.memory_space<vmem_shared>> -> memref<100000x16xf32, #tpu.memory_space<vmem_shared>>
        tpu.wait_indirect_dma semaphore(%run_scoped3A_420 : memref<!tpu.dma_semaphore, #tpu.memory_space<semaphore_mem>>) src(%dma_wait3A_429 : memref<128x16xf32, #tpu.memory_space<vmem>>) dst(%dma_wait3A_432 : memref<100000x16xf32, #tpu.memory_space<vmem_shared>>)
        tpu.yield
      }) : () -> ()
    } else {
    }
    %barrier3A_394 = arith.constant 0 : index
    tpu.barrier barrier_id(%barrier3A_394)
    %scan3A_395 = arith.constant 0 : i32
    %scan3A_396 = arith.constant 25 : i32
    %scan3A_397 = arith.addi %scan3A_395, %scan3A_396 : i32
    %scan3A_398 = arith.constant 1 : i32
    scf.for %scan3A_400 = %scan3A_395 to %scan3A_397 step %scan3A_398  : i32 {
      %mul3A_401 = arith.constant 1 : i32
      %mul3A_402 = arith.muli %scan3A_400, %mul3A_401 : i32
      %add3A_403 = arith.constant 0 : i32
      %add3A_404 = arith.addi %add3A_403, %mul3A_402 : i32
      %mul3A_405 = arith.constant 250 : i32
      %mul3A_406 = arith.muli %add3A_404, %mul3A_405 : i32
      %add3A_407 = arith.addi %mul3A_12, %mul3A_406 : i32
      "tpu.region"() ({
        %run_scoped3A_411 = tpu.sem_alloc : memref<!tpu.dma_semaphore, #tpu.memory_space<semaphore_mem>>
        %dma_start3A_412 = arith.constant 0 : i32
        %dma_start3A_413 = arith.constant 0 : i32
        %dma_start3A_414 = tpu.memref_slice %arg14[%dma_start3A_412, %dma_start3A_413] : memref<384x16xf32, #tpu.memory_space<vmem>> -> memref<250x16xf32, #tpu.memory_space<vmem>>
        %dma_start3A_415 = arith.constant 0 : i32
        %dma_start3A_416 = tpu.memref_slice %arg5[%add3A_407, %dma_start3A_415] : memref<100000x16xf32, #tpu.memory_space<vmem_shared>> -> memref<250x16xf32, #tpu.memory_space<vmem_shared>>
        %dma_start3A_417 = arith.constant 0 : i32
        %dma_start3A_418 = arith.constant 0 : i32
        %dma_start3A_419 = tpu.memref_slice %arg14[%dma_start3A_417, %dma_start3A_418] : memref<384x16xf32, #tpu.memory_space<vmem>> -> memref<250x16xf32, #tpu.memory_space<vmem>>
        %dma_start3A_420 = arith.constant 0 : i32
        %dma_start3A_421 = tpu.memref_slice %arg5[%add3A_407, %dma_start3A_420] : memref<100000x16xf32, #tpu.memory_space<vmem_shared>> -> memref<250x16xf32, #tpu.memory_space<vmem_shared>>
        tpu.enqueue_dma source(%dma_start3A_421 : memref<250x16xf32, #tpu.memory_space<vmem_shared>>) target(%dma_start3A_419 : memref<250x16xf32, #tpu.memory_space<vmem>>) target_semaphore(%run_scoped3A_411 : memref<!tpu.dma_semaphore, #tpu.memory_space<semaphore_mem>>)
        %dma_wait3A_422 = arith.constant 0 : i32
        %dma_wait3A_423 = arith.constant 0 : i32
        %dma_wait3A_424 = tpu.memref_slice %arg14[%dma_wait3A_422, %dma_wait3A_423] : memref<384x16xf32, #tpu.memory_space<vmem>> -> memref<250x16xf32, #tpu.memory_space<vmem>>
        %dma_wait3A_425 = arith.constant 0 : i32
        %dma_wait3A_426 = tpu.memref_slice %arg5[%add3A_407, %dma_wait3A_425] : memref<100000x16xf32, #tpu.memory_space<vmem_shared>> -> memref<250x16xf32, #tpu.memory_space<vmem_shared>>
        %dma_wait3A_427 = arith.constant 0 : i32
        %dma_wait3A_428 = arith.constant 0 : i32
        %dma_wait3A_429 = tpu.memref_slice %arg14[%dma_wait3A_427, %dma_wait3A_428] : memref<384x16xf32, #tpu.memory_space<vmem>> -> memref<250x16xf32, #tpu.memory_space<vmem>>
        %dma_wait3A_430 = arith.constant 0 : i32
        %dma_wait3A_431 = tpu.memref_slice %arg5[%add3A_407, %dma_wait3A_430] : memref<100000x16xf32, #tpu.memory_space<vmem_shared>> -> memref<250x16xf32, #tpu.memory_space<vmem_shared>>
        tpu.wait_dma2 semaphore(%run_scoped3A_411 : memref<!tpu.dma_semaphore, #tpu.memory_space<semaphore_mem>>) src(%dma_wait3A_431 : memref<250x16xf32, #tpu.memory_space<vmem_shared>>) dst(%dma_wait3A_429 : memref<250x16xf32, #tpu.memory_space<vmem>>)
        tpu.yield
      }) : () -> ()
      %mul3A_408 = arith.constant 250 : i32
      %mul3A_409 = arith.muli %add3A_404, %mul3A_408 : i32
      %add3A_410 = arith.addi %mul3A_12, %mul3A_409 : i32
      "tpu.region"() ({
        %run_scoped3A_411 = tpu.sem_alloc : memref<!tpu.dma_semaphore, #tpu.memory_space<semaphore_mem>>
        %dma_start3A_412 = arith.constant 0 : i32
        %dma_start3A_413 = arith.constant 0 : i32
        %dma_start3A_414 = tpu.memref_slice %arg14[%dma_start3A_412, %dma_start3A_413] : memref<384x16xf32, #tpu.memory_space<vmem>> -> memref<250x16xf32, #tpu.memory_space<vmem>>
        %dma_start3A_415 = arith.constant 0 : i32
        %dma_start3A_416 = tpu.memref_slice %arg4[%arg0, %add3A_410, %dma_start3A_415] : memref<2x100000x16xf32, #tpu.memory_space<hbm>> -> memref<1x250x16xf32, #tpu.memory_space<hbm>>
        %dma_start3A_417 = tpu.memref_squeeze %dma_start3A_416 : memref<1x250x16xf32, #tpu.memory_space<hbm>> -> memref<250x16xf32, #tpu.memory_space<hbm>>
        %dma_start3A_418 = arith.constant 0 : i32
        %dma_start3A_419 = tpu.memref_slice %arg4[%arg0, %add3A_410, %dma_start3A_418] : memref<2x100000x16xf32, #tpu.memory_space<hbm>> -> memref<1x250x16xf32, #tpu.memory_space<hbm>>
        %dma_start3A_420 = tpu.memref_squeeze %dma_start3A_419 : memref<1x250x16xf32, #tpu.memory_space<hbm>> -> memref<250x16xf32, #tpu.memory_space<hbm>>
        %dma_start3A_421 = arith.constant 0 : i32
        %dma_start3A_422 = arith.constant 0 : i32
        %dma_start3A_423 = tpu.memref_slice %arg14[%dma_start3A_421, %dma_start3A_422] : memref<384x16xf32, #tpu.memory_space<vmem>> -> memref<250x16xf32, #tpu.memory_space<vmem>>
        tpu.enqueue_dma source(%dma_start3A_423 : memref<250x16xf32, #tpu.memory_space<vmem>>) target(%dma_start3A_420 : memref<250x16xf32, #tpu.memory_space<hbm>>) target_semaphore(%run_scoped3A_411 : memref<!tpu.dma_semaphore, #tpu.memory_space<semaphore_mem>>)
        %dma_wait3A_424 = arith.constant 0 : i32
        %dma_wait3A_425 = arith.constant 0 : i32
        %dma_wait3A_426 = tpu.memref_slice %arg14[%dma_wait3A_424, %dma_wait3A_425] : memref<384x16xf32, #tpu.memory_space<vmem>> -> memref<250x16xf32, #tpu.memory_space<vmem>>
        %dma_wait3A_427 = arith.constant 0 : i32
        %dma_wait3A_428 = tpu.memref_slice %arg4[%arg0, %add3A_410, %dma_wait3A_427] : memref<2x100000x16xf32, #tpu.memory_space<hbm>> -> memref<1x250x16xf32, #tpu.memory_space<hbm>>
        %dma_wait3A_429 = tpu.memref_squeeze %dma_wait3A_428 : memref<1x250x16xf32, #tpu.memory_space<hbm>> -> memref<250x16xf32, #tpu.memory_space<hbm>>
        %dma_wait3A_430 = arith.constant 0 : i32
        %dma_wait3A_431 = tpu.memref_slice %arg4[%arg0, %add3A_410, %dma_wait3A_430] : memref<2x100000x16xf32, #tpu.memory_space<hbm>> -> memref<1x250x16xf32, #tpu.memory_space<hbm>>
        %dma_wait3A_432 = tpu.memref_squeeze %dma_wait3A_431 : memref<1x250x16xf32, #tpu.memory_space<hbm>> -> memref<250x16xf32, #tpu.memory_space<hbm>>
        %dma_wait3A_433 = arith.constant 0 : i32
        %dma_wait3A_434 = arith.constant 0 : i32
        %dma_wait3A_435 = tpu.memref_slice %arg14[%dma_wait3A_433, %dma_wait3A_434] : memref<384x16xf32, #tpu.memory_space<vmem>> -> memref<250x16xf32, #tpu.memory_space<vmem>>
        tpu.wait_dma2 semaphore(%run_scoped3A_411 : memref<!tpu.dma_semaphore, #tpu.memory_space<semaphore_mem>>) src(%dma_wait3A_435 : memref<250x16xf32, #tpu.memory_space<vmem>>) dst(%dma_wait3A_432 : memref<250x16xf32, #tpu.memory_space<hbm>>)
        tpu.yield
      }) : () -> ()
    }
    %scan3A_399 = arith.constant 25 : i32
    return
  }
}

module attributes {stable_mosaic.version = 14 : i64} {
  func.func @_tc_emb_body(%arg0: i32, %arg1: memref<1x1250x8xf32, #tpu.memory_space<vmem>>, %arg2: memref<1250x128xf32, #tpu.memory_space<vmem>>, %arg3: memref<1250x8xf32, #tpu.memory_space<vmem>>, %arg4: memref<128x128xf32, #tpu.memory_space<vmem>>, %arg5: memref<8x128xf32, #tpu.memory_space<vmem>>, %arg6: memref<1x1250x128xf32, #tpu.memory_space<vmem>>) attributes {dimension_semantics = [#tpu.dimension_semantics<arbitrary>], iteration_bounds = array<i64: 10>, scalar_prefetch = 0 : i64, scratch_operands = 0 : i64, tpu.core_type = #tpu.core_type<tc>, window_params = [{transform_indices = @transform_0, window_bounds = array<i64: 1, 1250, 8>}, {pipeline_mode = #tpu.pipeline_mode<synchronous>, transform_indices = @transform_1, window_bounds = array<i64: 1250, 128>}, {pipeline_mode = #tpu.pipeline_mode<synchronous>, transform_indices = @transform_2, window_bounds = array<i64: 1250, 8>}, {pipeline_mode = #tpu.pipeline_mode<synchronous>, transform_indices = @transform_3, window_bounds = array<i64: 128, 128>}, {pipeline_mode = #tpu.pipeline_mode<synchronous>, transform_indices = @transform_4, window_bounds = array<i64: 8, 128>}, {transform_indices = @transform_5, window_bounds = array<i64: 1, 1250, 128>}]} {
    %get3A = arith.constant 0 : index
    %get3A_0 = arith.constant 0 : index
    %get3A_1 = vector.load %arg5[%get3A, %get3A_0] : memref<8x128xf32, #tpu.memory_space<vmem>>, vector<8x128xf32>
    %get3A_2 = arith.constant 0 : index
    %get3A_3 = arith.constant 0 : index
    %get3A_4 = arith.constant 0 : index
    %get3A_5 = vector.load %arg1[%get3A_2, %get3A_3, %get3A_4] : memref<1x1250x8xf32, #tpu.memory_space<vmem>>, vector<1x1250x8xf32>
    %squeeze3A = vector.shape_cast %get3A_5 : vector<1x1250x8xf32> to vector<1250x8xf32>
    %dot_general3A = arith.constant dense<0.000000e+00> : vector<1250x128xf32>
    %dot_general3A_6 = tpu.matmul %squeeze3A, %get3A_1, %dot_general3A {dimension_numbers = #tpu.dot_dimension_numbers<[1], [0], [0], [1], [0, 0, 1, 1], [], []>, precision = #tpu.contract_precision<fp32>, transpose_lhs_hint = false} : vector<1250x8xf32>, vector<8x128xf32>, vector<1250x128xf32> -> vector<1250x128xf32>
    %get3A_7 = arith.constant 0 : index
    %get3A_8 = arith.constant 0 : index
    %get3A_9 = vector.load %arg3[%get3A_7, %get3A_8] : memref<1250x8xf32, #tpu.memory_space<vmem>>, vector<1250x8xf32>
    %dot_general3A_10 = arith.constant dense<0.000000e+00> : vector<1250x128xf32>
    %dot_general3A_11 = tpu.matmul %get3A_9, %get3A_1, %dot_general3A_10 {dimension_numbers = #tpu.dot_dimension_numbers<[1], [0], [0], [1], [0, 0, 1, 1], [], []>, precision = #tpu.contract_precision<fp32>, transpose_lhs_hint = false} : vector<1250x8xf32>, vector<8x128xf32>, vector<1250x128xf32> -> vector<1250x128xf32>
    %get3A_12 = arith.constant 0 : index
    %get3A_13 = arith.constant 0 : index
    %get3A_14 = vector.load %arg2[%get3A_12, %get3A_13] : memref<1250x128xf32, #tpu.memory_space<vmem>>, vector<1250x128xf32>
    %mul3A = arith.mulf %get3A_14, %dot_general3A_6 : vector<1250x128xf32>
    %add3A = arith.addf %mul3A, %dot_general3A_11 : vector<1250x128xf32>
    %get3A_15 = arith.constant 0 : index
    %get3A_16 = arith.constant 0 : index
    %get3A_17 = vector.load %arg4[%get3A_15, %get3A_16] : memref<128x128xf32, #tpu.memory_space<vmem>>, vector<128x128xf32>
    %dot_general3A_18 = arith.constant dense<0.000000e+00> : vector<1250x128xf32>
    %dot_general3A_19 = tpu.matmul %add3A, %get3A_17, %dot_general3A_18 {dimension_numbers = #tpu.dot_dimension_numbers<[1], [0], [0], [1], [0, 0, 1, 1], [], []>, transpose_lhs_hint = false} : vector<1250x128xf32>, vector<128x128xf32>, vector<1250x128xf32> -> vector<1250x128xf32>
    %broadcast_in_dim3A = vector.shape_cast %dot_general3A_19 : vector<1250x128xf32> to vector<1x1250x128xf32>
    %swap3A = arith.constant 0 : index
    %swap3A_20 = arith.constant 0 : index
    %swap3A_21 = arith.constant 0 : index
    %swap3A_22 = vector.load %arg6[%swap3A, %swap3A_20, %swap3A_21] : memref<1x1250x128xf32, #tpu.memory_space<vmem>>, vector<1x1250x128xf32>
    tpu.vector_store %arg6[%swap3A, %swap3A_20, %swap3A_21], %broadcast_in_dim3A {strides = array<i32>} : memref<1x1250x128xf32, #tpu.memory_space<vmem>>, vector<1x1250x128xf32>,
    return
  }
  func.func @transform_0(%arg0: i32) -> (i32, i32, i32) {
    %c0_i32 = arith.constant 0 : i32
    %c0_i32_0 = arith.constant 0 : i32
    %c0_i32_1 = arith.constant 0 : i32
    return %arg0, %c0_i32, %c0_i32_0 : i32, i32, i32
  }
  func.func @transform_1(%arg0: i32) -> (i32, i32) {
    %c0_i32 = arith.constant 0 : i32
    %c0_i32_0 = arith.constant 0 : i32
    %c0_i32_1 = arith.constant 0 : i32
    return %c0_i32, %c0_i32_0 : i32, i32
  }
  func.func @transform_2(%arg0: i32) -> (i32, i32) {
    %c0_i32 = arith.constant 0 : i32
    %c0_i32_0 = arith.constant 0 : i32
    %c0_i32_1 = arith.constant 0 : i32
    return %c0_i32, %c0_i32_0 : i32, i32
  }
  func.func @transform_3(%arg0: i32) -> (i32, i32) {
    %c0_i32 = arith.constant 0 : i32
    %c0_i32_0 = arith.constant 0 : i32
    %c0_i32_1 = arith.constant 0 : i32
    return %c0_i32, %c0_i32_0 : i32, i32
  }
  func.func @transform_4(%arg0: i32) -> (i32, i32) {
    %c0_i32 = arith.constant 0 : i32
    %c0_i32_0 = arith.constant 0 : i32
    %c0_i32_1 = arith.constant 0 : i32
    return %c0_i32, %c0_i32_0 : i32, i32
  }
  func.func @transform_5(%arg0: i32) -> (i32, i32, i32) {
    %c0_i32 = arith.constant 0 : i32
    %c0_i32_0 = arith.constant 0 : i32
    %c0_i32_1 = arith.constant 0 : i32
    return %arg0, %c0_i32, %c0_i32_0 : i32, i32, i32
  }
}

module attributes {stable_mosaic.version = 14 : i64} {
  func.func @_tc_scale_body(%arg0: i32, %arg1: memref<1x1250x128xf32, #tpu.memory_space<vmem>>, %arg2: memref<2x1x1250x8xf32, #tpu.memory_space<vmem>>, %arg3: memref<8x128xf32, #tpu.memory_space<vmem>>, %arg4: memref<1x1250x128xf32, #tpu.memory_space<vmem>>) attributes {dimension_semantics = [#tpu.dimension_semantics<arbitrary>], iteration_bounds = array<i64: 10>, scalar_prefetch = 0 : i64, scratch_operands = 0 : i64, tpu.core_type = #tpu.core_type<tc>, window_params = [{transform_indices = @transform_0, window_bounds = array<i64: 1, 1250, 128>}, {transform_indices = @transform_1, window_bounds = array<i64: 2, 1, 1250, 8>}, {pipeline_mode = #tpu.pipeline_mode<synchronous>, transform_indices = @transform_2, window_bounds = array<i64: 8, 128>}, {transform_indices = @transform_3, window_bounds = array<i64: 1, 1250, 128>}]} {
    %get3A = arith.constant 0 : index
    %get3A_0 = arith.constant 0 : index
    %get3A_1 = arith.constant 0 : index
    %get3A_2 = arith.constant 0 : index
    %get3A_3 = vector.load %arg2[%get3A, %get3A_0, %get3A_1, %get3A_2] : memref<2x1x1250x8xf32, #tpu.memory_space<vmem>>, vector<2x1x1250x8xf32>
    %squeeze3A = vector.shape_cast %get3A_3 : vector<2x1x1250x8xf32> to vector<2x1250x8xf32>
    %slice3A = vector.extract_strided_slice %squeeze3A {offsets = [0, 0, 0], sizes = [1, 1250, 8], strides = [1, 1, 1]} : vector<2x1250x8xf32> to vector<1x1250x8xf32>
    %squeeze3A_4 = vector.shape_cast %slice3A : vector<1x1250x8xf32> to vector<1250x8xf32>
    %slice3A_5 = vector.extract_strided_slice %squeeze3A {offsets = [1, 0, 0], sizes = [1, 1250, 8], strides = [1, 1, 1]} : vector<2x1250x8xf32> to vector<1x1250x8xf32>
    %squeeze3A_6 = vector.shape_cast %slice3A_5 : vector<1x1250x8xf32> to vector<1250x8xf32>
    %add3A = arith.addf %squeeze3A_4, %squeeze3A_6 : vector<1250x8xf32>
    %add3A_7 = arith.constant 1.000000e+00 : f32
    %add3A_8 = vector.broadcast %add3A_7 : f32 to vector<1250x8xf32>
    %add3A_9 = arith.addf %add3A, %add3A_8 : vector<1250x8xf32>
    %rsqrt3A = math.rsqrt %add3A_9 : vector<1250x8xf32>
    %get3A_10 = arith.constant 0 : index
    %get3A_11 = arith.constant 0 : index
    %get3A_12 = vector.load %arg3[%get3A_10, %get3A_11] : memref<8x128xf32, #tpu.memory_space<vmem>>, vector<8x128xf32>
    %dot_general3A = arith.constant dense<0.000000e+00> : vector<1250x128xf32>
    %dot_general3A_13 = tpu.matmul %rsqrt3A, %get3A_12, %dot_general3A {dimension_numbers = #tpu.dot_dimension_numbers<[1], [0], [0], [1], [0, 0, 1, 1], [], []>, precision = #tpu.contract_precision<fp32>, transpose_lhs_hint = false} : vector<1250x8xf32>, vector<8x128xf32>, vector<1250x128xf32> -> vector<1250x128xf32>
    %get3A_14 = arith.constant 0 : index
    %get3A_15 = arith.constant 0 : index
    %get3A_16 = arith.constant 0 : index
    %get3A_17 = vector.load %arg1[%get3A_14, %get3A_15, %get3A_16] : memref<1x1250x128xf32, #tpu.memory_space<vmem>>, vector<1x1250x128xf32>
    %squeeze3A_18 = vector.shape_cast %get3A_17 : vector<1x1250x128xf32> to vector<1250x128xf32>
    %mul3A = arith.mulf %squeeze3A_18, %dot_general3A_13 : vector<1250x128xf32>
    %broadcast_in_dim3A = vector.shape_cast %mul3A : vector<1250x128xf32> to vector<1x1250x128xf32>
    %swap3A = arith.constant 0 : index
    %swap3A_19 = arith.constant 0 : index
    %swap3A_20 = arith.constant 0 : index
    %swap3A_21 = vector.load %arg4[%swap3A, %swap3A_19, %swap3A_20] : memref<1x1250x128xf32, #tpu.memory_space<vmem>>, vector<1x1250x128xf32>
    tpu.vector_store %arg4[%swap3A, %swap3A_19, %swap3A_20], %broadcast_in_dim3A {strides = array<i32>} : memref<1x1250x128xf32, #tpu.memory_space<vmem>>, vector<1x1250x128xf32>,
    return
  }
  func.func @transform_0(%arg0: i32) -> (i32, i32, i32) {
    %c0_i32 = arith.constant 0 : i32
    %c0_i32_0 = arith.constant 0 : i32
    %c0_i32_1 = arith.constant 0 : i32
    return %arg0, %c0_i32, %c0_i32_0 : i32, i32, i32
  }
  func.func @transform_1(%arg0: i32) -> (i32, i32, i32, i32) {
    %c0_i32 = arith.constant 0 : i32
    %c0_i32_0 = arith.constant 0 : i32
    %c0_i32_1 = arith.constant 0 : i32
    %c0_i32_2 = arith.constant 0 : i32
    return %c0_i32, %arg0, %c0_i32_0, %c0_i32_1 : i32, i32, i32, i32
  }
  func.func @transform_2(%arg0: i32) -> (i32, i32) {
    %c0_i32 = arith.constant 0 : i32
    %c0_i32_0 = arith.constant 0 : i32
    %c0_i32_1 = arith.constant 0 : i32
    return %c0_i32, %c0_i32_0 : i32, i32
  }
  func.func @transform_3(%arg0: i32) -> (i32, i32, i32) {
    %c0_i32 = arith.constant 0 : i32
    %c0_i32_0 = arith.constant 0 : i32
    %c0_i32_1 = arith.constant 0 : i32
    return %arg0, %c0_i32, %c0_i32_0 : i32, i32, i32
  }
}

module attributes {stable_mosaic.version = 14 : i64} {
  func.func @_tc_mid_body(%arg0: i32, %arg1: memref<2x1x1250x128xf32, #tpu.memory_space<vmem>>, %arg2: memref<1x1250x128xf32, #tpu.memory_space<vmem>>, %arg3: memref<2x1x1250x8xf32, #tpu.memory_space<vmem>>, %arg4: memref<1x128xf32, #tpu.memory_space<vmem>>, %arg5: memref<128x128xf32, #tpu.memory_space<vmem>>, %arg6: memref<8x128xf32, #tpu.memory_space<vmem>>, %arg7: memref<1x1250x128xf32, #tpu.memory_space<vmem>>) attributes {dimension_semantics = [#tpu.dimension_semantics<arbitrary>], iteration_bounds = array<i64: 10>, scalar_prefetch = 0 : i64, scratch_operands = 0 : i64, tpu.core_type = #tpu.core_type<tc>, window_params = [{transform_indices = @transform_0, window_bounds = array<i64: 2, 1, 1250, 128>}, {transform_indices = @transform_1, window_bounds = array<i64: 1, 1250, 128>}, {transform_indices = @transform_2, window_bounds = array<i64: 2, 1, 1250, 8>}, {pipeline_mode = #tpu.pipeline_mode<synchronous>, transform_indices = @transform_3, window_bounds = array<i64: 1, 128>}, {pipeline_mode = #tpu.pipeline_mode<synchronous>, transform_indices = @transform_4, window_bounds = array<i64: 128, 128>}, {pipeline_mode = #tpu.pipeline_mode<synchronous>, transform_indices = @transform_5, window_bounds = array<i64: 8, 128>}, {transform_indices = @transform_6, window_bounds = array<i64: 1, 1250, 128>}]} {
    %get3A = arith.constant 0 : index
    %get3A_0 = arith.constant 0 : index
    %get3A_1 = arith.constant 0 : index
    %get3A_2 = arith.constant 0 : index
    %get3A_3 = vector.load %arg1[%get3A, %get3A_0, %get3A_1, %get3A_2] : memref<2x1x1250x128xf32, #tpu.memory_space<vmem>>, vector<2x1x1250x128xf32>
    %squeeze3A = vector.shape_cast %get3A_3 : vector<2x1x1250x128xf32> to vector<2x1250x128xf32>
    %get3A_4 = arith.constant 0 : index
    %get3A_5 = arith.constant 0 : index
    %get3A_6 = arith.constant 0 : index
    %get3A_7 = arith.constant 0 : index
    %get3A_8 = vector.load %arg3[%get3A_4, %get3A_5, %get3A_6, %get3A_7] : memref<2x1x1250x8xf32, #tpu.memory_space<vmem>>, vector<2x1x1250x8xf32>
    %squeeze3A_9 = vector.shape_cast %get3A_8 : vector<2x1x1250x8xf32> to vector<2x1250x8xf32>
    %slice3A = vector.extract_strided_slice %squeeze3A_9 {offsets = [0, 0, 0], sizes = [1, 1250, 8], strides = [1, 1, 1]} : vector<2x1250x8xf32> to vector<1x1250x8xf32>
    %squeeze3A_10 = vector.shape_cast %slice3A : vector<1x1250x8xf32> to vector<1250x8xf32>
    %slice3A_11 = vector.extract_strided_slice %squeeze3A_9 {offsets = [1, 0, 0], sizes = [1, 1250, 8], strides = [1, 1, 1]} : vector<2x1250x8xf32> to vector<1x1250x8xf32>
    %squeeze3A_12 = vector.shape_cast %slice3A_11 : vector<1x1250x8xf32> to vector<1250x8xf32>
    %add3A = arith.addf %squeeze3A_10, %squeeze3A_12 : vector<1250x8xf32>
    %add3A_13 = arith.constant 1.000000e+00 : f32
    %add3A_14 = vector.broadcast %add3A_13 : f32 to vector<1250x8xf32>
    %add3A_15 = arith.addf %add3A, %add3A_14 : vector<1250x8xf32>
    %rsqrt3A = math.rsqrt %add3A_15 : vector<1250x8xf32>
    %get3A_16 = arith.constant 0 : index
    %get3A_17 = arith.constant 0 : index
    %get3A_18 = vector.load %arg6[%get3A_16, %get3A_17] : memref<8x128xf32, #tpu.memory_space<vmem>>, vector<8x128xf32>
    %dot_general3A = arith.constant dense<0.000000e+00> : vector<1250x128xf32>
    %dot_general3A_19 = tpu.matmul %rsqrt3A, %get3A_18, %dot_general3A {dimension_numbers = #tpu.dot_dimension_numbers<[1], [0], [0], [1], [0, 0, 1, 1], [], []>, precision = #tpu.contract_precision<fp32>, transpose_lhs_hint = false} : vector<1250x8xf32>, vector<8x128xf32>, vector<1250x128xf32> -> vector<1250x128xf32>
    %slice3A_20 = vector.extract_strided_slice %squeeze3A {offsets = [0, 0, 0], sizes = [1, 1250, 128], strides = [1, 1, 1]} : vector<2x1250x128xf32> to vector<1x1250x128xf32>
    %squeeze3A_21 = vector.shape_cast %slice3A_20 : vector<1x1250x128xf32> to vector<1250x128xf32>
    %slice3A_22 = vector.extract_strided_slice %squeeze3A {offsets = [1, 0, 0], sizes = [1, 1250, 128], strides = [1, 1, 1]} : vector<2x1250x128xf32> to vector<1x1250x128xf32>
    %squeeze3A_23 = vector.shape_cast %slice3A_22 : vector<1x1250x128xf32> to vector<1250x128xf32>
    %add3A_24 = arith.addf %squeeze3A_21, %squeeze3A_23 : vector<1250x128xf32>
    %get3A_25 = arith.constant 0 : index
    %get3A_26 = arith.constant 0 : index
    %get3A_27 = arith.constant 0 : index
    %get3A_28 = vector.load %arg2[%get3A_25, %get3A_26, %get3A_27] : memref<1x1250x128xf32, #tpu.memory_space<vmem>>, vector<1x1250x128xf32>
    %squeeze3A_29 = vector.shape_cast %get3A_28 : vector<1x1250x128xf32> to vector<1250x128xf32>
    %add3A_30 = arith.addf %add3A_24, %squeeze3A_29 : vector<1250x128xf32>
    %mul3A = arith.mulf %dot_general3A_19, %add3A_30 : vector<1250x128xf32>
    %get3A_31 = arith.constant 0 : index
    %get3A_32 = arith.constant 0 : index
    %get3A_33 = vector.load %arg4[%get3A_31, %get3A_32] : memref<1x128xf32, #tpu.memory_space<vmem>>, vector<1x128xf32>
    %add3A_34 = vector.broadcast %get3A_33 : vector<1x128xf32> to vector<1250x128xf32>
    %add3A_35 = arith.addf %mul3A, %add3A_34 : vector<1250x128xf32>
    %tanh3A = math.tanh %add3A_35 : vector<1250x128xf32>
    %get3A_36 = arith.constant 0 : index
    %get3A_37 = arith.constant 0 : index
    %get3A_38 = vector.load %arg5[%get3A_36, %get3A_37] : memref<128x128xf32, #tpu.memory_space<vmem>>, vector<128x128xf32>
    %dot_general3A_39 = arith.constant dense<0.000000e+00> : vector<1250x128xf32>
    %dot_general3A_40 = tpu.matmul %tanh3A, %get3A_38, %dot_general3A_39 {dimension_numbers = #tpu.dot_dimension_numbers<[1], [0], [0], [1], [0, 0, 1, 1], [], []>, transpose_lhs_hint = false} : vector<1250x128xf32>, vector<128x128xf32>, vector<1250x128xf32> -> vector<1250x128xf32>
    %mul3A_41 = arith.mulf %dot_general3A_40, %dot_general3A_19 : vector<1250x128xf32>
    %broadcast_in_dim3A = vector.shape_cast %mul3A_41 : vector<1250x128xf32> to vector<1x1250x128xf32>
    %swap3A = arith.constant 0 : index
    %swap3A_42 = arith.constant 0 : index
    %swap3A_43 = arith.constant 0 : index
    %swap3A_44 = vector.load %arg7[%swap3A, %swap3A_42, %swap3A_43] : memref<1x1250x128xf32, #tpu.memory_space<vmem>>, vector<1x1250x128xf32>
    tpu.vector_store %arg7[%swap3A, %swap3A_42, %swap3A_43], %broadcast_in_dim3A {strides = array<i32>} : memref<1x1250x128xf32, #tpu.memory_space<vmem>>, vector<1x1250x128xf32>,
    return
  }
  func.func @transform_0(%arg0: i32) -> (i32, i32, i32, i32) {
    %c0_i32 = arith.constant 0 : i32
    %c0_i32_0 = arith.constant 0 : i32
    %c0_i32_1 = arith.constant 0 : i32
    %c0_i32_2 = arith.constant 0 : i32
    return %c0_i32, %arg0, %c0_i32_0, %c0_i32_1 : i32, i32, i32, i32
  }
  func.func @transform_1(%arg0: i32) -> (i32, i32, i32) {
    %c0_i32 = arith.constant 0 : i32
    %c0_i32_0 = arith.constant 0 : i32
    %c0_i32_1 = arith.constant 0 : i32
    return %arg0, %c0_i32, %c0_i32_0 : i32, i32, i32
  }
  func.func @transform_2(%arg0: i32) -> (i32, i32, i32, i32) {
    %c0_i32 = arith.constant 0 : i32
    %c0_i32_0 = arith.constant 0 : i32
    %c0_i32_1 = arith.constant 0 : i32
    %c0_i32_2 = arith.constant 0 : i32
    return %c0_i32, %arg0, %c0_i32_0, %c0_i32_1 : i32, i32, i32, i32
  }
  func.func @transform_3(%arg0: i32) -> (i32, i32) {
    %c0_i32 = arith.constant 0 : i32
    %c0_i32_0 = arith.constant 0 : i32
    %c0_i32_1 = arith.constant 0 : i32
    return %c0_i32, %c0_i32_0 : i32, i32
  }
  func.func @transform_4(%arg0: i32) -> (i32, i32) {
    %c0_i32 = arith.constant 0 : i32
    %c0_i32_0 = arith.constant 0 : i32
    %c0_i32_1 = arith.constant 0 : i32
    return %c0_i32, %c0_i32_0 : i32, i32
  }
  func.func @transform_5(%arg0: i32) -> (i32, i32) {
    %c0_i32 = arith.constant 0 : i32
    %c0_i32_0 = arith.constant 0 : i32
    %c0_i32_1 = arith.constant 0 : i32
    return %c0_i32, %c0_i32_0 : i32, i32
  }
  func.func @transform_6(%arg0: i32) -> (i32, i32, i32) {
    %c0_i32 = arith.constant 0 : i32
    %c0_i32_0 = arith.constant 0 : i32
    %c0_i32_1 = arith.constant 0 : i32
    return %arg0, %c0_i32, %c0_i32_0 : i32, i32, i32
  }
}

module attributes {stable_mosaic.version = 14 : i64} {
  func.func @_tc_final_body(%arg0: i32, %arg1: memref<2x1x1250x128xf32, #tpu.memory_space<vmem>>, %arg2: memref<1x1250x128xf32, #tpu.memory_space<vmem>>, %arg3: memref<2x1x1250x8xf32, #tpu.memory_space<vmem>>, %arg4: memref<1x128xf32, #tpu.memory_space<vmem>>, %arg5: memref<8x128xf32, #tpu.memory_space<vmem>>, %arg6: memref<128x16xf32, #tpu.memory_space<vmem>>, %arg7: memref<16x16xf32, #tpu.memory_space<vmem>>, %arg8: memref<1x16xf32, #tpu.memory_space<vmem>>, %arg9: memref<1x1x16xf32, #tpu.memory_space<vmem>>) attributes {dimension_semantics = [#tpu.dimension_semantics<arbitrary>], iteration_bounds = array<i64: 10>, scalar_prefetch = 0 : i64, scratch_operands = 0 : i64, tpu.core_type = #tpu.core_type<tc>, window_params = [{transform_indices = @transform_0, window_bounds = array<i64: 2, 1, 1250, 128>}, {transform_indices = @transform_1, window_bounds = array<i64: 1, 1250, 128>}, {transform_indices = @transform_2, window_bounds = array<i64: 2, 1, 1250, 8>}, {pipeline_mode = #tpu.pipeline_mode<synchronous>, transform_indices = @transform_3, window_bounds = array<i64: 1, 128>}, {pipeline_mode = #tpu.pipeline_mode<synchronous>, transform_indices = @transform_4, window_bounds = array<i64: 8, 128>}, {pipeline_mode = #tpu.pipeline_mode<synchronous>, transform_indices = @transform_5, window_bounds = array<i64: 128, 16>}, {pipeline_mode = #tpu.pipeline_mode<synchronous>, transform_indices = @transform_6, window_bounds = array<i64: 16, 16>}, {pipeline_mode = #tpu.pipeline_mode<synchronous>, transform_indices = @transform_7, window_bounds = array<i64: 1, 16>}, {transform_indices = @transform_8, window_bounds = array<i64: 1, 1, 16>}]} {
    %get3A = arith.constant 0 : index
    %get3A_0 = arith.constant 0 : index
    %get3A_1 = arith.constant 0 : index
    %get3A_2 = arith.constant 0 : index
    %get3A_3 = vector.load %arg1[%get3A, %get3A_0, %get3A_1, %get3A_2] : memref<2x1x1250x128xf32, #tpu.memory_space<vmem>>, vector<2x1x1250x128xf32>
    %squeeze3A = vector.shape_cast %get3A_3 : vector<2x1x1250x128xf32> to vector<2x1250x128xf32>
    %get3A_4 = arith.constant 0 : index
    %get3A_5 = arith.constant 0 : index
    %get3A_6 = arith.constant 0 : index
    %get3A_7 = arith.constant 0 : index
    %get3A_8 = vector.load %arg3[%get3A_4, %get3A_5, %get3A_6, %get3A_7] : memref<2x1x1250x8xf32, #tpu.memory_space<vmem>>, vector<2x1x1250x8xf32>
    %squeeze3A_9 = vector.shape_cast %get3A_8 : vector<2x1x1250x8xf32> to vector<2x1250x8xf32>
    %slice3A = vector.extract_strided_slice %squeeze3A_9 {offsets = [0, 0, 0], sizes = [1, 1250, 8], strides = [1, 1, 1]} : vector<2x1250x8xf32> to vector<1x1250x8xf32>
    %squeeze3A_10 = vector.shape_cast %slice3A : vector<1x1250x8xf32> to vector<1250x8xf32>
    %slice3A_11 = vector.extract_strided_slice %squeeze3A_9 {offsets = [1, 0, 0], sizes = [1, 1250, 8], strides = [1, 1, 1]} : vector<2x1250x8xf32> to vector<1x1250x8xf32>
    %squeeze3A_12 = vector.shape_cast %slice3A_11 : vector<1x1250x8xf32> to vector<1250x8xf32>
    %add3A = arith.addf %squeeze3A_10, %squeeze3A_12 : vector<1250x8xf32>
    %add3A_13 = arith.constant 1.000000e+00 : f32
    %add3A_14 = vector.broadcast %add3A_13 : f32 to vector<1250x8xf32>
    %add3A_15 = arith.addf %add3A, %add3A_14 : vector<1250x8xf32>
    %rsqrt3A = math.rsqrt %add3A_15 : vector<1250x8xf32>
    %get3A_16 = arith.constant 0 : index
    %get3A_17 = arith.constant 0 : index
    %get3A_18 = vector.load %arg5[%get3A_16, %get3A_17] : memref<8x128xf32, #tpu.memory_space<vmem>>, vector<8x128xf32>
    %dot_general3A = arith.constant dense<0.000000e+00> : vector<1250x128xf32>
    %dot_general3A_19 = tpu.matmul %rsqrt3A, %get3A_18, %dot_general3A {dimension_numbers = #tpu.dot_dimension_numbers<[1], [0], [0], [1], [0, 0, 1, 1], [], []>, precision = #tpu.contract_precision<fp32>, transpose_lhs_hint = false} : vector<1250x8xf32>, vector<8x128xf32>, vector<1250x128xf32> -> vector<1250x128xf32>
    %slice3A_20 = vector.extract_strided_slice %squeeze3A {offsets = [0, 0, 0], sizes = [1, 1250, 128], strides = [1, 1, 1]} : vector<2x1250x128xf32> to vector<1x1250x128xf32>
    %squeeze3A_21 = vector.shape_cast %slice3A_20 : vector<1x1250x128xf32> to vector<1250x128xf32>
    %slice3A_22 = vector.extract_strided_slice %squeeze3A {offsets = [1, 0, 0], sizes = [1, 1250, 128], strides = [1, 1, 1]} : vector<2x1250x128xf32> to vector<1x1250x128xf32>
    %squeeze3A_23 = vector.shape_cast %slice3A_22 : vector<1x1250x128xf32> to vector<1250x128xf32>
    %add3A_24 = arith.addf %squeeze3A_21, %squeeze3A_23 : vector<1250x128xf32>
    %get3A_25 = arith.constant 0 : index
    %get3A_26 = arith.constant 0 : index
    %get3A_27 = arith.constant 0 : index
    %get3A_28 = vector.load %arg2[%get3A_25, %get3A_26, %get3A_27] : memref<1x1250x128xf32, #tpu.memory_space<vmem>>, vector<1x1250x128xf32>
    %squeeze3A_29 = vector.shape_cast %get3A_28 : vector<1x1250x128xf32> to vector<1250x128xf32>
    %add3A_30 = arith.addf %add3A_24, %squeeze3A_29 : vector<1250x128xf32>
    %mul3A = arith.mulf %dot_general3A_19, %add3A_30 : vector<1250x128xf32>
    %get3A_31 = arith.constant 0 : index
    %get3A_32 = arith.constant 0 : index
    %get3A_33 = vector.load %arg4[%get3A_31, %get3A_32] : memref<1x128xf32, #tpu.memory_space<vmem>>, vector<1x128xf32>
    %add3A_34 = vector.broadcast %get3A_33 : vector<1x128xf32> to vector<1250x128xf32>
    %add3A_35 = arith.addf %mul3A, %add3A_34 : vector<1250x128xf32>
    %tanh3A = math.tanh %add3A_35 : vector<1250x128xf32>
    %reduce_sum3A = arith.constant dense<0.000000e+00> : vector<128xf32>
    %reduce_sum3A_36 = vector.multi_reduction <add>, %tanh3A, %reduce_sum3A [0] : vector<1250x128xf32> to vector<128xf32>
    %broadcast_in_dim3A = vector.shape_cast %reduce_sum3A_36 : vector<128xf32> to vector<1x128xf32>
    %get3A_37 = arith.constant 0 : index
    %get3A_38 = arith.constant 0 : index
    %get3A_39 = vector.load %arg6[%get3A_37, %get3A_38] : memref<128x16xf32, #tpu.memory_space<vmem>>, vector<128x16xf32>
    %dot_general3A_40 = arith.constant dense<0.000000e+00> : vector<1x16xf32>
    %dot_general3A_41 = tpu.matmul %broadcast_in_dim3A, %get3A_39, %dot_general3A_40 {dimension_numbers = #tpu.dot_dimension_numbers<[1], [0], [0], [1], [0, 0, 1, 1], [], []>, precision = #tpu.contract_precision<fp32>, transpose_lhs_hint = false} : vector<1x128xf32>, vector<128x16xf32>, vector<1x16xf32> -> vector<1x16xf32>
    %mul3A_42 = arith.constant 9.99999974E-5 : f32
    %mul3A_43 = vector.broadcast %mul3A_42 : f32 to vector<1x16xf32>
    %mul3A_44 = arith.mulf %dot_general3A_41, %mul3A_43 : vector<1x16xf32>
    %get3A_45 = arith.constant 0 : index
    %get3A_46 = arith.constant 0 : index
    %get3A_47 = vector.load %arg7[%get3A_45, %get3A_46] : memref<16x16xf32, #tpu.memory_space<vmem>>, vector<16x16xf32>
    %dot_general3A_48 = arith.constant dense<0.000000e+00> : vector<1x16xf32>
    %dot_general3A_49 = tpu.matmul %mul3A_44, %get3A_47, %dot_general3A_48 {dimension_numbers = #tpu.dot_dimension_numbers<[1], [1], [0], [0], [0, 0, 1, 0], [], []>, transpose_lhs_hint = false} : vector<1x16xf32>, vector<16x16xf32>, vector<1x16xf32> -> vector<1x16xf32>
    %get3A_50 = arith.constant 0 : index
    %get3A_51 = arith.constant 0 : index
    %get3A_52 = vector.load %arg8[%get3A_50, %get3A_51] : memref<1x16xf32, #tpu.memory_space<vmem>>, vector<1x16xf32>
    %add3A_53 = arith.addf %dot_general3A_49, %get3A_52 : vector<1x16xf32>
    %broadcast_in_dim3A_54 = vector.shape_cast %add3A_53 : vector<1x16xf32> to vector<1x1x16xf32>
    %swap3A = arith.constant 0 : index
    %swap3A_55 = arith.constant 0 : index
    %swap3A_56 = arith.constant 0 : index
    %swap3A_57 = vector.load %arg9[%swap3A, %swap3A_55, %swap3A_56] : memref<1x1x16xf32, #tpu.memory_space<vmem>>, vector<1x1x16xf32>
    tpu.vector_store %arg9[%swap3A, %swap3A_55, %swap3A_56], %broadcast_in_dim3A_54 {strides = array<i32>} : memref<1x1x16xf32, #tpu.memory_space<vmem>>, vector<1x1x16xf32>,
    return
  }
  func.func @transform_0(%arg0: i32) -> (i32, i32, i32, i32) {
    %c0_i32 = arith.constant 0 : i32
    %c0_i32_0 = arith.constant 0 : i32
    %c0_i32_1 = arith.constant 0 : i32
    %c0_i32_2 = arith.constant 0 : i32
    return %c0_i32, %arg0, %c0_i32_0, %c0_i32_1 : i32, i32, i32, i32
  }
  func.func @transform_1(%arg0: i32) -> (i32, i32, i32) {
    %c0_i32 = arith.constant 0 : i32
    %c0_i32_0 = arith.constant 0 : i32
    %c0_i32_1 = arith.constant 0 : i32
    return %arg0, %c0_i32, %c0_i32_0 : i32, i32, i32
  }
  func.func @transform_2(%arg0: i32) -> (i32, i32, i32, i32) {
    %c0_i32 = arith.constant 0 : i32
    %c0_i32_0 = arith.constant 0 : i32
    %c0_i32_1 = arith.constant 0 : i32
    %c0_i32_2 = arith.constant 0 : i32
    return %c0_i32, %arg0, %c0_i32_0, %c0_i32_1 : i32, i32, i32, i32
  }
  func.func @transform_3(%arg0: i32) -> (i32, i32) {
    %c0_i32 = arith.constant 0 : i32
    %c0_i32_0 = arith.constant 0 : i32
    %c0_i32_1 = arith.constant 0 : i32
    return %c0_i32, %c0_i32_0 : i32, i32
  }
  func.func @transform_4(%arg0: i32) -> (i32, i32) {
    %c0_i32 = arith.constant 0 : i32
    %c0_i32_0 = arith.constant 0 : i32
    %c0_i32_1 = arith.constant 0 : i32
    return %c0_i32, %c0_i32_0 : i32, i32
  }
  func.func @transform_5(%arg0: i32) -> (i32, i32) {
    %c0_i32 = arith.constant 0 : i32
    %c0_i32_0 = arith.constant 0 : i32
    %c0_i32_1 = arith.constant 0 : i32
    return %c0_i32, %c0_i32_0 : i32, i32
  }
  func.func @transform_6(%arg0: i32) -> (i32, i32) {
    %c0_i32 = arith.constant 0 : i32
    %c0_i32_0 = arith.constant 0 : i32
    %c0_i32_1 = arith.constant 0 : i32
    return %c0_i32, %c0_i32_0 : i32, i32
  }
  func.func @transform_7(%arg0: i32) -> (i32, i32) {
    %c0_i32 = arith.constant 0 : i32
    %c0_i32_0 = arith.constant 0 : i32
    %c0_i32_1 = arith.constant 0 : i32
    return %c0_i32, %c0_i32_0 : i32, i32
  }
  func.func @transform_8(%arg0: i32) -> (i32, i32, i32) {
    %c0_i32 = arith.constant 0 : i32
    %c0_i32_0 = arith.constant 0 : i32
    %c0_i32_1 = arith.constant 0 : i32
    return %arg0, %c0_i32, %c0_i32_0 : i32, i32, i32
  }
}

</mosaic_0001>

<sc_bundles>
// kernel: kernel.12.cloned.1.call-start
scs
__scs_entry_jumppad:
0x0: {  	(pc) =	sbr.rel $0x88, $3  }
0x1: {  	(tag) =	ssettag $0x0;
	lr =	simm.s32 $0x1  }
0x2: {  	[smem:$0x3F97] =	sst lr;
	_ =	strace $0xD0000000  }
0x3: {  	_ = 	snop  }
0x4: {  	_ = 	snop  }
0x5: {  	_ = 	snop  }
0x6: {  	_ = 	snop  }
0x7: {  	_ = 	snop  }
__scs_overlays_trampoline_lowered:
0x8: {  	[smem:$0x3FA6] =	sst s0  }
0x9: {  	[smem:$0x3FA7] =	sst s1  }
0xa: {  	[smem:$0x3FA8] =	sst s2  }
0xb: {  	[smem:$0x3FA9] =	sst s3  }
0xc: {  	[smem:$0x3FAA] =	sst s4  }
0xd: {  	[smem:$0x3FAB] =	sst s5  }
0xe: {  	[smem:$0x3FAC] =	sst s6  }
0xf: {  	[smem:$0x3FAD] =	sst s7  }
0x10: {  	[smem:$0x3FAE] =	sst s8  }
0x11: {  	[smem:$0x3FAF] =	sst s9;
	s0 =	simm.s32 @!p0 $0x0  }
0x12: {  	s1 =	sld [smem:$0x3F95];
	s0 =	simm.s32 @p0 $0x1  }
0x13: {  	[smem:$0x3FB0] =	sst s0;
	s0 =	simm.s32 @!p1 $0x0  }
0x14: {  	s2 =	sld [smem:$0x3F94];
	s0 =	simm.s32 @p1 $0x1  }
0x15: {  	[smem:$0x3FB1] =	sst s0;
	s0 =	simm.s32 @!p2 $0x0  }
0x16: {  	s3 =	sld [smem:$0x3FDB];
	s0 =	simm.s32 @p2 $0x1  }
0x17: {  	s4 =	simm.s32 $0x1BF5;
	[smem:$0x3FB3] =	sst s0  }
0x18: {  	s0 =	sld [smem:$0x3F96];
	_ =	swait.ge [sflag:s4], $0x0  }
0x19: {  	s7 =	sld [smem:$0x3F97]  }
0x1a: {  	s8 =	sadd.s32 $0xFFFFE003, lr  }
0x1b: {  	s9 =	sadd.s32 $0xFFFFFEF7, lr;
	s5 =	simm.s32 $0xFFFFFFFF;
	p2 =	slt.u32 s8, $0xFFFFF086  }
0x1c: {  	p1 =	slt.u32 s9, $0xF7A;
	s5 =	simm.s32 @!p2 $0x0  }
0x1d: {  	s5 =	simm.s32 @p1 $0x1;
	p0 =	seq.s32 s7, s2  }
0x1e: {  	s7 =	smul.u32 @!p0 $0xF7A, s2;
	p2 =	seq.s32 @!p0 s5, $0x0  }
0x1f: {  	s9 =	smul.u32 $0xF7A, s1;
	s8 =	simm.s32 @!p0 $0x1BF5;
	p2 =	por !p2, p0  }
0x20: {  	[sflag:s8] =	ssyncset.s32 @!p0 $0xFFFFF086;
	s6 =	sadd.s32 @!p0 s3, s7;
	s7 =	simm.s32 @!p0 $0x108  }
0x21: {  	s3 =	sadd.s32 s3, s9;
	s6 =	sadd.s32 @!p0 $0x88, s6;
	s7 =	simm.s32 @p2 $0x1082  }
0x22: {  	[simem:s7], [sflag:s8] =	dma.local @!p0 [hbm:s6], $0xF7A  }
0x23: {  	s9 =	sor.u32 $0xD0000000, s2;
	s6 =	simm.s32 $0x108;
	_ =	swait.ge @!p0 [sflag:s8], $0x0  }
0x24: {  	s3 =	sadd.s32 $0x88, s3;
	s6 =	simm.s32 @!p1 $0x1082;
	[sflag:s4] =	ssyncset.s32 $0xFFFFF086  }
0x25: {  	[simem:s6], [sflag:s4] =	dma.local [hbm:s3], $0xF7A  }
0x26: {  	[smem:$0x3F97] =	sst s1;
	(tag) =	ssettag s2;
	_ =	strace s9  }
0x27: {  	s1 =	sld [smem:$0x3FA7]  }
0x28: {  	s2 =	sld [smem:$0x3FA8]  }
0x29: {  	s4 =	sld [smem:$0x3FAA]  }
0x2a: {  	p0 =	seq.s32 s5, $0x0;
	s5 =	sld [smem:$0x3FAB]  }
0x2b: {  	s6 =	sld [smem:$0x3FAC]  }
0x2c: {  	s7 =	sld [smem:$0x3FAD]  }
0x2d: {  	s3 =	simm.s32 $0x108;
	s8 =	sld [smem:$0x3FAE]  }
0x2e: {  	s3 =	simm.s32 @!p0 $0x1082;
	s9 =	sld [smem:$0x3FAF]  }
0x2f: {  	lr =	sadd.s32 s0, s3;
	s0 =	sld [smem:$0x3FA6]  }
0x30: {  	s3 =	sld [smem:$0x3FA9]  }
0x31: {  	[smem:$0x3FB2] =	sst s10  }
0x32: {  	s10 =	sld [smem:$0x3FB0];
	_ =	sdelay $0x3  }
0x33: {  	p0 =	seq.s32 s10, $0x1;
	s10 =	sld [smem:$0x3FB2];
	_ =	sdelay $0x3  }
0x34: {  	[smem:$0x3FB2] =	sst s10  }
0x35: {  	s10 =	sld [smem:$0x3FB1];
	_ =	sdelay $0x3  }
0x36: {  	p1 =	seq.s32 s10, $0x1;
	s10 =	sld [smem:$0x3FB2];
	_ =	sdelay $0x3  }
0x37: {  	[smem:$0x3FB2] =	sst s10  }
0x38: {  	s10 =	sld [smem:$0x3FB3]  }
0x39: {  	_ = 	snop;
	(pc) =	sbr.ind lr, $3  }
0x3a: {  	_ = 	snop  }
0x3b: {  	_ = 	snop  }
0x3c: {  	p2 =	seq.s32 s10, $0x1;
	s10 =	sld [smem:$0x3FB2]  }
0x3d: {  	_ =	shalt  }
0x3e: {  	_ =	shalt  }
0x3f: {  	_ =	shalt  }
0x40: {  	_ =	shalt  }
0x41: {  	_ =	shalt  }
0x42: {  	_ =	shalt  }
0x43: {  	_ =	shalt  }
0x44: {  	_ =	shalt  }
0x45: {  	_ =	shalt  }
0x46: {  	_ =	shalt  }
0x47: {  	_ =	shalt  }
0x48: {  	_ =	shalt  }
0x49: {  	_ =	shalt  }
0x4a: {  	_ =	shalt  }
0x4b: {  	_ =	shalt  }
0x4c: {  	_ =	shalt  }
0x4d: {  	_ =	shalt  }
0x4e: {  	_ =	shalt  }
0x4f: {  	_ =	shalt  }
0x50: {  	_ =	shalt  }
0x51: {  	_ =	shalt  }
0x52: {  	_ =	shalt  }
0x53: {  	_ =	shalt  }
0x54: {  	_ =	shalt  }
0x55: {  	_ =	shalt  }
0x56: {  	_ =	shalt  }
0x57: {  	_ =	shalt  }
0x58: {  	_ =	shalt  }
0x59: {  	_ =	shalt  }
0x5a: {  	_ =	shalt  }
0x5b: {  	_ =	shalt  }
0x5c: {  	_ =	shalt  }
0x5d: {  	_ =	shalt  }
0x5e: {  	_ =	shalt  }
0x5f: {  	_ =	shalt  }
0x60: {  	_ =	shalt  }
0x61: {  	_ =	shalt  }
0x62: {  	_ =	shalt  }
0x63: {  	_ =	shalt  }
0x64: {  	_ =	shalt  }
0x65: {  	_ =	shalt  }
0x66: {  	_ =	shalt  }
0x67: {  	_ =	shalt  }
0x68: {  	_ =	shalt  }
0x69: {  	_ =	shalt  }
0x6a: {  	_ =	shalt  }
0x6b: {  	_ =	shalt  }
0x6c: {  	_ =	shalt  }
0x6d: {  	_ =	shalt  }
0x6e: {  	_ =	shalt  }
0x6f: {  	_ =	shalt  }
0x70: {  	_ =	shalt  }
0x71: {  	_ =	shalt  }
0x72: {  	_ =	shalt  }
0x73: {  	_ =	shalt  }
0x74: {  	_ =	shalt  }
0x75: {  	_ =	shalt  }
0x76: {  	_ =	shalt  }
0x77: {  	_ =	shalt  }
0x78: {  	_ =	shalt  }
0x79: {  	_ =	shalt  }
0x7a: {  	_ =	shalt  }
0x7b: {  	_ =	shalt  }
0x7c: {  	_ =	shalt  }
0x7d: {  	_ =	shalt  }
0x7e: {  	_ =	shalt  }
0x7f: {  	_ =	shalt  }
0x80: {  	_ =	shalt  }
0x81: {  	_ =	shalt  }
0x82: {  	_ =	shalt  }
0x83: {  	_ =	shalt  }
0x84: {  	_ =	shalt  }
0x85: {  	_ =	shalt  }
0x86: {  	_ =	shalt  }
0x87: {  	_ =	shalt  }
.Lfunc_end0:
.L_simem_size_0:
called_computation.1_lowered:
.L_overlay_start_0:
0x88: {  	s2 =	sld [smem:$0x3FD9]  }
0x89: {  	s3 =	sld [smem:$0x3FFE];
	_ =	sdelay $0x1  }
0x8a: {  	s1 =	srdreg.scid  }
0x8b: {  	s0 =	sand.u32 $0x1, s1  }
0x8c: {  	s16 =	sshll.u32 s0, $0xA;
	s2 =	sadd.s32 s3, s2  }
0x8d: {  	s2 =	sadd.s32 s2, s16  }
0x8e: {  	[smem:$0x3FBE] =	sst s2  }
0x8f: {  	_ = 	snop  }
0x90: {  	(tm) =	ssettm $0x1  }
0x91: {  	s17 =	sld [smem:$0x3FFB];
	_ =	sdelay $0x3  }
0x92: {  	_ =	strace s17  }
0x93: {  	s2 =	sld [smem:$0x3FFC];
	_ =	sdelay $0x3  }
0x94: {  	_ =	strace s2  }
0x95: {  	s2 =	sld [smem:$0x3FFD];
	_ =	sdelay $0x3  }
0x96: {  	_ =	strace s2  }
0x97: {  	_ =	strace $0x8FFFFFFF  }
0x98: {  	s18 =	sld [smem:$0x3FDB];
	_ =	sdelay $0x1  }
0x99: {  	s19 =	simm.s32 $_scs_section_size  }
0x9a: {  	s4 =	simm.s32 $_size__tile_overlayer_lowered;
	s5 =	simm.s32 $_tile_overlayer_lowered  }
0x9b: {  	s22 =	simm.s32 $0x1BFF;
	s21 =	sshll.u32 s5, $0x1;
	s2 =	sadd.s32 s19, s18  }
0x9c: {  	s6 =	simm.s32 $0x0;
	s20 =	sshll.u32 s4, $0x1;
	s4 =	sadd.s32 s21, s2  }
0x9d: {  	[timem:s6], [sflag:s22] =	dma.local [hbm:s4], s20  }
0x9e: {  	_ =	swait.ge [sflag:s22], s20  }
0x9f: {  	s3 =	ssub.s32 $0x0, s20;
	[sflag:s22] =	ssyncset.done $0x0  }
0xa0: {  	[sflag:s22] =	ssyncadd.s32 s3;
	_ =	sdelay $0x1  }
0xa1: {  	s23 =	simm.s32 $0x1B8B  }
0xa2: {  	_ =	swait.ge [sflag:s23], $0x1  }
0xa3: {  	[sflag:s23] =	ssyncset.done $0x0  }
0xa4: {  	s25 =	simm.s32 $0x1B8E;
	s24 =	sld [smem:$0x3FFE];
	[sflag:s23] =	ssyncadd.s32 $0xFFFFFFFF  }
0xa5: {  	s26 =	simm.s32 $execute0_lowered;
	[smem:$0x3FD2] =	sst s25  }
0xa6: {  	s4 =	sshll.u32 s26, $0x1;
	_ =	strace $0x80000049;
	[dreg:$0x1] =	wrdreg $0xFFFFFFFF  }
0xa7: {  	s28 =	simm.s32 $_size_execute0_lowered;
	s2 =	sadd.s32 s2, s4;
	[dreg:$0x0] =	wrdreg $0x0  }
0xa8: {  	s4 =	sshll.u32 s28, $0x1;
	[dreg:$0x2] =	wrdreg s2  }
0xa9: {  	[dreg:$0x3] =	wrdreg s4  }
0xaa: {  	[dreg:$0x4] =	wrdreg $0xC0  }
0xab: {  	_ =	task [dreg:s6], $0x5FFFF  }
0xac: {  	[dreg:$0x1] =	wrdreg $0xFFFFFFFF  }
0xad: {  	[dreg:$0x0] =	wrdreg $0x60  }
0xae: {  	[dreg:$0x2] =	wrdreg s24  }
0xaf: {  	[dreg:$0x3] =	wrdreg $0x0  }
0xb0: {  	[dreg:$0x4] =	wrdreg $0x9  }
0xb1: {  	_ =	task.clear_ibuf [dreg:s6], $0x5FFFF;
	_ =	strace $0x90000049  }
0xb2: {  	s29 =	simm.s32 $0x9;
	_ =	strace $0x8000004B  }
0xb3: {  	_ =	swait.ge [sflag:s29], $0x1  }
0xb4: {  	[sflag:s29] =	ssyncadd.s32 $0xFFFFFFFF  }
0xb5: {  	_ =	strace $0x9000004B  }
0xb6: {  	_ =	sfence  }
0xb7: {  	s30 =	sld [smem:$0x0];
	_ =	sdelay $0x2  }
0xb8: {  	s31 =	sshll.u32 s1, $0xD;
	s1 =	sshrl.u32 s1, $0x2  }
0xb9: {  	s3 =	sand.u32 $0x4000, s31;
	s1 =	sadd.s32 s1, s30  }
0xba: {  	s0 =	sor.u32 s3, s0;
	s1 =	sshll.u32 s1, $0x11  }
0xbb: {  	s0 =	sor.u32 s1, s0  }
0xbc: {  	s0 =	sadd.s32 $0x8F2B, s0  }
0xbd: {  	[sflag:s0] =	ssyncadd.remote.s32 $0x1  }
0xbe: {  	_ =	sfence.sel $0xFFFF  }
0xbf: {  	[dreg:$0x0] =	wrdreg $0xFFFFFFFF;
	(pc) =	sbr.abs _section_cstart, $3  }
0xc0: {  	[dreg:$0x1] =	wrdreg $0xFFFFFFFF  }
0xc1: {  	_ =	task.clear_ibuf [dreg:s6], $0x2FFFF;
	_ =	strace $0x9FFFFFFF  }
0xc2: {  	(tm) =	ssettm $0x7FFFFFFF  }
0xc3: {  	_ =	shalt  }
tec
execute0_lowered:
.L_overlay_start_1:
0x0: {  	(tag) =	ssettag $0x1  }
0x1: {  	s0 =	rddreg [dreg:$0x0]  }
0x2: {  	s2 =	rddreg [dreg:$0x1]  }
0x3: {  	s1 =	srdreg.scid;
	s11 =	stileid.u32  }
0x4: {  	s3 =	simm.s32 $0x0;
	s1 =	sand.u32 $0x1, s1;
	s6 =	smul.u32 $0x186A0, s11  }
0x5: {  	[smem:$0x7FF] =	sst s3;
	s9 =	sadd.s32 $0x1600, s0;
	s25 =	smul.u32 $0x30D, s11  }
0x6: {  	s5 =	smul.u32 $0x186A00, s1;
	s4 =	sshll.u32 s1, $0x4;
	_ =	strace $0x8000004A  }
0x7: {  	s18 =	ssub.s32 $0x2, s1;
	s1 =	smul.u32 $0x30D0, s1;
	s7 =	sor.u32 s11, s4  }
0x8: {  	s4 =	sadd.s32 $0x126E00, s0;
	s19 =	sshrl.u32 s18, $0x1;
	s5 =	sadd.s32 s6, s5  }
0x9: {  	s8 =	smul.u32 $0x30D, s7;
	s10 =	smin.u32 s7, $0x8;
	s5 =	sshrl.u32 s5, $0x3  }
0xa: {  	s1 =	sor.u32 s1, s10;
	s0 =	sadd.s32 s5, s0;
	s5 =	ssub.s32 s18, s19  }
0xb: {  	s17 =	sadd.s32 s10, s8;
	s1 =	sadd.s32 s25, s1;
	s5 =	smax.u32 s5, $0x1  }
0xc: {  	s1 =	sshll.u32 s1, $0x4;
	s0 =	sadd.s32 $0x157C00, s0;
	[dreg:$0x16] =	wrdreg s5  }
0xd: {  	s6 =	sshll.u32 s17, $0x4;
	s1 =	sadd.s32 s1, s9;
	[dreg:$0x18] =	wrdreg s0  }
0xe: {  	s12 =	sadd.s32 s9, s6;
	[dreg:$0x3] =	wrdreg s1  }
0xf: {  	s29 =	simm.s32 $0x192A0;
	s6 =	sadd.s32 $0x61A80, s12;
	[dreg:$0x4] =	wrdreg s12  }
0x10: {  	s30 =	simm.s32 $0xD;
	s20 =	sadd.s32 $0x30, s12;
	[dreg:$0x5] =	wrdreg s6  }
0x11: {  	s28 =	simm.s32 $0xB;
	s21 =	sadd.s32 $0x61AB0, s12;
	[dreg:$0x6] =	wrdreg s20  }
0x12: {  	p0 =	sgt.u32 s7, $0x7;
	s22 =	sadd.s32 $0x60, s12;
	[dreg:$0x7] =	wrdreg s21  }
0x13: {  	s7 =	simm.s32 $0x1;
	s23 =	sadd.s32 $0x61AE0, s12;
	[dreg:$0x8] =	wrdreg s22  }
0x14: {  	s19 =	smul.u32 $0x61A80, s11;
	s24 =	sadd.s32 $0x90, s12;
	[dreg:$0x9] =	wrdreg s23  }
0x15: {  	s8 =	simm.s32 $0x180;
	s26 =	sadd.s32 $0x61B10, s12;
	[dreg:$0xa] =	wrdreg s24  }
0x16: {  	s11 =	simm.s32 $0x2;
	s13 =	sadd.s32 $0xC0, s12;
	[dreg:$0xb] =	wrdreg s26  }
0x17: {  	s10 =	simm.s32 $0x189A0;
	s14 =	sadd.s32 $0x61B40, s12;
	[dreg:$0xc] =	wrdreg s13  }
0x18: {  	s0 =	simm.s32 $0x186A0;
	s15 =	sadd.s32 $0xF0, s12;
	[dreg:$0xd] =	wrdreg s14  }
0x19: {  	s5 =	simm.s32 $0xC;
	s16 =	sadd.s32 $0x61B70, s12;
	[dreg:$0xe] =	wrdreg s15  }
0x1a: {  	s17 =	sadd.s32 $0x3060, s12;
	s18 =	sadd.s32 $0x64AE0, s12;
	[dreg:$0xf] =	wrdreg s16  }
0x1b: {  	s25 =	sadd.s32 $0x30D0, s12;
	s1 =	simm.s32 $0x0;
	[dreg:$0x10] =	wrdreg s17  }
0x1c: {  	[dreg:$0x11] =	wrdreg s18;
	s20 =	sadd.s32 $0x3090, s12;
	s21 =	sadd.s32 $0x64B10, s12  }
0x1d: {  	s22 =	sadd.s32 $0x30C0, s12;
	s23 =	sshrl.u32 s19, $0x2;
	[dreg:$0x19] =	wrdreg s25  }
0x1e: {  	s24 =	sadd.s32 $0x64B40, s12;
	s26 =	sadd.s32 $0x64B50, s12;
	[dreg:$0x12] =	wrdreg s20  }
0x1f: {  	s13 =	simm.s32 $0x5;
	s16 =	simm.s32 $0x3;
	[dreg:$0x13] =	wrdreg s21  }
0x20: {  	s18 =	simm.s32 $0x6;
	s19 =	simm.s32 $0x9;
	[dreg:$0x14] =	wrdreg s22  }
0x21: {  	s14 =	simm.s32 $0x1AAA0;
	s15 =	simm.s32 $0x18B20;
	[dreg:$0x15] =	wrdreg s24  }
0x22: {  	s12 =	simm.s32 $0x1DAA0;
	s31 =	sadd.s32 s23, s2;
	[dreg:$0x1a] =	wrdreg s26  }
0x23: {  	s20 =	simm.s32 $0x4;
	s22 =	simm.s32 $0x7;
	s23 =	simm.s32 $0xA  }
0x24: {  	v0 =	vimm.f32 $0.0e+00;
	s26 =	simm.s32 $0x8;
	s21 =	simm.s32 $0x1C2A0;
	[dreg:$0x17] =	wrdreg s31  }
.LBB2_1:
0x25: {  	s24 =	simm.s32 $0x0  }
.LBB2_2:
0x26: {  	p1 =	sne.s32 s24, $0x3E40  }
.Ltmp0:
0x27: {  	_ = 	snop;
	(pc) =	sbr.rel @p1 .LBB2_2-.Ltmp0, $3  }
0x28: {  	_ =	sdelay $0x1  }
0x29: {  	s25 =	sshra.s32 s24, $0x2  }
0x2a: {  	s24 =	sadd.s32 $0x40, s24;
	[tilespmem:s25+$0x192A0] =	vst v0  }
0x2b: {  	[dreg:$0x1b] =	wrdreg s1;
	s24 =	sadd.s32 $0x0, s31  }
0x2c: {  	[spmem:s24] =	stream.linear.scatter [tilespmem:s29], [sflag:$0xD], $0xFA0, $0x38;
	[tilespmem:$0x1F3A0] =	vst v63  }
0x2d: {  	s24 =	simm.s32 $0x3E80;
	_ =	swait.ge [sflag:s30], $0xFA0  }
.LBB2_4:
0x2e: {  	s25 =	sshra.s32 s24, $0x2;
	[sflag:s30] =	ssyncset.done $0x0;
	p1 =	sne.s32 s24, $0x5DC00  }
.Ltmp1:
0x2f: {  	s25 =	sadd.s32 s25, s31;
	[sflag:s30] =	ssyncadd.s32 $0xFFFFF060;
	(pc) =	sbr.rel @p1 .LBB2_4-.Ltmp1, $3  }
0x30: {  	[spmem:s25] =	stream.linear.scatter [tilespmem:s29], [sflag:$0xD], $0xFA0, $0x38;
	[tilespmem:$0x1F3A0] =	vst v63  }
0x31: {  	s24 =	sadd.s32 $0x3E80, s24;
	_ =	sdelay $0x1  }
0x32: {  	_ =	swait.ge [sflag:s30], $0xFA0  }
0x33: {  	[sflag:s30] =	ssyncset.done $0x0  }
0x34: {  	[sflag:s30] =	ssyncadd.s32 $0xFFFFF060  }
0x35: {  	[bflag:$0x0] =	sbarrier.arrive $0xFFFF  }
0x36: {  	s24 =	simm.s32 $0x0;
	s25 =	rddreg [dreg:$0x4]  }
0x37: {  	[tilespmem:s0], [sflag:$0x1] =	stream.linear.gather [hbm4b:s25+s24], $0x180, $0x38;
	[tilespmem:$0x1F3A0] =	vst v63  }
0x38: {  	s1 =	simm.s32 $0x18CA0;
	s6 =	rddreg [dreg:$0x5]  }
0x39: {  	[tilespmem:s1], [sflag:$0x1] =	stream.linear.gather [hbm4b:s6+s24], $0x180, $0x38;
	[tilespmem:$0x1F3A0] =	vst v63  }
0x3a: {  	s9 =	rddreg [dreg:$0x6];
	s6 =	simm.s32 $0x18820  }
0x3b: {  	[tilespmem:s6], [sflag:$0x2] =	stream.linear.gather [hbm4b:s9+s24], $0x180, $0x38;
	[tilespmem:$0x1F3A0] =	vst v63  }
0x3c: {  	s17 =	rddreg [dreg:$0x7];
	s9 =	simm.s32 $0x18E20  }
0x3d: {  	[tilespmem:s9], [sflag:$0x2] =	stream.linear.gather [hbm4b:s17+s24], $0x180, $0x38;
	[tilespmem:$0x1F3A0] =	vst v63  }
0x3e: {  	_ =	swait.ge [sflag:s7], $0x180  }
0x3f: {  	[sflag:s7] =	ssyncset.done $0x0  }
0x40: {  	[sflag:s7] =	ssyncadd.s32 $0xFFFFFE80  }
0x41: {  	_ =	swait.ge [sflag:s7], $0x180  }
0x42: {  	[sflag:s7] =	ssyncset.done $0x0  }
0x43: {  	[sflag:s7] =	ssyncadd.s32 $0xFFFFFE80  }
0x44: {  	[tilespmem:s29], [sflag:$0x5] =	stream.indirect.gather [hbm4b:s4+s8], $0x10, s0, s8, $0xb8;
	[tilespmem:$0x1F3A0] =	vst v63  }
0x45: {  	s31 =	rddreg [dreg:$0x8]  }
0x46: {  	[tilespmem:s10], [sflag:$0x3] =	stream.linear.gather [hbm4b:s31+s24], $0x180, $0x38;
	[tilespmem:$0x1F3A0] =	vst v63  }
0x47: {  	s17 =	rddreg [dreg:$0x9];
	s31 =	simm.s32 $0x18FA0  }
0x48: {  	[tilespmem:s31], [sflag:$0x3] =	stream.linear.gather [hbm4b:s17+s24], $0x180, $0x38;
	[tilespmem:$0x1F3A0] =	vst v63  }
0x49: {  	_ =	swait.ge [sflag:s11], $0x180  }
0x4a: {  	[sflag:s11] =	ssyncset.done $0x0  }
0x4b: {  	[sflag:s11] =	ssyncadd.s32 $0xFFFFFE80  }
0x4c: {  	_ =	swait.ge [sflag:s11], $0x180  }
0x4d: {  	[sflag:s11] =	ssyncset.done $0x0  }
0x4e: {  	[sflag:s11] =	ssyncadd.s32 $0xFFFFFE80  }
0x4f: {  	[tilespmem:s14], [sflag:$0x6] =	stream.indirect.gather [hbm4b:s4+s8], $0x10, s6, s8, $0xb8;
	[tilespmem:$0x1F3A0] =	vst v63  }
0x50: {  	_ =	swait.ge [sflag:s13], $0x1800  }
0x51: {  	[sflag:s13] =	ssyncset.done $0x0  }
0x52: {  	[sflag:s13] =	ssyncadd.s32 $0xFFFFE800  }
0x53: {  	[spmem:s2] =	stream.indirect.scatter.add.f32 [tilespmem:s29], [sflag:$0x9], $0x10, s1, s8, $0xb8;
	[tilespmem:$0x1F3A0] =	vst v63  }
0x54: {  	s17 =	rddreg [dreg:$0xa]  }
0x55: {  	[tilespmem:s15], [sflag:$0x4] =	stream.linear.gather [hbm4b:s17+s24], $0x180, $0x38;
	[tilespmem:$0x1F3A0] =	vst v63  }
0x56: {  	s25 =	rddreg [dreg:$0xb];
	s17 =	simm.s32 $0x19120  }
0x57: {  	[tilespmem:s17], [sflag:$0x4] =	stream.linear.gather [hbm4b:s25+s24], $0x180, $0x38;
	[tilespmem:$0x1F3A0] =	vst v63  }
0x58: {  	_ =	swait.ge [sflag:s16], $0x180  }
0x59: {  	[sflag:s16] =	ssyncset.done $0x0  }
0x5a: {  	[sflag:s16] =	ssyncadd.s32 $0xFFFFFE80  }
0x5b: {  	_ =	swait.ge [sflag:s16], $0x180  }
0x5c: {  	[sflag:s16] =	ssyncset.done $0x0  }
0x5d: {  	[sflag:s16] =	ssyncadd.s32 $0xFFFFFE80  }
0x5e: {  	[tilespmem:s21], [sflag:$0x7] =	stream.indirect.gather [hbm4b:s4+s8], $0x10, s10, s8, $0xb8;
	[tilespmem:$0x1F3A0] =	vst v63  }
0x5f: {  	_ =	swait.ge [sflag:s18], $0x1800  }
0x60: {  	[sflag:s18] =	ssyncset.done $0x0  }
0x61: {  	[sflag:s18] =	ssyncadd.s32 $0xFFFFE800  }
0x62: {  	[spmem:s2] =	stream.indirect.scatter.add.f32 [tilespmem:s14], [sflag:$0xA], $0x10, s9, s8, $0xb8;
	[tilespmem:$0x1F3A0] =	vst v63  }
0x63: {  	_ =	swait.ge [sflag:s19], $0x1800  }
0x64: {  	[sflag:s19] =	ssyncset.done $0x0  }
0x65: {  	s25 =	rddreg [dreg:$0xc];
	[sflag:s19] =	ssyncadd.s32 $0xFFFFE800  }
0x66: {  	[tilespmem:s0], [sflag:$0x1] =	stream.linear.gather [hbm4b:s25+s24], $0x180, $0x38;
	[tilespmem:$0x1F3A0] =	vst v63  }
0x67: {  	s25 =	rddreg [dreg:$0xd]  }
0x68: {  	[tilespmem:s1], [sflag:$0x1] =	stream.linear.gather [hbm4b:s25+s24], $0x180, $0x38;
	[tilespmem:$0x1F3A0] =	vst v63  }
0x69: {  	_ =	swait.ge [sflag:s20], $0x180  }
0x6a: {  	[sflag:s20] =	ssyncset.done $0x0  }
0x6b: {  	[sflag:s20] =	ssyncadd.s32 $0xFFFFFE80  }
0x6c: {  	_ =	swait.ge [sflag:s20], $0x180  }
0x6d: {  	[sflag:s20] =	ssyncset.done $0x0  }
0x6e: {  	[sflag:s20] =	ssyncadd.s32 $0xFFFFFE80  }
0x6f: {  	[tilespmem:s12], [sflag:$0x8] =	stream.indirect.gather [hbm4b:s4+s8], $0x10, s15, s8, $0xb8;
	[tilespmem:$0x1F3A0] =	vst v63  }
0x70: {  	_ =	swait.ge [sflag:s22], $0x1800  }
0x71: {  	[sflag:s22] =	ssyncset.done $0x0  }
0x72: {  	[sflag:s22] =	ssyncadd.s32 $0xFFFFE800  }
0x73: {  	[spmem:s2] =	stream.indirect.scatter.add.f32 [tilespmem:s21], [sflag:$0xB], $0x10, s31, s8, $0xb8;
	[tilespmem:$0x1F3A0] =	vst v63  }
0x74: {  	_ =	swait.ge [sflag:s23], $0x1800  }
0x75: {  	[sflag:s23] =	ssyncset.done $0x0  }
0x76: {  	s25 =	rddreg [dreg:$0xe];
	[sflag:s23] =	ssyncadd.s32 $0xFFFFE800  }
0x77: {  	[tilespmem:s6], [sflag:$0x2] =	stream.linear.gather [hbm4b:s25+s24], $0x180, $0x38;
	[tilespmem:$0x1F3A0] =	vst v63  }
0x78: {  	s25 =	rddreg [dreg:$0xf]  }
0x79: {  	[tilespmem:s9], [sflag:$0x2] =	stream.linear.gather [hbm4b:s25+s24], $0x180, $0x38;
	[tilespmem:$0x1F3A0] =	vst v63  }
0x7a: {  	_ =	swait.ge [sflag:s7], $0x180  }
0x7b: {  	[sflag:s7] =	ssyncset.done $0x0  }
0x7c: {  	[sflag:s7] =	ssyncadd.s32 $0xFFFFFE80  }
0x7d: {  	_ =	swait.ge [sflag:s7], $0x180  }
0x7e: {  	[sflag:s7] =	ssyncset.done $0x0  }
0x7f: {  	[sflag:s7] =	ssyncadd.s32 $0xFFFFFE80  }
0x80: {  	[tilespmem:s29], [sflag:$0x5] =	stream.indirect.gather [hbm4b:s4+s8], $0x10, s0, s8, $0xb8;
	[tilespmem:$0x1F3A0] =	vst v63  }
0x81: {  	_ =	swait.ge [sflag:s26], $0x1800  }
0x82: {  	[sflag:s26] =	ssyncset.done $0x0  }
0x83: {  	[sflag:s26] =	ssyncadd.s32 $0xFFFFE800  }
0x84: {  	[spmem:s2] =	stream.indirect.scatter.add.f32 [tilespmem:s12], [sflag:$0xC], $0x10, s17, s8, $0xb8;
	[tilespmem:$0x1F3A0] =	vst v63  }
0x85: {  	_ =	swait.ge [sflag:s28], $0x1800  }
0x86: {  	s25 =	rddreg [dreg:$0x3]  }
0x87: {  	[sflag:s28] =	ssyncset.done $0x0;
	s24 =	sadd.s32 $0x0, s25  }
0x88: {  	[sflag:s28] =	ssyncadd.s32 $0xFFFFE800;
	s25 =	sadd.s32 $0x120, s24  }
0x89: {  	[tilespmem:s10], [sflag:$0x3] =	stream.linear.gather [hbm4b:s25+s3], $0x180, $0x38;
	[tilespmem:$0x1F3A0] =	vst v63  }
0x8a: {  	s25 =	sadd.s32 $0x61BA0, s24  }
0x8b: {  	[tilespmem:s31], [sflag:$0x3] =	stream.linear.gather [hbm4b:s25+s3], $0x180, $0x38;
	[tilespmem:$0x1F3A0] =	vst v63  }
0x8c: {  	_ =	swait.ge [sflag:s11], $0x180  }
0x8d: {  	[sflag:s11] =	ssyncset.done $0x0  }
0x8e: {  	[sflag:s11] =	ssyncadd.s32 $0xFFFFFE80  }
0x8f: {  	_ =	swait.ge [sflag:s11], $0x180  }
0x90: {  	[sflag:s11] =	ssyncset.done $0x0  }
0x91: {  	[sflag:s11] =	ssyncadd.s32 $0xFFFFFE80  }
0x92: {  	[tilespmem:s14], [sflag:$0x6] =	stream.indirect.gather [hbm4b:s4+s8], $0x10, s6, s8, $0xb8;
	[tilespmem:$0x1F3A0] =	vst v63  }
0x93: {  	_ =	swait.ge [sflag:s13], $0x1800  }
0x94: {  	[sflag:s13] =	ssyncset.done $0x0  }
0x95: {  	[sflag:s13] =	ssyncadd.s32 $0xFFFFE800  }
0x96: {  	[spmem:s2] =	stream.indirect.scatter.add.f32 [tilespmem:s29], [sflag:$0x9], $0x10, s1, s8, $0xb8;
	[tilespmem:$0x1F3A0] =	vst v63  }
0x97: {  	_ =	swait.ge [sflag:s5], $0x1800  }
0x98: {  	[sflag:s5] =	ssyncset.done $0x0  }
0x99: {  	s25 =	sadd.s32 $0x150, s24;
	[sflag:s5] =	ssyncadd.s32 $0xFFFFE800  }
0x9a: {  	[tilespmem:s15], [sflag:$0x4] =	stream.linear.gather [hbm4b:s25+s3], $0x180, $0x38;
	[tilespmem:$0x1F3A0] =	vst v63  }
0x9b: {  	s25 =	sadd.s32 $0x61BD0, s24  }
0x9c: {  	[tilespmem:s17], [sflag:$0x4] =	stream.linear.gather [hbm4b:s25+s3], $0x180, $0x38;
	[tilespmem:$0x1F3A0] =	vst v63  }
0x9d: {  	_ =	swait.ge [sflag:s16], $0x180  }
0x9e: {  	[sflag:s16] =	ssyncset.done $0x0  }
0x9f: {  	[sflag:s16] =	ssyncadd.s32 $0xFFFFFE80  }
0xa0: {  	_ =	swait.ge [sflag:s16], $0x180  }
0xa1: {  	[sflag:s16] =	ssyncset.done $0x0  }
0xa2: {  	[sflag:s16] =	ssyncadd.s32 $0xFFFFFE80  }
0xa3: {  	[tilespmem:s21], [sflag:$0x7] =	stream.indirect.gather [hbm4b:s4+s8], $0x10, s10, s8, $0xb8;
	[tilespmem:$0x1F3A0] =	vst v63  }
0xa4: {  	_ =	swait.ge [sflag:s18], $0x1800  }
0xa5: {  	[sflag:s18] =	ssyncset.done $0x0  }
0xa6: {  	[sflag:s18] =	ssyncadd.s32 $0xFFFFE800  }
0xa7: {  	[spmem:s2] =	stream.indirect.scatter.add.f32 [tilespmem:s14], [sflag:$0xA], $0x10, s9, s8, $0xb8;
	[tilespmem:$0x1F3A0] =	vst v63  }
0xa8: {  	_ =	swait.ge [sflag:s19], $0x1800  }
0xa9: {  	[sflag:s19] =	ssyncset.done $0x0  }
0xaa: {  	s17 =	sadd.s32 $0x180, s24;
	[sflag:s19] =	ssyncadd.s32 $0xFFFFE800  }
0xab: {  	[tilespmem:s0], [sflag:$0x1] =	stream.linear.gather [hbm4b:s17+s3], $0x180, $0x38;
	[tilespmem:$0x1F3A0] =	vst v63  }
0xac: {  	s17 =	sadd.s32 $0x61C00, s24  }
0xad: {  	[tilespmem:s1], [sflag:$0x1] =	stream.linear.gather [hbm4b:s17+s3], $0x180, $0x38;
	[tilespmem:$0x1F3A0] =	vst v63  }
0xae: {  	_ =	swait.ge [sflag:s20], $0x180  }
0xaf: {  	[sflag:s20] =	ssyncset.done $0x0  }
0xb0: {  	[sflag:s20] =	ssyncadd.s32 $0xFFFFFE80  }
0xb1: {  	_ =	swait.ge [sflag:s20], $0x180  }
0xb2: {  	[sflag:s20] =	ssyncset.done $0x0  }
0xb3: {  	[sflag:s20] =	ssyncadd.s32 $0xFFFFFE80  }
0xb4: {  	[tilespmem:s12], [sflag:$0x8] =	stream.indirect.gather [hbm4b:s4+s8], $0x10, s15, s8, $0xb8;
	[tilespmem:$0x1F3A0] =	vst v63  }
0xb5: {  	_ =	swait.ge [sflag:s22], $0x1800  }
0xb6: {  	[sflag:s22] =	ssyncset.done $0x0  }
0xb7: {  	[sflag:s22] =	ssyncadd.s32 $0xFFFFE800  }
0xb8: {  	[spmem:s2] =	stream.indirect.scatter.add.f32 [tilespmem:s21], [sflag:$0xB], $0x10, s31, s8, $0xb8;
	[tilespmem:$0x1F3A0] =	vst v63  }
0xb9: {  	_ =	swait.ge [sflag:s23], $0x1800  }
0xba: {  	[sflag:s23] =	ssyncset.done $0x0  }
0xbb: {  	s31 =	sadd.s32 $0x1B0, s24;
	[sflag:s23] =	ssyncadd.s32 $0xFFFFE800  }
0xbc: {  	[tilespmem:s6], [sflag:$0x2] =	stream.linear.gather [hbm4b:s31+s3], $0x180, $0x38;
	[tilespmem:$0x1F3A0] =	vst v63  }
0xbd: {  	s24 =	sadd.s32 $0x61C30, s24  }
0xbe: {  	[tilespmem:s9], [sflag:$0x2] =	stream.linear.gather [hbm4b:s24+s3], $0x180, $0x38;
	[tilespmem:$0x1F3A0] =	vst v63  }
0xbf: {  	_ =	swait.ge [sflag:s7], $0x180  }
0xc0: {  	[sflag:s7] =	ssyncset.done $0x0  }
0xc1: {  	[sflag:s7] =	ssyncadd.s32 $0xFFFFFE80  }
0xc2: {  	_ =	swait.ge [sflag:s7], $0x180  }
0xc3: {  	[sflag:s7] =	ssyncset.done $0x0  }
0xc4: {  	[sflag:s7] =	ssyncadd.s32 $0xFFFFFE80  }
0xc5: {  	[tilespmem:s29], [sflag:$0x5] =	stream.indirect.gather [hbm4b:s4+s8], $0x10, s0, s8, $0xb8;
	[tilespmem:$0x1F3A0] =	vst v63  }
0xc6: {  	_ =	swait.ge [sflag:s26], $0x1800  }
0xc7: {  	[sflag:s26] =	ssyncset.done $0x0  }
0xc8: {  	s25 =	simm.s32 $0xC0;
	[sflag:s26] =	ssyncadd.s32 $0xFFFFE800  }
.LBB2_6:
0xc9: {  	s17 =	simm.s32 $0x19120  }
0xca: {  	[spmem:s2] =	stream.indirect.scatter.add.f32 [tilespmem:s12], [sflag:$0xC], $0x10, s17, s8, $0xb8;
	[tilespmem:$0x1F3A0] =	vst v63  }
0xcb: {  	_ =	swait.ge [sflag:s28], $0x1800  }
0xcc: {  	s24 =	smov.u32 s25;
	s31 =	rddreg [dreg:$0x3]  }
0xcd: {  	[sflag:s28] =	ssyncset.done $0x0;
	s24 =	sadd.s32 s24, s31  }
0xce: {  	[sflag:s28] =	ssyncadd.s32 $0xFFFFE800;
	s31 =	sadd.s32 $0x120, s24  }
0xcf: {  	[tilespmem:s10], [sflag:$0x3] =	stream.linear.gather [hbm4b:s31+s3], $0x180, $0x38;
	[tilespmem:$0x1F3A0] =	vst v63  }
0xd0: {  	s9 =	simm.s32 $0x18FA0;
	s31 =	sadd.s32 $0x61BA0, s24  }
0xd1: {  	[tilespmem:s9], [sflag:$0x3] =	stream.linear.gather [hbm4b:s31+s3], $0x180, $0x38;
	[tilespmem:$0x1F3A0] =	vst v63  }
0xd2: {  	_ =	swait.ge [sflag:s11], $0x180  }
0xd3: {  	[sflag:s11] =	ssyncset.done $0x0  }
0xd4: {  	[sflag:s11] =	ssyncadd.s32 $0xFFFFFE80  }
0xd5: {  	_ =	swait.ge [sflag:s11], $0x180  }
0xd6: {  	[sflag:s11] =	ssyncset.done $0x0  }
0xd7: {  	[sflag:s11] =	ssyncadd.s32 $0xFFFFFE80  }
0xd8: {  	[tilespmem:s14], [sflag:$0x6] =	stream.indirect.gather [hbm4b:s4+s8], $0x10, s6, s8, $0xb8;
	[tilespmem:$0x1F3A0] =	vst v63  }
0xd9: {  	_ =	swait.ge [sflag:s13], $0x1800  }
0xda: {  	[sflag:s13] =	ssyncset.done $0x0  }
0xdb: {  	[sflag:s13] =	ssyncadd.s32 $0xFFFFE800  }
0xdc: {  	[spmem:s2] =	stream.indirect.scatter.add.f32 [tilespmem:s29], [sflag:$0x9], $0x10, s1, s8, $0xb8;
	[tilespmem:$0x1F3A0] =	vst v63  }
0xdd: {  	_ =	swait.ge [sflag:s5], $0x1800  }
0xde: {  	[sflag:s5] =	ssyncset.done $0x0  }
0xdf: {  	s31 =	sadd.s32 $0x150, s24;
	[sflag:s5] =	ssyncadd.s32 $0xFFFFE800  }
0xe0: {  	[tilespmem:s15], [sflag:$0x4] =	stream.linear.gather [hbm4b:s31+s3], $0x180, $0x38;
	[tilespmem:$0x1F3A0] =	vst v63  }
0xe1: {  	s31 =	sadd.s32 $0x61BD0, s24  }
0xe2: {  	[tilespmem:s17], [sflag:$0x4] =	stream.linear.gather [hbm4b:s31+s3], $0x180, $0x38;
	[tilespmem:$0x1F3A0] =	vst v63  }
0xe3: {  	_ =	swait.ge [sflag:s16], $0x180  }
0xe4: {  	[sflag:s16] =	ssyncset.done $0x0  }
0xe5: {  	[sflag:s16] =	ssyncadd.s32 $0xFFFFFE80  }
0xe6: {  	_ =	swait.ge [sflag:s16], $0x180  }
0xe7: {  	[sflag:s16] =	ssyncset.done $0x0  }
0xe8: {  	[sflag:s16] =	ssyncadd.s32 $0xFFFFFE80  }
0xe9: {  	[tilespmem:s21], [sflag:$0x7] =	stream.indirect.gather [hbm4b:s4+s8], $0x10, s10, s8, $0xb8;
	[tilespmem:$0x1F3A0] =	vst v63  }
0xea: {  	_ =	swait.ge [sflag:s18], $0x1800  }
0xeb: {  	[sflag:s18] =	ssyncset.done $0x0  }
0xec: {  	s17 =	simm.s32 $0x18E20;
	[sflag:s18] =	ssyncadd.s32 $0xFFFFE800  }
0xed: {  	[spmem:s2] =	stream.indirect.scatter.add.f32 [tilespmem:s14], [sflag:$0xA], $0x10, s17, s8, $0xb8;
	[tilespmem:$0x1F3A0] =	vst v63  }
0xee: {  	_ =	swait.ge [sflag:s19], $0x1800  }
0xef: {  	[sflag:s19] =	ssyncset.done $0x0  }
0xf0: {  	s31 =	sadd.s32 $0x180, s24;
	[sflag:s19] =	ssyncadd.s32 $0xFFFFE800  }
0xf1: {  	[tilespmem:s0], [sflag:$0x1] =	stream.linear.gather [hbm4b:s31+s3], $0x180, $0x38;
	[tilespmem:$0x1F3A0] =	vst v63  }
0xf2: {  	s31 =	sadd.s32 $0x61C00, s24  }
0xf3: {  	[tilespmem:s1], [sflag:$0x1] =	stream.linear.gather [hbm4b:s31+s3], $0x180, $0x38;
	[tilespmem:$0x1F3A0] =	vst v63  }
0xf4: {  	_ =	swait.ge [sflag:s20], $0x180  }
0xf5: {  	[sflag:s20] =	ssyncset.done $0x0  }
0xf6: {  	[sflag:s20] =	ssyncadd.s32 $0xFFFFFE80  }
0xf7: {  	_ =	swait.ge [sflag:s20], $0x180  }
0xf8: {  	[sflag:s20] =	ssyncset.done $0x0  }
0xf9: {  	[sflag:s20] =	ssyncadd.s32 $0xFFFFFE80  }
0xfa: {  	[tilespmem:s12], [sflag:$0x8] =	stream.indirect.gather [hbm4b:s4+s8], $0x10, s15, s8, $0xb8;
	[tilespmem:$0x1F3A0] =	vst v63  }
0xfb: {  	_ =	swait.ge [sflag:s22], $0x1800  }
0xfc: {  	[sflag:s22] =	ssyncset.done $0x0  }
0xfd: {  	[sflag:s22] =	ssyncadd.s32 $0xFFFFE800  }
0xfe: {  	[spmem:s2] =	stream.indirect.scatter.add.f32 [tilespmem:s21], [sflag:$0xB], $0x10, s9, s8, $0xb8;
	[tilespmem:$0x1F3A0] =	vst v63  }
0xff: {  	_ =	swait.ge [sflag:s23], $0x1800  }
0x100: {  	[sflag:s23] =	ssyncset.done $0x0  }
0x101: {  	s9 =	sadd.s32 $0x1B0, s24;
	[sflag:s23] =	ssyncadd.s32 $0xFFFFE800  }
0x102: {  	[tilespmem:s6], [sflag:$0x2] =	stream.linear.gather [hbm4b:s9+s3], $0x180, $0x38;
	[tilespmem:$0x1F3A0] =	vst v63  }
0x103: {  	s24 =	sadd.s32 $0x61C30, s24  }
0x104: {  	[tilespmem:s17], [sflag:$0x2] =	stream.linear.gather [hbm4b:s24+s3], $0x180, $0x38;
	[tilespmem:$0x1F3A0] =	vst v63  }
0x105: {  	_ =	swait.ge [sflag:s7], $0x180  }
0x106: {  	[sflag:s7] =	ssyncset.done $0x0  }
0x107: {  	[sflag:s7] =	ssyncadd.s32 $0xFFFFFE80  }
0x108: {  	_ =	swait.ge [sflag:s7], $0x180  }
0x109: {  	p1 =	sne.s32 s25, $0x2E80;
	[sflag:s7] =	ssyncset.done $0x0  }
.Ltmp2:
0x10a: {  	[sflag:s7] =	ssyncadd.s32 $0xFFFFFE80;
	(pc) =	sbr.rel @p1 .LBB2_6-.Ltmp2, $4  }
0x10b: {  	[tilespmem:s29], [sflag:$0x5] =	stream.indirect.gather [hbm4b:s4+s8], $0x10, s0, s8, $0xb8;
	[tilespmem:$0x1F3A0] =	vst v63  }
0x10c: {  	_ =	swait.ge [sflag:s26], $0x1800  }
0x10d: {  	[sflag:s26] =	ssyncset.done $0x0  }
0x10e: {  	s25 =	sadd.s32 $0xC0, s25;
	s9 =	simm.s32 $0x18E20;
	[sflag:s26] =	ssyncadd.s32 $0xFFFFE800  }
0x10f: {  	s17 =	simm.s32 $0x19120  }
0x110: {  	[spmem:s2] =	stream.indirect.scatter.add.f32 [tilespmem:s12], [sflag:$0xC], $0x10, s17, s8, $0xb8;
	[tilespmem:$0x1F3A0] =	vst v63  }
0x111: {  	_ =	swait.ge [sflag:s28], $0x1800  }
0x112: {  	[sflag:s28] =	ssyncset.done $0x0  }
0x113: {  	s24 =	rddreg [dreg:$0x10];
	[sflag:s28] =	ssyncadd.s32 $0xFFFFE800  }
0x114: {  	[tilespmem:s10], [sflag:$0x3] =	stream.linear.gather [hbm4b:s24+s3], $0x180, $0x38;
	[tilespmem:$0x1F3A0] =	vst v63  }
0x115: {  	s0 =	simm.s32 $0x18FA0;
	s31 =	rddreg [dreg:$0x11]  }
0x116: {  	[tilespmem:s0], [sflag:$0x3] =	stream.linear.gather [hbm4b:s31+s3], $0x180, $0x38;
	[tilespmem:$0x1F3A0] =	vst v63  }
0x117: {  	_ =	swait.ge [sflag:s11], $0x180  }
0x118: {  	[sflag:s11] =	ssyncset.done $0x0  }
0x119: {  	[sflag:s11] =	ssyncadd.s32 $0xFFFFFE80  }
0x11a: {  	_ =	swait.ge [sflag:s11], $0x180  }
0x11b: {  	[sflag:s11] =	ssyncset.done $0x0  }
0x11c: {  	[sflag:s11] =	ssyncadd.s32 $0xFFFFFE80  }
0x11d: {  	[tilespmem:s14], [sflag:$0x6] =	stream.indirect.gather [hbm4b:s4+s8], $0x10, s6, s8, $0xb8;
	[tilespmem:$0x1F3A0] =	vst v63  }
0x11e: {  	_ =	swait.ge [sflag:s13], $0x1800  }
0x11f: {  	[sflag:s13] =	ssyncset.done $0x0  }
0x120: {  	[sflag:s13] =	ssyncadd.s32 $0xFFFFE800  }
0x121: {  	[spmem:s2] =	stream.indirect.scatter.add.f32 [tilespmem:s29], [sflag:$0x9], $0x10, s1, s8, $0xb8;
	[tilespmem:$0x1F3A0] =	vst v63  }
0x122: {  	_ =	swait.ge [sflag:s5], $0x1800  }
0x123: {  	[sflag:s5] =	ssyncset.done $0x0  }
0x124: {  	s25 =	rddreg [dreg:$0x12];
	[sflag:s5] =	ssyncadd.s32 $0xFFFFE800  }
0x125: {  	[tilespmem:s15], [sflag:$0x4] =	stream.linear.gather [hbm4b:s25+s3], $0x180, $0x38;
	[tilespmem:$0x1F3A0] =	vst v63  }
0x126: {  	s31 =	rddreg [dreg:$0x13]  }
0x127: {  	[tilespmem:s17], [sflag:$0x4] =	stream.linear.gather [hbm4b:s31+s3], $0x180, $0x38;
	[tilespmem:$0x1F3A0] =	vst v63  }
0x128: {  	_ =	swait.ge [sflag:s16], $0x180  }
0x129: {  	[sflag:s16] =	ssyncset.done $0x0  }
0x12a: {  	[sflag:s16] =	ssyncadd.s32 $0xFFFFFE80  }
0x12b: {  	_ =	swait.ge [sflag:s16], $0x180  }
0x12c: {  	[sflag:s16] =	ssyncset.done $0x0  }
0x12d: {  	[sflag:s16] =	ssyncadd.s32 $0xFFFFFE80  }
0x12e: {  	[tilespmem:s21], [sflag:$0x7] =	stream.indirect.gather [hbm4b:s4+s8], $0x10, s10, s8, $0xb8;
	[tilespmem:$0x1F3A0] =	vst v63  }
0x12f: {  	_ =	swait.ge [sflag:s18], $0x1800  }
0x130: {  	[sflag:s18] =	ssyncset.done $0x0  }
0x131: {  	[sflag:s18] =	ssyncadd.s32 $0xFFFFE800  }
0x132: {  	[spmem:s2] =	stream.indirect.scatter.add.f32 [tilespmem:s14], [sflag:$0xA], $0x10, s9, s8, $0xb8;
	[tilespmem:$0x1F3A0] =	vst v63  }
0x133: {  	_ =	swait.ge [sflag:s19], $0x1800  }
0x134: {  	[sflag:s19] =	ssyncset.done $0x0  }
0x135: {  	[sflag:s19] =	ssyncadd.s32 $0xFFFFE800  }
0x136: {  	_ =	swait.ge [sflag:s20], $0x180  }
0x137: {  	[sflag:s20] =	ssyncset.done $0x0  }
0x138: {  	[sflag:s20] =	ssyncadd.s32 $0xFFFFFE80  }
0x139: {  	_ =	swait.ge [sflag:s20], $0x180  }
0x13a: {  	[sflag:s20] =	ssyncset.done $0x0  }
0x13b: {  	[sflag:s20] =	ssyncadd.s32 $0xFFFFFE80  }
0x13c: {  	[tilespmem:s12], [sflag:$0x8] =	stream.indirect.gather [hbm4b:s4+s8], $0x10, s15, s8, $0xb8;
	[tilespmem:$0x1F3A0] =	vst v63  }
0x13d: {  	_ =	swait.ge [sflag:s22], $0x1800  }
0x13e: {  	[sflag:s22] =	ssyncset.done $0x0  }
0x13f: {  	[sflag:s22] =	ssyncadd.s32 $0xFFFFE800  }
0x140: {  	[spmem:s2] =	stream.indirect.scatter.add.f32 [tilespmem:s21], [sflag:$0xB], $0x10, s0, s8, $0xb8;
	[tilespmem:$0x1F3A0] =	vst v63  }
0x141: {  	_ =	swait.ge [sflag:s23], $0x1800  }
0x142: {  	[sflag:s23] =	ssyncset.done $0x0  }
0x143: {  	[sflag:s23] =	ssyncadd.s32 $0xFFFFE800  }
0x144: {  	_ =	swait.ge [sflag:s26], $0x1800  }
0x145: {  	[sflag:s26] =	ssyncset.done $0x0  }
0x146: {  	[sflag:s26] =	ssyncadd.s32 $0xFFFFE800  }
0x147: {  	[spmem:s2] =	stream.indirect.scatter.add.f32 [tilespmem:s12], [sflag:$0xC], $0x10, s17, s8, $0xb8;
	[tilespmem:$0x1F3A0] =	vst v63  }
0x148: {  	_ =	swait.ge [sflag:s28], $0x1800  }
0x149: {  	[sflag:s28] =	ssyncset.done $0x0  }
0x14a: {  	[sflag:s28] =	ssyncadd.s32 $0xFFFFE800  }
0x14b: {  	_ =	swait.ge [sflag:s5], $0x1800  }
0x14c: {  	[sflag:s5] =	ssyncset.done $0x0  }
0x14d: {  	s6 =	simm.s32 $0x1F2A0;
	s1 =	rddreg [dreg:$0x14];
	[sflag:s5] =	ssyncadd.s32 $0xFFFFE800  }
0x14e: {  	[tilespmem:s6], [sflag:$0xD] =	stream.linear.gather [hbm4b:s1+s3], $0x80, $0x38;
	[tilespmem:$0x1F3A0] =	vst v63  }
0x14f: {  	_ =	swait.ge [sflag:s30], $0x80  }
0x150: {  	[sflag:s30] =	ssyncset.done $0x0  }
0x151: {  	s17 =	simm.s32 $0x1F320;
	s9 =	rddreg [dreg:$0x15];
	[sflag:s30] =	ssyncadd.s32 $0xFFFFFF80  }
0x152: {  	[tilespmem:s17], [sflag:$0xD] =	stream.linear.gather [hbm4b:s9+s3], $0x80, $0x38;
	[tilespmem:$0x1F3A0] =	vst v63  }
0x153: {  	_ =	swait.ge [sflag:s30], $0x80  }
0x154: {  	[sflag:s30] =	ssyncset.done $0x0  }
0x155: {  	s25 =	simm.s32 $0x80;
	[sflag:s30] =	ssyncadd.s32 $0xFFFFFF80  }
0x156: {  	[tilespmem:s29], [sflag:$0x5] =	stream.indirect.gather [hbm4b:s4+s25], $0x10, s6, s25, $0xb8;
	[tilespmem:$0x1F3A0] =	vst v63  }
0x157: {  	_ =	swait.ge [sflag:s13], $0x800  }
0x158: {  	[sflag:s13] =	ssyncset.done $0x0  }
0x159: {  	[sflag:s13] =	ssyncadd.s32 $0xFFFFF800  }
0x15a: {  	[spmem:s2] =	stream.indirect.scatter.add.f32 [tilespmem:s29], [sflag:$0xD], $0x10, s17, s25, $0xb8;
	[tilespmem:$0x1F3A0] =	vst v63  }
0x15b: {  	_ =	swait.ge [sflag:s30], $0x800  }
0x15c: {  	s24 =	simm.s32 @!p0 $0x0;
	s31 =	simm.s32 @!p0 $0xD;
	[sflag:s30] =	ssyncset.done $0x0  }
0x15d: {  	s1 =	simm.s32 @!p0 $0x1F2A0;
	s0 =	rddreg [dreg:$0x19];
	[sflag:s30] =	ssyncadd.s32 $0xFFFFF800  }
0x15e: {  	[tilespmem:s1], [sflag:$0xD] =	stream.linear.gather @!p0 [hbm4b:s0+s24], $0x80, $0x38;
	[tilespmem:$0x1F3A0] =	vst v63  }
0x15f: {  	_ =	swait.ge @!p0 [sflag:s31], $0x80  }
0x160: {  	[sflag:s31] =	ssyncset.done @!p0 $0x0  }
0x161: {  	s6 =	simm.s32 @!p0 $0x1F320;
	s0 =	rddreg [dreg:$0x1a];
	[sflag:s31] =	ssyncadd.s32 @!p0 $0xFFFFFF80  }
0x162: {  	[tilespmem:s6], [sflag:$0xD] =	stream.linear.gather @!p0 [hbm4b:s0+s24], $0x80, $0x38;
	[tilespmem:$0x1F3A0] =	vst v63  }
0x163: {  	_ =	swait.ge @!p0 [sflag:s31], $0x80  }
0x164: {  	s25 =	simm.s32 @!p0 $0x192A0;
	[sflag:s31] =	ssyncset.done @!p0 $0x0  }
0x165: {  	s0 =	simm.s32 @!p0 $0x80;
	s24 =	simm.s32 @!p0 $0x5;
	[sflag:s31] =	ssyncadd.s32 @!p0 $0xFFFFFF80  }
0x166: {  	[tilespmem:s25], [sflag:$0x5] =	stream.indirect.gather @!p0 [hbm4b:s4+s0], $0x10, s1, s0, $0xb8;
	[tilespmem:$0x1F3A0] =	vst v63  }
0x167: {  	_ =	swait.ge @!p0 [sflag:s24], $0x800  }
0x168: {  	[sflag:s24] =	ssyncset.done @!p0 $0x0  }
0x169: {  	[sflag:s24] =	ssyncadd.s32 @!p0 $0xFFFFF800  }
0x16a: {  	[spmem:s2] =	stream.indirect.scatter.add.f32 @!p0 [tilespmem:s25], [sflag:$0xD], $0x10, s6, s0, $0xb8;
	[tilespmem:$0x1F3A0] =	vst v63  }
0x16b: {  	_ =	swait.ge @!p0 [sflag:s31], $0x800  }
0x16c: {  	[sflag:s31] =	ssyncset.done @!p0 $0x0  }
0x16d: {  	[sflag:s31] =	ssyncadd.s32 @!p0 $0xFFFFF800  }
0x16e: {  	[bflag:$0x0] =	sbarrier.arrive $0xFFFF  }
0x16f: {  	s25 =	rddreg [dreg:$0x17]  }
0x170: {  	[tilespmem:s29], [sflag:$0xD] =	stream.linear.gather [spmem:s25], $0xFA0, $0x38;
	[tilespmem:$0x1F3A0] =	vst v63  }
0x171: {  	_ =	swait.ge [sflag:s30], $0xFA0  }
0x172: {  	[sflag:s30] =	ssyncset.done $0x0;
	s0 =	rddreg [dreg:$0x18]  }
0x173: {  	[sflag:s30] =	ssyncadd.s32 $0xFFFFF060;
	s31 =	sadd.s32 $0x0, s0  }
0x174: {  	[hbm4b:s31+s3] =	stream.linear.scatter [tilespmem:s29], [sflag:$0xD], $0xFA0, $0x38;
	[tilespmem:$0x1F3A0] =	vst v63  }
0x175: {  	_ =	swait.ge [sflag:s30], $0xFA0  }
0x176: {  	s24 =	simm.s32 $0x1F4;
	[sflag:s30] =	ssyncset.done $0x0  }
.LBB2_8:
0x177: {  	p1 =	sne.s32 s24, $0x2EE0;
	[sflag:s30] =	ssyncadd.s32 $0xFFFFF060;
	s25 =	sadd.s32 $0xFA0, s25  }
0x178: {  	[tilespmem:s29], [sflag:$0xD] =	stream.linear.gather [spmem:s25], $0xFA0, $0x38;
	[tilespmem:$0x1F3A0] =	vst v63  }
0x179: {  	s31 =	smov.u32 s24;
	s24 =	sadd.s32 $0x1F4, s24;
	_ =	swait.ge [sflag:s30], $0xFA0  }
.Ltmp3:
0x17a: {  	[sflag:s30] =	ssyncset.done $0x0;
	(pc) =	sbr.rel @p1 .LBB2_8-.Ltmp3, $4  }
0x17b: {  	s31 =	sadd.s32 s31, s0;
	[sflag:s30] =	ssyncadd.s32 $0xFFFFF060  }
0x17c: {  	[hbm4b:s31+s3] =	stream.linear.scatter [tilespmem:s29], [sflag:$0xD], $0xFA0, $0x38;
	[tilespmem:$0x1F3A0] =	vst v63  }
0x17d: {  	_ =	swait.ge [sflag:s30], $0xFA0  }
0x17e: {  	[sflag:s30] =	ssyncset.done $0x0  }
0x17f: {  	s1 =	rddreg [dreg:$0x1b]  }
0x180: {  	s24 =	rddreg [dreg:$0x16];
	s1 =	sadd.s32 $0x1, s1  }
0x181: {  	p1 =	sne.s32 s1, s24  }
.Ltmp4:
0x182: {  	_ = 	snop;
	(pc) =	sbr.rel @p1 .LBB2_1-.Ltmp4, $2  }
0x183: {  	_ =	sdelay $0x2  }
0x184: {  	[sflag:s30] =	ssyncadd.s32 $0xFFFFF060;
	s31 =	rddreg [dreg:$0x17];
	s0 =	simm.s32 $0x186A0  }
0x185: {  	_ =	sfence.sel $0x180000  }
0x186: {  	[bflag:$0x0] =	sbarrier.arrive $0xFFFF  }
0x187: {  	_ =	strace $0x9000004A  }
0x188: {  	s0 =	stileid.u32;
	[bflag:$0x2] =	sbarrier.arrive $0xFFFF  }
0x189: {  	p0 =	sne.s32 s0, $0x0;
	s0 =	rddreg [dreg:$0x2]  }
0x18a: {  	s0 =	sadd.s32 @!p0 $0x100000, s0  }
0x18b: {  	[sflag:s0] =	ssyncadd.tile.s32 @!p0 $0x1;
	_ =	shalt  }
.Lfunc_end2:
_tile_overlayer_lowered:
.L_overlay_start_2:
0x18c: {  	(tag) =	ssettag $0x2  }
0x18d: {  	s0 =	rddreg [dreg:$0x0];
	s2 =	stileid.u32  }
0x18e: {  	s1 =	rddreg [dreg:$0x1];
	p0 =	sne.s32 s2, $0x0  }
0x18f: {  	s3 =	rddreg [dreg:$0x2];
	[bflag:$0x3] =	sbarrier.arrive $0xFFFF;
	s2 =	simm.s32 @!p0 $0x1C0D  }
0x190: {  	[timem:s3], [sflag:s2] =	dma.local @!p0 [hbm:s0], s1  }
0x191: {  	s0 =	simm.s32 @!p0 $0xD  }
0x192: {  	_ =	swait.ge @!p0 [sflag:s0], s1  }
0x193: {  	s1 =	ssub.s32 @!p0 $0x0, s1;
	[sflag:s0] =	ssyncset.done @!p0 $0x0  }
0x194: {  	[sflag:s0] =	ssyncadd.s32 @!p0 s1  }
0x195: {  	[bflag:$0x3] =	sbarrier.arrive $0xFFFF  }
0x196: {  	_ =	shalt  }

// kernel: kernel.15.cloned.1.call-start
scs
__scs_entry_jumppad:
0x0: {  	(pc) =	sbr.rel $0x88, $3  }
0x1: {  	(tag) =	ssettag $0x0;
	lr =	simm.s32 $0x1  }
0x2: {  	[smem:$0x3F97] =	sst lr;
	_ =	strace $0xD0000000  }
0x3: {  	_ = 	snop  }
0x4: {  	_ = 	snop  }
0x5: {  	_ = 	snop  }
0x6: {  	_ = 	snop  }
0x7: {  	_ = 	snop  }
__scs_overlays_trampoline_lowered:
0x8: {  	[smem:$0x3FA6] =	sst s0  }
0x9: {  	[smem:$0x3FA7] =	sst s1  }
0xa: {  	[smem:$0x3FA8] =	sst s2  }
0xb: {  	[smem:$0x3FA9] =	sst s3  }
0xc: {  	[smem:$0x3FAA] =	sst s4  }
0xd: {  	[smem:$0x3FAB] =	sst s5  }
0xe: {  	[smem:$0x3FAC] =	sst s6  }
0xf: {  	[smem:$0x3FAD] =	sst s7  }
0x10: {  	[smem:$0x3FAE] =	sst s8  }
0x11: {  	[smem:$0x3FAF] =	sst s9;
	s0 =	simm.s32 @!p0 $0x0  }
0x12: {  	s1 =	sld [smem:$0x3F95];
	s0 =	simm.s32 @p0 $0x1  }
0x13: {  	[smem:$0x3FB0] =	sst s0;
	s0 =	simm.s32 @!p1 $0x0  }
0x14: {  	s2 =	sld [smem:$0x3F94];
	s0 =	simm.s32 @p1 $0x1  }
0x15: {  	[smem:$0x3FB1] =	sst s0;
	s0 =	simm.s32 @!p2 $0x0  }
0x16: {  	s3 =	sld [smem:$0x3FDB];
	s0 =	simm.s32 @p2 $0x1  }
0x17: {  	s4 =	simm.s32 $0x1BF5;
	[smem:$0x3FB3] =	sst s0  }
0x18: {  	s0 =	sld [smem:$0x3F96];
	_ =	swait.ge [sflag:s4], $0x0  }
0x19: {  	s7 =	sld [smem:$0x3F97]  }
0x1a: {  	s8 =	sadd.s32 $0xFFFFE003, lr  }
0x1b: {  	s9 =	sadd.s32 $0xFFFFFEF7, lr;
	s5 =	simm.s32 $0xFFFFFFFF;
	p2 =	slt.u32 s8, $0xFFFFF086  }
0x1c: {  	p1 =	slt.u32 s9, $0xF7A;
	s5 =	simm.s32 @!p2 $0x0  }
0x1d: {  	s5 =	simm.s32 @p1 $0x1;
	p0 =	seq.s32 s7, s2  }
0x1e: {  	s7 =	smul.u32 @!p0 $0xF7A, s2;
	p2 =	seq.s32 @!p0 s5, $0x0  }
0x1f: {  	s9 =	smul.u32 $0xF7A, s1;
	s8 =	simm.s32 @!p0 $0x1BF5;
	p2 =	por !p2, p0  }
0x20: {  	[sflag:s8] =	ssyncset.s32 @!p0 $0xFFFFF086;
	s6 =	sadd.s32 @!p0 s3, s7;
	s7 =	simm.s32 @!p0 $0x108  }
0x21: {  	s3 =	sadd.s32 s3, s9;
	s6 =	sadd.s32 @!p0 $0x88, s6;
	s7 =	simm.s32 @p2 $0x1082  }
0x22: {  	[simem:s7], [sflag:s8] =	dma.local @!p0 [hbm:s6], $0xF7A  }
0x23: {  	s9 =	sor.u32 $0xD0000000, s2;
	s6 =	simm.s32 $0x108;
	_ =	swait.ge @!p0 [sflag:s8], $0x0  }
0x24: {  	s3 =	sadd.s32 $0x88, s3;
	s6 =	simm.s32 @!p1 $0x1082;
	[sflag:s4] =	ssyncset.s32 $0xFFFFF086  }
0x25: {  	[simem:s6], [sflag:s4] =	dma.local [hbm:s3], $0xF7A  }
0x26: {  	[smem:$0x3F97] =	sst s1;
	(tag) =	ssettag s2;
	_ =	strace s9  }
0x27: {  	s1 =	sld [smem:$0x3FA7]  }
0x28: {  	s2 =	sld [smem:$0x3FA8]  }
0x29: {  	s4 =	sld [smem:$0x3FAA]  }
0x2a: {  	p0 =	seq.s32 s5, $0x0;
	s5 =	sld [smem:$0x3FAB]  }
0x2b: {  	s6 =	sld [smem:$0x3FAC]  }
0x2c: {  	s7 =	sld [smem:$0x3FAD]  }
0x2d: {  	s3 =	simm.s32 $0x108;
	s8 =	sld [smem:$0x3FAE]  }
0x2e: {  	s3 =	simm.s32 @!p0 $0x1082;
	s9 =	sld [smem:$0x3FAF]  }
0x2f: {  	lr =	sadd.s32 s0, s3;
	s0 =	sld [smem:$0x3FA6]  }
0x30: {  	s3 =	sld [smem:$0x3FA9]  }
0x31: {  	[smem:$0x3FB2] =	sst s10  }
0x32: {  	s10 =	sld [smem:$0x3FB0];
	_ =	sdelay $0x3  }
0x33: {  	p0 =	seq.s32 s10, $0x1;
	s10 =	sld [smem:$0x3FB2];
	_ =	sdelay $0x3  }
0x34: {  	[smem:$0x3FB2] =	sst s10  }
0x35: {  	s10 =	sld [smem:$0x3FB1];
	_ =	sdelay $0x3  }
0x36: {  	p1 =	seq.s32 s10, $0x1;
	s10 =	sld [smem:$0x3FB2];
	_ =	sdelay $0x3  }
0x37: {  	[smem:$0x3FB2] =	sst s10  }
0x38: {  	s10 =	sld [smem:$0x3FB3]  }
0x39: {  	_ = 	snop;
	(pc) =	sbr.ind lr, $3  }
0x3a: {  	_ = 	snop  }
0x3b: {  	_ = 	snop  }
0x3c: {  	p2 =	seq.s32 s10, $0x1;
	s10 =	sld [smem:$0x3FB2]  }
0x3d: {  	_ =	shalt  }
0x3e: {  	_ =	shalt  }
0x3f: {  	_ =	shalt  }
0x40: {  	_ =	shalt  }
0x41: {  	_ =	shalt  }
0x42: {  	_ =	shalt  }
0x43: {  	_ =	shalt  }
0x44: {  	_ =	shalt  }
0x45: {  	_ =	shalt  }
0x46: {  	_ =	shalt  }
0x47: {  	_ =	shalt  }
0x48: {  	_ =	shalt  }
0x49: {  	_ =	shalt  }
0x4a: {  	_ =	shalt  }
0x4b: {  	_ =	shalt  }
0x4c: {  	_ =	shalt  }
0x4d: {  	_ =	shalt  }
0x4e: {  	_ =	shalt  }
0x4f: {  	_ =	shalt  }
0x50: {  	_ =	shalt  }
0x51: {  	_ =	shalt  }
0x52: {  	_ =	shalt  }
0x53: {  	_ =	shalt  }
0x54: {  	_ =	shalt  }
0x55: {  	_ =	shalt  }
0x56: {  	_ =	shalt  }
0x57: {  	_ =	shalt  }
0x58: {  	_ =	shalt  }
0x59: {  	_ =	shalt  }
0x5a: {  	_ =	shalt  }
0x5b: {  	_ =	shalt  }
0x5c: {  	_ =	shalt  }
0x5d: {  	_ =	shalt  }
0x5e: {  	_ =	shalt  }
0x5f: {  	_ =	shalt  }
0x60: {  	_ =	shalt  }
0x61: {  	_ =	shalt  }
0x62: {  	_ =	shalt  }
0x63: {  	_ =	shalt  }
0x64: {  	_ =	shalt  }
0x65: {  	_ =	shalt  }
0x66: {  	_ =	shalt  }
0x67: {  	_ =	shalt  }
0x68: {  	_ =	shalt  }
0x69: {  	_ =	shalt  }
0x6a: {  	_ =	shalt  }
0x6b: {  	_ =	shalt  }
0x6c: {  	_ =	shalt  }
0x6d: {  	_ =	shalt  }
0x6e: {  	_ =	shalt  }
0x6f: {  	_ =	shalt  }
0x70: {  	_ =	shalt  }
0x71: {  	_ =	shalt  }
0x72: {  	_ =	shalt  }
0x73: {  	_ =	shalt  }
0x74: {  	_ =	shalt  }
0x75: {  	_ =	shalt  }
0x76: {  	_ =	shalt  }
0x77: {  	_ =	shalt  }
0x78: {  	_ =	shalt  }
0x79: {  	_ =	shalt  }
0x7a: {  	_ =	shalt  }
0x7b: {  	_ =	shalt  }
0x7c: {  	_ =	shalt  }
0x7d: {  	_ =	shalt  }
0x7e: {  	_ =	shalt  }
0x7f: {  	_ =	shalt  }
0x80: {  	_ =	shalt  }
0x81: {  	_ =	shalt  }
0x82: {  	_ =	shalt  }
0x83: {  	_ =	shalt  }
0x84: {  	_ =	shalt  }
0x85: {  	_ =	shalt  }
0x86: {  	_ =	shalt  }
0x87: {  	_ =	shalt  }
.Lfunc_end0:
.L_simem_size_0:
called_computation.2_lowered:
.L_overlay_start_0:
0x88: {  	s2 =	sld [smem:$0x3FD9]  }
0x89: {  	s3 =	sld [smem:$0x3FFE];
	_ =	sdelay $0x1  }
0x8a: {  	s1 =	srdreg.scid  }
0x8b: {  	s0 =	sand.u32 $0x1, s1  }
0x8c: {  	s16 =	sshll.u32 s0, $0xA;
	s2 =	sadd.s32 s3, s2  }
0x8d: {  	s2 =	sadd.s32 s2, s16  }
0x8e: {  	[smem:$0x3FBE] =	sst s2  }
0x8f: {  	_ = 	snop  }
0x90: {  	(tm) =	ssettm $0x1  }
0x91: {  	s17 =	sld [smem:$0x3FFB];
	_ =	sdelay $0x3  }
0x92: {  	_ =	strace s17  }
0x93: {  	s2 =	sld [smem:$0x3FFC];
	_ =	sdelay $0x3  }
0x94: {  	_ =	strace s2  }
0x95: {  	s2 =	sld [smem:$0x3FFD];
	_ =	sdelay $0x3  }
0x96: {  	_ =	strace s2  }
0x97: {  	_ =	strace $0x8FFFFFFF  }
0x98: {  	s18 =	sld [smem:$0x3FDB];
	_ =	sdelay $0x1  }
0x99: {  	s19 =	simm.s32 $_scs_section_size  }
0x9a: {  	s4 =	simm.s32 $_size__tile_overlayer_lowered;
	s5 =	simm.s32 $_tile_overlayer_lowered  }
0x9b: {  	s22 =	simm.s32 $0x1BFF;
	s21 =	sshll.u32 s5, $0x1;
	s2 =	sadd.s32 s19, s18  }
0x9c: {  	s6 =	simm.s32 $0x0;
	s20 =	sshll.u32 s4, $0x1;
	s4 =	sadd.s32 s21, s2  }
0x9d: {  	[timem:s6], [sflag:s22] =	dma.local [hbm:s4], s20  }
0x9e: {  	_ =	swait.ge [sflag:s22], s20  }
0x9f: {  	s3 =	ssub.s32 $0x0, s20;
	[sflag:s22] =	ssyncset.done $0x0  }
0xa0: {  	[sflag:s22] =	ssyncadd.s32 s3;
	_ =	sdelay $0x1  }
0xa1: {  	s23 =	simm.s32 $0x1B8B  }
0xa2: {  	_ =	swait.ge [sflag:s23], $0x1  }
0xa3: {  	[sflag:s23] =	ssyncset.done $0x0  }
0xa4: {  	s25 =	simm.s32 $0x1B8E;
	s24 =	sld [smem:$0x3FFE];
	[sflag:s23] =	ssyncadd.s32 $0xFFFFFFFF  }
0xa5: {  	s26 =	simm.s32 $execute0_lowered;
	[smem:$0x3FD2] =	sst s25  }
0xa6: {  	s4 =	sshll.u32 s26, $0x1;
	_ =	strace $0x8000004C;
	[dreg:$0x1] =	wrdreg $0xFFFFFFFF  }
0xa7: {  	s28 =	simm.s32 $_size_execute0_lowered;
	s2 =	sadd.s32 s2, s4;
	[dreg:$0x0] =	wrdreg $0x0  }
0xa8: {  	s4 =	sshll.u32 s28, $0x1;
	[dreg:$0x2] =	wrdreg s2  }
0xa9: {  	[dreg:$0x3] =	wrdreg s4  }
0xaa: {  	[dreg:$0x4] =	wrdreg $0xC0  }
0xab: {  	_ =	task [dreg:s6], $0x5FFFF  }
0xac: {  	[dreg:$0x1] =	wrdreg $0xFFFFFFFF  }
0xad: {  	[dreg:$0x0] =	wrdreg $0x60  }
0xae: {  	[dreg:$0x2] =	wrdreg s24  }
0xaf: {  	[dreg:$0x3] =	wrdreg $0x0  }
0xb0: {  	[dreg:$0x4] =	wrdreg $0x9  }
0xb1: {  	_ =	task.clear_ibuf [dreg:s6], $0x5FFFF;
	_ =	strace $0x9000004C  }
0xb2: {  	s29 =	simm.s32 $0x9;
	_ =	strace $0x8000004E  }
0xb3: {  	_ =	swait.ge [sflag:s29], $0x1  }
0xb4: {  	[sflag:s29] =	ssyncadd.s32 $0xFFFFFFFF  }
0xb5: {  	_ =	strace $0x9000004E  }
0xb6: {  	_ =	sfence  }
0xb7: {  	s30 =	sld [smem:$0x0];
	_ =	sdelay $0x2  }
0xb8: {  	s31 =	sshll.u32 s1, $0xD;
	s1 =	sshrl.u32 s1, $0x2  }
0xb9: {  	s3 =	sand.u32 $0x4000, s31;
	s1 =	sadd.s32 s1, s30  }
0xba: {  	s0 =	sor.u32 s3, s0;
	s1 =	sshll.u32 s1, $0x11  }
0xbb: {  	s0 =	sor.u32 s1, s0  }
0xbc: {  	s0 =	sadd.s32 $0x8F2B, s0  }
0xbd: {  	[sflag:s0] =	ssyncadd.remote.s32 $0x1  }
0xbe: {  	_ =	sfence.sel $0xFFFF  }
0xbf: {  	[dreg:$0x0] =	wrdreg $0xFFFFFFFF;
	(pc) =	sbr.abs _section_cstart, $3  }
0xc0: {  	[dreg:$0x1] =	wrdreg $0xFFFFFFFF  }
0xc1: {  	_ =	task.clear_ibuf [dreg:s6], $0x2FFFF;
	_ =	strace $0x9FFFFFFF  }
0xc2: {  	(tm) =	ssettm $0x7FFFFFFF  }
0xc3: {  	_ =	shalt  }
tec
execute0_lowered:
.L_overlay_start_1:
0x0: {  	(tag) =	ssettag $0x1  }
0x1: {  	s0 =	rddreg [dreg:$0x0]  }
0x2: {  	s2 =	rddreg [dreg:$0x1]  }
0x3: {  	s1 =	srdreg.scid;
	s11 =	stileid.u32  }
0x4: {  	s3 =	simm.s32 $0x0;
	s1 =	sand.u32 $0x1, s1;
	s6 =	smul.u32 $0x186A0, s11  }
0x5: {  	[smem:$0x7FF] =	sst s3;
	s9 =	sadd.s32 $0x1600, s0;
	s25 =	smul.u32 $0x30D, s11  }
0x6: {  	s5 =	smul.u32 $0x186A00, s1;
	s4 =	sshll.u32 s1, $0x4;
	_ =	strace $0x8000004D  }
0x7: {  	s18 =	ssub.s32 $0x2, s1;
	s1 =	smul.u32 $0x30D0, s1;
	s7 =	sor.u32 s11, s4  }
0x8: {  	s4 =	sadd.s32 $0x126E00, s0;
	s19 =	sshrl.u32 s18, $0x1;
	s5 =	sadd.s32 s6, s5  }
0x9: {  	s8 =	smul.u32 $0x30D, s7;
	s10 =	smin.u32 s7, $0x8;
	s5 =	sshrl.u32 s5, $0x3  }
0xa: {  	s1 =	sor.u32 s1, s10;
	s0 =	sadd.s32 s5, s0;
	s5 =	ssub.s32 s18, s19  }
0xb: {  	s17 =	sadd.s32 s10, s8;
	s1 =	sadd.s32 s25, s1;
	s5 =	smax.u32 s5, $0x1  }
0xc: {  	s1 =	sshll.u32 s1, $0x4;
	s0 =	sadd.s32 $0x157C00, s0;
	[dreg:$0x16] =	wrdreg s5  }
0xd: {  	s6 =	sshll.u32 s17, $0x4;
	s1 =	sadd.s32 s1, s9;
	[dreg:$0x18] =	wrdreg s0  }
0xe: {  	s12 =	sadd.s32 s9, s6;
	[dreg:$0x3] =	wrdreg s1  }
0xf: {  	s29 =	simm.s32 $0x192A0;
	s6 =	sadd.s32 $0x61A80, s12;
	[dreg:$0x4] =	wrdreg s12  }
0x10: {  	s30 =	simm.s32 $0xD;
	s20 =	sadd.s32 $0x30, s12;
	[dreg:$0x5] =	wrdreg s6  }
0x11: {  	s28 =	simm.s32 $0xB;
	s21 =	sadd.s32 $0x61AB0, s12;
	[dreg:$0x6] =	wrdreg s20  }
0x12: {  	p0 =	sgt.u32 s7, $0x7;
	s22 =	sadd.s32 $0x60, s12;
	[dreg:$0x7] =	wrdreg s21  }
0x13: {  	s7 =	simm.s32 $0x1;
	s23 =	sadd.s32 $0x61AE0, s12;
	[dreg:$0x8] =	wrdreg s22  }
0x14: {  	s19 =	smul.u32 $0x61A80, s11;
	s24 =	sadd.s32 $0x90, s12;
	[dreg:$0x9] =	wrdreg s23  }
0x15: {  	s8 =	simm.s32 $0x180;
	s26 =	sadd.s32 $0x61B10, s12;
	[dreg:$0xa] =	wrdreg s24  }
0x16: {  	s11 =	simm.s32 $0x2;
	s13 =	sadd.s32 $0xC0, s12;
	[dreg:$0xb] =	wrdreg s26  }
0x17: {  	s10 =	simm.s32 $0x189A0;
	s14 =	sadd.s32 $0x61B40, s12;
	[dreg:$0xc] =	wrdreg s13  }
0x18: {  	s0 =	simm.s32 $0x186A0;
	s15 =	sadd.s32 $0xF0, s12;
	[dreg:$0xd] =	wrdreg s14  }
0x19: {  	s5 =	simm.s32 $0xC;
	s16 =	sadd.s32 $0x61B70, s12;
	[dreg:$0xe] =	wrdreg s15  }
0x1a: {  	s17 =	sadd.s32 $0x3060, s12;
	s18 =	sadd.s32 $0x64AE0, s12;
	[dreg:$0xf] =	wrdreg s16  }
0x1b: {  	s25 =	sadd.s32 $0x30D0, s12;
	s1 =	simm.s32 $0x0;
	[dreg:$0x10] =	wrdreg s17  }
0x1c: {  	[dreg:$0x11] =	wrdreg s18;
	s20 =	sadd.s32 $0x3090, s12;
	s21 =	sadd.s32 $0x64B10, s12  }
0x1d: {  	s22 =	sadd.s32 $0x30C0, s12;
	s23 =	sshrl.u32 s19, $0x2;
	[dreg:$0x19] =	wrdreg s25  }
0x1e: {  	s24 =	sadd.s32 $0x64B40, s12;
	s26 =	sadd.s32 $0x64B50, s12;
	[dreg:$0x12] =	wrdreg s20  }
0x1f: {  	s13 =	simm.s32 $0x5;
	s16 =	simm.s32 $0x3;
	[dreg:$0x13] =	wrdreg s21  }
0x20: {  	s18 =	simm.s32 $0x6;
	s19 =	simm.s32 $0x9;
	[dreg:$0x14] =	wrdreg s22  }
0x21: {  	s14 =	simm.s32 $0x1AAA0;
	s15 =	simm.s32 $0x18B20;
	[dreg:$0x15] =	wrdreg s24  }
0x22: {  	s12 =	simm.s32 $0x1DAA0;
	s31 =	sadd.s32 s23, s2;
	[dreg:$0x1a] =	wrdreg s26  }
0x23: {  	s20 =	simm.s32 $0x4;
	s22 =	simm.s32 $0x7;
	s23 =	simm.s32 $0xA  }
0x24: {  	v0 =	vimm.f32 $0.0e+00;
	s26 =	simm.s32 $0x8;
	s21 =	simm.s32 $0x1C2A0;
	[dreg:$0x17] =	wrdreg s31  }
.LBB2_1:
0x25: {  	s24 =	simm.s32 $0x0  }
.LBB2_2:
0x26: {  	p1 =	sne.s32 s24, $0x3E40  }
.Ltmp0:
0x27: {  	_ = 	snop;
	(pc) =	sbr.rel @p1 .LBB2_2-.Ltmp0, $3  }
0x28: {  	_ =	sdelay $0x1  }
0x29: {  	s25 =	sshra.s32 s24, $0x2  }
0x2a: {  	s24 =	sadd.s32 $0x40, s24;
	[tilespmem:s25+$0x192A0] =	vst v0  }
0x2b: {  	[dreg:$0x1b] =	wrdreg s1;
	s24 =	sadd.s32 $0x0, s31  }
0x2c: {  	[spmem:s24] =	stream.linear.scatter [tilespmem:s29], [sflag:$0xD], $0xFA0, $0x38;
	[tilespmem:$0x1F3A0] =	vst v63  }
0x2d: {  	s24 =	simm.s32 $0x3E80;
	_ =	swait.ge [sflag:s30], $0xFA0  }
.LBB2_4:
0x2e: {  	s25 =	sshra.s32 s24, $0x2;
	[sflag:s30] =	ssyncset.done $0x0;
	p1 =	sne.s32 s24, $0x5DC00  }
.Ltmp1:
0x2f: {  	s25 =	sadd.s32 s25, s31;
	[sflag:s30] =	ssyncadd.s32 $0xFFFFF060;
	(pc) =	sbr.rel @p1 .LBB2_4-.Ltmp1, $3  }
0x30: {  	[spmem:s25] =	stream.linear.scatter [tilespmem:s29], [sflag:$0xD], $0xFA0, $0x38;
	[tilespmem:$0x1F3A0] =	vst v63  }
0x31: {  	s24 =	sadd.s32 $0x3E80, s24;
	_ =	sdelay $0x1  }
0x32: {  	_ =	swait.ge [sflag:s30], $0xFA0  }
0x33: {  	[sflag:s30] =	ssyncset.done $0x0  }
0x34: {  	[sflag:s30] =	ssyncadd.s32 $0xFFFFF060  }
0x35: {  	[bflag:$0x0] =	sbarrier.arrive $0xFFFF  }
0x36: {  	s24 =	simm.s32 $0x0;
	s25 =	rddreg [dreg:$0x4]  }
0x37: {  	[tilespmem:s0], [sflag:$0x1] =	stream.linear.gather [hbm4b:s25+s24], $0x180, $0x38;
	[tilespmem:$0x1F3A0] =	vst v63  }
0x38: {  	s1 =	simm.s32 $0x18CA0;
	s6 =	rddreg [dreg:$0x5]  }
0x39: {  	[tilespmem:s1], [sflag:$0x1] =	stream.linear.gather [hbm4b:s6+s24], $0x180, $0x38;
	[tilespmem:$0x1F3A0] =	vst v63  }
0x3a: {  	s9 =	rddreg [dreg:$0x6];
	s6 =	simm.s32 $0x18820  }
0x3b: {  	[tilespmem:s6], [sflag:$0x2] =	stream.linear.gather [hbm4b:s9+s24], $0x180, $0x38;
	[tilespmem:$0x1F3A0] =	vst v63  }
0x3c: {  	s17 =	rddreg [dreg:$0x7];
	s9 =	simm.s32 $0x18E20  }
0x3d: {  	[tilespmem:s9], [sflag:$0x2] =	stream.linear.gather [hbm4b:s17+s24], $0x180, $0x38;
	[tilespmem:$0x1F3A0] =	vst v63  }
0x3e: {  	_ =	swait.ge [sflag:s7], $0x180  }
0x3f: {  	[sflag:s7] =	ssyncset.done $0x0  }
0x40: {  	[sflag:s7] =	ssyncadd.s32 $0xFFFFFE80  }
0x41: {  	_ =	swait.ge [sflag:s7], $0x180  }
0x42: {  	[sflag:s7] =	ssyncset.done $0x0  }
0x43: {  	[sflag:s7] =	ssyncadd.s32 $0xFFFFFE80  }
0x44: {  	[tilespmem:s29], [sflag:$0x5] =	stream.indirect.gather [hbm4b:s4+s8], $0x10, s0, s8, $0xb8;
	[tilespmem:$0x1F3A0] =	vst v63  }
0x45: {  	s31 =	rddreg [dreg:$0x8]  }
0x46: {  	[tilespmem:s10], [sflag:$0x3] =	stream.linear.gather [hbm4b:s31+s24], $0x180, $0x38;
	[tilespmem:$0x1F3A0] =	vst v63  }
0x47: {  	s17 =	rddreg [dreg:$0x9];
	s31 =	simm.s32 $0x18FA0  }
0x48: {  	[tilespmem:s31], [sflag:$0x3] =	stream.linear.gather [hbm4b:s17+s24], $0x180, $0x38;
	[tilespmem:$0x1F3A0] =	vst v63  }
0x49: {  	_ =	swait.ge [sflag:s11], $0x180  }
0x4a: {  	[sflag:s11] =	ssyncset.done $0x0  }
0x4b: {  	[sflag:s11] =	ssyncadd.s32 $0xFFFFFE80  }
0x4c: {  	_ =	swait.ge [sflag:s11], $0x180  }
0x4d: {  	[sflag:s11] =	ssyncset.done $0x0  }
0x4e: {  	[sflag:s11] =	ssyncadd.s32 $0xFFFFFE80  }
0x4f: {  	[tilespmem:s14], [sflag:$0x6] =	stream.indirect.gather [hbm4b:s4+s8], $0x10, s6, s8, $0xb8;
	[tilespmem:$0x1F3A0] =	vst v63  }
0x50: {  	_ =	swait.ge [sflag:s13], $0x1800  }
0x51: {  	[sflag:s13] =	ssyncset.done $0x0  }
0x52: {  	[sflag:s13] =	ssyncadd.s32 $0xFFFFE800  }
0x53: {  	[spmem:s2] =	stream.indirect.scatter.add.f32 [tilespmem:s29], [sflag:$0x9], $0x10, s1, s8, $0xb8;
	[tilespmem:$0x1F3A0] =	vst v63  }
0x54: {  	s17 =	rddreg [dreg:$0xa]  }
0x55: {  	[tilespmem:s15], [sflag:$0x4] =	stream.linear.gather [hbm4b:s17+s24], $0x180, $0x38;
	[tilespmem:$0x1F3A0] =	vst v63  }
0x56: {  	s25 =	rddreg [dreg:$0xb];
	s17 =	simm.s32 $0x19120  }
0x57: {  	[tilespmem:s17], [sflag:$0x4] =	stream.linear.gather [hbm4b:s25+s24], $0x180, $0x38;
	[tilespmem:$0x1F3A0] =	vst v63  }
0x58: {  	_ =	swait.ge [sflag:s16], $0x180  }
0x59: {  	[sflag:s16] =	ssyncset.done $0x0  }
0x5a: {  	[sflag:s16] =	ssyncadd.s32 $0xFFFFFE80  }
0x5b: {  	_ =	swait.ge [sflag:s16], $0x180  }
0x5c: {  	[sflag:s16] =	ssyncset.done $0x0  }
0x5d: {  	[sflag:s16] =	ssyncadd.s32 $0xFFFFFE80  }
0x5e: {  	[tilespmem:s21], [sflag:$0x7] =	stream.indirect.gather [hbm4b:s4+s8], $0x10, s10, s8, $0xb8;
	[tilespmem:$0x1F3A0] =	vst v63  }
0x5f: {  	_ =	swait.ge [sflag:s18], $0x1800  }
0x60: {  	[sflag:s18] =	ssyncset.done $0x0  }
0x61: {  	[sflag:s18] =	ssyncadd.s32 $0xFFFFE800  }
0x62: {  	[spmem:s2] =	stream.indirect.scatter.add.f32 [tilespmem:s14], [sflag:$0xA], $0x10, s9, s8, $0xb8;
	[tilespmem:$0x1F3A0] =	vst v63  }
0x63: {  	_ =	swait.ge [sflag:s19], $0x1800  }
0x64: {  	[sflag:s19] =	ssyncset.done $0x0  }
0x65: {  	s25 =	rddreg [dreg:$0xc];
	[sflag:s19] =	ssyncadd.s32 $0xFFFFE800  }
0x66: {  	[tilespmem:s0], [sflag:$0x1] =	stream.linear.gather [hbm4b:s25+s24], $0x180, $0x38;
	[tilespmem:$0x1F3A0] =	vst v63  }
0x67: {  	s25 =	rddreg [dreg:$0xd]  }
0x68: {  	[tilespmem:s1], [sflag:$0x1] =	stream.linear.gather [hbm4b:s25+s24], $0x180, $0x38;
	[tilespmem:$0x1F3A0] =	vst v63  }
0x69: {  	_ =	swait.ge [sflag:s20], $0x180  }
0x6a: {  	[sflag:s20] =	ssyncset.done $0x0  }
0x6b: {  	[sflag:s20] =	ssyncadd.s32 $0xFFFFFE80  }
0x6c: {  	_ =	swait.ge [sflag:s20], $0x180  }
0x6d: {  	[sflag:s20] =	ssyncset.done $0x0  }
0x6e: {  	[sflag:s20] =	ssyncadd.s32 $0xFFFFFE80  }
0x6f: {  	[tilespmem:s12], [sflag:$0x8] =	stream.indirect.gather [hbm4b:s4+s8], $0x10, s15, s8, $0xb8;
	[tilespmem:$0x1F3A0] =	vst v63  }
0x70: {  	_ =	swait.ge [sflag:s22], $0x1800  }
0x71: {  	[sflag:s22] =	ssyncset.done $0x0  }
0x72: {  	[sflag:s22] =	ssyncadd.s32 $0xFFFFE800  }
0x73: {  	[spmem:s2] =	stream.indirect.scatter.add.f32 [tilespmem:s21], [sflag:$0xB], $0x10, s31, s8, $0xb8;
	[tilespmem:$0x1F3A0] =	vst v63  }
0x74: {  	_ =	swait.ge [sflag:s23], $0x1800  }
0x75: {  	[sflag:s23] =	ssyncset.done $0x0  }
0x76: {  	s25 =	rddreg [dreg:$0xe];
	[sflag:s23] =	ssyncadd.s32 $0xFFFFE800  }
0x77: {  	[tilespmem:s6], [sflag:$0x2] =	stream.linear.gather [hbm4b:s25+s24], $0x180, $0x38;
	[tilespmem:$0x1F3A0] =	vst v63  }
0x78: {  	s25 =	rddreg [dreg:$0xf]  }
0x79: {  	[tilespmem:s9], [sflag:$0x2] =	stream.linear.gather [hbm4b:s25+s24], $0x180, $0x38;
	[tilespmem:$0x1F3A0] =	vst v63  }
0x7a: {  	_ =	swait.ge [sflag:s7], $0x180  }
0x7b: {  	[sflag:s7] =	ssyncset.done $0x0  }
0x7c: {  	[sflag:s7] =	ssyncadd.s32 $0xFFFFFE80  }
0x7d: {  	_ =	swait.ge [sflag:s7], $0x180  }
0x7e: {  	[sflag:s7] =	ssyncset.done $0x0  }
0x7f: {  	[sflag:s7] =	ssyncadd.s32 $0xFFFFFE80  }
0x80: {  	[tilespmem:s29], [sflag:$0x5] =	stream.indirect.gather [hbm4b:s4+s8], $0x10, s0, s8, $0xb8;
	[tilespmem:$0x1F3A0] =	vst v63  }
0x81: {  	_ =	swait.ge [sflag:s26], $0x1800  }
0x82: {  	[sflag:s26] =	ssyncset.done $0x0  }
0x83: {  	[sflag:s26] =	ssyncadd.s32 $0xFFFFE800  }
0x84: {  	[spmem:s2] =	stream.indirect.scatter.add.f32 [tilespmem:s12], [sflag:$0xC], $0x10, s17, s8, $0xb8;
	[tilespmem:$0x1F3A0] =	vst v63  }
0x85: {  	_ =	swait.ge [sflag:s28], $0x1800  }
0x86: {  	s25 =	rddreg [dreg:$0x3]  }
0x87: {  	[sflag:s28] =	ssyncset.done $0x0;
	s24 =	sadd.s32 $0x0, s25  }
0x88: {  	[sflag:s28] =	ssyncadd.s32 $0xFFFFE800;
	s25 =	sadd.s32 $0x120, s24  }
0x89: {  	[tilespmem:s10], [sflag:$0x3] =	stream.linear.gather [hbm4b:s25+s3], $0x180, $0x38;
	[tilespmem:$0x1F3A0] =	vst v63  }
0x8a: {  	s25 =	sadd.s32 $0x61BA0, s24  }
0x8b: {  	[tilespmem:s31], [sflag:$0x3] =	stream.linear.gather [hbm4b:s25+s3], $0x180, $0x38;
	[tilespmem:$0x1F3A0] =	vst v63  }
0x8c: {  	_ =	swait.ge [sflag:s11], $0x180  }
0x8d: {  	[sflag:s11] =	ssyncset.done $0x0  }
0x8e: {  	[sflag:s11] =	ssyncadd.s32 $0xFFFFFE80  }
0x8f: {  	_ =	swait.ge [sflag:s11], $0x180  }
0x90: {  	[sflag:s11] =	ssyncset.done $0x0  }
0x91: {  	[sflag:s11] =	ssyncadd.s32 $0xFFFFFE80  }
0x92: {  	[tilespmem:s14], [sflag:$0x6] =	stream.indirect.gather [hbm4b:s4+s8], $0x10, s6, s8, $0xb8;
	[tilespmem:$0x1F3A0] =	vst v63  }
0x93: {  	_ =	swait.ge [sflag:s13], $0x1800  }
0x94: {  	[sflag:s13] =	ssyncset.done $0x0  }
0x95: {  	[sflag:s13] =	ssyncadd.s32 $0xFFFFE800  }
0x96: {  	[spmem:s2] =	stream.indirect.scatter.add.f32 [tilespmem:s29], [sflag:$0x9], $0x10, s1, s8, $0xb8;
	[tilespmem:$0x1F3A0] =	vst v63  }
0x97: {  	_ =	swait.ge [sflag:s5], $0x1800  }
0x98: {  	[sflag:s5] =	ssyncset.done $0x0  }
0x99: {  	s25 =	sadd.s32 $0x150, s24;
	[sflag:s5] =	ssyncadd.s32 $0xFFFFE800  }
0x9a: {  	[tilespmem:s15], [sflag:$0x4] =	stream.linear.gather [hbm4b:s25+s3], $0x180, $0x38;
	[tilespmem:$0x1F3A0] =	vst v63  }
0x9b: {  	s25 =	sadd.s32 $0x61BD0, s24  }
0x9c: {  	[tilespmem:s17], [sflag:$0x4] =	stream.linear.gather [hbm4b:s25+s3], $0x180, $0x38;
	[tilespmem:$0x1F3A0] =	vst v63  }
0x9d: {  	_ =	swait.ge [sflag:s16], $0x180  }
0x9e: {  	[sflag:s16] =	ssyncset.done $0x0  }
0x9f: {  	[sflag:s16] =	ssyncadd.s32 $0xFFFFFE80  }
0xa0: {  	_ =	swait.ge [sflag:s16], $0x180  }
0xa1: {  	[sflag:s16] =	ssyncset.done $0x0  }
0xa2: {  	[sflag:s16] =	ssyncadd.s32 $0xFFFFFE80  }
0xa3: {  	[tilespmem:s21], [sflag:$0x7] =	stream.indirect.gather [hbm4b:s4+s8], $0x10, s10, s8, $0xb8;
	[tilespmem:$0x1F3A0] =	vst v63  }
0xa4: {  	_ =	swait.ge [sflag:s18], $0x1800  }
0xa5: {  	[sflag:s18] =	ssyncset.done $0x0  }
0xa6: {  	[sflag:s18] =	ssyncadd.s32 $0xFFFFE800  }
0xa7: {  	[spmem:s2] =	stream.indirect.scatter.add.f32 [tilespmem:s14], [sflag:$0xA], $0x10, s9, s8, $0xb8;
	[tilespmem:$0x1F3A0] =	vst v63  }
0xa8: {  	_ =	swait.ge [sflag:s19], $0x1800  }
0xa9: {  	[sflag:s19] =	ssyncset.done $0x0  }
0xaa: {  	s17 =	sadd.s32 $0x180, s24;
	[sflag:s19] =	ssyncadd.s32 $0xFFFFE800  }
0xab: {  	[tilespmem:s0], [sflag:$0x1] =	stream.linear.gather [hbm4b:s17+s3], $0x180, $0x38;
	[tilespmem:$0x1F3A0] =	vst v63  }
0xac: {  	s17 =	sadd.s32 $0x61C00, s24  }
0xad: {  	[tilespmem:s1], [sflag:$0x1] =	stream.linear.gather [hbm4b:s17+s3], $0x180, $0x38;
	[tilespmem:$0x1F3A0] =	vst v63  }
0xae: {  	_ =	swait.ge [sflag:s20], $0x180  }
0xaf: {  	[sflag:s20] =	ssyncset.done $0x0  }
0xb0: {  	[sflag:s20] =	ssyncadd.s32 $0xFFFFFE80  }
0xb1: {  	_ =	swait.ge [sflag:s20], $0x180  }
0xb2: {  	[sflag:s20] =	ssyncset.done $0x0  }
0xb3: {  	[sflag:s20] =	ssyncadd.s32 $0xFFFFFE80  }
0xb4: {  	[tilespmem:s12], [sflag:$0x8] =	stream.indirect.gather [hbm4b:s4+s8], $0x10, s15, s8, $0xb8;
	[tilespmem:$0x1F3A0] =	vst v63  }
0xb5: {  	_ =	swait.ge [sflag:s22], $0x1800  }
0xb6: {  	[sflag:s22] =	ssyncset.done $0x0  }
0xb7: {  	[sflag:s22] =	ssyncadd.s32 $0xFFFFE800  }
0xb8: {  	[spmem:s2] =	stream.indirect.scatter.add.f32 [tilespmem:s21], [sflag:$0xB], $0x10, s31, s8, $0xb8;
	[tilespmem:$0x1F3A0] =	vst v63  }
0xb9: {  	_ =	swait.ge [sflag:s23], $0x1800  }
0xba: {  	[sflag:s23] =	ssyncset.done $0x0  }
0xbb: {  	s31 =	sadd.s32 $0x1B0, s24;
	[sflag:s23] =	ssyncadd.s32 $0xFFFFE800  }
0xbc: {  	[tilespmem:s6], [sflag:$0x2] =	stream.linear.gather [hbm4b:s31+s3], $0x180, $0x38;
	[tilespmem:$0x1F3A0] =	vst v63  }
0xbd: {  	s24 =	sadd.s32 $0x61C30, s24  }
0xbe: {  	[tilespmem:s9], [sflag:$0x2] =	stream.linear.gather [hbm4b:s24+s3], $0x180, $0x38;
	[tilespmem:$0x1F3A0] =	vst v63  }
0xbf: {  	_ =	swait.ge [sflag:s7], $0x180  }
0xc0: {  	[sflag:s7] =	ssyncset.done $0x0  }
0xc1: {  	[sflag:s7] =	ssyncadd.s32 $0xFFFFFE80  }
0xc2: {  	_ =	swait.ge [sflag:s7], $0x180  }
0xc3: {  	[sflag:s7] =	ssyncset.done $0x0  }
0xc4: {  	[sflag:s7] =	ssyncadd.s32 $0xFFFFFE80  }
0xc5: {  	[tilespmem:s29], [sflag:$0x5] =	stream.indirect.gather [hbm4b:s4+s8], $0x10, s0, s8, $0xb8;
	[tilespmem:$0x1F3A0] =	vst v63  }
0xc6: {  	_ =	swait.ge [sflag:s26], $0x1800  }
0xc7: {  	[sflag:s26] =	ssyncset.done $0x0  }
0xc8: {  	s25 =	simm.s32 $0xC0;
	[sflag:s26] =	ssyncadd.s32 $0xFFFFE800  }
.LBB2_6:
0xc9: {  	s17 =	simm.s32 $0x19120  }
0xca: {  	[spmem:s2] =	stream.indirect.scatter.add.f32 [tilespmem:s12], [sflag:$0xC], $0x10, s17, s8, $0xb8;
	[tilespmem:$0x1F3A0] =	vst v63  }
0xcb: {  	_ =	swait.ge [sflag:s28], $0x1800  }
0xcc: {  	s24 =	smov.u32 s25;
	s31 =	rddreg [dreg:$0x3]  }
0xcd: {  	[sflag:s28] =	ssyncset.done $0x0;
	s24 =	sadd.s32 s24, s31  }
0xce: {  	[sflag:s28] =	ssyncadd.s32 $0xFFFFE800;
	s31 =	sadd.s32 $0x120, s24  }
0xcf: {  	[tilespmem:s10], [sflag:$0x3] =	stream.linear.gather [hbm4b:s31+s3], $0x180, $0x38;
	[tilespmem:$0x1F3A0] =	vst v63  }
0xd0: {  	s9 =	simm.s32 $0x18FA0;
	s31 =	sadd.s32 $0x61BA0, s24  }
0xd1: {  	[tilespmem:s9], [sflag:$0x3] =	stream.linear.gather [hbm4b:s31+s3], $0x180, $0x38;
	[tilespmem:$0x1F3A0] =	vst v63  }
0xd2: {  	_ =	swait.ge [sflag:s11], $0x180  }
0xd3: {  	[sflag:s11] =	ssyncset.done $0x0  }
0xd4: {  	[sflag:s11] =	ssyncadd.s32 $0xFFFFFE80  }
0xd5: {  	_ =	swait.ge [sflag:s11], $0x180  }
0xd6: {  	[sflag:s11] =	ssyncset.done $0x0  }
0xd7: {  	[sflag:s11] =	ssyncadd.s32 $0xFFFFFE80  }
0xd8: {  	[tilespmem:s14], [sflag:$0x6] =	stream.indirect.gather [hbm4b:s4+s8], $0x10, s6, s8, $0xb8;
	[tilespmem:$0x1F3A0] =	vst v63  }
0xd9: {  	_ =	swait.ge [sflag:s13], $0x1800  }
0xda: {  	[sflag:s13] =	ssyncset.done $0x0  }
0xdb: {  	[sflag:s13] =	ssyncadd.s32 $0xFFFFE800  }
0xdc: {  	[spmem:s2] =	stream.indirect.scatter.add.f32 [tilespmem:s29], [sflag:$0x9], $0x10, s1, s8, $0xb8;
	[tilespmem:$0x1F3A0] =	vst v63  }
0xdd: {  	_ =	swait.ge [sflag:s5], $0x1800  }
0xde: {  	[sflag:s5] =	ssyncset.done $0x0  }
0xdf: {  	s31 =	sadd.s32 $0x150, s24;
	[sflag:s5] =	ssyncadd.s32 $0xFFFFE800  }
0xe0: {  	[tilespmem:s15], [sflag:$0x4] =	stream.linear.gather [hbm4b:s31+s3], $0x180, $0x38;
	[tilespmem:$0x1F3A0] =	vst v63  }
0xe1: {  	s31 =	sadd.s32 $0x61BD0, s24  }
0xe2: {  	[tilespmem:s17], [sflag:$0x4] =	stream.linear.gather [hbm4b:s31+s3], $0x180, $0x38;
	[tilespmem:$0x1F3A0] =	vst v63  }
0xe3: {  	_ =	swait.ge [sflag:s16], $0x180  }
0xe4: {  	[sflag:s16] =	ssyncset.done $0x0  }
0xe5: {  	[sflag:s16] =	ssyncadd.s32 $0xFFFFFE80  }
0xe6: {  	_ =	swait.ge [sflag:s16], $0x180  }
0xe7: {  	[sflag:s16] =	ssyncset.done $0x0  }
0xe8: {  	[sflag:s16] =	ssyncadd.s32 $0xFFFFFE80  }
0xe9: {  	[tilespmem:s21], [sflag:$0x7] =	stream.indirect.gather [hbm4b:s4+s8], $0x10, s10, s8, $0xb8;
	[tilespmem:$0x1F3A0] =	vst v63  }
0xea: {  	_ =	swait.ge [sflag:s18], $0x1800  }
0xeb: {  	[sflag:s18] =	ssyncset.done $0x0  }
0xec: {  	s17 =	simm.s32 $0x18E20;
	[sflag:s18] =	ssyncadd.s32 $0xFFFFE800  }
0xed: {  	[spmem:s2] =	stream.indirect.scatter.add.f32 [tilespmem:s14], [sflag:$0xA], $0x10, s17, s8, $0xb8;
	[tilespmem:$0x1F3A0] =	vst v63  }
0xee: {  	_ =	swait.ge [sflag:s19], $0x1800  }
0xef: {  	[sflag:s19] =	ssyncset.done $0x0  }
0xf0: {  	s31 =	sadd.s32 $0x180, s24;
	[sflag:s19] =	ssyncadd.s32 $0xFFFFE800  }
0xf1: {  	[tilespmem:s0], [sflag:$0x1] =	stream.linear.gather [hbm4b:s31+s3], $0x180, $0x38;
	[tilespmem:$0x1F3A0] =	vst v63  }
0xf2: {  	s31 =	sadd.s32 $0x61C00, s24  }
0xf3: {  	[tilespmem:s1], [sflag:$0x1] =	stream.linear.gather [hbm4b:s31+s3], $0x180, $0x38;
	[tilespmem:$0x1F3A0] =	vst v63  }
0xf4: {  	_ =	swait.ge [sflag:s20], $0x180  }
0xf5: {  	[sflag:s20] =	ssyncset.done $0x0  }
0xf6: {  	[sflag:s20] =	ssyncadd.s32 $0xFFFFFE80  }
0xf7: {  	_ =	swait.ge [sflag:s20], $0x180  }
0xf8: {  	[sflag:s20] =	ssyncset.done $0x0  }
0xf9: {  	[sflag:s20] =	ssyncadd.s32 $0xFFFFFE80  }
0xfa: {  	[tilespmem:s12], [sflag:$0x8] =	stream.indirect.gather [hbm4b:s4+s8], $0x10, s15, s8, $0xb8;
	[tilespmem:$0x1F3A0] =	vst v63  }
0xfb: {  	_ =	swait.ge [sflag:s22], $0x1800  }
0xfc: {  	[sflag:s22] =	ssyncset.done $0x0  }
0xfd: {  	[sflag:s22] =	ssyncadd.s32 $0xFFFFE800  }
0xfe: {  	[spmem:s2] =	stream.indirect.scatter.add.f32 [tilespmem:s21], [sflag:$0xB], $0x10, s9, s8, $0xb8;
	[tilespmem:$0x1F3A0] =	vst v63  }
0xff: {  	_ =	swait.ge [sflag:s23], $0x1800  }
0x100: {  	[sflag:s23] =	ssyncset.done $0x0  }
0x101: {  	s9 =	sadd.s32 $0x1B0, s24;
	[sflag:s23] =	ssyncadd.s32 $0xFFFFE800  }
0x102: {  	[tilespmem:s6], [sflag:$0x2] =	stream.linear.gather [hbm4b:s9+s3], $0x180, $0x38;
	[tilespmem:$0x1F3A0] =	vst v63  }
0x103: {  	s24 =	sadd.s32 $0x61C30, s24  }
0x104: {  	[tilespmem:s17], [sflag:$0x2] =	stream.linear.gather [hbm4b:s24+s3], $0x180, $0x38;
	[tilespmem:$0x1F3A0] =	vst v63  }
0x105: {  	_ =	swait.ge [sflag:s7], $0x180  }
0x106: {  	[sflag:s7] =	ssyncset.done $0x0  }
0x107: {  	[sflag:s7] =	ssyncadd.s32 $0xFFFFFE80  }
0x108: {  	_ =	swait.ge [sflag:s7], $0x180  }
0x109: {  	p1 =	sne.s32 s25, $0x2E80;
	[sflag:s7] =	ssyncset.done $0x0  }
.Ltmp2:
0x10a: {  	[sflag:s7] =	ssyncadd.s32 $0xFFFFFE80;
	(pc) =	sbr.rel @p1 .LBB2_6-.Ltmp2, $4  }
0x10b: {  	[tilespmem:s29], [sflag:$0x5] =	stream.indirect.gather [hbm4b:s4+s8], $0x10, s0, s8, $0xb8;
	[tilespmem:$0x1F3A0] =	vst v63  }
0x10c: {  	_ =	swait.ge [sflag:s26], $0x1800  }
0x10d: {  	[sflag:s26] =	ssyncset.done $0x0  }
0x10e: {  	s25 =	sadd.s32 $0xC0, s25;
	s9 =	simm.s32 $0x18E20;
	[sflag:s26] =	ssyncadd.s32 $0xFFFFE800  }
0x10f: {  	s17 =	simm.s32 $0x19120  }
0x110: {  	[spmem:s2] =	stream.indirect.scatter.add.f32 [tilespmem:s12], [sflag:$0xC], $0x10, s17, s8, $0xb8;
	[tilespmem:$0x1F3A0] =	vst v63  }
0x111: {  	_ =	swait.ge [sflag:s28], $0x1800  }
0x112: {  	[sflag:s28] =	ssyncset.done $0x0  }
0x113: {  	s24 =	rddreg [dreg:$0x10];
	[sflag:s28] =	ssyncadd.s32 $0xFFFFE800  }
0x114: {  	[tilespmem:s10], [sflag:$0x3] =	stream.linear.gather [hbm4b:s24+s3], $0x180, $0x38;
	[tilespmem:$0x1F3A0] =	vst v63  }
0x115: {  	s0 =	simm.s32 $0x18FA0;
	s31 =	rddreg [dreg:$0x11]  }
0x116: {  	[tilespmem:s0], [sflag:$0x3] =	stream.linear.gather [hbm4b:s31+s3], $0x180, $0x38;
	[tilespmem:$0x1F3A0] =	vst v63  }
0x117: {  	_ =	swait.ge [sflag:s11], $0x180  }
0x118: {  	[sflag:s11] =	ssyncset.done $0x0  }
0x119: {  	[sflag:s11] =	ssyncadd.s32 $0xFFFFFE80  }
0x11a: {  	_ =	swait.ge [sflag:s11], $0x180  }
0x11b: {  	[sflag:s11] =	ssyncset.done $0x0  }
0x11c: {  	[sflag:s11] =	ssyncadd.s32 $0xFFFFFE80  }
0x11d: {  	[tilespmem:s14], [sflag:$0x6] =	stream.indirect.gather [hbm4b:s4+s8], $0x10, s6, s8, $0xb8;
	[tilespmem:$0x1F3A0] =	vst v63  }
0x11e: {  	_ =	swait.ge [sflag:s13], $0x1800  }
0x11f: {  	[sflag:s13] =	ssyncset.done $0x0  }
0x120: {  	[sflag:s13] =	ssyncadd.s32 $0xFFFFE800  }
0x121: {  	[spmem:s2] =	stream.indirect.scatter.add.f32 [tilespmem:s29], [sflag:$0x9], $0x10, s1, s8, $0xb8;
	[tilespmem:$0x1F3A0] =	vst v63  }
0x122: {  	_ =	swait.ge [sflag:s5], $0x1800  }
0x123: {  	[sflag:s5] =	ssyncset.done $0x0  }
0x124: {  	s25 =	rddreg [dreg:$0x12];
	[sflag:s5] =	ssyncadd.s32 $0xFFFFE800  }
0x125: {  	[tilespmem:s15], [sflag:$0x4] =	stream.linear.gather [hbm4b:s25+s3], $0x180, $0x38;
	[tilespmem:$0x1F3A0] =	vst v63  }
0x126: {  	s31 =	rddreg [dreg:$0x13]  }
0x127: {  	[tilespmem:s17], [sflag:$0x4] =	stream.linear.gather [hbm4b:s31+s3], $0x180, $0x38;
	[tilespmem:$0x1F3A0] =	vst v63  }
0x128: {  	_ =	swait.ge [sflag:s16], $0x180  }
0x129: {  	[sflag:s16] =	ssyncset.done $0x0  }
0x12a: {  	[sflag:s16] =	ssyncadd.s32 $0xFFFFFE80  }
0x12b: {  	_ =	swait.ge [sflag:s16], $0x180  }
0x12c: {  	[sflag:s16] =	ssyncset.done $0x0  }
0x12d: {  	[sflag:s16] =	ssyncadd.s32 $0xFFFFFE80  }
0x12e: {  	[tilespmem:s21], [sflag:$0x7] =	stream.indirect.gather [hbm4b:s4+s8], $0x10, s10, s8, $0xb8;
	[tilespmem:$0x1F3A0] =	vst v63  }
0x12f: {  	_ =	swait.ge [sflag:s18], $0x1800  }
0x130: {  	[sflag:s18] =	ssyncset.done $0x0  }
0x131: {  	[sflag:s18] =	ssyncadd.s32 $0xFFFFE800  }
0x132: {  	[spmem:s2] =	stream.indirect.scatter.add.f32 [tilespmem:s14], [sflag:$0xA], $0x10, s9, s8, $0xb8;
	[tilespmem:$0x1F3A0] =	vst v63  }
0x133: {  	_ =	swait.ge [sflag:s19], $0x1800  }
0x134: {  	[sflag:s19] =	ssyncset.done $0x0  }
0x135: {  	[sflag:s19] =	ssyncadd.s32 $0xFFFFE800  }
0x136: {  	_ =	swait.ge [sflag:s20], $0x180  }
0x137: {  	[sflag:s20] =	ssyncset.done $0x0  }
0x138: {  	[sflag:s20] =	ssyncadd.s32 $0xFFFFFE80  }
0x139: {  	_ =	swait.ge [sflag:s20], $0x180  }
0x13a: {  	[sflag:s20] =	ssyncset.done $0x0  }
0x13b: {  	[sflag:s20] =	ssyncadd.s32 $0xFFFFFE80  }
0x13c: {  	[tilespmem:s12], [sflag:$0x8] =	stream.indirect.gather [hbm4b:s4+s8], $0x10, s15, s8, $0xb8;
	[tilespmem:$0x1F3A0] =	vst v63  }
0x13d: {  	_ =	swait.ge [sflag:s22], $0x1800  }
0x13e: {  	[sflag:s22] =	ssyncset.done $0x0  }
0x13f: {  	[sflag:s22] =	ssyncadd.s32 $0xFFFFE800  }
0x140: {  	[spmem:s2] =	stream.indirect.scatter.add.f32 [tilespmem:s21], [sflag:$0xB], $0x10, s0, s8, $0xb8;
	[tilespmem:$0x1F3A0] =	vst v63  }
0x141: {  	_ =	swait.ge [sflag:s23], $0x1800  }
0x142: {  	[sflag:s23] =	ssyncset.done $0x0  }
0x143: {  	[sflag:s23] =	ssyncadd.s32 $0xFFFFE800  }
0x144: {  	_ =	swait.ge [sflag:s26], $0x1800  }
0x145: {  	[sflag:s26] =	ssyncset.done $0x0  }
0x146: {  	[sflag:s26] =	ssyncadd.s32 $0xFFFFE800  }
0x147: {  	[spmem:s2] =	stream.indirect.scatter.add.f32 [tilespmem:s12], [sflag:$0xC], $0x10, s17, s8, $0xb8;
	[tilespmem:$0x1F3A0] =	vst v63  }
0x148: {  	_ =	swait.ge [sflag:s28], $0x1800  }
0x149: {  	[sflag:s28] =	ssyncset.done $0x0  }
0x14a: {  	[sflag:s28] =	ssyncadd.s32 $0xFFFFE800  }
0x14b: {  	_ =	swait.ge [sflag:s5], $0x1800  }
0x14c: {  	[sflag:s5] =	ssyncset.done $0x0  }
0x14d: {  	s6 =	simm.s32 $0x1F2A0;
	s1 =	rddreg [dreg:$0x14];
	[sflag:s5] =	ssyncadd.s32 $0xFFFFE800  }
0x14e: {  	[tilespmem:s6], [sflag:$0xD] =	stream.linear.gather [hbm4b:s1+s3], $0x80, $0x38;
	[tilespmem:$0x1F3A0] =	vst v63  }
0x14f: {  	_ =	swait.ge [sflag:s30], $0x80  }
0x150: {  	[sflag:s30] =	ssyncset.done $0x0  }
0x151: {  	s17 =	simm.s32 $0x1F320;
	s9 =	rddreg [dreg:$0x15];
	[sflag:s30] =	ssyncadd.s32 $0xFFFFFF80  }
0x152: {  	[tilespmem:s17], [sflag:$0xD] =	stream.linear.gather [hbm4b:s9+s3], $0x80, $0x38;
	[tilespmem:$0x1F3A0] =	vst v63  }
0x153: {  	_ =	swait.ge [sflag:s30], $0x80  }
0x154: {  	[sflag:s30] =	ssyncset.done $0x0  }
0x155: {  	s25 =	simm.s32 $0x80;
	[sflag:s30] =	ssyncadd.s32 $0xFFFFFF80  }
0x156: {  	[tilespmem:s29], [sflag:$0x5] =	stream.indirect.gather [hbm4b:s4+s25], $0x10, s6, s25, $0xb8;
	[tilespmem:$0x1F3A0] =	vst v63  }
0x157: {  	_ =	swait.ge [sflag:s13], $0x800  }
0x158: {  	[sflag:s13] =	ssyncset.done $0x0  }
0x159: {  	[sflag:s13] =	ssyncadd.s32 $0xFFFFF800  }
0x15a: {  	[spmem:s2] =	stream.indirect.scatter.add.f32 [tilespmem:s29], [sflag:$0xD], $0x10, s17, s25, $0xb8;
	[tilespmem:$0x1F3A0] =	vst v63  }
0x15b: {  	_ =	swait.ge [sflag:s30], $0x800  }
0x15c: {  	s24 =	simm.s32 @!p0 $0x0;
	s31 =	simm.s32 @!p0 $0xD;
	[sflag:s30] =	ssyncset.done $0x0  }
0x15d: {  	s1 =	simm.s32 @!p0 $0x1F2A0;
	s0 =	rddreg [dreg:$0x19];
	[sflag:s30] =	ssyncadd.s32 $0xFFFFF800  }
0x15e: {  	[tilespmem:s1], [sflag:$0xD] =	stream.linear.gather @!p0 [hbm4b:s0+s24], $0x80, $0x38;
	[tilespmem:$0x1F3A0] =	vst v63  }
0x15f: {  	_ =	swait.ge @!p0 [sflag:s31], $0x80  }
0x160: {  	[sflag:s31] =	ssyncset.done @!p0 $0x0  }
0x161: {  	s6 =	simm.s32 @!p0 $0x1F320;
	s0 =	rddreg [dreg:$0x1a];
	[sflag:s31] =	ssyncadd.s32 @!p0 $0xFFFFFF80  }
0x162: {  	[tilespmem:s6], [sflag:$0xD] =	stream.linear.gather @!p0 [hbm4b:s0+s24], $0x80, $0x38;
	[tilespmem:$0x1F3A0] =	vst v63  }
0x163: {  	_ =	swait.ge @!p0 [sflag:s31], $0x80  }
0x164: {  	s25 =	simm.s32 @!p0 $0x192A0;
	[sflag:s31] =	ssyncset.done @!p0 $0x0  }
0x165: {  	s0 =	simm.s32 @!p0 $0x80;
	s24 =	simm.s32 @!p0 $0x5;
	[sflag:s31] =	ssyncadd.s32 @!p0 $0xFFFFFF80  }
0x166: {  	[tilespmem:s25], [sflag:$0x5] =	stream.indirect.gather @!p0 [hbm4b:s4+s0], $0x10, s1, s0, $0xb8;
	[tilespmem:$0x1F3A0] =	vst v63  }
0x167: {  	_ =	swait.ge @!p0 [sflag:s24], $0x800  }
0x168: {  	[sflag:s24] =	ssyncset.done @!p0 $0x0  }
0x169: {  	[sflag:s24] =	ssyncadd.s32 @!p0 $0xFFFFF800  }
0x16a: {  	[spmem:s2] =	stream.indirect.scatter.add.f32 @!p0 [tilespmem:s25], [sflag:$0xD], $0x10, s6, s0, $0xb8;
	[tilespmem:$0x1F3A0] =	vst v63  }
0x16b: {  	_ =	swait.ge @!p0 [sflag:s31], $0x800  }
0x16c: {  	[sflag:s31] =	ssyncset.done @!p0 $0x0  }
0x16d: {  	[sflag:s31] =	ssyncadd.s32 @!p0 $0xFFFFF800  }
0x16e: {  	[bflag:$0x0] =	sbarrier.arrive $0xFFFF  }
0x16f: {  	s25 =	rddreg [dreg:$0x17]  }
0x170: {  	[tilespmem:s29], [sflag:$0xD] =	stream.linear.gather [spmem:s25], $0xFA0, $0x38;
	[tilespmem:$0x1F3A0] =	vst v63  }
0x171: {  	_ =	swait.ge [sflag:s30], $0xFA0  }
0x172: {  	[sflag:s30] =	ssyncset.done $0x0;
	s0 =	rddreg [dreg:$0x18]  }
0x173: {  	[sflag:s30] =	ssyncadd.s32 $0xFFFFF060;
	s31 =	sadd.s32 $0x0, s0  }
0x174: {  	[hbm4b:s31+s3] =	stream.linear.scatter [tilespmem:s29], [sflag:$0xD], $0xFA0, $0x38;
	[tilespmem:$0x1F3A0] =	vst v63  }
0x175: {  	_ =	swait.ge [sflag:s30], $0xFA0  }
0x176: {  	s24 =	simm.s32 $0x1F4;
	[sflag:s30] =	ssyncset.done $0x0  }
.LBB2_8:
0x177: {  	p1 =	sne.s32 s24, $0x2EE0;
	[sflag:s30] =	ssyncadd.s32 $0xFFFFF060;
	s25 =	sadd.s32 $0xFA0, s25  }
0x178: {  	[tilespmem:s29], [sflag:$0xD] =	stream.linear.gather [spmem:s25], $0xFA0, $0x38;
	[tilespmem:$0x1F3A0] =	vst v63  }
0x179: {  	s31 =	smov.u32 s24;
	s24 =	sadd.s32 $0x1F4, s24;
	_ =	swait.ge [sflag:s30], $0xFA0  }
.Ltmp3:
0x17a: {  	[sflag:s30] =	ssyncset.done $0x0;
	(pc) =	sbr.rel @p1 .LBB2_8-.Ltmp3, $4  }
0x17b: {  	s31 =	sadd.s32 s31, s0;
	[sflag:s30] =	ssyncadd.s32 $0xFFFFF060  }
0x17c: {  	[hbm4b:s31+s3] =	stream.linear.scatter [tilespmem:s29], [sflag:$0xD], $0xFA0, $0x38;
	[tilespmem:$0x1F3A0] =	vst v63  }
0x17d: {  	_ =	swait.ge [sflag:s30], $0xFA0  }
0x17e: {  	[sflag:s30] =	ssyncset.done $0x0  }
0x17f: {  	s1 =	rddreg [dreg:$0x1b]  }
0x180: {  	s24 =	rddreg [dreg:$0x16];
	s1 =	sadd.s32 $0x1, s1  }
0x181: {  	p1 =	sne.s32 s1, s24  }
.Ltmp4:
0x182: {  	_ = 	snop;
	(pc) =	sbr.rel @p1 .LBB2_1-.Ltmp4, $2  }
0x183: {  	_ =	sdelay $0x2  }
0x184: {  	[sflag:s30] =	ssyncadd.s32 $0xFFFFF060;
	s31 =	rddreg [dreg:$0x17];
	s0 =	simm.s32 $0x186A0  }
0x185: {  	_ =	sfence.sel $0x180000  }
0x186: {  	[bflag:$0x0] =	sbarrier.arrive $0xFFFF  }
0x187: {  	_ =	strace $0x9000004D  }
0x188: {  	s0 =	stileid.u32;
	[bflag:$0x2] =	sbarrier.arrive $0xFFFF  }
0x189: {  	p0 =	sne.s32 s0, $0x0;
	s0 =	rddreg [dreg:$0x2]  }
0x18a: {  	s0 =	sadd.s32 @!p0 $0x100000, s0  }
0x18b: {  	[sflag:s0] =	ssyncadd.tile.s32 @!p0 $0x1;
	_ =	shalt  }
.Lfunc_end2:
_tile_overlayer_lowered:
.L_overlay_start_2:
0x18c: {  	(tag) =	ssettag $0x2  }
0x18d: {  	s0 =	rddreg [dreg:$0x0];
	s2 =	stileid.u32  }
0x18e: {  	s1 =	rddreg [dreg:$0x1];
	p0 =	sne.s32 s2, $0x0  }
0x18f: {  	s3 =	rddreg [dreg:$0x2];
	[bflag:$0x3] =	sbarrier.arrive $0xFFFF;
	s2 =	simm.s32 @!p0 $0x1C0D  }
0x190: {  	[timem:s3], [sflag:s2] =	dma.local @!p0 [hbm:s0], s1  }
0x191: {  	s0 =	simm.s32 @!p0 $0xD  }
0x192: {  	_ =	swait.ge @!p0 [sflag:s0], s1  }
0x193: {  	s1 =	ssub.s32 @!p0 $0x0, s1;
	[sflag:s0] =	ssyncset.done @!p0 $0x0  }
0x194: {  	[sflag:s0] =	ssyncadd.s32 @!p0 s1  }
0x195: {  	[bflag:$0x3] =	sbarrier.arrive $0xFFFF  }
0x196: {  	_ =	shalt  }

// kernel: kernel.9.cloned.1.call-start
scs
__scs_entry_jumppad:
0x0: {  	(pc) =	sbr.rel $0x88, $3  }
0x1: {  	(tag) =	ssettag $0x0;
	lr =	simm.s32 $0x1  }
0x2: {  	[smem:$0x3F97] =	sst lr;
	_ =	strace $0xD0000000  }
0x3: {  	_ = 	snop  }
0x4: {  	_ = 	snop  }
0x5: {  	_ = 	snop  }
0x6: {  	_ = 	snop  }
0x7: {  	_ = 	snop  }
__scs_overlays_trampoline_lowered:
0x8: {  	[smem:$0x3FA6] =	sst s0  }
0x9: {  	[smem:$0x3FA7] =	sst s1  }
0xa: {  	[smem:$0x3FA8] =	sst s2  }
0xb: {  	[smem:$0x3FA9] =	sst s3  }
0xc: {  	[smem:$0x3FAA] =	sst s4  }
0xd: {  	[smem:$0x3FAB] =	sst s5  }
0xe: {  	[smem:$0x3FAC] =	sst s6  }
0xf: {  	[smem:$0x3FAD] =	sst s7  }
0x10: {  	[smem:$0x3FAE] =	sst s8  }
0x11: {  	[smem:$0x3FAF] =	sst s9;
	s0 =	simm.s32 @!p0 $0x0  }
0x12: {  	s1 =	sld [smem:$0x3F95];
	s0 =	simm.s32 @p0 $0x1  }
0x13: {  	[smem:$0x3FB0] =	sst s0;
	s0 =	simm.s32 @!p1 $0x0  }
0x14: {  	s2 =	sld [smem:$0x3F94];
	s0 =	simm.s32 @p1 $0x1  }
0x15: {  	[smem:$0x3FB1] =	sst s0;
	s0 =	simm.s32 @!p2 $0x0  }
0x16: {  	s3 =	sld [smem:$0x3FDB];
	s0 =	simm.s32 @p2 $0x1  }
0x17: {  	s4 =	simm.s32 $0x1BF5;
	[smem:$0x3FB3] =	sst s0  }
0x18: {  	s0 =	sld [smem:$0x3F96];
	_ =	swait.ge [sflag:s4], $0x0  }
0x19: {  	s7 =	sld [smem:$0x3F97]  }
0x1a: {  	s8 =	sadd.s32 $0xFFFFE003, lr  }
0x1b: {  	s9 =	sadd.s32 $0xFFFFFEF7, lr;
	s5 =	simm.s32 $0xFFFFFFFF;
	p2 =	slt.u32 s8, $0xFFFFF086  }
0x1c: {  	p1 =	slt.u32 s9, $0xF7A;
	s5 =	simm.s32 @!p2 $0x0  }
0x1d: {  	s5 =	simm.s32 @p1 $0x1;
	p0 =	seq.s32 s7, s2  }
0x1e: {  	s7 =	smul.u32 @!p0 $0xF7A, s2;
	p2 =	seq.s32 @!p0 s5, $0x0  }
0x1f: {  	s9 =	smul.u32 $0xF7A, s1;
	s8 =	simm.s32 @!p0 $0x1BF5;
	p2 =	por !p2, p0  }
0x20: {  	[sflag:s8] =	ssyncset.s32 @!p0 $0xFFFFF086;
	s6 =	sadd.s32 @!p0 s3, s7;
	s7 =	simm.s32 @!p0 $0x108  }
0x21: {  	s3 =	sadd.s32 s3, s9;
	s6 =	sadd.s32 @!p0 $0x88, s6;
	s7 =	simm.s32 @p2 $0x1082  }
0x22: {  	[simem:s7], [sflag:s8] =	dma.local @!p0 [hbm:s6], $0xF7A  }
0x23: {  	s9 =	sor.u32 $0xD0000000, s2;
	s6 =	simm.s32 $0x108;
	_ =	swait.ge @!p0 [sflag:s8], $0x0  }
0x24: {  	s3 =	sadd.s32 $0x88, s3;
	s6 =	simm.s32 @!p1 $0x1082;
	[sflag:s4] =	ssyncset.s32 $0xFFFFF086  }
0x25: {  	[simem:s6], [sflag:s4] =	dma.local [hbm:s3], $0xF7A  }
0x26: {  	[smem:$0x3F97] =	sst s1;
	(tag) =	ssettag s2;
	_ =	strace s9  }
0x27: {  	s1 =	sld [smem:$0x3FA7]  }
0x28: {  	s2 =	sld [smem:$0x3FA8]  }
0x29: {  	s4 =	sld [smem:$0x3FAA]  }
0x2a: {  	p0 =	seq.s32 s5, $0x0;
	s5 =	sld [smem:$0x3FAB]  }
0x2b: {  	s6 =	sld [smem:$0x3FAC]  }
0x2c: {  	s7 =	sld [smem:$0x3FAD]  }
0x2d: {  	s3 =	simm.s32 $0x108;
	s8 =	sld [smem:$0x3FAE]  }
0x2e: {  	s3 =	simm.s32 @!p0 $0x1082;
	s9 =	sld [smem:$0x3FAF]  }
0x2f: {  	lr =	sadd.s32 s0, s3;
	s0 =	sld [smem:$0x3FA6]  }
0x30: {  	s3 =	sld [smem:$0x3FA9]  }
0x31: {  	[smem:$0x3FB2] =	sst s10  }
0x32: {  	s10 =	sld [smem:$0x3FB0];
	_ =	sdelay $0x3  }
0x33: {  	p0 =	seq.s32 s10, $0x1;
	s10 =	sld [smem:$0x3FB2];
	_ =	sdelay $0x3  }
0x34: {  	[smem:$0x3FB2] =	sst s10  }
0x35: {  	s10 =	sld [smem:$0x3FB1];
	_ =	sdelay $0x3  }
0x36: {  	p1 =	seq.s32 s10, $0x1;
	s10 =	sld [smem:$0x3FB2];
	_ =	sdelay $0x3  }
0x37: {  	[smem:$0x3FB2] =	sst s10  }
0x38: {  	s10 =	sld [smem:$0x3FB3]  }
0x39: {  	_ = 	snop;
	(pc) =	sbr.ind lr, $3  }
0x3a: {  	_ = 	snop  }
0x3b: {  	_ = 	snop  }
0x3c: {  	p2 =	seq.s32 s10, $0x1;
	s10 =	sld [smem:$0x3FB2]  }
0x3d: {  	_ =	shalt  }
0x3e: {  	_ =	shalt  }
0x3f: {  	_ =	shalt  }
0x40: {  	_ =	shalt  }
0x41: {  	_ =	shalt  }
0x42: {  	_ =	shalt  }
0x43: {  	_ =	shalt  }
0x44: {  	_ =	shalt  }
0x45: {  	_ =	shalt  }
0x46: {  	_ =	shalt  }
0x47: {  	_ =	shalt  }
0x48: {  	_ =	shalt  }
0x49: {  	_ =	shalt  }
0x4a: {  	_ =	shalt  }
0x4b: {  	_ =	shalt  }
0x4c: {  	_ =	shalt  }
0x4d: {  	_ =	shalt  }
0x4e: {  	_ =	shalt  }
0x4f: {  	_ =	shalt  }
0x50: {  	_ =	shalt  }
0x51: {  	_ =	shalt  }
0x52: {  	_ =	shalt  }
0x53: {  	_ =	shalt  }
0x54: {  	_ =	shalt  }
0x55: {  	_ =	shalt  }
0x56: {  	_ =	shalt  }
0x57: {  	_ =	shalt  }
0x58: {  	_ =	shalt  }
0x59: {  	_ =	shalt  }
0x5a: {  	_ =	shalt  }
0x5b: {  	_ =	shalt  }
0x5c: {  	_ =	shalt  }
0x5d: {  	_ =	shalt  }
0x5e: {  	_ =	shalt  }
0x5f: {  	_ =	shalt  }
0x60: {  	_ =	shalt  }
0x61: {  	_ =	shalt  }
0x62: {  	_ =	shalt  }
0x63: {  	_ =	shalt  }
0x64: {  	_ =	shalt  }
0x65: {  	_ =	shalt  }
0x66: {  	_ =	shalt  }
0x67: {  	_ =	shalt  }
0x68: {  	_ =	shalt  }
0x69: {  	_ =	shalt  }
0x6a: {  	_ =	shalt  }
0x6b: {  	_ =	shalt  }
0x6c: {  	_ =	shalt  }
0x6d: {  	_ =	shalt  }
0x6e: {  	_ =	shalt  }
0x6f: {  	_ =	shalt  }
0x70: {  	_ =	shalt  }
0x71: {  	_ =	shalt  }
0x72: {  	_ =	shalt  }
0x73: {  	_ =	shalt  }
0x74: {  	_ =	shalt  }
0x75: {  	_ =	shalt  }
0x76: {  	_ =	shalt  }
0x77: {  	_ =	shalt  }
0x78: {  	_ =	shalt  }
0x79: {  	_ =	shalt  }
0x7a: {  	_ =	shalt  }
0x7b: {  	_ =	shalt  }
0x7c: {  	_ =	shalt  }
0x7d: {  	_ =	shalt  }
0x7e: {  	_ =	shalt  }
0x7f: {  	_ =	shalt  }
0x80: {  	_ =	shalt  }
0x81: {  	_ =	shalt  }
0x82: {  	_ =	shalt  }
0x83: {  	_ =	shalt  }
0x84: {  	_ =	shalt  }
0x85: {  	_ =	shalt  }
0x86: {  	_ =	shalt  }
0x87: {  	_ =	shalt  }
.Lfunc_end0:
.L_simem_size_0:
called_computation_lowered:
.L_overlay_start_0:
0x88: {  	s2 =	sld [smem:$0x3FD9]  }
0x89: {  	s3 =	sld [smem:$0x3FFE];
	_ =	sdelay $0x1  }
0x8a: {  	s1 =	srdreg.scid  }
0x8b: {  	s0 =	sand.u32 $0x1, s1  }
0x8c: {  	s16 =	sshll.u32 s0, $0xA;
	s2 =	sadd.s32 s3, s2  }
0x8d: {  	s2 =	sadd.s32 s2, s16  }
0x8e: {  	[smem:$0x3FBE] =	sst s2  }
0x8f: {  	_ = 	snop  }
0x90: {  	(tm) =	ssettm $0x1  }
0x91: {  	s17 =	sld [smem:$0x3FFB];
	_ =	sdelay $0x3  }
0x92: {  	_ =	strace s17  }
0x93: {  	s2 =	sld [smem:$0x3FFC];
	_ =	sdelay $0x3  }
0x94: {  	_ =	strace s2  }
0x95: {  	s2 =	sld [smem:$0x3FFD];
	_ =	sdelay $0x3  }
0x96: {  	_ =	strace s2  }
0x97: {  	_ =	strace $0x8FFFFFFF  }
0x98: {  	s18 =	sld [smem:$0x3FDB];
	_ =	sdelay $0x1  }
0x99: {  	s19 =	simm.s32 $_scs_section_size  }
0x9a: {  	s4 =	simm.s32 $_size__tile_overlayer_lowered;
	s5 =	simm.s32 $_tile_overlayer_lowered  }
0x9b: {  	s22 =	simm.s32 $0x1BFF;
	s21 =	sshll.u32 s5, $0x1;
	s2 =	sadd.s32 s19, s18  }
0x9c: {  	s6 =	simm.s32 $0x0;
	s20 =	sshll.u32 s4, $0x1;
	s4 =	sadd.s32 s21, s2  }
0x9d: {  	[timem:s6], [sflag:s22] =	dma.local [hbm:s4], s20  }
0x9e: {  	_ =	swait.ge [sflag:s22], s20  }
0x9f: {  	s3 =	ssub.s32 $0x0, s20;
	[sflag:s22] =	ssyncset.done $0x0  }
0xa0: {  	[sflag:s22] =	ssyncadd.s32 s3;
	_ =	sdelay $0x1  }
0xa1: {  	s23 =	simm.s32 $0x1B8B  }
0xa2: {  	_ =	swait.ge [sflag:s23], $0x1  }
0xa3: {  	[sflag:s23] =	ssyncset.done $0x0  }
0xa4: {  	s25 =	simm.s32 $0x1B8E;
	s24 =	sld [smem:$0x3FFE];
	[sflag:s23] =	ssyncadd.s32 $0xFFFFFFFF  }
0xa5: {  	s26 =	simm.s32 $execute0_lowered;
	[smem:$0x3FD2] =	sst s25  }
0xa6: {  	s4 =	sshll.u32 s26, $0x1;
	_ =	strace $0x80000046;
	[dreg:$0x1] =	wrdreg $0xFFFFFFFF  }
0xa7: {  	s28 =	simm.s32 $_size_execute0_lowered;
	s2 =	sadd.s32 s2, s4;
	[dreg:$0x0] =	wrdreg $0x0  }
0xa8: {  	s4 =	sshll.u32 s28, $0x1;
	[dreg:$0x2] =	wrdreg s2  }
0xa9: {  	[dreg:$0x3] =	wrdreg s4  }
0xaa: {  	[dreg:$0x4] =	wrdreg $0xC0  }
0xab: {  	_ =	task [dreg:s6], $0x5FFFF  }
0xac: {  	[dreg:$0x1] =	wrdreg $0xFFFFFFFF  }
0xad: {  	[dreg:$0x0] =	wrdreg $0x60  }
0xae: {  	[dreg:$0x2] =	wrdreg s24  }
0xaf: {  	[dreg:$0x3] =	wrdreg $0x0  }
0xb0: {  	[dreg:$0x4] =	wrdreg $0x9  }
0xb1: {  	_ =	task.clear_ibuf [dreg:s6], $0x5FFFF;
	_ =	strace $0x90000046  }
0xb2: {  	s29 =	simm.s32 $0x9;
	_ =	strace $0x80000048  }
0xb3: {  	_ =	swait.ge [sflag:s29], $0x1  }
0xb4: {  	[sflag:s29] =	ssyncadd.s32 $0xFFFFFFFF  }
0xb5: {  	_ =	strace $0x90000048  }
0xb6: {  	_ =	sfence  }
0xb7: {  	s30 =	sld [smem:$0x0];
	_ =	sdelay $0x2  }
0xb8: {  	s31 =	sshll.u32 s1, $0xD;
	s1 =	sshrl.u32 s1, $0x2  }
0xb9: {  	s3 =	sand.u32 $0x4000, s31;
	s1 =	sadd.s32 s1, s30  }
0xba: {  	s0 =	sor.u32 s3, s0;
	s1 =	sshll.u32 s1, $0x11  }
0xbb: {  	s0 =	sor.u32 s1, s0  }
0xbc: {  	s0 =	sadd.s32 $0x8F2B, s0  }
0xbd: {  	[sflag:s0] =	ssyncadd.remote.s32 $0x1  }
0xbe: {  	_ =	sfence.sel $0xFFFF  }
0xbf: {  	[dreg:$0x0] =	wrdreg $0xFFFFFFFF;
	(pc) =	sbr.abs _section_cstart, $3  }
0xc0: {  	[dreg:$0x1] =	wrdreg $0xFFFFFFFF  }
0xc1: {  	_ =	task.clear_ibuf [dreg:s6], $0x2FFFF;
	_ =	strace $0x9FFFFFFF  }
0xc2: {  	(tm) =	ssettm $0x7FFFFFFF  }
0xc3: {  	_ =	shalt  }
tec
execute0_lowered:
.L_overlay_start_1:
0x0: {  	(tag) =	ssettag $0x1  }
0x1: {  	s8 =	rddreg [dreg:$0x0]  }
0x2: {  	s2 =	rddreg [dreg:$0x1]  }
0x3: {  	s3 =	srdreg.scid;
	s1 =	stileid.u32  }
0x4: {  	s18 =	simm.s32 $0x3;
	s19 =	simm.s32 $0x1870;
	s20 =	simm.s32 $0x400  }
0x5: {  	s21 =	simm.s32 $0x20F0;
	s22 =	simm.s32 $0x1C70;
	s23 =	simm.s32 $0x1  }
0x6: {  	s24 =	simm.s32 $0x2;
	s26 =	simm.s32 $0x80;
	s28 =	simm.s32 $0x0  }
0x7: {  	s7 =	sand.u32 $0x1, s3;
	s3 =	simm.s32 $0x0;
	s4 =	smul.u32 $0x1870, s1  }
0x8: {  	s16 =	sadd.s32 $0x1600, s8;
	s31 =	smul.u32 $0x30D, s1;
	s5 =	sshll.u32 s7, $0x4  }
0x9: {  	[smem:$0x7FF] =	sst s3;
	s6 =	smul.u32 $0x18700, s7;
	s9 =	ssub.s32 $0x2, s7  }
0xa: {  	s14 =	smul.u32 $0x30D0, s7;
	s25 =	sor.u32 s1, s5;
	_ =	strace $0x80000047  }
0xb: {  	s29 =	sshrl.u32 s9, $0x1;
	s5 =	smul.u32 $0x30D, s25;
	s6 =	sadd.s32 s4, s6  }
0xc: {  	s10 =	smin.u32 s25, $0x8;
	s13 =	ssub.s32 s9, s29;
	s4 =	sadd.s32 s4, s2  }
0xd: {  	p0 =	sgt.u32 s25, $0x7;
	s25 =	simm.s32 $0x2070;
	s6 =	sshrl.u32 s6, $0x3  }
0xe: {  	s14 =	sor.u32 s14, s10;
	s5 =	sadd.s32 s10, s5;
	s11 =	sadd.s32 s6, s8  }
0xf: {  	s10 =	smax.u32 s13, $0x1;
	s14 =	sadd.s32 s31, s14;
	s12 =	sshll.u32 s5, $0x4  }
0x10: {  	s9 =	sadd.s32 $0xC4C00, s11;
	s17 =	sshll.u32 s14, $0x4;
	s30 =	sadd.s32 s16, s12  }
0x11: {  	s15 =	sadd.s32 s12, s8;
	s16 =	sadd.s32 s17, s16;
	s17 =	simm.s32 $0x24F0  }
0x12: {  	s5 =	sadd.s32 $0x61A80, s30;
	s6 =	sadd.s32 $0x61B00, s30;
	s7 =	sadd.s32 $0x64A80, s30  }
0x13: {  	s8 =	sadd.s32 $0x64B50, s30;
	s11 =	sadd.s32 $0x66100, s15;
	s12 =	sadd.s32 $0x66110, s15  }
0x14: {  	v0 =	vimm.f32 $1.000000000e+00;
	v1 =	vimm.f32 $0.0e+00;
	s13 =	sadd.s32 $0x66120, s15;
	s14 =	sadd.s32 $0x66130, s15;
	s15 =	sadd.s32 $0x66140, s15  }
.LBB2_1:
0x15: {  	s29 =	simm.s32 $0x0  }
.LBB2_2:
0x16: {  	p1 =	sne.s32 s29, $0xFC0  }
.Ltmp0:
0x17: {  	_ = 	snop;
	(pc) =	sbr.rel @p1 .LBB2_2-.Ltmp0, $3  }
0x18: {  	_ =	sdelay $0x1  }
0x19: {  	s30 =	sshra.s32 s29, $0x2  }
0x1a: {  	s29 =	sadd.s32 $0x40, s29;
	[tilespmem:s30+$0x20F0] =	vst v0  }
0x1b: {  	s29 =	simm.s32 $0x40;
	s30 =	simm.s32 $0x0  }
.LBB2_4:
0x1c: {  	p1 =	sne.s32 s29, $0x6180;
	[tilespmem:s30+$0x24F0] =	vst v1;
	s30 =	smov.u32 s29;
	s29 =	sadd.s32 $0x40, s29  }
.Ltmp1:
0x1d: {  	(pc) =	sbr.rel @p1 .LBB2_4-.Ltmp1, $2  }
0x1e: {  	_ =	sdelay $0x2  }
0x1f: {  	s30 =	sshra.s32 s30, $0x2  }
0x20: {  	[tilespmem:s30+$0x24F0] =	vst v1  }
0x21: {  	[spmem:s4] =	stream.linear.scatter [tilespmem:s17], [sflag:$0x3], $0x1870, $0x38;
	[tilespmem:$0x3D60] =	vst v63  }
0x22: {  	_ =	swait.ge [sflag:s18], $0x1870  }
0x23: {  	[sflag:s18] =	ssyncset.done $0x0  }
0x24: {  	[sflag:s18] =	ssyncadd.s32 $0xFFFFE790  }
0x25: {  	[bflag:$0x0] =	sbarrier.arrive $0xFFFF  }
0x26: {  	[tilespmem:s19], [sflag:$0x3] =	stream.linear.gather [hbm4b:s5+s3], $0x400, $0x38;
	[tilespmem:$0x3D60] =	vst v63  }
0x27: {  	_ =	swait.ge [sflag:s18], $0x400  }
0x28: {  	[sflag:s18] =	ssyncset.done $0x0  }
0x29: {  	[sflag:s18] =	ssyncadd.s32 $0xFFFFFC00  }
0x2a: {  	[spmem:s2] =	stream.indirect.scatter.add.f32 [tilespmem:s21], [sflag:$0x1], $0x1, s19, s20, $0xb8;
	[tilespmem:$0x3D60] =	vst v63  }
0x2b: {  	_ = 	snop  }
0x2c: {  	[tilespmem:s22], [sflag:$0x3] =	stream.linear.gather [hbm4b:s6+s3], $0x400, $0x38;
	[tilespmem:$0x3D60] =	vst v63  }
0x2d: {  	_ =	swait.ge [sflag:s18], $0x400  }
0x2e: {  	[sflag:s18] =	ssyncset.done $0x0  }
0x2f: {  	[sflag:s18] =	ssyncadd.s32 $0xFFFFFC00  }
0x30: {  	[spmem:s2] =	stream.indirect.scatter.add.f32 [tilespmem:s21], [sflag:$0x2], $0x1, s22, s20, $0xb8;
	[tilespmem:$0x3D60] =	vst v63  }
0x31: {  	_ =	swait.ge [sflag:s23], $0x400  }
0x32: {  	s29 =	sadd.s32 $0xFFFFD100, s16;
	[sflag:s23] =	ssyncset.done $0x0  }
0x33: {  	s31 =	sadd.s32 $0x64A80, s29;
	[sflag:s23] =	ssyncadd.s32 $0xFFFFFC00  }
0x34: {  	[tilespmem:s19], [sflag:$0x3] =	stream.linear.gather [hbm4b:s31+s3], $0x400, $0x38;
	[tilespmem:$0x3D60] =	vst v63  }
0x35: {  	_ =	swait.ge [sflag:s18], $0x400  }
0x36: {  	[sflag:s18] =	ssyncset.done $0x0  }
0x37: {  	[sflag:s18] =	ssyncadd.s32 $0xFFFFFC00  }
0x38: {  	[spmem:s2] =	stream.indirect.scatter.add.f32 [tilespmem:s21], [sflag:$0x1], $0x1, s19, s20, $0xb8;
	[tilespmem:$0x3D60] =	vst v63  }
0x39: {  	_ =	swait.ge [sflag:s24], $0x400  }
0x3a: {  	[sflag:s24] =	ssyncset.done $0x0  }
0x3b: {  	s29 =	sadd.s32 $0x64B00, s29;
	[sflag:s24] =	ssyncadd.s32 $0xFFFFFC00  }
0x3c: {  	[tilespmem:s22], [sflag:$0x3] =	stream.linear.gather [hbm4b:s29+s3], $0x400, $0x38;
	[tilespmem:$0x3D60] =	vst v63  }
0x3d: {  	_ =	swait.ge [sflag:s18], $0x400  }
0x3e: {  	[sflag:s18] =	ssyncset.done $0x0  }
0x3f: {  	s29 =	simm.s32 $0xFFFFD200;
	[sflag:s18] =	ssyncadd.s32 $0xFFFFFC00  }
.LBB2_6:
0x40: {  	[spmem:s2] =	stream.indirect.scatter.add.f32 [tilespmem:s21], [sflag:$0x2], $0x1, s22, s20, $0xb8;
	[tilespmem:$0x3D60] =	vst v63  }
0x41: {  	s30 =	smov.u32 s29  }
0x42: {  	p1 =	sne.s32 s29, $0xFFFFFF00;
	s29 =	sadd.s32 $0x100, s29;
	_ =	swait.ge [sflag:s23], $0x400  }
0x43: {  	s30 =	sadd.s32 s30, s16;
	[sflag:s23] =	ssyncset.done $0x0  }
0x44: {  	s31 =	sadd.s32 $0x64A80, s30;
	[sflag:s23] =	ssyncadd.s32 $0xFFFFFC00  }
0x45: {  	[tilespmem:s19], [sflag:$0x3] =	stream.linear.gather [hbm4b:s31+s3], $0x400, $0x38;
	[tilespmem:$0x3D60] =	vst v63  }
0x46: {  	_ =	swait.ge [sflag:s18], $0x400  }
0x47: {  	[sflag:s18] =	ssyncset.done $0x0  }
0x48: {  	[sflag:s18] =	ssyncadd.s32 $0xFFFFFC00  }
0x49: {  	[spmem:s2] =	stream.indirect.scatter.add.f32 [tilespmem:s21], [sflag:$0x1], $0x1, s19, s20, $0xb8;
	[tilespmem:$0x3D60] =	vst v63  }
0x4a: {  	_ =	swait.ge [sflag:s24], $0x400  }
0x4b: {  	[sflag:s24] =	ssyncset.done $0x0  }
.Ltmp2:
0x4c: {  	s30 =	sadd.s32 $0x64B00, s30;
	[sflag:s24] =	ssyncadd.s32 $0xFFFFFC00;
	(pc) =	sbr.rel @p1 .LBB2_6-.Ltmp2, $4  }
0x4d: {  	[tilespmem:s22], [sflag:$0x3] =	stream.linear.gather [hbm4b:s30+s3], $0x400, $0x38;
	[tilespmem:$0x3D60] =	vst v63  }
0x4e: {  	_ =	swait.ge [sflag:s18], $0x400  }
0x4f: {  	[sflag:s18] =	ssyncset.done $0x0  }
0x50: {  	[sflag:s18] =	ssyncadd.s32 $0xFFFFFC00  }
0x51: {  	[spmem:s2] =	stream.indirect.scatter.add.f32 [tilespmem:s21], [sflag:$0x2], $0x1, s22, s20, $0xb8;
	[tilespmem:$0x3D60] =	vst v63  }
0x52: {  	_ =	swait.ge [sflag:s23], $0x400  }
0x53: {  	[sflag:s23] =	ssyncset.done $0x0  }
0x54: {  	[sflag:s23] =	ssyncadd.s32 $0xFFFFFC00  }
0x55: {  	[tilespmem:s19], [sflag:$0x3] =	stream.linear.gather [hbm4b:s7+s3], $0x400, $0x38;
	[tilespmem:$0x3D60] =	vst v63  }
0x56: {  	_ =	swait.ge [sflag:s18], $0x400  }
0x57: {  	[sflag:s18] =	ssyncset.done $0x0  }
0x58: {  	[sflag:s18] =	ssyncadd.s32 $0xFFFFFC00  }
0x59: {  	[spmem:s2] =	stream.indirect.scatter.add.f32 [tilespmem:s21], [sflag:$0x1], $0x1, s19, s20, $0xb8;
	[tilespmem:$0x3D60] =	vst v63  }
0x5a: {  	_ =	swait.ge [sflag:s23], $0x400  }
0x5b: {  	[sflag:s23] =	ssyncset.done $0x0  }
0x5c: {  	[sflag:s23] =	ssyncadd.s32 $0xFFFFFC00  }
0x5d: {  	_ =	swait.ge [sflag:s24], $0x400  }
0x5e: {  	[sflag:s24] =	ssyncset.done $0x0  }
0x5f: {  	[sflag:s24] =	ssyncadd.s32 $0xFFFFFC00  }
0x60: {  	[tilespmem:s25], [sflag:$0x3] =	stream.linear.gather [hbm4b:s11+s3], $0x80, $0x38;
	[tilespmem:$0x3D60] =	vst v63  }
0x61: {  	_ =	swait.ge [sflag:s18], $0x80  }
0x62: {  	[sflag:s18] =	ssyncset.done $0x0  }
0x63: {  	[sflag:s18] =	ssyncadd.s32 $0xFFFFFF80  }
0x64: {  	[spmem:s2] =	stream.indirect.scatter.add.f32 [tilespmem:s21], [sflag:$0x3], $0x1, s25, s26, $0xb8;
	[tilespmem:$0x3D60] =	vst v63  }
0x65: {  	_ =	swait.ge [sflag:s18], $0x80  }
0x66: {  	[sflag:s18] =	ssyncset.done $0x0  }
0x67: {  	[sflag:s18] =	ssyncadd.s32 $0xFFFFFF80  }
0x68: {  	[tilespmem:s25], [sflag:$0x3] =	stream.linear.gather [hbm4b:s12+s3], $0x80, $0x38;
	[tilespmem:$0x3D60] =	vst v63  }
0x69: {  	_ =	swait.ge [sflag:s18], $0x80  }
0x6a: {  	[sflag:s18] =	ssyncset.done $0x0  }
0x6b: {  	[sflag:s18] =	ssyncadd.s32 $0xFFFFFF80  }
0x6c: {  	[spmem:s2] =	stream.indirect.scatter.add.f32 [tilespmem:s21], [sflag:$0x3], $0x1, s25, s26, $0xb8;
	[tilespmem:$0x3D60] =	vst v63  }
0x6d: {  	_ =	swait.ge [sflag:s18], $0x80  }
0x6e: {  	[sflag:s18] =	ssyncset.done $0x0  }
0x6f: {  	[sflag:s18] =	ssyncadd.s32 $0xFFFFFF80  }
0x70: {  	[tilespmem:s25], [sflag:$0x3] =	stream.linear.gather [hbm4b:s13+s3], $0x80, $0x38;
	[tilespmem:$0x3D60] =	vst v63  }
0x71: {  	_ =	swait.ge [sflag:s18], $0x80  }
0x72: {  	[sflag:s18] =	ssyncset.done $0x0  }
0x73: {  	[sflag:s18] =	ssyncadd.s32 $0xFFFFFF80  }
0x74: {  	[spmem:s2] =	stream.indirect.scatter.add.f32 [tilespmem:s21], [sflag:$0x3], $0x1, s25, s26, $0xb8;
	[tilespmem:$0x3D60] =	vst v63  }
0x75: {  	_ =	swait.ge [sflag:s18], $0x80  }
0x76: {  	[sflag:s18] =	ssyncset.done $0x0  }
0x77: {  	[sflag:s18] =	ssyncadd.s32 $0xFFFFFF80  }
0x78: {  	[tilespmem:s25], [sflag:$0x3] =	stream.linear.gather [hbm4b:s14+s3], $0x80, $0x38;
	[tilespmem:$0x3D60] =	vst v63  }
0x79: {  	_ =	swait.ge [sflag:s18], $0x80  }
0x7a: {  	[sflag:s18] =	ssyncset.done $0x0  }
0x7b: {  	[sflag:s18] =	ssyncadd.s32 $0xFFFFFF80  }
0x7c: {  	[spmem:s2] =	stream.indirect.scatter.add.f32 [tilespmem:s21], [sflag:$0x3], $0x1, s25, s26, $0xb8;
	[tilespmem:$0x3D60] =	vst v63  }
0x7d: {  	_ =	swait.ge [sflag:s18], $0x80  }
0x7e: {  	[sflag:s18] =	ssyncset.done $0x0  }
0x7f: {  	[sflag:s18] =	ssyncadd.s32 $0xFFFFFF80  }
0x80: {  	[tilespmem:s25], [sflag:$0x3] =	stream.linear.gather [hbm4b:s15+s3], $0x80, $0x38;
	[tilespmem:$0x3D60] =	vst v63  }
0x81: {  	_ =	swait.ge [sflag:s18], $0x80  }
0x82: {  	[sflag:s18] =	ssyncset.done $0x0  }
0x83: {  	[sflag:s18] =	ssyncadd.s32 $0xFFFFFF80  }
0x84: {  	[spmem:s2] =	stream.indirect.scatter.add.f32 [tilespmem:s21], [sflag:$0x3], $0x1, s25, s26, $0xb8;
	[tilespmem:$0x3D60] =	vst v63  }
0x85: {  	_ =	swait.ge [sflag:s18], $0x80  }
0x86: {  	[sflag:s18] =	ssyncset.done $0x0  }
0x87: {  	s29 =	simm.s32 @!p0 $0x0;
	s30 =	simm.s32 @!p0 $0x2070;
	[sflag:s18] =	ssyncadd.s32 $0xFFFFFF80  }
0x88: {  	[tilespmem:s30], [sflag:$0x3] =	stream.linear.gather @!p0 [hbm4b:s8+s29], $0x80, $0x38;
	[tilespmem:$0x3D60] =	vst v63  }
0x89: {  	s29 =	simm.s32 @!p0 $0x3  }
0x8a: {  	_ =	swait.ge @!p0 [sflag:s29], $0x80  }
0x8b: {  	[sflag:s29] =	ssyncset.done @!p0 $0x0  }
0x8c: {  	s31 =	simm.s32 @!p0 $0x80;
	s0 =	simm.s32 @!p0 $0x20F0;
	[sflag:s29] =	ssyncadd.s32 @!p0 $0xFFFFFF80  }
0x8d: {  	[spmem:s2] =	stream.indirect.scatter.add.f32 @!p0 [tilespmem:s0], [sflag:$0x3], $0x1, s30, s31, $0xb8;
	[tilespmem:$0x3D60] =	vst v63  }
0x8e: {  	_ =	swait.ge @!p0 [sflag:s29], $0x80  }
0x8f: {  	[sflag:s29] =	ssyncset.done @!p0 $0x0  }
0x90: {  	[sflag:s29] =	ssyncadd.s32 @!p0 $0xFFFFFF80  }
0x91: {  	[bflag:$0x0] =	sbarrier.arrive $0xFFFF  }
0x92: {  	[tilespmem:s17], [sflag:$0x3] =	stream.linear.gather [spmem:s4], $0x1870, $0x38;
	[tilespmem:$0x3D60] =	vst v63  }
0x93: {  	s28 =	sadd.s32 $0x1, s28;
	_ =	swait.ge [sflag:s18], $0x1870  }
0x94: {  	p1 =	sne.s32 s28, s10;
	[sflag:s18] =	ssyncset.done $0x0  }
.Ltmp3:
0x95: {  	[sflag:s18] =	ssyncadd.s32 $0xFFFFE790;
	(pc) =	sbr.rel @p1 .LBB2_1-.Ltmp3, $4  }
0x96: {  	[hbm4b:s9+s3] =	stream.linear.scatter [tilespmem:s17], [sflag:$0x3], $0x1870, $0x38;
	[tilespmem:$0x3D60] =	vst v63  }
0x97: {  	_ =	swait.ge [sflag:s18], $0x1870  }
0x98: {  	[sflag:s18] =	ssyncset.done $0x0  }
0x99: {  	[sflag:s18] =	ssyncadd.s32 $0xFFFFE790  }
0x9a: {  	_ =	sfence.sel $0x180000  }
0x9b: {  	[bflag:$0x0] =	sbarrier.arrive $0xFFFF  }
0x9c: {  	_ =	strace $0x90000047  }
0x9d: {  	[bflag:$0x2] =	sbarrier.arrive $0xFFFF  }
0x9e: {  	p0 =	sne.s32 s1, $0x0;
	s0 =	rddreg [dreg:$0x2]  }
0x9f: {  	s0 =	sadd.s32 @!p0 $0x100000, s0  }
0xa0: {  	[sflag:s0] =	ssyncadd.tile.s32 @!p0 $0x1;
	_ =	shalt  }
.Lfunc_end2:
_tile_overlayer_lowered:
.L_overlay_start_2:
0xa1: {  	(tag) =	ssettag $0x2  }
0xa2: {  	s0 =	rddreg [dreg:$0x0];
	s2 =	stileid.u32  }
0xa3: {  	s1 =	rddreg [dreg:$0x1];
	p0 =	sne.s32 s2, $0x0  }
0xa4: {  	s3 =	rddreg [dreg:$0x2];
	[bflag:$0x3] =	sbarrier.arrive $0xFFFF;
	s2 =	simm.s32 @!p0 $0x1C03  }
0xa5: {  	[timem:s3], [sflag:s2] =	dma.local @!p0 [hbm:s0], s1  }
0xa6: {  	s0 =	simm.s32 @!p0 $0x3  }
0xa7: {  	_ =	swait.ge @!p0 [sflag:s0], s1  }
0xa8: {  	s1 =	ssub.s32 @!p0 $0x0, s1;
	[sflag:s0] =	ssyncset.done @!p0 $0x0  }
0xa9: {  	[sflag:s0] =	ssyncadd.s32 @!p0 s1  }
0xaa: {  	[bflag:$0x3] =	sbarrier.arrive $0xFFFF  }
0xab: {  	_ =	shalt  }

</sc_bundles>
